<compile_context>
chip_gen: v7x
topology: tpu7x:2x2x1
jax: 0.10.2.dev20260603
libtpu: 0.0.44.dev20260713+nightly
codegen_flags: <defaults>
</compile_context>

<pallas_src>
import functools
import math

import jax
import jax.numpy as jnp
from jax import lax
from jax.experimental import pallas as pl
from jax.experimental.pallas import tpu as pltpu
from jax.experimental.pallas import tpu_sc as plsc

N = 10000
E = 160000
D = 128
H = 64
G = 128
EPS = 1e-3

NTILE = 32
EP = 163840
PER_TILE = EP // NTILE
CH = 128
NCH = PER_TILE // CH
K1_NCH = (40, 40)
GS_NCH = (40, 40)
NCHMAX = max(K1_NCH)
EPP = EP + 64 * CH


def _core_layout(nch):
    nch0, nch1 = nch
    if nch0 > nch1:
        return 16 * nch1, 0
    return 0, 16 * nch0
R = 10240
TRASH = N
RSUB = R // 16
RCH = 160
CROWS = 128
ET = 640
NT = EP // ET
F32 = jnp.float32


def _sds(shape, dtype=F32):
    return jax.ShapeDtypeStruct(shape, dtype)


def _mesh():
    return plsc.VectorSubcoreMesh(core_axis_name="c", subcore_axis_name="s")



def _sc_gather_xs_xr(x, send2d, recv2d):

    def body(x_hbm, send_hbm, recv_hbm, xs_hbm, xr_hbm,
             idxs2d, idxr2d, s0, s1, r0, r1, sem_s0, sem_s1, sem_r0, sem_r1,
             sem_w0, sem_w1, sem_w2, sem_w3):
        cid = lax.axis_index("c")
        sid = lax.axis_index("s")
        nchc = jnp.where(cid == 0, K1_NCH[0], K1_NCH[1])
        off0, off1 = _core_layout(K1_NCH)
        cbase = jnp.where(cid == 0, off0, off1) + sid * nchc
        pltpu.sync_copy(send_hbm.at[pl.ds(cbase, NCHMAX)], idxs2d)
        pltpu.sync_copy(recv_hbm.at[pl.ds(cbase, NCHMAX)], idxr2d)
        base = cbase * CH

        def step(j, carry):
            c0 = 2 * j
            c1 = 2 * j + 1
            gs0 = pltpu.async_copy(x_hbm.at[idxs2d.at[c0]], s0, sem_s0)
            gr0 = pltpu.async_copy(x_hbm.at[idxr2d.at[c0]], r0, sem_r0)
            gs1 = pltpu.async_copy(x_hbm.at[idxs2d.at[c1]], s1, sem_s1)
            gr1 = pltpu.async_copy(x_hbm.at[idxr2d.at[c1]], r1, sem_r1)
            gs0.wait()
            ws0 = pltpu.async_copy(
                s0, xs_hbm.at[pl.ds(base + c0 * CH, CH)], sem_w0)
            gr0.wait()
            wr0 = pltpu.async_copy(
                r0, xr_hbm.at[pl.ds(base + c0 * CH, CH)], sem_w1)
            gs1.wait()
            ws1 = pltpu.async_copy(
                s1, xs_hbm.at[pl.ds(base + c1 * CH, CH)], sem_w2)
            gr1.wait()
            wr1 = pltpu.async_copy(
                r1, xr_hbm.at[pl.ds(base + c1 * CH, CH)], sem_w3)
            ws0.wait()
            wr0.wait()
            ws1.wait()
            wr1.wait()
            return carry

        lax.fori_loop(0, nchc // 2, step, 0)

    k = pl.kernel(
        body,
        out_type=(_sds((EP, D)), _sds((EP, D))),
        mesh=_mesh(),
        scratch_types=[
            pltpu.VMEM((NCHMAX, CH), jnp.int32),
            pltpu.VMEM((NCHMAX, CH), jnp.int32),
            pltpu.VMEM((CH, D), F32),
            pltpu.VMEM((CH, D), F32),
            pltpu.VMEM((CH, D), F32),
            pltpu.VMEM((CH, D), F32),
            pltpu.SemaphoreType.DMA,
            pltpu.SemaphoreType.DMA,
            pltpu.SemaphoreType.DMA,
            pltpu.SemaphoreType.DMA,
            pltpu.SemaphoreType.DMA,
            pltpu.SemaphoreType.DMA,
            pltpu.SemaphoreType.DMA,
            pltpu.SemaphoreType.DMA,
        ],
    )
    return k(x, send2d, recv2d)


def _zero_buf(buf, nrows, width):
    def zrow(r, c2):
        def zcol(q, c3):
            buf[r, pl.ds(q * 16, 16)] = jnp.zeros((16,), F32)
            return c3
        return lax.fori_loop(0, width // 16, zcol, c2)

    lax.fori_loop(0, nrows, zrow, 0)


def _sc_scatter_edges(m, rm2d):

    def body(m_hbm, rm_hbm, out_hbm,
             idx2d, rows0, rows1, seml0, seml1, semw0, semw1, shared):
        cid = lax.axis_index("c")
        sid = lax.axis_index("s")
        wid = cid * 16 + sid
        base = wid * PER_TILE
        pltpu.sync_copy(rm_hbm.at[pl.ds(wid * NCH, NCH)], idx2d)
        _zero_buf(rows0, CH, D)
        for q in range(RSUB // CH):
            pltpu.sync_copy(rows0, shared.at[pl.ds(sid * RSUB + q * CH, CH)])
        plsc.subcore_barrier()

        def step(j, carry):
            c0 = 2 * j
            c1 = 2 * j + 1
            l0 = pltpu.async_copy(
                m_hbm.at[pl.ds(base + c0 * CH, CH)], rows0, seml0)
            l1 = pltpu.async_copy(
                m_hbm.at[pl.ds(base + c1 * CH, CH)], rows1, seml1)
            l0.wait()
            a0 = pltpu.async_copy(rows0, shared.at[idx2d.at[c0]], semw0,
                                  add=True)
            l1.wait()
            a1 = pltpu.async_copy(rows1, shared.at[idx2d.at[c1]], semw1,
                                  add=True)
            a0.wait()
            a1.wait()
            return carry

        lax.fori_loop(0, NCH // 2, step, 0)
        plsc.subcore_barrier()
        for q in range(RSUB // CH):
            r0 = sid * RSUB + q * CH
            pltpu.sync_copy(shared.at[pl.ds(r0, CH)], rows0)
            pltpu.sync_copy(rows0, out_hbm.at[pl.ds(cid * R + r0, CH)])

    k = pl.kernel(
        body,
        out_type=_sds((2 * R, D)),
        mesh=_mesh(),
        scratch_types=[
            pltpu.VMEM((NCH, CH), jnp.int32),
            pltpu.VMEM((CH, D), F32),
            pltpu.VMEM((CH, D), F32),
            pltpu.SemaphoreType.DMA,
            pltpu.SemaphoreType.DMA,
            pltpu.SemaphoreType.DMA,
            pltpu.SemaphoreType.DMA,
            pltpu.VMEM_SHARED((R, D), F32),
        ],
    )
    return k(m, rm2d)


def _sc_gather_scatter(h, send2d, rm2d):

    gs_max = GS_NCH[1]

    def body(h_hbm, send_hbm, rm_hbm, out_hbm,
             idxs2d, idxm2d, rows0, rows1, semg0, semg1, semw0, semw1,
             shared):
        cid = lax.axis_index("c")
        sid = lax.axis_index("s")
        nchc = jnp.where(cid == 0, GS_NCH[0], GS_NCH[1])
        off0, off1 = _core_layout(GS_NCH)
        cbase = jnp.where(cid == 0, off0, off1) + sid * nchc
        pltpu.sync_copy(send_hbm.at[pl.ds(cbase, gs_max)], idxs2d)
        pltpu.sync_copy(rm_hbm.at[pl.ds(cbase, gs_max)], idxm2d)
        _zero_buf(rows0, CH, D)
        for q in range(RSUB // CH):
            pltpu.sync_copy(rows0, shared.at[pl.ds(sid * RSUB + q * CH, CH)])
        plsc.subcore_barrier()

        def step(j, carry):
            c0 = 2 * j
            c1 = 2 * j + 1
            g0 = pltpu.async_copy(h_hbm.at[idxs2d.at[c0]], rows0, semg0)
            g1 = pltpu.async_copy(h_hbm.at[idxs2d.at[c1]], rows1, semg1)
            g0.wait()
            a0 = pltpu.async_copy(rows0, shared.at[idxm2d.at[c0]], semw0,
                                  add=True)
            g1.wait()
            a1 = pltpu.async_copy(rows1, shared.at[idxm2d.at[c1]], semw1,
                                  add=True)
            a0.wait()
            a1.wait()
            return carry

        lax.fori_loop(0, nchc // 2, step, 0)
        plsc.subcore_barrier()
        for q in range(RSUB // CH):
            r0 = sid * RSUB + q * CH
            pltpu.sync_copy(shared.at[pl.ds(r0, CH)], rows0)
            pltpu.sync_copy(rows0, out_hbm.at[pl.ds(cid * R + r0, CH)])

    k = pl.kernel(
        body,
        out_type=_sds((2 * R, D)),
        mesh=_mesh(),
        scratch_types=[
            pltpu.VMEM((gs_max, CH), jnp.int32),
            pltpu.VMEM((gs_max, CH), jnp.int32),
            pltpu.VMEM((CH, D), F32),
            pltpu.VMEM((CH, D), F32),
            pltpu.SemaphoreType.DMA,
            pltpu.SemaphoreType.DMA,
            pltpu.SemaphoreType.DMA,
            pltpu.SemaphoreType.DMA,
            pltpu.VMEM_SHARED((R, D), F32),
        ],
    )
    return k(h, send2d, rm2d)



def _edge_mlp_body(xs_ref, xr_ref, recv_ref, wr_ref, ws_ref, wd_ref, wv_ref,
                   c0_ref, w2_ref, b2_ref, mext_ref, rm_ref):
    t = pl.program_id(0)
    xs = xs_ref[...]
    xr = xr_ref[...]
    diff = xr - xs
    lane = lax.broadcasted_iota(jnp.int32, (ET, D), 1)
    d2 = jnp.sum(jnp.where(lane < 3, diff * diff, 0.0), axis=1, keepdims=True)
    dists = jnp.sqrt(d2 + 1e-24)
    inv = jnp.where(d2 > 0, 1.0 / dists, 0.0)

    m1 = jnp.dot(xr, wr_ref[...], preferred_element_type=F32)
    m1 = m1 + jnp.dot(xs, ws_ref[...], preferred_element_type=F32)
    m1 = m1 + dists * wd_ref[...]
    for kdim in range(3):
        vk = jnp.sum(jnp.where(lane == kdim, diff, 0.0), axis=1,
                     keepdims=True) * inv
        m1 = m1 + vk * wv_ref[kdim, :][None, :]
    m1 = jnp.maximum(m1 + c0_ref[...], 0.0)
    m2 = jnp.dot(m1, w2_ref[...], preferred_element_type=F32) + b2_ref[...]
    m2 = jnp.maximum(m2, 0.0)

    s3 = jnp.sum(jnp.where(lane == 3, xs, 0.0), axis=1, keepdims=True)
    r3 = jnp.sum(jnp.where(lane == 3, xr, 0.0), axis=1, keepdims=True)
    rowid = t * ET + lax.broadcasted_iota(jnp.int32, (ET, 1), 0)
    maskb = (s3 <= r3) & (rowid < E)
    mext_ref[...] = m2 * maskb.astype(F32)
    rm_ref[...] = jnp.where(maskb, recv_ref[...], TRASH)


def _edge_mlp(xs, xr, recv2d, wr, ws, wd, wv, c0, w2, b2):
    return pl.pallas_call(
        _edge_mlp_body,
        grid=(NT,),
        in_specs=[
            pl.BlockSpec((ET, D), lambda t: (t, 0)),
            pl.BlockSpec((ET, D), lambda t: (t, 0)),
            pl.BlockSpec((ET, 1), lambda t: (t, 0)),
            pl.BlockSpec((D, 256), lambda t: (0, 0)),
            pl.BlockSpec((D, 256), lambda t: (0, 0)),
            pl.BlockSpec((1, 256), lambda t: (0, 0)),
            pl.BlockSpec((8, 256), lambda t: (0, 0)),
            pl.BlockSpec((1, 256), lambda t: (0, 0)),
            pl.BlockSpec((256, D), lambda t: (0, 0)),
            pl.BlockSpec((1, D), lambda t: (0, 0)),
        ],
        out_specs=[
            pl.BlockSpec((ET, D), lambda t: (t, 0)),
            pl.BlockSpec((ET, 1), lambda t: (t, 0)),
        ],
        out_shape=[_sds((EP, D)), _sds((EP, 1), jnp.int32)],
    )(xs, xr, recv2d, wr, ws, wd, wv, c0, w2, b2)


def _update_mlp_body(p_ref, u1_ref, bu1_ref, u2_ref, bu2_ref, h1_ref):
    agg = p_ref[0] + p_ref[1]
    a1 = jnp.maximum(
        jnp.dot(agg, u1_ref[...], preferred_element_type=F32) + bu1_ref[...],
        0.0)
    h1 = jnp.maximum(
        jnp.dot(a1, u2_ref[...], preferred_element_type=F32) + bu2_ref[...],
        0.0)
    lane = lax.broadcasted_iota(jnp.int32, (RSUB, D - H), 1)
    pad = jnp.where(lane == 0, 1.0, 0.0)
    h1_ref[...] = jnp.concatenate([h1, pad], axis=1)


def _update_mlp(partials, u1, bu1, u2, bu2):
    return pl.pallas_call(
        _update_mlp_body,
        grid=(R // RSUB,),
        in_specs=[
            pl.BlockSpec((2, RSUB, D), lambda t: (0, t, 0)),
            pl.BlockSpec((2 * H, 2 * H), lambda t: (0, 0)),
            pl.BlockSpec((1, 2 * H), lambda t: (0, 0)),
            pl.BlockSpec((2 * H, H), lambda t: (0, 0)),
            pl.BlockSpec((1, H), lambda t: (0, 0)),
        ],
        out_specs=pl.BlockSpec((RSUB, D), lambda t: (t, 0)),
        out_shape=_sds((R, D)),
    )(partials, u1, bu1, u2, bu2)


def _sage1_body(h_ref, p_ref, wt_ref, wb_ref, b_ref, out_ref, cnt_ref):
    psum = p_ref[0] + p_ref[1]
    cnt = jnp.maximum(psum[:, H:H + 1], 1.0)
    cnt_ref[...] = jnp.broadcast_to(cnt, (RSUB, 8))
    nb = psum / cnt
    h = jnp.dot(h_ref[...], wt_ref[...], preferred_element_type=F32)
    h = h + jnp.dot(nb, wb_ref[...], preferred_element_type=F32) + b_ref[...]
    h = jnp.maximum(h, 0.0)
    ss = jnp.sum(h * h, axis=1, keepdims=True)
    out_ref[...] = h * lax.rsqrt(jnp.maximum(ss, 1e-12))


def _sage1_layer(h, partials, wt, wb, b):
    return pl.pallas_call(
        _sage1_body,
        grid=(R // RSUB,),
        in_specs=[
            pl.BlockSpec((RSUB, D), lambda t: (t, 0)),
            pl.BlockSpec((2, RSUB, D), lambda t: (0, t, 0)),
            pl.BlockSpec((D, D), lambda t: (0, 0)),
            pl.BlockSpec((D, D), lambda t: (0, 0)),
            pl.BlockSpec((1, D), lambda t: (0, 0)),
        ],
        out_specs=[
            pl.BlockSpec((RSUB, D), lambda t: (t, 0)),
            pl.BlockSpec((RSUB, 8), lambda t: (t, 0)),
        ],
        out_shape=[_sds((R, D)), _sds((R, 8))],
    )(h, partials, wt, wb, b)


def _sage_body(h_ref, p_ref, cnt_ref, wt_ref, wb_ref, b_ref, out_ref):
    nb = p_ref[0] + p_ref[1]
    cnt = jnp.maximum(jnp.max(cnt_ref[...], axis=1, keepdims=True), 1.0)
    nb = nb / cnt
    h = jnp.dot(h_ref[...], wt_ref[...], preferred_element_type=F32)
    h = h + jnp.dot(nb, wb_ref[...], preferred_element_type=F32) + b_ref[...]
    h = jnp.maximum(h, 0.0)
    ss = jnp.sum(h * h, axis=1, keepdims=True)
    out_ref[...] = h * lax.rsqrt(jnp.maximum(ss, 1e-12))


def _sage_layer(h, partials, cnt8, wt, wb, b):
    win = wt.shape[0]
    wout = wt.shape[1]
    return pl.pallas_call(
        _sage_body,
        grid=(R // RSUB,),
        in_specs=[
            pl.BlockSpec((RSUB, win), lambda t: (t, 0)),
            pl.BlockSpec((2, RSUB, win), lambda t: (0, t, 0)),
            pl.BlockSpec((RSUB, 8), lambda t: (t, 0)),
            pl.BlockSpec((win, wout), lambda t: (0, 0)),
            pl.BlockSpec((win, wout), lambda t: (0, 0)),
            pl.BlockSpec((1, wout), lambda t: (0, 0)),
        ],
        out_specs=pl.BlockSpec((RSUB, wout), lambda t: (t, 0)),
        out_shape=_sds((R, wout)),
    )(h, partials, cnt8, wt, wb, b)


def _pool_body(offs_ref, x_ref, h_ref, z_ref):
    g = pl.program_id(0)
    start = offs_ref[g]
    end = offs_ref[g + 1]
    b0 = start // 8
    b1 = (end + 7) // 8
    neg = jnp.float32(-jnp.inf)
    pos = jnp.float32(jnp.inf)

    def step(b, carry):
        sx, sxx, mx, mn, sh, mh = carry
        xb = x_ref[pl.ds(b * 8, 8), :]
        hb = h_ref[pl.ds(b * 8, 8), :]
        row = b * 8 + lax.broadcasted_iota(jnp.int32, (8, 1), 0)
        rm = (row >= start) & (row < end)
        xv = jnp.where(rm, xb, 0.0)
        hv = jnp.where(rm, hb, 0.0)
        sx = sx + xv
        sxx = sxx + xv * xv
        mx = jnp.maximum(mx, jnp.where(rm, xb, neg))
        mn = jnp.minimum(mn, jnp.where(rm, xb, pos))
        sh = sh + hv
        mh = jnp.maximum(mh, jnp.where(rm, hb, neg))
        return (sx, sxx, mx, mn, sh, mh)

    init = (jnp.zeros((8, D), F32), jnp.zeros((8, D), F32),
            jnp.full((8, D), neg), jnp.full((8, D), pos),
            jnp.zeros((8, 4 * H), F32), jnp.full((8, 4 * H), neg))
    sx, sxx, mx, mn, sh, mh = lax.fori_loop(b0, b1, step, init)

    nf = (end - start).astype(F32)
    has = nf > 0.0
    cg = jnp.maximum(nf, 1.0)
    gsum = jnp.sum(sx, axis=0, keepdims=True)
    gss = jnp.sum(sxx, axis=0, keepdims=True)
    gmx = jnp.where(has, jnp.max(mx, axis=0, keepdims=True), 0.0)
    gmn = jnp.where(has, jnp.min(mn, axis=0, keepdims=True), 0.0)
    hsum = jnp.sum(sh, axis=0, keepdims=True)
    hmx = jnp.where(has, jnp.max(mh, axis=0, keepdims=True), 0.0)
    gmean = gsum / cg
    gvar = jnp.abs(gss / cg - gmean * gmean)
    pavg = hsum / cg
    z_ref[0] = jnp.concatenate(
        [hmx, pavg, hsum, gmean, gvar, gmx, gmn], axis=1)


def _pool(offs, x, h2):
    grid_spec = pltpu.PrefetchScalarGridSpec(
        num_scalar_prefetch=1,
        grid=(G,),
        in_specs=[
            pl.BlockSpec((N, D), lambda g, offs: (0, 0)),
            pl.BlockSpec((R, 4 * H), lambda g, offs: (0, 0)),
        ],
        out_specs=pl.BlockSpec((1, 1, 1280), lambda g, offs: (g, 0, 0)),
    )
    return pl.pallas_call(
        _pool_body,
        grid_spec=grid_spec,
        out_shape=_sds((G, 1, 1280)),
    )(offs, x, h2)


def _decoder_body(z_ref, d1_ref, db1_ref, g1_ref, bb1_ref,
                  d2_ref, db2_ref, g2_ref, bb2_ref,
                  d3_ref, db3_ref, g3_ref, bb3_ref,
                  wh_ref, bh_ref, out_ref):
    def block(v, w_ref, b_ref, gg_ref, bb_ref):
        y = jnp.dot(v, w_ref[...], preferred_element_type=F32) + b_ref[...]
        y = jnp.where(y >= 0.0, y, 0.15 * y)
        return gg_ref[...] * y + bb_ref[...]

    z = z_ref[...]
    z = block(z, d1_ref, db1_ref, g1_ref, bb1_ref)
    z = block(z, d2_ref, db2_ref, g2_ref, bb2_ref)
    z = block(z, d3_ref, db3_ref, g3_ref, bb3_ref)
    t = jnp.dot(z, wh_ref[...], preferred_element_type=F32) + bh_ref[...]
    lg = t[:, 0:1]
    za = jax.nn.sigmoid(t[:, 1:3])
    sg = jnp.abs(t[:, 3:5]) + 1e-5
    out_ref[...] = jnp.concatenate(
        [lg, za[:, 0:1] * math.pi, za[:, 1:2] * (2.0 * math.pi), sg], axis=1)


def _decoder(z, ws):
    (d1, db1, g1, bb1, d2, db2, g2, bb2, d3, db3, g3, bb3, wh, bh) = ws
    return pl.pallas_call(
        _decoder_body,
        out_shape=_sds((G, 5)),
    )(z, d1, db1, g1, bb1, d2, db2, g2, bb2, d3, db3, g3, bb3, wh, bh)



def kernel(x, edge_index, i, params):
    p = params
    scale = 1.0 / math.sqrt(1.0 + EPS)

    send = edge_index[:, 0].astype(jnp.int32)
    recv = edge_index[:, 1].astype(jnp.int32)
    zpad = jnp.zeros((EP - E,), jnp.int32)
    send_p = jnp.concatenate([send, zpad])
    recv_p = jnp.concatenate([recv, zpad])
    xpad = jnp.zeros((EPP - EP,), jnp.int32)

    w1 = p['mp_msg_w1']
    a_recv, a_send, ew = w1[0:D], w1[D:2 * D], w1[2 * D:]
    ep_w = (p['bn_e_gamma'] * scale)[:, None] * ew
    pmat = jnp.zeros((D, 4 * H), F32).at[3:D].set(ep_w[0:D - 3])
    wr = a_recv + pmat
    ws = a_send - pmat
    wd = ep_w[D - 3:D - 2]
    wv = jnp.concatenate([ep_w[D - 2:], jnp.zeros((5, 4 * H), F32)])
    c0 = (p['bn_e_beta'] @ ew + p['mp_msg_b1'])[None]
    w2 = p['mp_msg_w2']
    b2 = p['mp_msg_b2'][None]

    u1, bu1 = p['mp_upd_w1'], p['mp_upd_b1'][None]
    u2, bu2 = p['mp_upd_w2'], p['mp_upd_b2'][None]
    zpad_w = jnp.zeros((D - H, 2 * H), F32)
    s1t = jnp.concatenate([p['sage1_w'][0:H], zpad_w])
    s1b = jnp.concatenate([p['sage1_w'][H:2 * H], zpad_w])
    s1bias = p['sage1_b'][None]
    s2t, s2b = p['sage2_w'][0:2 * H], p['sage2_w'][2 * H:4 * H]
    s2bias = p['sage2_b'][None]

    def headfold(w1h, b1h, w2h, b2h, w3h, b3h):
        wt = w1h @ w2h @ w3h
        bt = b1h @ w2h @ w3h + b2h @ w3h + b3h
        return wt, bt

    lw, lb = headfold(p['loge_w1'], p['loge_b1'], p['loge_w2'], p['loge_b2'],
                      p['loge_w3'], p['loge_b3'])
    aw, ab = headfold(p['ang_w1'], p['ang_b1'], p['ang_w2'], p['ang_b2'],
                      p['ang_w3'], p['ang_b3'])
    aw = aw @ p['angsc_w']
    ab = ab @ p['angsc_w'] + p['angsc_b']
    sw, sb = headfold(p['sig_w1'], p['sig_b1'], p['sig_w2'], p['sig_b2'],
                      p['sig_w3'], p['sig_b3'])
    wh = jnp.concatenate([lw, aw, sw, jnp.zeros((8 * H, 3), F32)], axis=1)
    bh = jnp.concatenate([lb, ab, sb, jnp.zeros((3,), F32)])[None]
    dec = (p['dec_w1'], p['dec_b1'][None], (p['bn1_g'] * scale)[None],
           p['bn1_b'][None],
           p['dec_w2'], p['dec_b2'][None], (p['bn2_g'] * scale)[None],
           p['bn2_b'][None],
           p['dec_w3'], p['dec_b3'][None], (p['bn3_g'] * scale)[None],
           p['bn3_b'][None], wh, bh)

    offs = jnp.searchsorted(i, jnp.arange(G + 1, dtype=jnp.int32)
                            ).astype(jnp.int32)

    send2d = jnp.concatenate([send_p, xpad]).reshape(EPP // CH, CH)
    recv2d = jnp.concatenate([recv_p, xpad]).reshape(EPP // CH, CH)
    xs, xr = _sc_gather_xs_xr(x, send2d, recv2d)
    m, rmc = _edge_mlp(xs, xr, recv_p[:, None], wr, ws, wd, wv, c0, w2, b2)
    rm2d = jnp.concatenate([rmc[:, 0], xpad]).reshape(EPP // CH, CH)
    part_e = _sc_scatter_edges(m, rm2d).reshape(2, R, D)
    h1 = _update_mlp(part_e, u1, bu1, u2, bu2)
    part1 = _sc_gather_scatter(h1, send2d, rm2d).reshape(2, R, D)
    hs1, cnt8 = _sage1_layer(h1, part1, s1t, s1b, s1bias)
    part2 = _sc_gather_scatter(hs1, send2d, rm2d).reshape(2, R, D)
    hs2 = _sage_layer(hs1, part2, cnt8, s2t, s2b, s2bias)
    z = _pool(offs, x, hs2).reshape(G, 1280)
    return _decoder(z, dec)

# --- scband reference (transcript-rebuilt; emitter-appended) ---
"""Pipeline reference for scband-sage-3015067042505 (READ-ONLY COPY).

The authoritative reference and input builder live on the scoring server;
editing this copy changes nothing except your own understanding.
"""

import jax, jax.numpy as jnp
import numpy as np

N_NODES = 10000
N_EDGES = 160000
D_FEAT = 128
H = 64
N_GRAPHS = 128
BN_EPS = 1e-3

_W_SHAPES = {
    'mp_msg_w1': (2 * D_FEAT + D_FEAT + 1, 4 * H),
    'mp_msg_w2': (4 * H, 2 * H),
    'mp_upd_w1': (2 * H, 2 * H),
    'mp_upd_w2': (2 * H, H),
    'sage1_w': (2 * H, 2 * H),
    'sage2_w': (4 * H, 4 * H),
    'dec_w1': (3 * 4 * H + 4 * D_FEAT, 32 * H),
    'dec_w2': (32 * H, 16 * H),
    'dec_w3': (16 * H, 8 * H),
    'loge_w1': (8 * H, H), 'loge_w2': (H, H), 'loge_w3': (H, 1),
    'ang_w1': (8 * H, H), 'ang_w2': (H, H), 'ang_w3': (H, 2),
    'angsc_w': (2, 2),
    'sig_w1': (8 * H, H), 'sig_w2': (H, H), 'sig_w3': (H, 2),
}
_B_SHAPES = {
    'mp_msg_b1': 4 * H, 'mp_msg_b2': 2 * H, 'mp_upd_b1': 2 * H, 'mp_upd_b2': H,
    'sage1_b': 2 * H, 'sage2_b': 4 * H,
    'dec_b1': 32 * H, 'dec_b2': 16 * H, 'dec_b3': 8 * H,
    'loge_b1': H, 'loge_b2': H, 'loge_b3': 1,
    'ang_b1': H, 'ang_b2': H, 'ang_b3': 2, 'angsc_b': 2,
    'sig_b1': H, 'sig_b2': H, 'sig_b3': 2,
    'bn_e_beta': D_FEAT + 1, 'bn1_b': 32 * H, 'bn2_b': 16 * H, 'bn3_b': 8 * H,
}
_G_SHAPES = {'bn_e_gamma': D_FEAT + 1, 'bn1_g': 32 * H, 'bn2_g': 16 * H, 'bn3_g': 8 * H}


def _glorot(k, shape):
    return (jax.random.normal(k, shape, jnp.float32) / np.sqrt(shape[0])).astype(jnp.float32)


def _make_params(key):
    p = {}
    keys = jax.random.split(key, len(_W_SHAPES))
    for (name, shp), k in zip(sorted(_W_SHAPES.items()), keys):
        p[name] = _glorot(k, shp)
    for name, d in _B_SHAPES.items():
        p[name] = jnp.zeros((d,), jnp.float32)
    for name, d in _G_SHAPES.items():
        p[name] = jnp.ones((d,), jnp.float32)
    return p


def _edge_feats(x, send, recv):
    diff = x[recv] - x[send]
    d2 = jnp.sum(diff[:, :3] ** 2, axis=1)
    dists = jnp.sqrt(d2 + 1e-24)
    inv = jnp.where(d2[:, None] > 0, 1.0 / dists[:, None], 0.0)
    vects = diff[:, :3] * inv
    return jnp.concatenate([diff[:, 3:], dists[:, None], vects], axis=1)


def _bn(x, g, b):
    return g * x / np.sqrt(1.0 + BN_EPS) + b


def _lrelu(x):
    return jnp.where(x >= 0, x, 0.15 * x)


def _l2n(x):
    return x / jnp.sqrt(jnp.maximum(jnp.sum(x * x, axis=-1, keepdims=True), 1e-12))


def _forward(x, p, edge_index, i):
    n = x.shape[0]
    g = N_GRAPHS
    send = edge_index[:, 0]
    recv = edge_index[:, 1]
    cg = jax.ops.segment_sum(jnp.ones((n,), jnp.float32), i, g)
    cgc = jnp.maximum(cg, 1.0)[:, None]
    gmean = jax.ops.segment_sum(x, i, g) / cgc
    gvar = jnp.abs(jax.ops.segment_sum(x * x, i, g) / cgc - gmean * gmean)
    gmax = jnp.where(cg[:, None] > 0, jax.ops.segment_max(x, i, g), 0.0)
    gmin = jnp.where(cg[:, None] > 0, jax.ops.segment_min(x, i, g), 0.0)
    xglob = jnp.concatenate([gmean, gvar, gmax, gmin], axis=1)
    mask = (x[send, 3] <= x[recv, 3]).astype(jnp.float32)
    e = _bn(_edge_feats(x, send, recv), p['bn_e_gamma'], p['bn_e_beta'])
    m = jnp.concatenate([x[recv], x[send], e], axis=1)
    m = jax.nn.relu(m @ p['mp_msg_w1'] + p['mp_msg_b1'])
    m = jax.nn.relu(m @ p['mp_msg_w2'] + p['mp_msg_b2'])
    agg = jax.ops.segment_sum(m * mask[:, None], recv, n)
    h = jax.nn.relu(agg @ p['mp_upd_w1'] + p['mp_upd_b1'])
    h = jax.nn.relu(h @ p['mp_upd_w2'] + p['mp_upd_b2'])
    cnt = jnp.maximum(jax.ops.segment_sum(mask, recv, n), 1.0)[:, None]
    for wk, bk in (('sage1_w', 'sage1_b'), ('sage2_w', 'sage2_b')):
        nb = jax.ops.segment_sum(h[send] * mask[:, None], recv, n) / cnt
        h = jax.nn.relu(jnp.concatenate([h, nb], axis=1) @ p[wk] + p[bk])
        h = _l2n(h)
    pmax = jnp.where(cg[:, None] > 0, jax.ops.segment_max(h, i, g), 0.0)
    psum = jax.ops.segment_sum(h, i, g)
    pavg = psum / cgc
    z = jnp.concatenate([pmax, pavg, psum, xglob], axis=1)
    for wk, bk, gk, btk in (('dec_w1', 'dec_b1', 'bn1_g', 'bn1_b'), ('dec_w2', 'dec_b2', 'bn2_g', 'bn2_b'), ('dec_w3', 'dec_b3', 'bn3_g', 'bn3_b')):
        z = _bn(_lrelu(z @ p[wk] + p[bk]), p[gk], p[btk])
    lg = ((z @ p['loge_w1'] + p['loge_b1']) @ p['loge_w2'] + p['loge_b2']) @ p['loge_w3'] + p['loge_b3']
    an = ((z @ p['ang_w1'] + p['ang_b1']) @ p['ang_w2'] + p['ang_b2']) @ p['ang_w3'] + p['ang_b3']
    za = jax.nn.sigmoid(an @ p['angsc_w'] + p['angsc_b'])
    sg = jnp.abs(((z @ p['sig_w1'] + p['sig_b1']) @ p['sig_w2'] + p['sig_b2']) @ p['sig_w3'] + p['sig_b3']) + 1e-5
    xs = jnp.stack([lg[:, 0], za[:, 0] * np.pi, za[:, 1] * 2.0 * np.pi], axis=1)
    return jnp.concatenate([xs, sg], axis=1)


def setup_inputs(seed: int = 0):
    key = jax.random.key(seed)
    k1, k2, k3, k4 = jax.random.split(key, 4)
    x = jax.random.normal(k1, (N_NODES, D_FEAT), jnp.float32)
    edge_index = jax.random.randint(k2, (N_EDGES, 2), 0, N_NODES).astype(jnp.int32)
    i = jnp.sort(jax.random.randint(k3, (N_NODES,), 0, N_GRAPHS)).astype(jnp.int32)
    params = _make_params(k4)
    return {'x': x, 'edge_index': edge_index, 'i': i, 'params': params}


def reference(x, edge_index, i, params):
    return _forward(x, params, edge_index, i)

if __name__ == "__main__":
    import jax
    _d = setup_inputs()
    print(jax.jit(kernel)(*tuple(_d.values())))

</pallas_src>

<mosaic_0001>
#map = affine_map<(d0, d1) -> (0, 0)>
module attributes {stable_mosaic.version = 14 : i64} {
  func.func @body(%arg0: i32, %arg1: i32, %arg2: memref<10240x128xf32, #tpu.memory_space<hbm>>, %arg3: memref<1344x128xi32, #tpu.memory_space<hbm>>, %arg4: memref<1344x128xi32, #tpu.memory_space<hbm>>, %arg5: memref<20480x128xf32, #tpu.memory_space<hbm>>, %arg6: memref<40x128xi32, #tpu.memory_space<vmem>>, %arg7: memref<40x128xi32, #tpu.memory_space<vmem>>, %arg8: memref<128x128xf32, #tpu.memory_space<vmem>>, %arg9: memref<128x128xf32, #tpu.memory_space<vmem>>, %arg10: memref<!tpu.dma_semaphore, #tpu.memory_space<semaphore_mem>>, %arg11: memref<!tpu.dma_semaphore, #tpu.memory_space<semaphore_mem>>, %arg12: memref<!tpu.dma_semaphore, #tpu.memory_space<semaphore_mem>>, %arg13: memref<!tpu.dma_semaphore, #tpu.memory_space<semaphore_mem>>, %arg14: memref<10240x128xf32, #tpu.memory_space<vmem_shared>>) attributes {dimension_semantics = [#tpu.dimension_semantics<core_parallel>, #tpu.dimension_semantics<subcore_parallel>], iteration_bounds = array<i64: 2, 16>, scalar_prefetch = 0 : i64, scratch_operands = 9 : i64, tpu.core_type = #tpu.core_type<sc_vector_subcore>, window_params = [{transform_indices = #map}, {transform_indices = #map}, {transform_indices = #map}, {transform_indices = #map}]} {
    %eq3A = arith.constant 0 : i32
    %eq3A_0 = arith.cmpi eq, %arg0, %eq3A : i32
    %jit3A = arith.constant 40 : i32
    %jit3A_1 = arith.constant 40 : i32
    %select_n3A = arith.select %eq3A_0, %jit3A, %jit3A_1 : i32
    %eq3A_2 = arith.constant 0 : i32
    %eq3A_3 = arith.cmpi eq, %arg0, %eq3A_2 : i32
    %jit3A_4 = arith.constant 0 : i32
    %jit3A_5 = arith.constant 640 : i32
    %select_n3A_6 = arith.select %eq3A_3, %jit3A_4, %jit3A_5 : i32
    %mul3A = arith.muli %arg1, %select_n3A : i32
    %add3A = arith.addi %select_n3A_6, %mul3A : i32
    "tpu.region"() ({
      %run_scoped3A = tpu.sem_alloc : memref<!tpu.dma_semaphore, #tpu.memory_space<semaphore_mem>>
      %dma_start3A = arith.constant 0 : i32
      %dma_start3A_95 = tpu.memref_slice %arg3[%add3A, %dma_start3A] : memref<1344x128xi32, #tpu.memory_space<hbm>> -> memref<40x128xi32, #tpu.memory_space<hbm>>
      %dma_start3A_96 = arith.constant 0 : i32
      %dma_start3A_97 = tpu.memref_slice %arg3[%add3A, %dma_start3A_96] : memref<1344x128xi32, #tpu.memory_space<hbm>> -> memref<40x128xi32, #tpu.memory_space<hbm>>
      tpu.enqueue_dma source(%dma_start3A_97 : memref<40x128xi32, #tpu.memory_space<hbm>>) target(%arg6 : memref<40x128xi32, #tpu.memory_space<vmem>>) target_semaphore(%run_scoped3A : memref<!tpu.dma_semaphore, #tpu.memory_space<semaphore_mem>>)
      %dma_wait3A = arith.constant 0 : i32
      %dma_wait3A_98 = tpu.memref_slice %arg3[%add3A, %dma_wait3A] : memref<1344x128xi32, #tpu.memory_space<hbm>> -> memref<40x128xi32, #tpu.memory_space<hbm>>
      %dma_wait3A_99 = arith.constant 0 : i32
      %dma_wait3A_100 = tpu.memref_slice %arg3[%add3A, %dma_wait3A_99] : memref<1344x128xi32, #tpu.memory_space<hbm>> -> memref<40x128xi32, #tpu.memory_space<hbm>>
      tpu.wait_dma2 semaphore(%run_scoped3A : memref<!tpu.dma_semaphore, #tpu.memory_space<semaphore_mem>>) src(%dma_wait3A_100 : memref<40x128xi32, #tpu.memory_space<hbm>>) dst(%arg6 : memref<40x128xi32, #tpu.memory_space<vmem>>)
      tpu.yield
    }) : () -> ()
    "tpu.region"() ({
      %run_scoped3A = tpu.sem_alloc : memref<!tpu.dma_semaphore, #tpu.memory_space<semaphore_mem>>
      %dma_start3A = arith.constant 0 : i32
      %dma_start3A_95 = tpu.memref_slice %arg4[%add3A, %dma_start3A] : memref<1344x128xi32, #tpu.memory_space<hbm>> -> memref<40x128xi32, #tpu.memory_space<hbm>>
      %dma_start3A_96 = arith.constant 0 : i32
      %dma_start3A_97 = tpu.memref_slice %arg4[%add3A, %dma_start3A_96] : memref<1344x128xi32, #tpu.memory_space<hbm>> -> memref<40x128xi32, #tpu.memory_space<hbm>>
      tpu.enqueue_dma source(%dma_start3A_97 : memref<40x128xi32, #tpu.memory_space<hbm>>) target(%arg7 : memref<40x128xi32, #tpu.memory_space<vmem>>) target_semaphore(%run_scoped3A : memref<!tpu.dma_semaphore, #tpu.memory_space<semaphore_mem>>)
      %dma_wait3A = arith.constant 0 : i32
      %dma_wait3A_98 = tpu.memref_slice %arg4[%add3A, %dma_wait3A] : memref<1344x128xi32, #tpu.memory_space<hbm>> -> memref<40x128xi32, #tpu.memory_space<hbm>>
      %dma_wait3A_99 = arith.constant 0 : i32
      %dma_wait3A_100 = tpu.memref_slice %arg4[%add3A, %dma_wait3A_99] : memref<1344x128xi32, #tpu.memory_space<hbm>> -> memref<40x128xi32, #tpu.memory_space<hbm>>
      tpu.wait_dma2 semaphore(%run_scoped3A : memref<!tpu.dma_semaphore, #tpu.memory_space<semaphore_mem>>) src(%dma_wait3A_100 : memref<40x128xi32, #tpu.memory_space<hbm>>) dst(%arg7 : memref<40x128xi32, #tpu.memory_space<vmem>>)
      tpu.yield
    }) : () -> ()
    %scan3A = arith.constant 0 : i32
    %scan3A_7 = arith.constant 0 : i32
    %scan3A_8 = arith.constant 128 : i32
    %scan3A_9 = arith.addi %scan3A_7, %scan3A_8 : i32
    %scan3A_10 = arith.constant 1 : i32
    scf.for %scan3A_95 = %scan3A_7 to %scan3A_9 step %scan3A_10  : i32 {
      %scan3A_96 = arith.constant 0 : i32
      %scan3A_97 = arith.constant 8 : i32
      %scan3A_98 = arith.addi %scan3A_96, %scan3A_97 : i32
      %scan3A_99 = arith.constant 1 : i32
      scf.for %scan3A_101 = %scan3A_96 to %scan3A_98 step %scan3A_99  : i32 {
        %broadcast_in_dim3A = arith.constant 0.000000e+00 : f32
        %broadcast_in_dim3A_102 = vector.broadcast %broadcast_in_dim3A : f32 to vector<16xf32>
        %mul3A_103 = arith.constant 16 : i32
        %mul3A_104 = arith.muli %scan3A_101, %mul3A_103 : i32
        %swap3A = arith.index_cast %scan3A_95 : i32 to index
        %swap3A_105 = arith.index_cast %mul3A_104 : i32 to index
        %swap3A_106 = tpu.vector_load %arg8[%swap3A, %swap3A_105] {strides = array<i32>} : memref<128x128xf32, #tpu.memory_space<vmem>>, vector<1x16xf32>,
        %swap3A_107 = vector.shape_cast %swap3A_106 : vector<1x16xf32> to vector<16xf32>
        %swap3A_108 = vector.shape_cast %broadcast_in_dim3A_102 : vector<16xf32> to vector<1x16xf32>
        tpu.vector_store %arg8[%swap3A, %swap3A_105], %swap3A_108 {strides = array<i32>} : memref<128x128xf32, #tpu.memory_space<vmem>>, vector<1x16xf32>,
      }
      %scan3A_100 = arith.constant 8 : i32
    }
    %scan3A_11 = arith.constant 128 : i32
    %mul3A_12 = arith.constant 640 : i32
    %mul3A_13 = arith.muli %arg1, %mul3A_12 : i32
    %add3A_14 = arith.constant 0 : i32
    %add3A_15 = arith.addi %mul3A_13, %add3A_14 : i32
    "tpu.region"() ({
      %run_scoped3A = tpu.sem_alloc : memref<!tpu.dma_semaphore, #tpu.memory_space<semaphore_mem>>
      %dma_start3A = arith.constant 0 : i32
      %dma_start3A_95 = tpu.memref_slice %arg14[%add3A_15, %dma_start3A] : memref<10240x128xf32, #tpu.memory_space<vmem_shared>> -> memref<128x128xf32, #tpu.memory_space<vmem_shared>>
      %dma_start3A_96 = arith.constant 0 : i32
      %dma_start3A_97 = tpu.memref_slice %arg14[%add3A_15, %dma_start3A_96] : memref<10240x128xf32, #tpu.memory_space<vmem_shared>> -> memref<128x128xf32, #tpu.memory_space<vmem_shared>>
      tpu.enqueue_dma source(%arg8 : memref<128x128xf32, #tpu.memory_space<vmem>>) target(%dma_start3A_97 : memref<128x128xf32, #tpu.memory_space<vmem_shared>>) target_semaphore(%run_scoped3A : memref<!tpu.dma_semaphore, #tpu.memory_space<semaphore_mem>>)
      %dma_wait3A = arith.constant 0 : i32
      %dma_wait3A_98 = tpu.memref_slice %arg14[%add3A_15, %dma_wait3A] : memref<10240x128xf32, #tpu.memory_space<vmem_shared>> -> memref<128x128xf32, #tpu.memory_space<vmem_shared>>
      %dma_wait3A_99 = arith.constant 0 : i32
      %dma_wait3A_100 = tpu.memref_slice %arg14[%add3A_15, %dma_wait3A_99] : memref<10240x128xf32, #tpu.memory_space<vmem_shared>> -> memref<128x128xf32, #tpu.memory_space<vmem_shared>>
      tpu.wait_dma2 semaphore(%run_scoped3A : memref<!tpu.dma_semaphore, #tpu.memory_space<semaphore_mem>>) src(%arg8 : memref<128x128xf32, #tpu.memory_space<vmem>>) dst(%dma_wait3A_100 : memref<128x128xf32, #tpu.memory_space<vmem_shared>>)
      tpu.yield
    }) : () -> ()
    %mul3A_16 = arith.constant 640 : i32
    %mul3A_17 = arith.muli %arg1, %mul3A_16 : i32
    %add3A_18 = arith.constant 128 : i32
    %add3A_19 = arith.addi %mul3A_17, %add3A_18 : i32
    "tpu.region"() ({
      %run_scoped3A = tpu.sem_alloc : memref<!tpu.dma_semaphore, #tpu.memory_space<semaphore_mem>>
      %dma_start3A = arith.constant 0 : i32
      %dma_start3A_95 = tpu.memref_slice %arg14[%add3A_19, %dma_start3A] : memref<10240x128xf32, #tpu.memory_space<vmem_shared>> -> memref<128x128xf32, #tpu.memory_space<vmem_shared>>
      %dma_start3A_96 = arith.constant 0 : i32
      %dma_start3A_97 = tpu.memref_slice %arg14[%add3A_19, %dma_start3A_96] : memref<10240x128xf32, #tpu.memory_space<vmem_shared>> -> memref<128x128xf32, #tpu.memory_space<vmem_shared>>
      tpu.enqueue_dma source(%arg8 : memref<128x128xf32, #tpu.memory_space<vmem>>) target(%dma_start3A_97 : memref<128x128xf32, #tpu.memory_space<vmem_shared>>) target_semaphore(%run_scoped3A : memref<!tpu.dma_semaphore, #tpu.memory_space<semaphore_mem>>)
      %dma_wait3A = arith.constant 0 : i32
      %dma_wait3A_98 = tpu.memref_slice %arg14[%add3A_19, %dma_wait3A] : memref<10240x128xf32, #tpu.memory_space<vmem_shared>> -> memref<128x128xf32, #tpu.memory_space<vmem_shared>>
      %dma_wait3A_99 = arith.constant 0 : i32
      %dma_wait3A_100 = tpu.memref_slice %arg14[%add3A_19, %dma_wait3A_99] : memref<10240x128xf32, #tpu.memory_space<vmem_shared>> -> memref<128x128xf32, #tpu.memory_space<vmem_shared>>
      tpu.wait_dma2 semaphore(%run_scoped3A : memref<!tpu.dma_semaphore, #tpu.memory_space<semaphore_mem>>) src(%arg8 : memref<128x128xf32, #tpu.memory_space<vmem>>) dst(%dma_wait3A_100 : memref<128x128xf32, #tpu.memory_space<vmem_shared>>)
      tpu.yield
    }) : () -> ()
    %mul3A_20 = arith.constant 640 : i32
    %mul3A_21 = arith.muli %arg1, %mul3A_20 : i32
    %add3A_22 = arith.constant 256 : i32
    %add3A_23 = arith.addi %mul3A_21, %add3A_22 : i32
    "tpu.region"() ({
      %run_scoped3A = tpu.sem_alloc : memref<!tpu.dma_semaphore, #tpu.memory_space<semaphore_mem>>
      %dma_start3A = arith.constant 0 : i32
      %dma_start3A_95 = tpu.memref_slice %arg14[%add3A_23, %dma_start3A] : memref<10240x128xf32, #tpu.memory_space<vmem_shared>> -> memref<128x128xf32, #tpu.memory_space<vmem_shared>>
      %dma_start3A_96 = arith.constant 0 : i32
      %dma_start3A_97 = tpu.memref_slice %arg14[%add3A_23, %dma_start3A_96] : memref<10240x128xf32, #tpu.memory_space<vmem_shared>> -> memref<128x128xf32, #tpu.memory_space<vmem_shared>>
      tpu.enqueue_dma source(%arg8 : memref<128x128xf32, #tpu.memory_space<vmem>>) target(%dma_start3A_97 : memref<128x128xf32, #tpu.memory_space<vmem_shared>>) target_semaphore(%run_scoped3A : memref<!tpu.dma_semaphore, #tpu.memory_space<semaphore_mem>>)
      %dma_wait3A = arith.constant 0 : i32
      %dma_wait3A_98 = tpu.memref_slice %arg14[%add3A_23, %dma_wait3A] : memref<10240x128xf32, #tpu.memory_space<vmem_shared>> -> memref<128x128xf32, #tpu.memory_space<vmem_shared>>
      %dma_wait3A_99 = arith.constant 0 : i32
      %dma_wait3A_100 = tpu.memref_slice %arg14[%add3A_23, %dma_wait3A_99] : memref<10240x128xf32, #tpu.memory_space<vmem_shared>> -> memref<128x128xf32, #tpu.memory_space<vmem_shared>>
      tpu.wait_dma2 semaphore(%run_scoped3A : memref<!tpu.dma_semaphore, #tpu.memory_space<semaphore_mem>>) src(%arg8 : memref<128x128xf32, #tpu.memory_space<vmem>>) dst(%dma_wait3A_100 : memref<128x128xf32, #tpu.memory_space<vmem_shared>>)
      tpu.yield
    }) : () -> ()
    %mul3A_24 = arith.constant 640 : i32
    %mul3A_25 = arith.muli %arg1, %mul3A_24 : i32
    %add3A_26 = arith.constant 384 : i32
    %add3A_27 = arith.addi %mul3A_25, %add3A_26 : i32
    "tpu.region"() ({
      %run_scoped3A = tpu.sem_alloc : memref<!tpu.dma_semaphore, #tpu.memory_space<semaphore_mem>>
      %dma_start3A = arith.constant 0 : i32
      %dma_start3A_95 = tpu.memref_slice %arg14[%add3A_27, %dma_start3A] : memref<10240x128xf32, #tpu.memory_space<vmem_shared>> -> memref<128x128xf32, #tpu.memory_space<vmem_shared>>
      %dma_start3A_96 = arith.constant 0 : i32
      %dma_start3A_97 = tpu.memref_slice %arg14[%add3A_27, %dma_start3A_96] : memref<10240x128xf32, #tpu.memory_space<vmem_shared>> -> memref<128x128xf32, #tpu.memory_space<vmem_shared>>
      tpu.enqueue_dma source(%arg8 : memref<128x128xf32, #tpu.memory_space<vmem>>) target(%dma_start3A_97 : memref<128x128xf32, #tpu.memory_space<vmem_shared>>) target_semaphore(%run_scoped3A : memref<!tpu.dma_semaphore, #tpu.memory_space<semaphore_mem>>)
      %dma_wait3A = arith.constant 0 : i32
      %dma_wait3A_98 = tpu.memref_slice %arg14[%add3A_27, %dma_wait3A] : memref<10240x128xf32, #tpu.memory_space<vmem_shared>> -> memref<128x128xf32, #tpu.memory_space<vmem_shared>>
      %dma_wait3A_99 = arith.constant 0 : i32
      %dma_wait3A_100 = tpu.memref_slice %arg14[%add3A_27, %dma_wait3A_99] : memref<10240x128xf32, #tpu.memory_space<vmem_shared>> -> memref<128x128xf32, #tpu.memory_space<vmem_shared>>
      tpu.wait_dma2 semaphore(%run_scoped3A : memref<!tpu.dma_semaphore, #tpu.memory_space<semaphore_mem>>) src(%arg8 : memref<128x128xf32, #tpu.memory_space<vmem>>) dst(%dma_wait3A_100 : memref<128x128xf32, #tpu.memory_space<vmem_shared>>)
      tpu.yield
    }) : () -> ()
    %mul3A_28 = arith.constant 640 : i32
    %mul3A_29 = arith.muli %arg1, %mul3A_28 : i32
    %add3A_30 = arith.constant 512 : i32
    %add3A_31 = arith.addi %mul3A_29, %add3A_30 : i32
    "tpu.region"() ({
      %run_scoped3A = tpu.sem_alloc : memref<!tpu.dma_semaphore, #tpu.memory_space<semaphore_mem>>
      %dma_start3A = arith.constant 0 : i32
      %dma_start3A_95 = tpu.memref_slice %arg14[%add3A_31, %dma_start3A] : memref<10240x128xf32, #tpu.memory_space<vmem_shared>> -> memref<128x128xf32, #tpu.memory_space<vmem_shared>>
      %dma_start3A_96 = arith.constant 0 : i32
      %dma_start3A_97 = tpu.memref_slice %arg14[%add3A_31, %dma_start3A_96] : memref<10240x128xf32, #tpu.memory_space<vmem_shared>> -> memref<128x128xf32, #tpu.memory_space<vmem_shared>>
      tpu.enqueue_dma source(%arg8 : memref<128x128xf32, #tpu.memory_space<vmem>>) target(%dma_start3A_97 : memref<128x128xf32, #tpu.memory_space<vmem_shared>>) target_semaphore(%run_scoped3A : memref<!tpu.dma_semaphore, #tpu.memory_space<semaphore_mem>>)
      %dma_wait3A = arith.constant 0 : i32
      %dma_wait3A_98 = tpu.memref_slice %arg14[%add3A_31, %dma_wait3A] : memref<10240x128xf32, #tpu.memory_space<vmem_shared>> -> memref<128x128xf32, #tpu.memory_space<vmem_shared>>
      %dma_wait3A_99 = arith.constant 0 : i32
      %dma_wait3A_100 = tpu.memref_slice %arg14[%add3A_31, %dma_wait3A_99] : memref<10240x128xf32, #tpu.memory_space<vmem_shared>> -> memref<128x128xf32, #tpu.memory_space<vmem_shared>>
      tpu.wait_dma2 semaphore(%run_scoped3A : memref<!tpu.dma_semaphore, #tpu.memory_space<semaphore_mem>>) src(%arg8 : memref<128x128xf32, #tpu.memory_space<vmem>>) dst(%dma_wait3A_100 : memref<128x128xf32, #tpu.memory_space<vmem_shared>>)
      tpu.yield
    }) : () -> ()
    %barrier3A = arith.constant 0 : index
    tpu.barrier barrier_id(%barrier3A)
    %jit3A_32 = arith.constant 2 : i32
    %div3A = arith.divsi %select_n3A, %jit3A_32 : i32
    %sign3A = arith.constant 0 : i32
    %sign3A_33 = arith.cmpi sgt, %select_n3A, %sign3A : i32
    %sign3A_34 = arith.extui %sign3A_33 : i1 to i32
    %sign3A_35 = arith.constant 0 : i32
    %sign3A_36 = arith.cmpi slt, %select_n3A, %sign3A_35 : i32
    %sign3A_37 = arith.extui %sign3A_36 : i1 to i32
    %sign3A_38 = arith.subi %sign3A_34, %sign3A_37 : i32
    %sign3A_39 = arith.constant 0 : i32
    %sign3A_40 = arith.cmpi sgt, %jit3A_32, %sign3A_39 : i32
    %sign3A_41 = arith.extui %sign3A_40 : i1 to i32
    %sign3A_42 = arith.constant 0 : i32
    %sign3A_43 = arith.cmpi slt, %jit3A_32, %sign3A_42 : i32
    %sign3A_44 = arith.extui %sign3A_43 : i1 to i32
    %sign3A_45 = arith.subi %sign3A_41, %sign3A_44 : i32
    %ne3A = arith.cmpi ne, %sign3A_38, %sign3A_45 : i32
    %rem3A = arith.remsi %select_n3A, %jit3A_32 : i32
    %ne3A_46 = arith.constant 0 : i32
    %ne3A_47 = arith.cmpi ne, %rem3A, %ne3A_46 : i32
    %and3A = arith.andi %ne3A, %ne3A_47 : i1
    %sub3A = arith.constant 1 : i32
    %sub3A_48 = arith.subi %div3A, %sub3A : i32
    %select_n3A_49 = arith.select %and3A, %sub3A_48, %div3A : i32
    %while3A = arith.constant 0 : i32
    %while3A_50 = arith.constant 0 : i32
    %while3A_51 = arith.subi %select_n3A_49, %while3A_50 : i32
    %while3A_52 = arith.addi %while3A_50, %while3A_51 : i32
    %while3A_53 = arith.constant 1 : i32
    %while3A_54 = arith.divsi %while3A_51, %while3A_53 : i32
    %while3A_55 = arith.muli %while3A_54, %while3A_53 : i32
    %while3A_56 = arith.addi %while3A_50, %while3A_55 : i32
    %while3A_57 = arith.constant 1 : i32
    scf.for %while3A_95 = %while3A_50 to %while3A_56 step %while3A_57  : i32 {
      %mul3A_96 = arith.constant 2 : i32
      %mul3A_97 = arith.muli %mul3A_96, %while3A_95 : i32
      %mul3A_98 = arith.constant 2 : i32
      %mul3A_99 = arith.muli %mul3A_98, %while3A_95 : i32
      %add3A_100 = arith.constant 1 : i32
      %add3A_101 = arith.addi %mul3A_99, %add3A_100 : i32
      %dma_start3A = arith.constant 0 : i32
      %dma_start3A_102 = tpu.memref_slice %arg6[%mul3A_97, %dma_start3A] : memref<40x128xi32, #tpu.memory_space<vmem>> -> memref<1x128xi32, #tpu.memory_space<vmem>>
      %dma_start3A_103 = tpu.memref_squeeze %dma_start3A_102 : memref<1x128xi32, #tpu.memory_space<vmem>> -> memref<128xi32, #tpu.memory_space<vmem>>
      %dma_start3A_104 = arith.constant 0 : i32
      %dma_start3A_105 = arith.constant 0 : i32
      %dma_start3A_106 = tpu.memref_slice %arg2[%dma_start3A_104, %dma_start3A_105] : memref<10240x128xf32, #tpu.memory_space<hbm>> -> memref<10240x128xf32, #tpu.memory_space<hbm>>
      tpu.enqueue_indirect_dma source(%dma_start3A_106 : memref<10240x128xf32, #tpu.memory_space<hbm>>) target(%arg8 : memref<128x128xf32, #tpu.memory_space<vmem>>) offsets(%dma_start3A_103 : memref<128xi32, #tpu.memory_space<vmem>>) semaphore(%arg10 : memref<!tpu.dma_semaphore, #tpu.memory_space<semaphore_mem>>)
      %dma_start3A_107 = arith.constant 0 : i32
      %dma_start3A_108 = tpu.memref_slice %arg6[%add3A_101, %dma_start3A_107] : memref<40x128xi32, #tpu.memory_space<vmem>> -> memref<1x128xi32, #tpu.memory_space<vmem>>
      %dma_start3A_109 = tpu.memref_squeeze %dma_start3A_108 : memref<1x128xi32, #tpu.memory_space<vmem>> -> memref<128xi32, #tpu.memory_space<vmem>>
      %dma_start3A_110 = arith.constant 0 : i32
      %dma_start3A_111 = arith.constant 0 : i32
      %dma_start3A_112 = tpu.memref_slice %arg2[%dma_start3A_110, %dma_start3A_111] : memref<10240x128xf32, #tpu.memory_space<hbm>> -> memref<10240x128xf32, #tpu.memory_space<hbm>>
      tpu.enqueue_indirect_dma source(%dma_start3A_112 : memref<10240x128xf32, #tpu.memory_space<hbm>>) target(%arg9 : memref<128x128xf32, #tpu.memory_space<vmem>>) offsets(%dma_start3A_109 : memref<128xi32, #tpu.memory_space<vmem>>) semaphore(%arg11 : memref<!tpu.dma_semaphore, #tpu.memory_space<semaphore_mem>>)
      %dma_wait3A = arith.constant 0 : i32
      %dma_wait3A_113 = tpu.memref_slice %arg6[%mul3A_97, %dma_wait3A] : memref<40x128xi32, #tpu.memory_space<vmem>> -> memref<1x128xi32, #tpu.memory_space<vmem>>
      %dma_wait3A_114 = tpu.memref_squeeze %dma_wait3A_113 : memref<1x128xi32, #tpu.memory_space<vmem>> -> memref<128xi32, #tpu.memory_space<vmem>>
      %dma_wait3A_115 = arith.constant 0 : i32
      %dma_wait3A_116 = arith.constant 0 : i32
      %dma_wait3A_117 = tpu.memref_slice %arg2[%dma_wait3A_115, %dma_wait3A_116] : memref<10240x128xf32, #tpu.memory_space<hbm>> -> memref<10240x128xf32, #tpu.memory_space<hbm>>
      tpu.wait_indirect_dma semaphore(%arg10 : memref<!tpu.dma_semaphore, #tpu.memory_space<semaphore_mem>>) src(%dma_wait3A_117 : memref<10240x128xf32, #tpu.memory_space<hbm>>) dst(%arg8 : memref<128x128xf32, #tpu.memory_space<vmem>>)
      %dma_start3A_118 = arith.constant 0 : i32
      %dma_start3A_119 = tpu.memref_slice %arg7[%mul3A_97, %dma_start3A_118] : memref<40x128xi32, #tpu.memory_space<vmem>> -> memref<1x128xi32, #tpu.memory_space<vmem>>
      %dma_start3A_120 = tpu.memref_squeeze %dma_start3A_119 : memref<1x128xi32, #tpu.memory_space<vmem>> -> memref<128xi32, #tpu.memory_space<vmem>>
      %dma_start3A_121 = arith.constant 0 : i32
      %dma_start3A_122 = arith.constant 0 : i32
      %dma_start3A_123 = tpu.memref_slice %arg14[%dma_start3A_121, %dma_start3A_122] : memref<10240x128xf32, #tpu.memory_space<vmem_shared>> -> memref<10240x128xf32, #tpu.memory_space<vmem_shared>>
      tpu.enqueue_indirect_dma source(%arg8 : memref<128x128xf32, #tpu.memory_space<vmem>>) target(%dma_start3A_123 : memref<10240x128xf32, #tpu.memory_space<vmem_shared>>) offsets(%dma_start3A_120 : memref<128xi32, #tpu.memory_space<vmem>>) semaphore(%arg12 : memref<!tpu.dma_semaphore, #tpu.memory_space<semaphore_mem>>) {add = true}
      %dma_wait3A_124 = arith.constant 0 : i32
      %dma_wait3A_125 = tpu.memref_slice %arg6[%add3A_101, %dma_wait3A_124] : memref<40x128xi32, #tpu.memory_space<vmem>> -> memref<1x128xi32, #tpu.memory_space<vmem>>
      %dma_wait3A_126 = tpu.memref_squeeze %dma_wait3A_125 : memref<1x128xi32, #tpu.memory_space<vmem>> -> memref<128xi32, #tpu.memory_space<vmem>>
      %dma_wait3A_127 = arith.constant 0 : i32
      %dma_wait3A_128 = arith.constant 0 : i32
      %dma_wait3A_129 = tpu.memref_slice %arg2[%dma_wait3A_127, %dma_wait3A_128] : memref<10240x128xf32, #tpu.memory_space<hbm>> -> memref<10240x128xf32, #tpu.memory_space<hbm>>
      tpu.wait_indirect_dma semaphore(%arg11 : memref<!tpu.dma_semaphore, #tpu.memory_space<semaphore_mem>>) src(%dma_wait3A_129 : memref<10240x128xf32, #tpu.memory_space<hbm>>) dst(%arg9 : memref<128x128xf32, #tpu.memory_space<vmem>>)
      %dma_start3A_130 = arith.constant 0 : i32
      %dma_start3A_131 = tpu.memref_slice %arg7[%add3A_101, %dma_start3A_130] : memref<40x128xi32, #tpu.memory_space<vmem>> -> memref<1x128xi32, #tpu.memory_space<vmem>>
      %dma_start3A_132 = tpu.memref_squeeze %dma_start3A_131 : memref<1x128xi32, #tpu.memory_space<vmem>> -> memref<128xi32, #tpu.memory_space<vmem>>
      %dma_start3A_133 = arith.constant 0 : i32
      %dma_start3A_134 = arith.constant 0 : i32
      %dma_start3A_135 = tpu.memref_slice %arg14[%dma_start3A_133, %dma_start3A_134] : memref<10240x128xf32, #tpu.memory_space<vmem_shared>> -> memref<10240x128xf32, #tpu.memory_space<vmem_shared>>
      tpu.enqueue_indirect_dma source(%arg9 : memref<128x128xf32, #tpu.memory_space<vmem>>) target(%dma_start3A_135 : memref<10240x128xf32, #tpu.memory_space<vmem_shared>>) offsets(%dma_start3A_132 : memref<128xi32, #tpu.memory_space<vmem>>) semaphore(%arg13 : memref<!tpu.dma_semaphore, #tpu.memory_space<semaphore_mem>>) {add = true}
      %dma_wait3A_136 = arith.constant 0 : i32
      %dma_wait3A_137 = tpu.memref_slice %arg7[%mul3A_97, %dma_wait3A_136] : memref<40x128xi32, #tpu.memory_space<vmem>> -> memref<1x128xi32, #tpu.memory_space<vmem>>
      %dma_wait3A_138 = tpu.memref_squeeze %dma_wait3A_137 : memref<1x128xi32, #tpu.memory_space<vmem>> -> memref<128xi32, #tpu.memory_space<vmem>>
      %dma_wait3A_139 = arith.constant 0 : i32
      %dma_wait3A_140 = arith.constant 0 : i32
      %dma_wait3A_141 = tpu.memref_slice %arg14[%dma_wait3A_139, %dma_wait3A_140] : memref<10240x128xf32, #tpu.memory_space<vmem_shared>> -> memref<10240x128xf32, #tpu.memory_space<vmem_shared>>
      tpu.wait_indirect_dma semaphore(%arg12 : memref<!tpu.dma_semaphore, #tpu.memory_space<semaphore_mem>>) src(%arg8 : memref<128x128xf32, #tpu.memory_space<vmem>>) dst(%dma_wait3A_141 : memref<10240x128xf32, #tpu.memory_space<vmem_shared>>)
      %dma_wait3A_142 = arith.constant 0 : i32
      %dma_wait3A_143 = tpu.memref_slice %arg7[%add3A_101, %dma_wait3A_142] : memref<40x128xi32, #tpu.memory_space<vmem>> -> memref<1x128xi32, #tpu.memory_space<vmem>>
      %dma_wait3A_144 = tpu.memref_squeeze %dma_wait3A_143 : memref<1x128xi32, #tpu.memory_space<vmem>> -> memref<128xi32, #tpu.memory_space<vmem>>
      %dma_wait3A_145 = arith.constant 0 : i32
      %dma_wait3A_146 = arith.constant 0 : i32
      %dma_wait3A_147 = tpu.memref_slice %arg14[%dma_wait3A_145, %dma_wait3A_146] : memref<10240x128xf32, #tpu.memory_space<vmem_shared>> -> memref<10240x128xf32, #tpu.memory_space<vmem_shared>>
      tpu.wait_indirect_dma semaphore(%arg13 : memref<!tpu.dma_semaphore, #tpu.memory_space<semaphore_mem>>) src(%arg9 : memref<128x128xf32, #tpu.memory_space<vmem>>) dst(%dma_wait3A_147 : memref<10240x128xf32, #tpu.memory_space<vmem_shared>>)
    }
    %while3A_58 = arith.constant 1 : i32
    scf.for %while3A_95 = %while3A_56 to %while3A_52 step %while3A_58  : i32 {
      %mul3A_96 = arith.constant 2 : i32
      %mul3A_97 = arith.muli %mul3A_96, %while3A_95 : i32
      %mul3A_98 = arith.constant 2 : i32
      %mul3A_99 = arith.muli %mul3A_98, %while3A_95 : i32
      %add3A_100 = arith.constant 1 : i32
      %add3A_101 = arith.addi %mul3A_99, %add3A_100 : i32
      %dma_start3A = arith.constant 0 : i32
      %dma_start3A_102 = tpu.memref_slice %arg6[%mul3A_97, %dma_start3A] : memref<40x128xi32, #tpu.memory_space<vmem>> -> memref<1x128xi32, #tpu.memory_space<vmem>>
      %dma_start3A_103 = tpu.memref_squeeze %dma_start3A_102 : memref<1x128xi32, #tpu.memory_space<vmem>> -> memref<128xi32, #tpu.memory_space<vmem>>
      %dma_start3A_104 = arith.constant 0 : i32
      %dma_start3A_105 = arith.constant 0 : i32
      %dma_start3A_106 = tpu.memref_slice %arg2[%dma_start3A_104, %dma_start3A_105] : memref<10240x128xf32, #tpu.memory_space<hbm>> -> memref<10240x128xf32, #tpu.memory_space<hbm>>
      tpu.enqueue_indirect_dma source(%dma_start3A_106 : memref<10240x128xf32, #tpu.memory_space<hbm>>) target(%arg8 : memref<128x128xf32, #tpu.memory_space<vmem>>) offsets(%dma_start3A_103 : memref<128xi32, #tpu.memory_space<vmem>>) semaphore(%arg10 : memref<!tpu.dma_semaphore, #tpu.memory_space<semaphore_mem>>)
      %dma_start3A_107 = arith.constant 0 : i32
      %dma_start3A_108 = tpu.memref_slice %arg6[%add3A_101, %dma_start3A_107] : memref<40x128xi32, #tpu.memory_space<vmem>> -> memref<1x128xi32, #tpu.memory_space<vmem>>
      %dma_start3A_109 = tpu.memref_squeeze %dma_start3A_108 : memref<1x128xi32, #tpu.memory_space<vmem>> -> memref<128xi32, #tpu.memory_space<vmem>>
      %dma_start3A_110 = arith.constant 0 : i32
      %dma_start3A_111 = arith.constant 0 : i32
      %dma_start3A_112 = tpu.memref_slice %arg2[%dma_start3A_110, %dma_start3A_111] : memref<10240x128xf32, #tpu.memory_space<hbm>> -> memref<10240x128xf32, #tpu.memory_space<hbm>>
      tpu.enqueue_indirect_dma source(%dma_start3A_112 : memref<10240x128xf32, #tpu.memory_space<hbm>>) target(%arg9 : memref<128x128xf32, #tpu.memory_space<vmem>>) offsets(%dma_start3A_109 : memref<128xi32, #tpu.memory_space<vmem>>) semaphore(%arg11 : memref<!tpu.dma_semaphore, #tpu.memory_space<semaphore_mem>>)
      %dma_wait3A = arith.constant 0 : i32
      %dma_wait3A_113 = tpu.memref_slice %arg6[%mul3A_97, %dma_wait3A] : memref<40x128xi32, #tpu.memory_space<vmem>> -> memref<1x128xi32, #tpu.memory_space<vmem>>
      %dma_wait3A_114 = tpu.memref_squeeze %dma_wait3A_113 : memref<1x128xi32, #tpu.memory_space<vmem>> -> memref<128xi32, #tpu.memory_space<vmem>>
      %dma_wait3A_115 = arith.constant 0 : i32
      %dma_wait3A_116 = arith.constant 0 : i32
      %dma_wait3A_117 = tpu.memref_slice %arg2[%dma_wait3A_115, %dma_wait3A_116] : memref<10240x128xf32, #tpu.memory_space<hbm>> -> memref<10240x128xf32, #tpu.memory_space<hbm>>
      tpu.wait_indirect_dma semaphore(%arg10 : memref<!tpu.dma_semaphore, #tpu.memory_space<semaphore_mem>>) src(%dma_wait3A_117 : memref<10240x128xf32, #tpu.memory_space<hbm>>) dst(%arg8 : memref<128x128xf32, #tpu.memory_space<vmem>>)
      %dma_start3A_118 = arith.constant 0 : i32
      %dma_start3A_119 = tpu.memref_slice %arg7[%mul3A_97, %dma_start3A_118] : memref<40x128xi32, #tpu.memory_space<vmem>> -> memref<1x128xi32, #tpu.memory_space<vmem>>
      %dma_start3A_120 = tpu.memref_squeeze %dma_start3A_119 : memref<1x128xi32, #tpu.memory_space<vmem>> -> memref<128xi32, #tpu.memory_space<vmem>>
      %dma_start3A_121 = arith.constant 0 : i32
      %dma_start3A_122 = arith.constant 0 : i32
      %dma_start3A_123 = tpu.memref_slice %arg14[%dma_start3A_121, %dma_start3A_122] : memref<10240x128xf32, #tpu.memory_space<vmem_shared>> -> memref<10240x128xf32, #tpu.memory_space<vmem_shared>>
      tpu.enqueue_indirect_dma source(%arg8 : memref<128x128xf32, #tpu.memory_space<vmem>>) target(%dma_start3A_123 : memref<10240x128xf32, #tpu.memory_space<vmem_shared>>) offsets(%dma_start3A_120 : memref<128xi32, #tpu.memory_space<vmem>>) semaphore(%arg12 : memref<!tpu.dma_semaphore, #tpu.memory_space<semaphore_mem>>) {add = true}
      %dma_wait3A_124 = arith.constant 0 : i32
      %dma_wait3A_125 = tpu.memref_slice %arg6[%add3A_101, %dma_wait3A_124] : memref<40x128xi32, #tpu.memory_space<vmem>> -> memref<1x128xi32, #tpu.memory_space<vmem>>
      %dma_wait3A_126 = tpu.memref_squeeze %dma_wait3A_125 : memref<1x128xi32, #tpu.memory_space<vmem>> -> memref<128xi32, #tpu.memory_space<vmem>>
      %dma_wait3A_127 = arith.constant 0 : i32
      %dma_wait3A_128 = arith.constant 0 : i32
      %dma_wait3A_129 = tpu.memref_slice %arg2[%dma_wait3A_127, %dma_wait3A_128] : memref<10240x128xf32, #tpu.memory_space<hbm>> -> memref<10240x128xf32, #tpu.memory_space<hbm>>
      tpu.wait_indirect_dma semaphore(%arg11 : memref<!tpu.dma_semaphore, #tpu.memory_space<semaphore_mem>>) src(%dma_wait3A_129 : memref<10240x128xf32, #tpu.memory_space<hbm>>) dst(%arg9 : memref<128x128xf32, #tpu.memory_space<vmem>>)
      %dma_start3A_130 = arith.constant 0 : i32
      %dma_start3A_131 = tpu.memref_slice %arg7[%add3A_101, %dma_start3A_130] : memref<40x128xi32, #tpu.memory_space<vmem>> -> memref<1x128xi32, #tpu.memory_space<vmem>>
      %dma_start3A_132 = tpu.memref_squeeze %dma_start3A_131 : memref<1x128xi32, #tpu.memory_space<vmem>> -> memref<128xi32, #tpu.memory_space<vmem>>
      %dma_start3A_133 = arith.constant 0 : i32
      %dma_start3A_134 = arith.constant 0 : i32
      %dma_start3A_135 = tpu.memref_slice %arg14[%dma_start3A_133, %dma_start3A_134] : memref<10240x128xf32, #tpu.memory_space<vmem_shared>> -> memref<10240x128xf32, #tpu.memory_space<vmem_shared>>
      tpu.enqueue_indirect_dma source(%arg9 : memref<128x128xf32, #tpu.memory_space<vmem>>) target(%dma_start3A_135 : memref<10240x128xf32, #tpu.memory_space<vmem_shared>>) offsets(%dma_start3A_132 : memref<128xi32, #tpu.memory_space<vmem>>) semaphore(%arg13 : memref<!tpu.dma_semaphore, #tpu.memory_space<semaphore_mem>>) {add = true}
      %dma_wait3A_136 = arith.constant 0 : i32
      %dma_wait3A_137 = tpu.memref_slice %arg7[%mul3A_97, %dma_wait3A_136] : memref<40x128xi32, #tpu.memory_space<vmem>> -> memref<1x128xi32, #tpu.memory_space<vmem>>
      %dma_wait3A_138 = tpu.memref_squeeze %dma_wait3A_137 : memref<1x128xi32, #tpu.memory_space<vmem>> -> memref<128xi32, #tpu.memory_space<vmem>>
      %dma_wait3A_139 = arith.constant 0 : i32
      %dma_wait3A_140 = arith.constant 0 : i32
      %dma_wait3A_141 = tpu.memref_slice %arg14[%dma_wait3A_139, %dma_wait3A_140] : memref<10240x128xf32, #tpu.memory_space<vmem_shared>> -> memref<10240x128xf32, #tpu.memory_space<vmem_shared>>
      tpu.wait_indirect_dma semaphore(%arg12 : memref<!tpu.dma_semaphore, #tpu.memory_space<semaphore_mem>>) src(%arg8 : memref<128x128xf32, #tpu.memory_space<vmem>>) dst(%dma_wait3A_141 : memref<10240x128xf32, #tpu.memory_space<vmem_shared>>)
      %dma_wait3A_142 = arith.constant 0 : i32
      %dma_wait3A_143 = tpu.memref_slice %arg7[%add3A_101, %dma_wait3A_142] : memref<40x128xi32, #tpu.memory_space<vmem>> -> memref<1x128xi32, #tpu.memory_space<vmem>>
      %dma_wait3A_144 = tpu.memref_squeeze %dma_wait3A_143 : memref<1x128xi32, #tpu.memory_space<vmem>> -> memref<128xi32, #tpu.memory_space<vmem>>
      %dma_wait3A_145 = arith.constant 0 : i32
      %dma_wait3A_146 = arith.constant 0 : i32
      %dma_wait3A_147 = tpu.memref_slice %arg14[%dma_wait3A_145, %dma_wait3A_146] : memref<10240x128xf32, #tpu.memory_space<vmem_shared>> -> memref<10240x128xf32, #tpu.memory_space<vmem_shared>>
      tpu.wait_indirect_dma semaphore(%arg13 : memref<!tpu.dma_semaphore, #tpu.memory_space<semaphore_mem>>) src(%arg9 : memref<128x128xf32, #tpu.memory_space<vmem>>) dst(%dma_wait3A_147 : memref<10240x128xf32, #tpu.memory_space<vmem_shared>>)
    }
    %barrier3A_59 = arith.constant 0 : index
    tpu.barrier barrier_id(%barrier3A_59)
    %mul3A_60 = arith.constant 640 : i32
    %mul3A_61 = arith.muli %arg1, %mul3A_60 : i32
    %add3A_62 = arith.constant 0 : i32
    %add3A_63 = arith.addi %mul3A_61, %add3A_62 : i32
    "tpu.region"() ({
      %run_scoped3A = tpu.sem_alloc : memref<!tpu.dma_semaphore, #tpu.memory_space<semaphore_mem>>
      %dma_start3A = arith.constant 0 : i32
      %dma_start3A_95 = tpu.memref_slice %arg14[%add3A_63, %dma_start3A] : memref<10240x128xf32, #tpu.memory_space<vmem_shared>> -> memref<128x128xf32, #tpu.memory_space<vmem_shared>>
      %dma_start3A_96 = arith.constant 0 : i32
      %dma_start3A_97 = tpu.memref_slice %arg14[%add3A_63, %dma_start3A_96] : memref<10240x128xf32, #tpu.memory_space<vmem_shared>> -> memref<128x128xf32, #tpu.memory_space<vmem_shared>>
      tpu.enqueue_dma source(%dma_start3A_97 : memref<128x128xf32, #tpu.memory_space<vmem_shared>>) target(%arg8 : memref<128x128xf32, #tpu.memory_space<vmem>>) target_semaphore(%run_scoped3A : memref<!tpu.dma_semaphore, #tpu.memory_space<semaphore_mem>>)
      %dma_wait3A = arith.constant 0 : i32
      %dma_wait3A_98 = tpu.memref_slice %arg14[%add3A_63, %dma_wait3A] : memref<10240x128xf32, #tpu.memory_space<vmem_shared>> -> memref<128x128xf32, #tpu.memory_space<vmem_shared>>
      %dma_wait3A_99 = arith.constant 0 : i32
      %dma_wait3A_100 = tpu.memref_slice %arg14[%add3A_63, %dma_wait3A_99] : memref<10240x128xf32, #tpu.memory_space<vmem_shared>> -> memref<128x128xf32, #tpu.memory_space<vmem_shared>>
      tpu.wait_dma2 semaphore(%run_scoped3A : memref<!tpu.dma_semaphore, #tpu.memory_space<semaphore_mem>>) src(%dma_wait3A_100 : memref<128x128xf32, #tpu.memory_space<vmem_shared>>) dst(%arg8 : memref<128x128xf32, #tpu.memory_space<vmem>>)
      tpu.yield
    }) : () -> ()
    %mul3A_64 = arith.constant 10240 : i32
    %mul3A_65 = arith.muli %arg0, %mul3A_64 : i32
    %add3A_66 = arith.addi %mul3A_65, %add3A_63 : i32
    "tpu.region"() ({
      %run_scoped3A = tpu.sem_alloc : memref<!tpu.dma_semaphore, #tpu.memory_space<semaphore_mem>>
      %dma_start3A = arith.constant 0 : i32
      %dma_start3A_95 = tpu.memref_slice %arg5[%add3A_66, %dma_start3A] : memref<20480x128xf32, #tpu.memory_space<hbm>> -> memref<128x128xf32, #tpu.memory_space<hbm>>
      %dma_start3A_96 = arith.constant 0 : i32
      %dma_start3A_97 = tpu.memref_slice %arg5[%add3A_66, %dma_start3A_96] : memref<20480x128xf32, #tpu.memory_space<hbm>> -> memref<128x128xf32, #tpu.memory_space<hbm>>
      tpu.enqueue_dma source(%arg8 : memref<128x128xf32, #tpu.memory_space<vmem>>) target(%dma_start3A_97 : memref<128x128xf32, #tpu.memory_space<hbm>>) target_semaphore(%run_scoped3A : memref<!tpu.dma_semaphore, #tpu.memory_space<semaphore_mem>>)
      %dma_wait3A = arith.constant 0 : i32
      %dma_wait3A_98 = tpu.memref_slice %arg5[%add3A_66, %dma_wait3A] : memref<20480x128xf32, #tpu.memory_space<hbm>> -> memref<128x128xf32, #tpu.memory_space<hbm>>
      %dma_wait3A_99 = arith.constant 0 : i32
      %dma_wait3A_100 = tpu.memref_slice %arg5[%add3A_66, %dma_wait3A_99] : memref<20480x128xf32, #tpu.memory_space<hbm>> -> memref<128x128xf32, #tpu.memory_space<hbm>>
      tpu.wait_dma2 semaphore(%run_scoped3A : memref<!tpu.dma_semaphore, #tpu.memory_space<semaphore_mem>>) src(%arg8 : memref<128x128xf32, #tpu.memory_space<vmem>>) dst(%dma_wait3A_100 : memref<128x128xf32, #tpu.memory_space<hbm>>)
      tpu.yield
    }) : () -> ()
    %mul3A_67 = arith.constant 640 : i32
    %mul3A_68 = arith.muli %arg1, %mul3A_67 : i32
    %add3A_69 = arith.constant 128 : i32
    %add3A_70 = arith.addi %mul3A_68, %add3A_69 : i32
    "tpu.region"() ({
      %run_scoped3A = tpu.sem_alloc : memref<!tpu.dma_semaphore, #tpu.memory_space<semaphore_mem>>
      %dma_start3A = arith.constant 0 : i32
      %dma_start3A_95 = tpu.memref_slice %arg14[%add3A_70, %dma_start3A] : memref<10240x128xf32, #tpu.memory_space<vmem_shared>> -> memref<128x128xf32, #tpu.memory_space<vmem_shared>>
      %dma_start3A_96 = arith.constant 0 : i32
      %dma_start3A_97 = tpu.memref_slice %arg14[%add3A_70, %dma_start3A_96] : memref<10240x128xf32, #tpu.memory_space<vmem_shared>> -> memref<128x128xf32, #tpu.memory_space<vmem_shared>>
      tpu.enqueue_dma source(%dma_start3A_97 : memref<128x128xf32, #tpu.memory_space<vmem_shared>>) target(%arg8 : memref<128x128xf32, #tpu.memory_space<vmem>>) target_semaphore(%run_scoped3A : memref<!tpu.dma_semaphore, #tpu.memory_space<semaphore_mem>>)
      %dma_wait3A = arith.constant 0 : i32
      %dma_wait3A_98 = tpu.memref_slice %arg14[%add3A_70, %dma_wait3A] : memref<10240x128xf32, #tpu.memory_space<vmem_shared>> -> memref<128x128xf32, #tpu.memory_space<vmem_shared>>
      %dma_wait3A_99 = arith.constant 0 : i32
      %dma_wait3A_100 = tpu.memref_slice %arg14[%add3A_70, %dma_wait3A_99] : memref<10240x128xf32, #tpu.memory_space<vmem_shared>> -> memref<128x128xf32, #tpu.memory_space<vmem_shared>>
      tpu.wait_dma2 semaphore(%run_scoped3A : memref<!tpu.dma_semaphore, #tpu.memory_space<semaphore_mem>>) src(%dma_wait3A_100 : memref<128x128xf32, #tpu.memory_space<vmem_shared>>) dst(%arg8 : memref<128x128xf32, #tpu.memory_space<vmem>>)
      tpu.yield
    }) : () -> ()
    %mul3A_71 = arith.constant 10240 : i32
    %mul3A_72 = arith.muli %arg0, %mul3A_71 : i32
    %add3A_73 = arith.addi %mul3A_72, %add3A_70 : i32
    "tpu.region"() ({
      %run_scoped3A = tpu.sem_alloc : memref<!tpu.dma_semaphore, #tpu.memory_space<semaphore_mem>>
      %dma_start3A = arith.constant 0 : i32
      %dma_start3A_95 = tpu.memref_slice %arg5[%add3A_73, %dma_start3A] : memref<20480x128xf32, #tpu.memory_space<hbm>> -> memref<128x128xf32, #tpu.memory_space<hbm>>
      %dma_start3A_96 = arith.constant 0 : i32
      %dma_start3A_97 = tpu.memref_slice %arg5[%add3A_73, %dma_start3A_96] : memref<20480x128xf32, #tpu.memory_space<hbm>> -> memref<128x128xf32, #tpu.memory_space<hbm>>
      tpu.enqueue_dma source(%arg8 : memref<128x128xf32, #tpu.memory_space<vmem>>) target(%dma_start3A_97 : memref<128x128xf32, #tpu.memory_space<hbm>>) target_semaphore(%run_scoped3A : memref<!tpu.dma_semaphore, #tpu.memory_space<semaphore_mem>>)
      %dma_wait3A = arith.constant 0 : i32
      %dma_wait3A_98 = tpu.memref_slice %arg5[%add3A_73, %dma_wait3A] : memref<20480x128xf32, #tpu.memory_space<hbm>> -> memref<128x128xf32, #tpu.memory_space<hbm>>
      %dma_wait3A_99 = arith.constant 0 : i32
      %dma_wait3A_100 = tpu.memref_slice %arg5[%add3A_73, %dma_wait3A_99] : memref<20480x128xf32, #tpu.memory_space<hbm>> -> memref<128x128xf32, #tpu.memory_space<hbm>>
      tpu.wait_dma2 semaphore(%run_scoped3A : memref<!tpu.dma_semaphore, #tpu.memory_space<semaphore_mem>>) src(%arg8 : memref<128x128xf32, #tpu.memory_space<vmem>>) dst(%dma_wait3A_100 : memref<128x128xf32, #tpu.memory_space<hbm>>)
      tpu.yield
    }) : () -> ()
    %mul3A_74 = arith.constant 640 : i32
    %mul3A_75 = arith.muli %arg1, %mul3A_74 : i32
    %add3A_76 = arith.constant 256 : i32
    %add3A_77 = arith.addi %mul3A_75, %add3A_76 : i32
    "tpu.region"() ({
      %run_scoped3A = tpu.sem_alloc : memref<!tpu.dma_semaphore, #tpu.memory_space<semaphore_mem>>
      %dma_start3A = arith.constant 0 : i32
      %dma_start3A_95 = tpu.memref_slice %arg14[%add3A_77, %dma_start3A] : memref<10240x128xf32, #tpu.memory_space<vmem_shared>> -> memref<128x128xf32, #tpu.memory_space<vmem_shared>>
      %dma_start3A_96 = arith.constant 0 : i32
      %dma_start3A_97 = tpu.memref_slice %arg14[%add3A_77, %dma_start3A_96] : memref<10240x128xf32, #tpu.memory_space<vmem_shared>> -> memref<128x128xf32, #tpu.memory_space<vmem_shared>>
      tpu.enqueue_dma source(%dma_start3A_97 : memref<128x128xf32, #tpu.memory_space<vmem_shared>>) target(%arg8 : memref<128x128xf32, #tpu.memory_space<vmem>>) target_semaphore(%run_scoped3A : memref<!tpu.dma_semaphore, #tpu.memory_space<semaphore_mem>>)
      %dma_wait3A = arith.constant 0 : i32
      %dma_wait3A_98 = tpu.memref_slice %arg14[%add3A_77, %dma_wait3A] : memref<10240x128xf32, #tpu.memory_space<vmem_shared>> -> memref<128x128xf32, #tpu.memory_space<vmem_shared>>
      %dma_wait3A_99 = arith.constant 0 : i32
      %dma_wait3A_100 = tpu.memref_slice %arg14[%add3A_77, %dma_wait3A_99] : memref<10240x128xf32, #tpu.memory_space<vmem_shared>> -> memref<128x128xf32, #tpu.memory_space<vmem_shared>>
      tpu.wait_dma2 semaphore(%run_scoped3A : memref<!tpu.dma_semaphore, #tpu.memory_space<semaphore_mem>>) src(%dma_wait3A_100 : memref<128x128xf32, #tpu.memory_space<vmem_shared>>) dst(%arg8 : memref<128x128xf32, #tpu.memory_space<vmem>>)
      tpu.yield
    }) : () -> ()
    %mul3A_78 = arith.constant 10240 : i32
    %mul3A_79 = arith.muli %arg0, %mul3A_78 : i32
    %add3A_80 = arith.addi %mul3A_79, %add3A_77 : i32
    "tpu.region"() ({
      %run_scoped3A = tpu.sem_alloc : memref<!tpu.dma_semaphore, #tpu.memory_space<semaphore_mem>>
      %dma_start3A = arith.constant 0 : i32
      %dma_start3A_95 = tpu.memref_slice %arg5[%add3A_80, %dma_start3A] : memref<20480x128xf32, #tpu.memory_space<hbm>> -> memref<128x128xf32, #tpu.memory_space<hbm>>
      %dma_start3A_96 = arith.constant 0 : i32
      %dma_start3A_97 = tpu.memref_slice %arg5[%add3A_80, %dma_start3A_96] : memref<20480x128xf32, #tpu.memory_space<hbm>> -> memref<128x128xf32, #tpu.memory_space<hbm>>
      tpu.enqueue_dma source(%arg8 : memref<128x128xf32, #tpu.memory_space<vmem>>) target(%dma_start3A_97 : memref<128x128xf32, #tpu.memory_space<hbm>>) target_semaphore(%run_scoped3A : memref<!tpu.dma_semaphore, #tpu.memory_space<semaphore_mem>>)
      %dma_wait3A = arith.constant 0 : i32
      %dma_wait3A_98 = tpu.memref_slice %arg5[%add3A_80, %dma_wait3A] : memref<20480x128xf32, #tpu.memory_space<hbm>> -> memref<128x128xf32, #tpu.memory_space<hbm>>
      %dma_wait3A_99 = arith.constant 0 : i32
      %dma_wait3A_100 = tpu.memref_slice %arg5[%add3A_80, %dma_wait3A_99] : memref<20480x128xf32, #tpu.memory_space<hbm>> -> memref<128x128xf32, #tpu.memory_space<hbm>>
      tpu.wait_dma2 semaphore(%run_scoped3A : memref<!tpu.dma_semaphore, #tpu.memory_space<semaphore_mem>>) src(%arg8 : memref<128x128xf32, #tpu.memory_space<vmem>>) dst(%dma_wait3A_100 : memref<128x128xf32, #tpu.memory_space<hbm>>)
      tpu.yield
    }) : () -> ()
    %mul3A_81 = arith.constant 640 : i32
    %mul3A_82 = arith.muli %arg1, %mul3A_81 : i32
    %add3A_83 = arith.constant 384 : i32
    %add3A_84 = arith.addi %mul3A_82, %add3A_83 : i32
    "tpu.region"() ({
      %run_scoped3A = tpu.sem_alloc : memref<!tpu.dma_semaphore, #tpu.memory_space<semaphore_mem>>
      %dma_start3A = arith.constant 0 : i32
      %dma_start3A_95 = tpu.memref_slice %arg14[%add3A_84, %dma_start3A] : memref<10240x128xf32, #tpu.memory_space<vmem_shared>> -> memref<128x128xf32, #tpu.memory_space<vmem_shared>>
      %dma_start3A_96 = arith.constant 0 : i32
      %dma_start3A_97 = tpu.memref_slice %arg14[%add3A_84, %dma_start3A_96] : memref<10240x128xf32, #tpu.memory_space<vmem_shared>> -> memref<128x128xf32, #tpu.memory_space<vmem_shared>>
      tpu.enqueue_dma source(%dma_start3A_97 : memref<128x128xf32, #tpu.memory_space<vmem_shared>>) target(%arg8 : memref<128x128xf32, #tpu.memory_space<vmem>>) target_semaphore(%run_scoped3A : memref<!tpu.dma_semaphore, #tpu.memory_space<semaphore_mem>>)
      %dma_wait3A = arith.constant 0 : i32
      %dma_wait3A_98 = tpu.memref_slice %arg14[%add3A_84, %dma_wait3A] : memref<10240x128xf32, #tpu.memory_space<vmem_shared>> -> memref<128x128xf32, #tpu.memory_space<vmem_shared>>
      %dma_wait3A_99 = arith.constant 0 : i32
      %dma_wait3A_100 = tpu.memref_slice %arg14[%add3A_84, %dma_wait3A_99] : memref<10240x128xf32, #tpu.memory_space<vmem_shared>> -> memref<128x128xf32, #tpu.memory_space<vmem_shared>>
      tpu.wait_dma2 semaphore(%run_scoped3A : memref<!tpu.dma_semaphore, #tpu.memory_space<semaphore_mem>>) src(%dma_wait3A_100 : memref<128x128xf32, #tpu.memory_space<vmem_shared>>) dst(%arg8 : memref<128x128xf32, #tpu.memory_space<vmem>>)
      tpu.yield
    }) : () -> ()
    %mul3A_85 = arith.constant 10240 : i32
    %mul3A_86 = arith.muli %arg0, %mul3A_85 : i32
    %add3A_87 = arith.addi %mul3A_86, %add3A_84 : i32
    "tpu.region"() ({
      %run_scoped3A = tpu.sem_alloc : memref<!tpu.dma_semaphore, #tpu.memory_space<semaphore_mem>>
      %dma_start3A = arith.constant 0 : i32
      %dma_start3A_95 = tpu.memref_slice %arg5[%add3A_87, %dma_start3A] : memref<20480x128xf32, #tpu.memory_space<hbm>> -> memref<128x128xf32, #tpu.memory_space<hbm>>
      %dma_start3A_96 = arith.constant 0 : i32
      %dma_start3A_97 = tpu.memref_slice %arg5[%add3A_87, %dma_start3A_96] : memref<20480x128xf32, #tpu.memory_space<hbm>> -> memref<128x128xf32, #tpu.memory_space<hbm>>
      tpu.enqueue_dma source(%arg8 : memref<128x128xf32, #tpu.memory_space<vmem>>) target(%dma_start3A_97 : memref<128x128xf32, #tpu.memory_space<hbm>>) target_semaphore(%run_scoped3A : memref<!tpu.dma_semaphore, #tpu.memory_space<semaphore_mem>>)
      %dma_wait3A = arith.constant 0 : i32
      %dma_wait3A_98 = tpu.memref_slice %arg5[%add3A_87, %dma_wait3A] : memref<20480x128xf32, #tpu.memory_space<hbm>> -> memref<128x128xf32, #tpu.memory_space<hbm>>
      %dma_wait3A_99 = arith.constant 0 : i32
      %dma_wait3A_100 = tpu.memref_slice %arg5[%add3A_87, %dma_wait3A_99] : memref<20480x128xf32, #tpu.memory_space<hbm>> -> memref<128x128xf32, #tpu.memory_space<hbm>>
      tpu.wait_dma2 semaphore(%run_scoped3A : memref<!tpu.dma_semaphore, #tpu.memory_space<semaphore_mem>>) src(%arg8 : memref<128x128xf32, #tpu.memory_space<vmem>>) dst(%dma_wait3A_100 : memref<128x128xf32, #tpu.memory_space<hbm>>)
      tpu.yield
    }) : () -> ()
    %mul3A_88 = arith.constant 640 : i32
    %mul3A_89 = arith.muli %arg1, %mul3A_88 : i32
    %add3A_90 = arith.constant 512 : i32
    %add3A_91 = arith.addi %mul3A_89, %add3A_90 : i32
    "tpu.region"() ({
      %run_scoped3A = tpu.sem_alloc : memref<!tpu.dma_semaphore, #tpu.memory_space<semaphore_mem>>
      %dma_start3A = arith.constant 0 : i32
      %dma_start3A_95 = tpu.memref_slice %arg14[%add3A_91, %dma_start3A] : memref<10240x128xf32, #tpu.memory_space<vmem_shared>> -> memref<128x128xf32, #tpu.memory_space<vmem_shared>>
      %dma_start3A_96 = arith.constant 0 : i32
      %dma_start3A_97 = tpu.memref_slice %arg14[%add3A_91, %dma_start3A_96] : memref<10240x128xf32, #tpu.memory_space<vmem_shared>> -> memref<128x128xf32, #tpu.memory_space<vmem_shared>>
      tpu.enqueue_dma source(%dma_start3A_97 : memref<128x128xf32, #tpu.memory_space<vmem_shared>>) target(%arg8 : memref<128x128xf32, #tpu.memory_space<vmem>>) target_semaphore(%run_scoped3A : memref<!tpu.dma_semaphore, #tpu.memory_space<semaphore_mem>>)
      %dma_wait3A = arith.constant 0 : i32
      %dma_wait3A_98 = tpu.memref_slice %arg14[%add3A_91, %dma_wait3A] : memref<10240x128xf32, #tpu.memory_space<vmem_shared>> -> memref<128x128xf32, #tpu.memory_space<vmem_shared>>
      %dma_wait3A_99 = arith.constant 0 : i32
      %dma_wait3A_100 = tpu.memref_slice %arg14[%add3A_91, %dma_wait3A_99] : memref<10240x128xf32, #tpu.memory_space<vmem_shared>> -> memref<128x128xf32, #tpu.memory_space<vmem_shared>>
      tpu.wait_dma2 semaphore(%run_scoped3A : memref<!tpu.dma_semaphore, #tpu.memory_space<semaphore_mem>>) src(%dma_wait3A_100 : memref<128x128xf32, #tpu.memory_space<vmem_shared>>) dst(%arg8 : memref<128x128xf32, #tpu.memory_space<vmem>>)
      tpu.yield
    }) : () -> ()
    %mul3A_92 = arith.constant 10240 : i32
    %mul3A_93 = arith.muli %arg0, %mul3A_92 : i32
    %add3A_94 = arith.addi %mul3A_93, %add3A_91 : i32
    "tpu.region"() ({
      %run_scoped3A = tpu.sem_alloc : memref<!tpu.dma_semaphore, #tpu.memory_space<semaphore_mem>>
      %dma_start3A = arith.constant 0 : i32
      %dma_start3A_95 = tpu.memref_slice %arg5[%add3A_94, %dma_start3A] : memref<20480x128xf32, #tpu.memory_space<hbm>> -> memref<128x128xf32, #tpu.memory_space<hbm>>
      %dma_start3A_96 = arith.constant 0 : i32
      %dma_start3A_97 = tpu.memref_slice %arg5[%add3A_94, %dma_start3A_96] : memref<20480x128xf32, #tpu.memory_space<hbm>> -> memref<128x128xf32, #tpu.memory_space<hbm>>
      tpu.enqueue_dma source(%arg8 : memref<128x128xf32, #tpu.memory_space<vmem>>) target(%dma_start3A_97 : memref<128x128xf32, #tpu.memory_space<hbm>>) target_semaphore(%run_scoped3A : memref<!tpu.dma_semaphore, #tpu.memory_space<semaphore_mem>>)
      %dma_wait3A = arith.constant 0 : i32
      %dma_wait3A_98 = tpu.memref_slice %arg5[%add3A_94, %dma_wait3A] : memref<20480x128xf32, #tpu.memory_space<hbm>> -> memref<128x128xf32, #tpu.memory_space<hbm>>
      %dma_wait3A_99 = arith.constant 0 : i32
      %dma_wait3A_100 = tpu.memref_slice %arg5[%add3A_94, %dma_wait3A_99] : memref<20480x128xf32, #tpu.memory_space<hbm>> -> memref<128x128xf32, #tpu.memory_space<hbm>>
      tpu.wait_dma2 semaphore(%run_scoped3A : memref<!tpu.dma_semaphore, #tpu.memory_space<semaphore_mem>>) src(%arg8 : memref<128x128xf32, #tpu.memory_space<vmem>>) dst(%dma_wait3A_100 : memref<128x128xf32, #tpu.memory_space<hbm>>)
      tpu.yield
    }) : () -> ()
    return
  }
}

#map = affine_map<(d0, d1) -> (0, 0)>
module attributes {stable_mosaic.version = 14 : i64} {
  func.func @body(%arg0: i32, %arg1: i32, %arg2: memref<163840x128xf32, #tpu.memory_space<hbm>>, %arg3: memref<1344x128xi32, #tpu.memory_space<hbm>>, %arg4: memref<20480x128xf32, #tpu.memory_space<hbm>>, %arg5: memref<40x128xi32, #tpu.memory_space<vmem>>, %arg6: memref<128x128xf32, #tpu.memory_space<vmem>>, %arg7: memref<128x128xf32, #tpu.memory_space<vmem>>, %arg8: memref<!tpu.dma_semaphore, #tpu.memory_space<semaphore_mem>>, %arg9: memref<!tpu.dma_semaphore, #tpu.memory_space<semaphore_mem>>, %arg10: memref<!tpu.dma_semaphore, #tpu.memory_space<semaphore_mem>>, %arg11: memref<!tpu.dma_semaphore, #tpu.memory_space<semaphore_mem>>, %arg12: memref<10240x128xf32, #tpu.memory_space<vmem_shared>>) attributes {dimension_semantics = [#tpu.dimension_semantics<core_parallel>, #tpu.dimension_semantics<subcore_parallel>], iteration_bounds = array<i64: 2, 16>, scalar_prefetch = 0 : i64, scratch_operands = 8 : i64, tpu.core_type = #tpu.core_type<sc_vector_subcore>, window_params = [{transform_indices = #map}, {transform_indices = #map}, {transform_indices = #map}]} {
    %mul3A = arith.constant 16 : i32
    %mul3A_0 = arith.muli %arg0, %mul3A : i32
    %add3A = arith.addi %mul3A_0, %arg1 : i32
    %mul3A_1 = arith.constant 5120 : i32
    %mul3A_2 = arith.muli %add3A, %mul3A_1 : i32
    %mul3A_3 = arith.constant 40 : i32
    %mul3A_4 = arith.muli %add3A, %mul3A_3 : i32
    "tpu.region"() ({
      %run_scoped3A = tpu.sem_alloc : memref<!tpu.dma_semaphore, #tpu.memory_space<semaphore_mem>>
      %dma_start3A = arith.constant 0 : i32
      %dma_start3A_72 = tpu.memref_slice %arg3[%mul3A_4, %dma_start3A] : memref<1344x128xi32, #tpu.memory_space<hbm>> -> memref<40x128xi32, #tpu.memory_space<hbm>>
      %dma_start3A_73 = arith.constant 0 : i32
      %dma_start3A_74 = tpu.memref_slice %arg3[%mul3A_4, %dma_start3A_73] : memref<1344x128xi32, #tpu.memory_space<hbm>> -> memref<40x128xi32, #tpu.memory_space<hbm>>
      tpu.enqueue_dma source(%dma_start3A_74 : memref<40x128xi32, #tpu.memory_space<hbm>>) target(%arg5 : memref<40x128xi32, #tpu.memory_space<vmem>>) target_semaphore(%run_scoped3A : memref<!tpu.dma_semaphore, #tpu.memory_space<semaphore_mem>>)
      %dma_wait3A = arith.constant 0 : i32
      %dma_wait3A_75 = tpu.memref_slice %arg3[%mul3A_4, %dma_wait3A] : memref<1344x128xi32, #tpu.memory_space<hbm>> -> memref<40x128xi32, #tpu.memory_space<hbm>>
      %dma_wait3A_76 = arith.constant 0 : i32
      %dma_wait3A_77 = tpu.memref_slice %arg3[%mul3A_4, %dma_wait3A_76] : memref<1344x128xi32, #tpu.memory_space<hbm>> -> memref<40x128xi32, #tpu.memory_space<hbm>>
      tpu.wait_dma2 semaphore(%run_scoped3A : memref<!tpu.dma_semaphore, #tpu.memory_space<semaphore_mem>>) src(%dma_wait3A_77 : memref<40x128xi32, #tpu.memory_space<hbm>>) dst(%arg5 : memref<40x128xi32, #tpu.memory_space<vmem>>)
      tpu.yield
    }) : () -> ()
    %scan3A = arith.constant 0 : i32
    %scan3A_5 = arith.constant 0 : i32
    %scan3A_6 = arith.constant 128 : i32
    %scan3A_7 = arith.addi %scan3A_5, %scan3A_6 : i32
    %scan3A_8 = arith.constant 1 : i32
    scf.for %scan3A_72 = %scan3A_5 to %scan3A_7 step %scan3A_8  : i32 {
      %scan3A_73 = arith.constant 0 : i32
      %scan3A_74 = arith.constant 8 : i32
      %scan3A_75 = arith.addi %scan3A_73, %scan3A_74 : i32
      %scan3A_76 = arith.constant 1 : i32
      scf.for %scan3A_78 = %scan3A_73 to %scan3A_75 step %scan3A_76  : i32 {
        %broadcast_in_dim3A = arith.constant 0.000000e+00 : f32
        %broadcast_in_dim3A_79 = vector.broadcast %broadcast_in_dim3A : f32 to vector<16xf32>
        %mul3A_80 = arith.constant 16 : i32
        %mul3A_81 = arith.muli %scan3A_78, %mul3A_80 : i32
        %swap3A = arith.index_cast %scan3A_72 : i32 to index
        %swap3A_82 = arith.index_cast %mul3A_81 : i32 to index
        %swap3A_83 = tpu.vector_load %arg6[%swap3A, %swap3A_82] {strides = array<i32>} : memref<128x128xf32, #tpu.memory_space<vmem>>, vector<1x16xf32>,
        %swap3A_84 = vector.shape_cast %swap3A_83 : vector<1x16xf32> to vector<16xf32>
        %swap3A_85 = vector.shape_cast %broadcast_in_dim3A_79 : vector<16xf32> to vector<1x16xf32>
        tpu.vector_store %arg6[%swap3A, %swap3A_82], %swap3A_85 {strides = array<i32>} : memref<128x128xf32, #tpu.memory_space<vmem>>, vector<1x16xf32>,
      }
      %scan3A_77 = arith.constant 8 : i32
    }
    %scan3A_9 = arith.constant 128 : i32
    %mul3A_10 = arith.constant 640 : i32
    %mul3A_11 = arith.muli %arg1, %mul3A_10 : i32
    %add3A_12 = arith.constant 0 : i32
    %add3A_13 = arith.addi %mul3A_11, %add3A_12 : i32
    "tpu.region"() ({
      %run_scoped3A = tpu.sem_alloc : memref<!tpu.dma_semaphore, #tpu.memory_space<semaphore_mem>>
      %dma_start3A = arith.constant 0 : i32
      %dma_start3A_72 = tpu.memref_slice %arg12[%add3A_13, %dma_start3A] : memref<10240x128xf32, #tpu.memory_space<vmem_shared>> -> memref<128x128xf32, #tpu.memory_space<vmem_shared>>
      %dma_start3A_73 = arith.constant 0 : i32
      %dma_start3A_74 = tpu.memref_slice %arg12[%add3A_13, %dma_start3A_73] : memref<10240x128xf32, #tpu.memory_space<vmem_shared>> -> memref<128x128xf32, #tpu.memory_space<vmem_shared>>
      tpu.enqueue_dma source(%arg6 : memref<128x128xf32, #tpu.memory_space<vmem>>) target(%dma_start3A_74 : memref<128x128xf32, #tpu.memory_space<vmem_shared>>) target_semaphore(%run_scoped3A : memref<!tpu.dma_semaphore, #tpu.memory_space<semaphore_mem>>)
      %dma_wait3A = arith.constant 0 : i32
      %dma_wait3A_75 = tpu.memref_slice %arg12[%add3A_13, %dma_wait3A] : memref<10240x128xf32, #tpu.memory_space<vmem_shared>> -> memref<128x128xf32, #tpu.memory_space<vmem_shared>>
      %dma_wait3A_76 = arith.constant 0 : i32
      %dma_wait3A_77 = tpu.memref_slice %arg12[%add3A_13, %dma_wait3A_76] : memref<10240x128xf32, #tpu.memory_space<vmem_shared>> -> memref<128x128xf32, #tpu.memory_space<vmem_shared>>
      tpu.wait_dma2 semaphore(%run_scoped3A : memref<!tpu.dma_semaphore, #tpu.memory_space<semaphore_mem>>) src(%arg6 : memref<128x128xf32, #tpu.memory_space<vmem>>) dst(%dma_wait3A_77 : memref<128x128xf32, #tpu.memory_space<vmem_shared>>)
      tpu.yield
    }) : () -> ()
    %mul3A_14 = arith.constant 640 : i32
    %mul3A_15 = arith.muli %arg1, %mul3A_14 : i32
    %add3A_16 = arith.constant 128 : i32
    %add3A_17 = arith.addi %mul3A_15, %add3A_16 : i32
    "tpu.region"() ({
      %run_scoped3A = tpu.sem_alloc : memref<!tpu.dma_semaphore, #tpu.memory_space<semaphore_mem>>
      %dma_start3A = arith.constant 0 : i32
      %dma_start3A_72 = tpu.memref_slice %arg12[%add3A_17, %dma_start3A] : memref<10240x128xf32, #tpu.memory_space<vmem_shared>> -> memref<128x128xf32, #tpu.memory_space<vmem_shared>>
      %dma_start3A_73 = arith.constant 0 : i32
      %dma_start3A_74 = tpu.memref_slice %arg12[%add3A_17, %dma_start3A_73] : memref<10240x128xf32, #tpu.memory_space<vmem_shared>> -> memref<128x128xf32, #tpu.memory_space<vmem_shared>>
      tpu.enqueue_dma source(%arg6 : memref<128x128xf32, #tpu.memory_space<vmem>>) target(%dma_start3A_74 : memref<128x128xf32, #tpu.memory_space<vmem_shared>>) target_semaphore(%run_scoped3A : memref<!tpu.dma_semaphore, #tpu.memory_space<semaphore_mem>>)
      %dma_wait3A = arith.constant 0 : i32
      %dma_wait3A_75 = tpu.memref_slice %arg12[%add3A_17, %dma_wait3A] : memref<10240x128xf32, #tpu.memory_space<vmem_shared>> -> memref<128x128xf32, #tpu.memory_space<vmem_shared>>
      %dma_wait3A_76 = arith.constant 0 : i32
      %dma_wait3A_77 = tpu.memref_slice %arg12[%add3A_17, %dma_wait3A_76] : memref<10240x128xf32, #tpu.memory_space<vmem_shared>> -> memref<128x128xf32, #tpu.memory_space<vmem_shared>>
      tpu.wait_dma2 semaphore(%run_scoped3A : memref<!tpu.dma_semaphore, #tpu.memory_space<semaphore_mem>>) src(%arg6 : memref<128x128xf32, #tpu.memory_space<vmem>>) dst(%dma_wait3A_77 : memref<128x128xf32, #tpu.memory_space<vmem_shared>>)
      tpu.yield
    }) : () -> ()
    %mul3A_18 = arith.constant 640 : i32
    %mul3A_19 = arith.muli %arg1, %mul3A_18 : i32
    %add3A_20 = arith.constant 256 : i32
    %add3A_21 = arith.addi %mul3A_19, %add3A_20 : i32
    "tpu.region"() ({
      %run_scoped3A = tpu.sem_alloc : memref<!tpu.dma_semaphore, #tpu.memory_space<semaphore_mem>>
      %dma_start3A = arith.constant 0 : i32
      %dma_start3A_72 = tpu.memref_slice %arg12[%add3A_21, %dma_start3A] : memref<10240x128xf32, #tpu.memory_space<vmem_shared>> -> memref<128x128xf32, #tpu.memory_space<vmem_shared>>
      %dma_start3A_73 = arith.constant 0 : i32
      %dma_start3A_74 = tpu.memref_slice %arg12[%add3A_21, %dma_start3A_73] : memref<10240x128xf32, #tpu.memory_space<vmem_shared>> -> memref<128x128xf32, #tpu.memory_space<vmem_shared>>
      tpu.enqueue_dma source(%arg6 : memref<128x128xf32, #tpu.memory_space<vmem>>) target(%dma_start3A_74 : memref<128x128xf32, #tpu.memory_space<vmem_shared>>) target_semaphore(%run_scoped3A : memref<!tpu.dma_semaphore, #tpu.memory_space<semaphore_mem>>)
      %dma_wait3A = arith.constant 0 : i32
      %dma_wait3A_75 = tpu.memref_slice %arg12[%add3A_21, %dma_wait3A] : memref<10240x128xf32, #tpu.memory_space<vmem_shared>> -> memref<128x128xf32, #tpu.memory_space<vmem_shared>>
      %dma_wait3A_76 = arith.constant 0 : i32
      %dma_wait3A_77 = tpu.memref_slice %arg12[%add3A_21, %dma_wait3A_76] : memref<10240x128xf32, #tpu.memory_space<vmem_shared>> -> memref<128x128xf32, #tpu.memory_space<vmem_shared>>
      tpu.wait_dma2 semaphore(%run_scoped3A : memref<!tpu.dma_semaphore, #tpu.memory_space<semaphore_mem>>) src(%arg6 : memref<128x128xf32, #tpu.memory_space<vmem>>) dst(%dma_wait3A_77 : memref<128x128xf32, #tpu.memory_space<vmem_shared>>)
      tpu.yield
    }) : () -> ()
    %mul3A_22 = arith.constant 640 : i32
    %mul3A_23 = arith.muli %arg1, %mul3A_22 : i32
    %add3A_24 = arith.constant 384 : i32
    %add3A_25 = arith.addi %mul3A_23, %add3A_24 : i32
    "tpu.region"() ({
      %run_scoped3A = tpu.sem_alloc : memref<!tpu.dma_semaphore, #tpu.memory_space<semaphore_mem>>
      %dma_start3A = arith.constant 0 : i32
      %dma_start3A_72 = tpu.memref_slice %arg12[%add3A_25, %dma_start3A] : memref<10240x128xf32, #tpu.memory_space<vmem_shared>> -> memref<128x128xf32, #tpu.memory_space<vmem_shared>>
      %dma_start3A_73 = arith.constant 0 : i32
      %dma_start3A_74 = tpu.memref_slice %arg12[%add3A_25, %dma_start3A_73] : memref<10240x128xf32, #tpu.memory_space<vmem_shared>> -> memref<128x128xf32, #tpu.memory_space<vmem_shared>>
      tpu.enqueue_dma source(%arg6 : memref<128x128xf32, #tpu.memory_space<vmem>>) target(%dma_start3A_74 : memref<128x128xf32, #tpu.memory_space<vmem_shared>>) target_semaphore(%run_scoped3A : memref<!tpu.dma_semaphore, #tpu.memory_space<semaphore_mem>>)
      %dma_wait3A = arith.constant 0 : i32
      %dma_wait3A_75 = tpu.memref_slice %arg12[%add3A_25, %dma_wait3A] : memref<10240x128xf32, #tpu.memory_space<vmem_shared>> -> memref<128x128xf32, #tpu.memory_space<vmem_shared>>
      %dma_wait3A_76 = arith.constant 0 : i32
      %dma_wait3A_77 = tpu.memref_slice %arg12[%add3A_25, %dma_wait3A_76] : memref<10240x128xf32, #tpu.memory_space<vmem_shared>> -> memref<128x128xf32, #tpu.memory_space<vmem_shared>>
      tpu.wait_dma2 semaphore(%run_scoped3A : memref<!tpu.dma_semaphore, #tpu.memory_space<semaphore_mem>>) src(%arg6 : memref<128x128xf32, #tpu.memory_space<vmem>>) dst(%dma_wait3A_77 : memref<128x128xf32, #tpu.memory_space<vmem_shared>>)
      tpu.yield
    }) : () -> ()
    %mul3A_26 = arith.constant 640 : i32
    %mul3A_27 = arith.muli %arg1, %mul3A_26 : i32
    %add3A_28 = arith.constant 512 : i32
    %add3A_29 = arith.addi %mul3A_27, %add3A_28 : i32
    "tpu.region"() ({
      %run_scoped3A = tpu.sem_alloc : memref<!tpu.dma_semaphore, #tpu.memory_space<semaphore_mem>>
      %dma_start3A = arith.constant 0 : i32
      %dma_start3A_72 = tpu.memref_slice %arg12[%add3A_29, %dma_start3A] : memref<10240x128xf32, #tpu.memory_space<vmem_shared>> -> memref<128x128xf32, #tpu.memory_space<vmem_shared>>
      %dma_start3A_73 = arith.constant 0 : i32
      %dma_start3A_74 = tpu.memref_slice %arg12[%add3A_29, %dma_start3A_73] : memref<10240x128xf32, #tpu.memory_space<vmem_shared>> -> memref<128x128xf32, #tpu.memory_space<vmem_shared>>
      tpu.enqueue_dma source(%arg6 : memref<128x128xf32, #tpu.memory_space<vmem>>) target(%dma_start3A_74 : memref<128x128xf32, #tpu.memory_space<vmem_shared>>) target_semaphore(%run_scoped3A : memref<!tpu.dma_semaphore, #tpu.memory_space<semaphore_mem>>)
      %dma_wait3A = arith.constant 0 : i32
      %dma_wait3A_75 = tpu.memref_slice %arg12[%add3A_29, %dma_wait3A] : memref<10240x128xf32, #tpu.memory_space<vmem_shared>> -> memref<128x128xf32, #tpu.memory_space<vmem_shared>>
      %dma_wait3A_76 = arith.constant 0 : i32
      %dma_wait3A_77 = tpu.memref_slice %arg12[%add3A_29, %dma_wait3A_76] : memref<10240x128xf32, #tpu.memory_space<vmem_shared>> -> memref<128x128xf32, #tpu.memory_space<vmem_shared>>
      tpu.wait_dma2 semaphore(%run_scoped3A : memref<!tpu.dma_semaphore, #tpu.memory_space<semaphore_mem>>) src(%arg6 : memref<128x128xf32, #tpu.memory_space<vmem>>) dst(%dma_wait3A_77 : memref<128x128xf32, #tpu.memory_space<vmem_shared>>)
      tpu.yield
    }) : () -> ()
    %barrier3A = arith.constant 0 : index
    tpu.barrier barrier_id(%barrier3A)
    %scan3A_30 = arith.constant 0 : i32
    %scan3A_31 = arith.constant 0 : i32
    %scan3A_32 = arith.constant 20 : i32
    %scan3A_33 = arith.addi %scan3A_31, %scan3A_32 : i32
    %scan3A_34 = arith.constant 1 : i32
    scf.for %scan3A_72 = %scan3A_31 to %scan3A_33 step %scan3A_34  : i32 {
      %mul3A_73 = arith.constant 2 : i32
      %mul3A_74 = arith.muli %mul3A_73, %scan3A_72 : i32
      %mul3A_75 = arith.constant 2 : i32
      %mul3A_76 = arith.muli %mul3A_75, %scan3A_72 : i32
      %add3A_77 = arith.constant 1 : i32
      %add3A_78 = arith.addi %mul3A_76, %add3A_77 : i32
      %mul3A_79 = arith.constant 128 : i32
      %mul3A_80 = arith.muli %mul3A_74, %mul3A_79 : i32
      %add3A_81 = arith.addi %mul3A_2, %mul3A_80 : i32
      %dma_start3A = arith.constant 0 : i32
      %dma_start3A_82 = tpu.memref_slice %arg2[%add3A_81, %dma_start3A] : memref<163840x128xf32, #tpu.memory_space<hbm>> -> memref<128x128xf32, #tpu.memory_space<hbm>>
      %dma_start3A_83 = arith.constant 0 : i32
      %dma_start3A_84 = tpu.memref_slice %arg2[%add3A_81, %dma_start3A_83] : memref<163840x128xf32, #tpu.memory_space<hbm>> -> memref<128x128xf32, #tpu.memory_space<hbm>>
      tpu.enqueue_dma source(%dma_start3A_84 : memref<128x128xf32, #tpu.memory_space<hbm>>) target(%arg6 : memref<128x128xf32, #tpu.memory_space<vmem>>) target_semaphore(%arg8 : memref<!tpu.dma_semaphore, #tpu.memory_space<semaphore_mem>>)
      %mul3A_85 = arith.constant 128 : i32
      %mul3A_86 = arith.muli %add3A_78, %mul3A_85 : i32
      %add3A_87 = arith.addi %mul3A_2, %mul3A_86 : i32
      %dma_start3A_88 = arith.constant 0 : i32
      %dma_start3A_89 = tpu.memref_slice %arg2[%add3A_87, %dma_start3A_88] : memref<163840x128xf32, #tpu.memory_space<hbm>> -> memref<128x128xf32, #tpu.memory_space<hbm>>
      %dma_start3A_90 = arith.constant 0 : i32
      %dma_start3A_91 = tpu.memref_slice %arg2[%add3A_87, %dma_start3A_90] : memref<163840x128xf32, #tpu.memory_space<hbm>> -> memref<128x128xf32, #tpu.memory_space<hbm>>
      tpu.enqueue_dma source(%dma_start3A_91 : memref<128x128xf32, #tpu.memory_space<hbm>>) target(%arg7 : memref<128x128xf32, #tpu.memory_space<vmem>>) target_semaphore(%arg9 : memref<!tpu.dma_semaphore, #tpu.memory_space<semaphore_mem>>)
      %dma_wait3A = arith.constant 0 : i32
      %dma_wait3A_92 = tpu.memref_slice %arg2[%add3A_81, %dma_wait3A] : memref<163840x128xf32, #tpu.memory_space<hbm>> -> memref<128x128xf32, #tpu.memory_space<hbm>>
      %dma_wait3A_93 = arith.constant 0 : i32
      %dma_wait3A_94 = tpu.memref_slice %arg2[%add3A_81, %dma_wait3A_93] : memref<163840x128xf32, #tpu.memory_space<hbm>> -> memref<128x128xf32, #tpu.memory_space<hbm>>
      tpu.wait_dma2 semaphore(%arg8 : memref<!tpu.dma_semaphore, #tpu.memory_space<semaphore_mem>>) src(%dma_wait3A_94 : memref<128x128xf32, #tpu.memory_space<hbm>>) dst(%arg6 : memref<128x128xf32, #tpu.memory_space<vmem>>)
      %dma_start3A_95 = arith.constant 0 : i32
      %dma_start3A_96 = tpu.memref_slice %arg5[%mul3A_74, %dma_start3A_95] : memref<40x128xi32, #tpu.memory_space<vmem>> -> memref<1x128xi32, #tpu.memory_space<vmem>>
      %dma_start3A_97 = tpu.memref_squeeze %dma_start3A_96 : memref<1x128xi32, #tpu.memory_space<vmem>> -> memref<128xi32, #tpu.memory_space<vmem>>
      %dma_start3A_98 = arith.constant 0 : i32
      %dma_start3A_99 = arith.constant 0 : i32
      %dma_start3A_100 = tpu.memref_slice %arg12[%dma_start3A_98, %dma_start3A_99] : memref<10240x128xf32, #tpu.memory_space<vmem_shared>> -> memref<10240x128xf32, #tpu.memory_space<vmem_shared>>
      tpu.enqueue_indirect_dma source(%arg6 : memref<128x128xf32, #tpu.memory_space<vmem>>) target(%dma_start3A_100 : memref<10240x128xf32, #tpu.memory_space<vmem_shared>>) offsets(%dma_start3A_97 : memref<128xi32, #tpu.memory_space<vmem>>) semaphore(%arg10 : memref<!tpu.dma_semaphore, #tpu.memory_space<semaphore_mem>>) {add = true}
      %dma_wait3A_101 = arith.constant 0 : i32
      %dma_wait3A_102 = tpu.memref_slice %arg2[%add3A_87, %dma_wait3A_101] : memref<163840x128xf32, #tpu.memory_space<hbm>> -> memref<128x128xf32, #tpu.memory_space<hbm>>
      %dma_wait3A_103 = arith.constant 0 : i32
      %dma_wait3A_104 = tpu.memref_slice %arg2[%add3A_87, %dma_wait3A_103] : memref<163840x128xf32, #tpu.memory_space<hbm>> -> memref<128x128xf32, #tpu.memory_space<hbm>>
      tpu.wait_dma2 semaphore(%arg9 : memref<!tpu.dma_semaphore, #tpu.memory_space<semaphore_mem>>) src(%dma_wait3A_104 : memref<128x128xf32, #tpu.memory_space<hbm>>) dst(%arg7 : memref<128x128xf32, #tpu.memory_space<vmem>>)
      %dma_start3A_105 = arith.constant 0 : i32
      %dma_start3A_106 = tpu.memref_slice %arg5[%add3A_78, %dma_start3A_105] : memref<40x128xi32, #tpu.memory_space<vmem>> -> memref<1x128xi32, #tpu.memory_space<vmem>>
      %dma_start3A_107 = tpu.memref_squeeze %dma_start3A_106 : memref<1x128xi32, #tpu.memory_space<vmem>> -> memref<128xi32, #tpu.memory_space<vmem>>
      %dma_start3A_108 = arith.constant 0 : i32
      %dma_start3A_109 = arith.constant 0 : i32
      %dma_start3A_110 = tpu.memref_slice %arg12[%dma_start3A_108, %dma_start3A_109] : memref<10240x128xf32, #tpu.memory_space<vmem_shared>> -> memref<10240x128xf32, #tpu.memory_space<vmem_shared>>
      tpu.enqueue_indirect_dma source(%arg7 : memref<128x128xf32, #tpu.memory_space<vmem>>) target(%dma_start3A_110 : memref<10240x128xf32, #tpu.memory_space<vmem_shared>>) offsets(%dma_start3A_107 : memref<128xi32, #tpu.memory_space<vmem>>) semaphore(%arg11 : memref<!tpu.dma_semaphore, #tpu.memory_space<semaphore_mem>>) {add = true}
      %dma_wait3A_111 = arith.constant 0 : i32
      %dma_wait3A_112 = tpu.memref_slice %arg5[%mul3A_74, %dma_wait3A_111] : memref<40x128xi32, #tpu.memory_space<vmem>> -> memref<1x128xi32, #tpu.memory_space<vmem>>
      %dma_wait3A_113 = tpu.memref_squeeze %dma_wait3A_112 : memref<1x128xi32, #tpu.memory_space<vmem>> -> memref<128xi32, #tpu.memory_space<vmem>>
      %dma_wait3A_114 = arith.constant 0 : i32
      %dma_wait3A_115 = arith.constant 0 : i32
      %dma_wait3A_116 = tpu.memref_slice %arg12[%dma_wait3A_114, %dma_wait3A_115] : memref<10240x128xf32, #tpu.memory_space<vmem_shared>> -> memref<10240x128xf32, #tpu.memory_space<vmem_shared>>
      tpu.wait_indirect_dma semaphore(%arg10 : memref<!tpu.dma_semaphore, #tpu.memory_space<semaphore_mem>>) src(%arg6 : memref<128x128xf32, #tpu.memory_space<vmem>>) dst(%dma_wait3A_116 : memref<10240x128xf32, #tpu.memory_space<vmem_shared>>)
      %dma_wait3A_117 = arith.constant 0 : i32
      %dma_wait3A_118 = tpu.memref_slice %arg5[%add3A_78, %dma_wait3A_117] : memref<40x128xi32, #tpu.memory_space<vmem>> -> memref<1x128xi32, #tpu.memory_space<vmem>>
      %dma_wait3A_119 = tpu.memref_squeeze %dma_wait3A_118 : memref<1x128xi32, #tpu.memory_space<vmem>> -> memref<128xi32, #tpu.memory_space<vmem>>
      %dma_wait3A_120 = arith.constant 0 : i32
      %dma_wait3A_121 = arith.constant 0 : i32
      %dma_wait3A_122 = tpu.memref_slice %arg12[%dma_wait3A_120, %dma_wait3A_121] : memref<10240x128xf32, #tpu.memory_space<vmem_shared>> -> memref<10240x128xf32, #tpu.memory_space<vmem_shared>>
      tpu.wait_indirect_dma semaphore(%arg11 : memref<!tpu.dma_semaphore, #tpu.memory_space<semaphore_mem>>) src(%arg7 : memref<128x128xf32, #tpu.memory_space<vmem>>) dst(%dma_wait3A_122 : memref<10240x128xf32, #tpu.memory_space<vmem_shared>>)
    }
    %scan3A_35 = arith.constant 20 : i32
    %barrier3A_36 = arith.constant 0 : index
    tpu.barrier barrier_id(%barrier3A_36)
    %mul3A_37 = arith.constant 640 : i32
    %mul3A_38 = arith.muli %arg1, %mul3A_37 : i32
    %add3A_39 = arith.constant 0 : i32
    %add3A_40 = arith.addi %mul3A_38, %add3A_39 : i32
    "tpu.region"() ({
      %run_scoped3A = tpu.sem_alloc : memref<!tpu.dma_semaphore, #tpu.memory_space<semaphore_mem>>
      %dma_start3A = arith.constant 0 : i32
      %dma_start3A_72 = tpu.memref_slice %arg12[%add3A_40, %dma_start3A] : memref<10240x128xf32, #tpu.memory_space<vmem_shared>> -> memref<128x128xf32, #tpu.memory_space<vmem_shared>>
      %dma_start3A_73 = arith.constant 0 : i32
      %dma_start3A_74 = tpu.memref_slice %arg12[%add3A_40, %dma_start3A_73] : memref<10240x128xf32, #tpu.memory_space<vmem_shared>> -> memref<128x128xf32, #tpu.memory_space<vmem_shared>>
      tpu.enqueue_dma source(%dma_start3A_74 : memref<128x128xf32, #tpu.memory_space<vmem_shared>>) target(%arg6 : memref<128x128xf32, #tpu.memory_space<vmem>>) target_semaphore(%run_scoped3A : memref<!tpu.dma_semaphore, #tpu.memory_space<semaphore_mem>>)
      %dma_wait3A = arith.constant 0 : i32
      %dma_wait3A_75 = tpu.memref_slice %arg12[%add3A_40, %dma_wait3A] : memref<10240x128xf32, #tpu.memory_space<vmem_shared>> -> memref<128x128xf32, #tpu.memory_space<vmem_shared>>
      %dma_wait3A_76 = arith.constant 0 : i32
      %dma_wait3A_77 = tpu.memref_slice %arg12[%add3A_40, %dma_wait3A_76] : memref<10240x128xf32, #tpu.memory_space<vmem_shared>> -> memref<128x128xf32, #tpu.memory_space<vmem_shared>>
      tpu.wait_dma2 semaphore(%run_scoped3A : memref<!tpu.dma_semaphore, #tpu.memory_space<semaphore_mem>>) src(%dma_wait3A_77 : memref<128x128xf32, #tpu.memory_space<vmem_shared>>) dst(%arg6 : memref<128x128xf32, #tpu.memory_space<vmem>>)
      tpu.yield
    }) : () -> ()
    %mul3A_41 = arith.constant 10240 : i32
    %mul3A_42 = arith.muli %arg0, %mul3A_41 : i32
    %add3A_43 = arith.addi %mul3A_42, %add3A_40 : i32
    "tpu.region"() ({
      %run_scoped3A = tpu.sem_alloc : memref<!tpu.dma_semaphore, #tpu.memory_space<semaphore_mem>>
      %dma_start3A = arith.constant 0 : i32
      %dma_start3A_72 = tpu.memref_slice %arg4[%add3A_43, %dma_start3A] : memref<20480x128xf32, #tpu.memory_space<hbm>> -> memref<128x128xf32, #tpu.memory_space<hbm>>
      %dma_start3A_73 = arith.constant 0 : i32
      %dma_start3A_74 = tpu.memref_slice %arg4[%add3A_43, %dma_start3A_73] : memref<20480x128xf32, #tpu.memory_space<hbm>> -> memref<128x128xf32, #tpu.memory_space<hbm>>
      tpu.enqueue_dma source(%arg6 : memref<128x128xf32, #tpu.memory_space<vmem>>) target(%dma_start3A_74 : memref<128x128xf32, #tpu.memory_space<hbm>>) target_semaphore(%run_scoped3A : memref<!tpu.dma_semaphore, #tpu.memory_space<semaphore_mem>>)
      %dma_wait3A = arith.constant 0 : i32
      %dma_wait3A_75 = tpu.memref_slice %arg4[%add3A_43, %dma_wait3A] : memref<20480x128xf32, #tpu.memory_space<hbm>> -> memref<128x128xf32, #tpu.memory_space<hbm>>
      %dma_wait3A_76 = arith.constant 0 : i32
      %dma_wait3A_77 = tpu.memref_slice %arg4[%add3A_43, %dma_wait3A_76] : memref<20480x128xf32, #tpu.memory_space<hbm>> -> memref<128x128xf32, #tpu.memory_space<hbm>>
      tpu.wait_dma2 semaphore(%run_scoped3A : memref<!tpu.dma_semaphore, #tpu.memory_space<semaphore_mem>>) src(%arg6 : memref<128x128xf32, #tpu.memory_space<vmem>>) dst(%dma_wait3A_77 : memref<128x128xf32, #tpu.memory_space<hbm>>)
      tpu.yield
    }) : () -> ()
    %mul3A_44 = arith.constant 640 : i32
    %mul3A_45 = arith.muli %arg1, %mul3A_44 : i32
    %add3A_46 = arith.constant 128 : i32
    %add3A_47 = arith.addi %mul3A_45, %add3A_46 : i32
    "tpu.region"() ({
      %run_scoped3A = tpu.sem_alloc : memref<!tpu.dma_semaphore, #tpu.memory_space<semaphore_mem>>
      %dma_start3A = arith.constant 0 : i32
      %dma_start3A_72 = tpu.memref_slice %arg12[%add3A_47, %dma_start3A] : memref<10240x128xf32, #tpu.memory_space<vmem_shared>> -> memref<128x128xf32, #tpu.memory_space<vmem_shared>>
      %dma_start3A_73 = arith.constant 0 : i32
      %dma_start3A_74 = tpu.memref_slice %arg12[%add3A_47, %dma_start3A_73] : memref<10240x128xf32, #tpu.memory_space<vmem_shared>> -> memref<128x128xf32, #tpu.memory_space<vmem_shared>>
      tpu.enqueue_dma source(%dma_start3A_74 : memref<128x128xf32, #tpu.memory_space<vmem_shared>>) target(%arg6 : memref<128x128xf32, #tpu.memory_space<vmem>>) target_semaphore(%run_scoped3A : memref<!tpu.dma_semaphore, #tpu.memory_space<semaphore_mem>>)
      %dma_wait3A = arith.constant 0 : i32
      %dma_wait3A_75 = tpu.memref_slice %arg12[%add3A_47, %dma_wait3A] : memref<10240x128xf32, #tpu.memory_space<vmem_shared>> -> memref<128x128xf32, #tpu.memory_space<vmem_shared>>
      %dma_wait3A_76 = arith.constant 0 : i32
      %dma_wait3A_77 = tpu.memref_slice %arg12[%add3A_47, %dma_wait3A_76] : memref<10240x128xf32, #tpu.memory_space<vmem_shared>> -> memref<128x128xf32, #tpu.memory_space<vmem_shared>>
      tpu.wait_dma2 semaphore(%run_scoped3A : memref<!tpu.dma_semaphore, #tpu.memory_space<semaphore_mem>>) src(%dma_wait3A_77 : memref<128x128xf32, #tpu.memory_space<vmem_shared>>) dst(%arg6 : memref<128x128xf32, #tpu.memory_space<vmem>>)
      tpu.yield
    }) : () -> ()
    %mul3A_48 = arith.constant 10240 : i32
    %mul3A_49 = arith.muli %arg0, %mul3A_48 : i32
    %add3A_50 = arith.addi %mul3A_49, %add3A_47 : i32
    "tpu.region"() ({
      %run_scoped3A = tpu.sem_alloc : memref<!tpu.dma_semaphore, #tpu.memory_space<semaphore_mem>>
      %dma_start3A = arith.constant 0 : i32
      %dma_start3A_72 = tpu.memref_slice %arg4[%add3A_50, %dma_start3A] : memref<20480x128xf32, #tpu.memory_space<hbm>> -> memref<128x128xf32, #tpu.memory_space<hbm>>
      %dma_start3A_73 = arith.constant 0 : i32
      %dma_start3A_74 = tpu.memref_slice %arg4[%add3A_50, %dma_start3A_73] : memref<20480x128xf32, #tpu.memory_space<hbm>> -> memref<128x128xf32, #tpu.memory_space<hbm>>
      tpu.enqueue_dma source(%arg6 : memref<128x128xf32, #tpu.memory_space<vmem>>) target(%dma_start3A_74 : memref<128x128xf32, #tpu.memory_space<hbm>>) target_semaphore(%run_scoped3A : memref<!tpu.dma_semaphore, #tpu.memory_space<semaphore_mem>>)
      %dma_wait3A = arith.constant 0 : i32
      %dma_wait3A_75 = tpu.memref_slice %arg4[%add3A_50, %dma_wait3A] : memref<20480x128xf32, #tpu.memory_space<hbm>> -> memref<128x128xf32, #tpu.memory_space<hbm>>
      %dma_wait3A_76 = arith.constant 0 : i32
      %dma_wait3A_77 = tpu.memref_slice %arg4[%add3A_50, %dma_wait3A_76] : memref<20480x128xf32, #tpu.memory_space<hbm>> -> memref<128x128xf32, #tpu.memory_space<hbm>>
      tpu.wait_dma2 semaphore(%run_scoped3A : memref<!tpu.dma_semaphore, #tpu.memory_space<semaphore_mem>>) src(%arg6 : memref<128x128xf32, #tpu.memory_space<vmem>>) dst(%dma_wait3A_77 : memref<128x128xf32, #tpu.memory_space<hbm>>)
      tpu.yield
    }) : () -> ()
    %mul3A_51 = arith.constant 640 : i32
    %mul3A_52 = arith.muli %arg1, %mul3A_51 : i32
    %add3A_53 = arith.constant 256 : i32
    %add3A_54 = arith.addi %mul3A_52, %add3A_53 : i32
    "tpu.region"() ({
      %run_scoped3A = tpu.sem_alloc : memref<!tpu.dma_semaphore, #tpu.memory_space<semaphore_mem>>
      %dma_start3A = arith.constant 0 : i32
      %dma_start3A_72 = tpu.memref_slice %arg12[%add3A_54, %dma_start3A] : memref<10240x128xf32, #tpu.memory_space<vmem_shared>> -> memref<128x128xf32, #tpu.memory_space<vmem_shared>>
      %dma_start3A_73 = arith.constant 0 : i32
      %dma_start3A_74 = tpu.memref_slice %arg12[%add3A_54, %dma_start3A_73] : memref<10240x128xf32, #tpu.memory_space<vmem_shared>> -> memref<128x128xf32, #tpu.memory_space<vmem_shared>>
      tpu.enqueue_dma source(%dma_start3A_74 : memref<128x128xf32, #tpu.memory_space<vmem_shared>>) target(%arg6 : memref<128x128xf32, #tpu.memory_space<vmem>>) target_semaphore(%run_scoped3A : memref<!tpu.dma_semaphore, #tpu.memory_space<semaphore_mem>>)
      %dma_wait3A = arith.constant 0 : i32
      %dma_wait3A_75 = tpu.memref_slice %arg12[%add3A_54, %dma_wait3A] : memref<10240x128xf32, #tpu.memory_space<vmem_shared>> -> memref<128x128xf32, #tpu.memory_space<vmem_shared>>
      %dma_wait3A_76 = arith.constant 0 : i32
      %dma_wait3A_77 = tpu.memref_slice %arg12[%add3A_54, %dma_wait3A_76] : memref<10240x128xf32, #tpu.memory_space<vmem_shared>> -> memref<128x128xf32, #tpu.memory_space<vmem_shared>>
      tpu.wait_dma2 semaphore(%run_scoped3A : memref<!tpu.dma_semaphore, #tpu.memory_space<semaphore_mem>>) src(%dma_wait3A_77 : memref<128x128xf32, #tpu.memory_space<vmem_shared>>) dst(%arg6 : memref<128x128xf32, #tpu.memory_space<vmem>>)
      tpu.yield
    }) : () -> ()
    %mul3A_55 = arith.constant 10240 : i32
    %mul3A_56 = arith.muli %arg0, %mul3A_55 : i32
    %add3A_57 = arith.addi %mul3A_56, %add3A_54 : i32
    "tpu.region"() ({
      %run_scoped3A = tpu.sem_alloc : memref<!tpu.dma_semaphore, #tpu.memory_space<semaphore_mem>>
      %dma_start3A = arith.constant 0 : i32
      %dma_start3A_72 = tpu.memref_slice %arg4[%add3A_57, %dma_start3A] : memref<20480x128xf32, #tpu.memory_space<hbm>> -> memref<128x128xf32, #tpu.memory_space<hbm>>
      %dma_start3A_73 = arith.constant 0 : i32
      %dma_start3A_74 = tpu.memref_slice %arg4[%add3A_57, %dma_start3A_73] : memref<20480x128xf32, #tpu.memory_space<hbm>> -> memref<128x128xf32, #tpu.memory_space<hbm>>
      tpu.enqueue_dma source(%arg6 : memref<128x128xf32, #tpu.memory_space<vmem>>) target(%dma_start3A_74 : memref<128x128xf32, #tpu.memory_space<hbm>>) target_semaphore(%run_scoped3A : memref<!tpu.dma_semaphore, #tpu.memory_space<semaphore_mem>>)
      %dma_wait3A = arith.constant 0 : i32
      %dma_wait3A_75 = tpu.memref_slice %arg4[%add3A_57, %dma_wait3A] : memref<20480x128xf32, #tpu.memory_space<hbm>> -> memref<128x128xf32, #tpu.memory_space<hbm>>
      %dma_wait3A_76 = arith.constant 0 : i32
      %dma_wait3A_77 = tpu.memref_slice %arg4[%add3A_57, %dma_wait3A_76] : memref<20480x128xf32, #tpu.memory_space<hbm>> -> memref<128x128xf32, #tpu.memory_space<hbm>>
      tpu.wait_dma2 semaphore(%run_scoped3A : memref<!tpu.dma_semaphore, #tpu.memory_space<semaphore_mem>>) src(%arg6 : memref<128x128xf32, #tpu.memory_space<vmem>>) dst(%dma_wait3A_77 : memref<128x128xf32, #tpu.memory_space<hbm>>)
      tpu.yield
    }) : () -> ()
    %mul3A_58 = arith.constant 640 : i32
    %mul3A_59 = arith.muli %arg1, %mul3A_58 : i32
    %add3A_60 = arith.constant 384 : i32
    %add3A_61 = arith.addi %mul3A_59, %add3A_60 : i32
    "tpu.region"() ({
      %run_scoped3A = tpu.sem_alloc : memref<!tpu.dma_semaphore, #tpu.memory_space<semaphore_mem>>
      %dma_start3A = arith.constant 0 : i32
      %dma_start3A_72 = tpu.memref_slice %arg12[%add3A_61, %dma_start3A] : memref<10240x128xf32, #tpu.memory_space<vmem_shared>> -> memref<128x128xf32, #tpu.memory_space<vmem_shared>>
      %dma_start3A_73 = arith.constant 0 : i32
      %dma_start3A_74 = tpu.memref_slice %arg12[%add3A_61, %dma_start3A_73] : memref<10240x128xf32, #tpu.memory_space<vmem_shared>> -> memref<128x128xf32, #tpu.memory_space<vmem_shared>>
      tpu.enqueue_dma source(%dma_start3A_74 : memref<128x128xf32, #tpu.memory_space<vmem_shared>>) target(%arg6 : memref<128x128xf32, #tpu.memory_space<vmem>>) target_semaphore(%run_scoped3A : memref<!tpu.dma_semaphore, #tpu.memory_space<semaphore_mem>>)
      %dma_wait3A = arith.constant 0 : i32
      %dma_wait3A_75 = tpu.memref_slice %arg12[%add3A_61, %dma_wait3A] : memref<10240x128xf32, #tpu.memory_space<vmem_shared>> -> memref<128x128xf32, #tpu.memory_space<vmem_shared>>
      %dma_wait3A_76 = arith.constant 0 : i32
      %dma_wait3A_77 = tpu.memref_slice %arg12[%add3A_61, %dma_wait3A_76] : memref<10240x128xf32, #tpu.memory_space<vmem_shared>> -> memref<128x128xf32, #tpu.memory_space<vmem_shared>>
      tpu.wait_dma2 semaphore(%run_scoped3A : memref<!tpu.dma_semaphore, #tpu.memory_space<semaphore_mem>>) src(%dma_wait3A_77 : memref<128x128xf32, #tpu.memory_space<vmem_shared>>) dst(%arg6 : memref<128x128xf32, #tpu.memory_space<vmem>>)
      tpu.yield
    }) : () -> ()
    %mul3A_62 = arith.constant 10240 : i32
    %mul3A_63 = arith.muli %arg0, %mul3A_62 : i32
    %add3A_64 = arith.addi %mul3A_63, %add3A_61 : i32
    "tpu.region"() ({
      %run_scoped3A = tpu.sem_alloc : memref<!tpu.dma_semaphore, #tpu.memory_space<semaphore_mem>>
      %dma_start3A = arith.constant 0 : i32
      %dma_start3A_72 = tpu.memref_slice %arg4[%add3A_64, %dma_start3A] : memref<20480x128xf32, #tpu.memory_space<hbm>> -> memref<128x128xf32, #tpu.memory_space<hbm>>
      %dma_start3A_73 = arith.constant 0 : i32
      %dma_start3A_74 = tpu.memref_slice %arg4[%add3A_64, %dma_start3A_73] : memref<20480x128xf32, #tpu.memory_space<hbm>> -> memref<128x128xf32, #tpu.memory_space<hbm>>
      tpu.enqueue_dma source(%arg6 : memref<128x128xf32, #tpu.memory_space<vmem>>) target(%dma_start3A_74 : memref<128x128xf32, #tpu.memory_space<hbm>>) target_semaphore(%run_scoped3A : memref<!tpu.dma_semaphore, #tpu.memory_space<semaphore_mem>>)
      %dma_wait3A = arith.constant 0 : i32
      %dma_wait3A_75 = tpu.memref_slice %arg4[%add3A_64, %dma_wait3A] : memref<20480x128xf32, #tpu.memory_space<hbm>> -> memref<128x128xf32, #tpu.memory_space<hbm>>
      %dma_wait3A_76 = arith.constant 0 : i32
      %dma_wait3A_77 = tpu.memref_slice %arg4[%add3A_64, %dma_wait3A_76] : memref<20480x128xf32, #tpu.memory_space<hbm>> -> memref<128x128xf32, #tpu.memory_space<hbm>>
      tpu.wait_dma2 semaphore(%run_scoped3A : memref<!tpu.dma_semaphore, #tpu.memory_space<semaphore_mem>>) src(%arg6 : memref<128x128xf32, #tpu.memory_space<vmem>>) dst(%dma_wait3A_77 : memref<128x128xf32, #tpu.memory_space<hbm>>)
      tpu.yield
    }) : () -> ()
    %mul3A_65 = arith.constant 640 : i32
    %mul3A_66 = arith.muli %arg1, %mul3A_65 : i32
    %add3A_67 = arith.constant 512 : i32
    %add3A_68 = arith.addi %mul3A_66, %add3A_67 : i32
    "tpu.region"() ({
      %run_scoped3A = tpu.sem_alloc : memref<!tpu.dma_semaphore, #tpu.memory_space<semaphore_mem>>
      %dma_start3A = arith.constant 0 : i32
      %dma_start3A_72 = tpu.memref_slice %arg12[%add3A_68, %dma_start3A] : memref<10240x128xf32, #tpu.memory_space<vmem_shared>> -> memref<128x128xf32, #tpu.memory_space<vmem_shared>>
      %dma_start3A_73 = arith.constant 0 : i32
      %dma_start3A_74 = tpu.memref_slice %arg12[%add3A_68, %dma_start3A_73] : memref<10240x128xf32, #tpu.memory_space<vmem_shared>> -> memref<128x128xf32, #tpu.memory_space<vmem_shared>>
      tpu.enqueue_dma source(%dma_start3A_74 : memref<128x128xf32, #tpu.memory_space<vmem_shared>>) target(%arg6 : memref<128x128xf32, #tpu.memory_space<vmem>>) target_semaphore(%run_scoped3A : memref<!tpu.dma_semaphore, #tpu.memory_space<semaphore_mem>>)
      %dma_wait3A = arith.constant 0 : i32
      %dma_wait3A_75 = tpu.memref_slice %arg12[%add3A_68, %dma_wait3A] : memref<10240x128xf32, #tpu.memory_space<vmem_shared>> -> memref<128x128xf32, #tpu.memory_space<vmem_shared>>
      %dma_wait3A_76 = arith.constant 0 : i32
      %dma_wait3A_77 = tpu.memref_slice %arg12[%add3A_68, %dma_wait3A_76] : memref<10240x128xf32, #tpu.memory_space<vmem_shared>> -> memref<128x128xf32, #tpu.memory_space<vmem_shared>>
      tpu.wait_dma2 semaphore(%run_scoped3A : memref<!tpu.dma_semaphore, #tpu.memory_space<semaphore_mem>>) src(%dma_wait3A_77 : memref<128x128xf32, #tpu.memory_space<vmem_shared>>) dst(%arg6 : memref<128x128xf32, #tpu.memory_space<vmem>>)
      tpu.yield
    }) : () -> ()
    %mul3A_69 = arith.constant 10240 : i32
    %mul3A_70 = arith.muli %arg0, %mul3A_69 : i32
    %add3A_71 = arith.addi %mul3A_70, %add3A_68 : i32
    "tpu.region"() ({
      %run_scoped3A = tpu.sem_alloc : memref<!tpu.dma_semaphore, #tpu.memory_space<semaphore_mem>>
      %dma_start3A = arith.constant 0 : i32
      %dma_start3A_72 = tpu.memref_slice %arg4[%add3A_71, %dma_start3A] : memref<20480x128xf32, #tpu.memory_space<hbm>> -> memref<128x128xf32, #tpu.memory_space<hbm>>
      %dma_start3A_73 = arith.constant 0 : i32
      %dma_start3A_74 = tpu.memref_slice %arg4[%add3A_71, %dma_start3A_73] : memref<20480x128xf32, #tpu.memory_space<hbm>> -> memref<128x128xf32, #tpu.memory_space<hbm>>
      tpu.enqueue_dma source(%arg6 : memref<128x128xf32, #tpu.memory_space<vmem>>) target(%dma_start3A_74 : memref<128x128xf32, #tpu.memory_space<hbm>>) target_semaphore(%run_scoped3A : memref<!tpu.dma_semaphore, #tpu.memory_space<semaphore_mem>>)
      %dma_wait3A = arith.constant 0 : i32
      %dma_wait3A_75 = tpu.memref_slice %arg4[%add3A_71, %dma_wait3A] : memref<20480x128xf32, #tpu.memory_space<hbm>> -> memref<128x128xf32, #tpu.memory_space<hbm>>
      %dma_wait3A_76 = arith.constant 0 : i32
      %dma_wait3A_77 = tpu.memref_slice %arg4[%add3A_71, %dma_wait3A_76] : memref<20480x128xf32, #tpu.memory_space<hbm>> -> memref<128x128xf32, #tpu.memory_space<hbm>>
      tpu.wait_dma2 semaphore(%run_scoped3A : memref<!tpu.dma_semaphore, #tpu.memory_space<semaphore_mem>>) src(%arg6 : memref<128x128xf32, #tpu.memory_space<vmem>>) dst(%dma_wait3A_77 : memref<128x128xf32, #tpu.memory_space<hbm>>)
      tpu.yield
    }) : () -> ()
    return
  }
}

#map = affine_map<(d0, d1) -> (0, 0)>
module attributes {stable_mosaic.version = 14 : i64} {
  func.func @body(%arg0: i32, %arg1: i32, %arg2: memref<10000x128xf32, #tpu.memory_space<hbm>>, %arg3: memref<1344x128xi32, #tpu.memory_space<hbm>>, %arg4: memref<1344x128xi32, #tpu.memory_space<hbm>>, %arg5: memref<163840x128xf32, #tpu.memory_space<hbm>>, %arg6: memref<163840x128xf32, #tpu.memory_space<hbm>>, %arg7: memref<40x128xi32, #tpu.memory_space<vmem>>, %arg8: memref<40x128xi32, #tpu.memory_space<vmem>>, %arg9: memref<128x128xf32, #tpu.memory_space<vmem>>, %arg10: memref<128x128xf32, #tpu.memory_space<vmem>>, %arg11: memref<128x128xf32, #tpu.memory_space<vmem>>, %arg12: memref<128x128xf32, #tpu.memory_space<vmem>>, %arg13: memref<!tpu.dma_semaphore, #tpu.memory_space<semaphore_mem>>, %arg14: memref<!tpu.dma_semaphore, #tpu.memory_space<semaphore_mem>>, %arg15: memref<!tpu.dma_semaphore, #tpu.memory_space<semaphore_mem>>, %arg16: memref<!tpu.dma_semaphore, #tpu.memory_space<semaphore_mem>>, %arg17: memref<!tpu.dma_semaphore, #tpu.memory_space<semaphore_mem>>, %arg18: memref<!tpu.dma_semaphore, #tpu.memory_space<semaphore_mem>>, %arg19: memref<!tpu.dma_semaphore, #tpu.memory_space<semaphore_mem>>, %arg20: memref<!tpu.dma_semaphore, #tpu.memory_space<semaphore_mem>>) attributes {dimension_semantics = [#tpu.dimension_semantics<core_parallel>, #tpu.dimension_semantics<subcore_parallel>], iteration_bounds = array<i64: 2, 16>, scalar_prefetch = 0 : i64, scratch_operands = 14 : i64, tpu.core_type = #tpu.core_type<sc_vector_subcore>, window_params = [{transform_indices = #map}, {transform_indices = #map}, {transform_indices = #map}, {transform_indices = #map}, {transform_indices = #map}]} {
    %eq3A = arith.constant 0 : i32
    %eq3A_0 = arith.cmpi eq, %arg0, %eq3A : i32
    %jit3A = arith.constant 40 : i32
    %jit3A_1 = arith.constant 40 : i32
    %select_n3A = arith.select %eq3A_0, %jit3A, %jit3A_1 : i32
    %eq3A_2 = arith.constant 0 : i32
    %eq3A_3 = arith.cmpi eq, %arg0, %eq3A_2 : i32
    %jit3A_4 = arith.constant 0 : i32
    %jit3A_5 = arith.constant 640 : i32
    %select_n3A_6 = arith.select %eq3A_3, %jit3A_4, %jit3A_5 : i32
    %mul3A = arith.muli %arg1, %select_n3A : i32
    %add3A = arith.addi %select_n3A_6, %mul3A : i32
    "tpu.region"() ({
      %run_scoped3A = tpu.sem_alloc : memref<!tpu.dma_semaphore, #tpu.memory_space<semaphore_mem>>
      %dma_start3A = arith.constant 0 : i32
      %dma_start3A_36 = tpu.memref_slice %arg3[%add3A, %dma_start3A] : memref<1344x128xi32, #tpu.memory_space<hbm>> -> memref<40x128xi32, #tpu.memory_space<hbm>>
      %dma_start3A_37 = arith.constant 0 : i32
      %dma_start3A_38 = tpu.memref_slice %arg3[%add3A, %dma_start3A_37] : memref<1344x128xi32, #tpu.memory_space<hbm>> -> memref<40x128xi32, #tpu.memory_space<hbm>>
      tpu.enqueue_dma source(%dma_start3A_38 : memref<40x128xi32, #tpu.memory_space<hbm>>) target(%arg7 : memref<40x128xi32, #tpu.memory_space<vmem>>) target_semaphore(%run_scoped3A : memref<!tpu.dma_semaphore, #tpu.memory_space<semaphore_mem>>)
      %dma_wait3A = arith.constant 0 : i32
      %dma_wait3A_39 = tpu.memref_slice %arg3[%add3A, %dma_wait3A] : memref<1344x128xi32, #tpu.memory_space<hbm>> -> memref<40x128xi32, #tpu.memory_space<hbm>>
      %dma_wait3A_40 = arith.constant 0 : i32
      %dma_wait3A_41 = tpu.memref_slice %arg3[%add3A, %dma_wait3A_40] : memref<1344x128xi32, #tpu.memory_space<hbm>> -> memref<40x128xi32, #tpu.memory_space<hbm>>
      tpu.wait_dma2 semaphore(%run_scoped3A : memref<!tpu.dma_semaphore, #tpu.memory_space<semaphore_mem>>) src(%dma_wait3A_41 : memref<40x128xi32, #tpu.memory_space<hbm>>) dst(%arg7 : memref<40x128xi32, #tpu.memory_space<vmem>>)
      tpu.yield
    }) : () -> ()
    "tpu.region"() ({
      %run_scoped3A = tpu.sem_alloc : memref<!tpu.dma_semaphore, #tpu.memory_space<semaphore_mem>>
      %dma_start3A = arith.constant 0 : i32
      %dma_start3A_36 = tpu.memref_slice %arg4[%add3A, %dma_start3A] : memref<1344x128xi32, #tpu.memory_space<hbm>> -> memref<40x128xi32, #tpu.memory_space<hbm>>
      %dma_start3A_37 = arith.constant 0 : i32
      %dma_start3A_38 = tpu.memref_slice %arg4[%add3A, %dma_start3A_37] : memref<1344x128xi32, #tpu.memory_space<hbm>> -> memref<40x128xi32, #tpu.memory_space<hbm>>
      tpu.enqueue_dma source(%dma_start3A_38 : memref<40x128xi32, #tpu.memory_space<hbm>>) target(%arg8 : memref<40x128xi32, #tpu.memory_space<vmem>>) target_semaphore(%run_scoped3A : memref<!tpu.dma_semaphore, #tpu.memory_space<semaphore_mem>>)
      %dma_wait3A = arith.constant 0 : i32
      %dma_wait3A_39 = tpu.memref_slice %arg4[%add3A, %dma_wait3A] : memref<1344x128xi32, #tpu.memory_space<hbm>> -> memref<40x128xi32, #tpu.memory_space<hbm>>
      %dma_wait3A_40 = arith.constant 0 : i32
      %dma_wait3A_41 = tpu.memref_slice %arg4[%add3A, %dma_wait3A_40] : memref<1344x128xi32, #tpu.memory_space<hbm>> -> memref<40x128xi32, #tpu.memory_space<hbm>>
      tpu.wait_dma2 semaphore(%run_scoped3A : memref<!tpu.dma_semaphore, #tpu.memory_space<semaphore_mem>>) src(%dma_wait3A_41 : memref<40x128xi32, #tpu.memory_space<hbm>>) dst(%arg8 : memref<40x128xi32, #tpu.memory_space<vmem>>)
      tpu.yield
    }) : () -> ()
    %mul3A_7 = arith.constant 128 : i32
    %mul3A_8 = arith.muli %add3A, %mul3A_7 : i32
    %jit3A_9 = arith.constant 2 : i32
    %div3A = arith.divsi %select_n3A, %jit3A_9 : i32
    %sign3A = arith.constant 0 : i32
    %sign3A_10 = arith.cmpi sgt, %select_n3A, %sign3A : i32
    %sign3A_11 = arith.extui %sign3A_10 : i1 to i32
    %sign3A_12 = arith.constant 0 : i32
    %sign3A_13 = arith.cmpi slt, %select_n3A, %sign3A_12 : i32
    %sign3A_14 = arith.extui %sign3A_13 : i1 to i32
    %sign3A_15 = arith.subi %sign3A_11, %sign3A_14 : i32
    %sign3A_16 = arith.constant 0 : i32
    %sign3A_17 = arith.cmpi sgt, %jit3A_9, %sign3A_16 : i32
    %sign3A_18 = arith.extui %sign3A_17 : i1 to i32
    %sign3A_19 = arith.constant 0 : i32
    %sign3A_20 = arith.cmpi slt, %jit3A_9, %sign3A_19 : i32
    %sign3A_21 = arith.extui %sign3A_20 : i1 to i32
    %sign3A_22 = arith.subi %sign3A_18, %sign3A_21 : i32
    %ne3A = arith.cmpi ne, %sign3A_15, %sign3A_22 : i32
    %rem3A = arith.remsi %select_n3A, %jit3A_9 : i32
    %ne3A_23 = arith.constant 0 : i32
    %ne3A_24 = arith.cmpi ne, %rem3A, %ne3A_23 : i32
    %and3A = arith.andi %ne3A, %ne3A_24 : i1
    %sub3A = arith.constant 1 : i32
    %sub3A_25 = arith.subi %div3A, %sub3A : i32
    %select_n3A_26 = arith.select %and3A, %sub3A_25, %div3A : i32
    %while3A = arith.constant 0 : i32
    %while3A_27 = arith.constant 0 : i32
    %while3A_28 = arith.subi %select_n3A_26, %while3A_27 : i32
    %while3A_29 = arith.addi %while3A_27, %while3A_28 : i32
    %while3A_30 = arith.constant 1 : i32
    %while3A_31 = arith.divsi %while3A_28, %while3A_30 : i32
    %while3A_32 = arith.muli %while3A_31, %while3A_30 : i32
    %while3A_33 = arith.addi %while3A_27, %while3A_32 : i32
    %while3A_34 = arith.constant 1 : i32
    scf.for %while3A_36 = %while3A_27 to %while3A_33 step %while3A_34  : i32 {
      %mul3A_37 = arith.constant 2 : i32
      %mul3A_38 = arith.muli %mul3A_37, %while3A_36 : i32
      %mul3A_39 = arith.constant 2 : i32
      %mul3A_40 = arith.muli %mul3A_39, %while3A_36 : i32
      %add3A_41 = arith.constant 1 : i32
      %add3A_42 = arith.addi %mul3A_40, %add3A_41 : i32
      %dma_start3A = arith.constant 0 : i32
      %dma_start3A_43 = tpu.memref_slice %arg7[%mul3A_38, %dma_start3A] : memref<40x128xi32, #tpu.memory_space<vmem>> -> memref<1x128xi32, #tpu.memory_space<vmem>>
      %dma_start3A_44 = tpu.memref_squeeze %dma_start3A_43 : memref<1x128xi32, #tpu.memory_space<vmem>> -> memref<128xi32, #tpu.memory_space<vmem>>
      %dma_start3A_45 = arith.constant 0 : i32
      %dma_start3A_46 = arith.constant 0 : i32
      %dma_start3A_47 = tpu.memref_slice %arg2[%dma_start3A_45, %dma_start3A_46] : memref<10000x128xf32, #tpu.memory_space<hbm>> -> memref<10000x128xf32, #tpu.memory_space<hbm>>
      tpu.enqueue_indirect_dma source(%dma_start3A_47 : memref<10000x128xf32, #tpu.memory_space<hbm>>) target(%arg9 : memref<128x128xf32, #tpu.memory_space<vmem>>) offsets(%dma_start3A_44 : memref<128xi32, #tpu.memory_space<vmem>>) semaphore(%arg13 : memref<!tpu.dma_semaphore, #tpu.memory_space<semaphore_mem>>)
      %dma_start3A_48 = arith.constant 0 : i32
      %dma_start3A_49 = tpu.memref_slice %arg8[%mul3A_38, %dma_start3A_48] : memref<40x128xi32, #tpu.memory_space<vmem>> -> memref<1x128xi32, #tpu.memory_space<vmem>>
      %dma_start3A_50 = tpu.memref_squeeze %dma_start3A_49 : memref<1x128xi32, #tpu.memory_space<vmem>> -> memref<128xi32, #tpu.memory_space<vmem>>
      %dma_start3A_51 = arith.constant 0 : i32
      %dma_start3A_52 = arith.constant 0 : i32
      %dma_start3A_53 = tpu.memref_slice %arg2[%dma_start3A_51, %dma_start3A_52] : memref<10000x128xf32, #tpu.memory_space<hbm>> -> memref<10000x128xf32, #tpu.memory_space<hbm>>
      tpu.enqueue_indirect_dma source(%dma_start3A_53 : memref<10000x128xf32, #tpu.memory_space<hbm>>) target(%arg11 : memref<128x128xf32, #tpu.memory_space<vmem>>) offsets(%dma_start3A_50 : memref<128xi32, #tpu.memory_space<vmem>>) semaphore(%arg15 : memref<!tpu.dma_semaphore, #tpu.memory_space<semaphore_mem>>)
      %dma_start3A_54 = arith.constant 0 : i32
      %dma_start3A_55 = tpu.memref_slice %arg7[%add3A_42, %dma_start3A_54] : memref<40x128xi32, #tpu.memory_space<vmem>> -> memref<1x128xi32, #tpu.memory_space<vmem>>
      %dma_start3A_56 = tpu.memref_squeeze %dma_start3A_55 : memref<1x128xi32, #tpu.memory_space<vmem>> -> memref<128xi32, #tpu.memory_space<vmem>>
      %dma_start3A_57 = arith.constant 0 : i32
      %dma_start3A_58 = arith.constant 0 : i32
      %dma_start3A_59 = tpu.memref_slice %arg2[%dma_start3A_57, %dma_start3A_58] : memref<10000x128xf32, #tpu.memory_space<hbm>> -> memref<10000x128xf32, #tpu.memory_space<hbm>>
      tpu.enqueue_indirect_dma source(%dma_start3A_59 : memref<10000x128xf32, #tpu.memory_space<hbm>>) target(%arg10 : memref<128x128xf32, #tpu.memory_space<vmem>>) offsets(%dma_start3A_56 : memref<128xi32, #tpu.memory_space<vmem>>) semaphore(%arg14 : memref<!tpu.dma_semaphore, #tpu.memory_space<semaphore_mem>>)
      %dma_start3A_60 = arith.constant 0 : i32
      %dma_start3A_61 = tpu.memref_slice %arg8[%add3A_42, %dma_start3A_60] : memref<40x128xi32, #tpu.memory_space<vmem>> -> memref<1x128xi32, #tpu.memory_space<vmem>>
      %dma_start3A_62 = tpu.memref_squeeze %dma_start3A_61 : memref<1x128xi32, #tpu.memory_space<vmem>> -> memref<128xi32, #tpu.memory_space<vmem>>
      %dma_start3A_63 = arith.constant 0 : i32
      %dma_start3A_64 = arith.constant 0 : i32
      %dma_start3A_65 = tpu.memref_slice %arg2[%dma_start3A_63, %dma_start3A_64] : memref<10000x128xf32, #tpu.memory_space<hbm>> -> memref<10000x128xf32, #tpu.memory_space<hbm>>
      tpu.enqueue_indirect_dma source(%dma_start3A_65 : memref<10000x128xf32, #tpu.memory_space<hbm>>) target(%arg12 : memref<128x128xf32, #tpu.memory_space<vmem>>) offsets(%dma_start3A_62 : memref<128xi32, #tpu.memory_space<vmem>>) semaphore(%arg16 : memref<!tpu.dma_semaphore, #tpu.memory_space<semaphore_mem>>)
      %dma_wait3A = arith.constant 0 : i32
      %dma_wait3A_66 = tpu.memref_slice %arg7[%mul3A_38, %dma_wait3A] : memref<40x128xi32, #tpu.memory_space<vmem>> -> memref<1x128xi32, #tpu.memory_space<vmem>>
      %dma_wait3A_67 = tpu.memref_squeeze %dma_wait3A_66 : memref<1x128xi32, #tpu.memory_space<vmem>> -> memref<128xi32, #tpu.memory_space<vmem>>
      %dma_wait3A_68 = arith.constant 0 : i32
      %dma_wait3A_69 = arith.constant 0 : i32
      %dma_wait3A_70 = tpu.memref_slice %arg2[%dma_wait3A_68, %dma_wait3A_69] : memref<10000x128xf32, #tpu.memory_space<hbm>> -> memref<10000x128xf32, #tpu.memory_space<hbm>>
      tpu.wait_indirect_dma semaphore(%arg13 : memref<!tpu.dma_semaphore, #tpu.memory_space<semaphore_mem>>) src(%dma_wait3A_70 : memref<10000x128xf32, #tpu.memory_space<hbm>>) dst(%arg9 : memref<128x128xf32, #tpu.memory_space<vmem>>)
      %mul3A_71 = arith.constant 128 : i32
      %mul3A_72 = arith.muli %mul3A_38, %mul3A_71 : i32
      %add3A_73 = arith.addi %mul3A_8, %mul3A_72 : i32
      %dma_start3A_74 = arith.constant 0 : i32
      %dma_start3A_75 = tpu.memref_slice %arg5[%add3A_73, %dma_start3A_74] : memref<163840x128xf32, #tpu.memory_space<hbm>> -> memref<128x128xf32, #tpu.memory_space<hbm>>
      %dma_start3A_76 = arith.constant 0 : i32
      %dma_start3A_77 = tpu.memref_slice %arg5[%add3A_73, %dma_start3A_76] : memref<163840x128xf32, #tpu.memory_space<hbm>> -> memref<128x128xf32, #tpu.memory_space<hbm>>
      tpu.enqueue_dma source(%arg9 : memref<128x128xf32, #tpu.memory_space<vmem>>) target(%dma_start3A_77 : memref<128x128xf32, #tpu.memory_space<hbm>>) target_semaphore(%arg17 : memref<!tpu.dma_semaphore, #tpu.memory_space<semaphore_mem>>)
      %dma_wait3A_78 = arith.constant 0 : i32
      %dma_wait3A_79 = tpu.memref_slice %arg8[%mul3A_38, %dma_wait3A_78] : memref<40x128xi32, #tpu.memory_space<vmem>> -> memref<1x128xi32, #tpu.memory_space<vmem>>
      %dma_wait3A_80 = tpu.memref_squeeze %dma_wait3A_79 : memref<1x128xi32, #tpu.memory_space<vmem>> -> memref<128xi32, #tpu.memory_space<vmem>>
      %dma_wait3A_81 = arith.constant 0 : i32
      %dma_wait3A_82 = arith.constant 0 : i32
      %dma_wait3A_83 = tpu.memref_slice %arg2[%dma_wait3A_81, %dma_wait3A_82] : memref<10000x128xf32, #tpu.memory_space<hbm>> -> memref<10000x128xf32, #tpu.memory_space<hbm>>
      tpu.wait_indirect_dma semaphore(%arg15 : memref<!tpu.dma_semaphore, #tpu.memory_space<semaphore_mem>>) src(%dma_wait3A_83 : memref<10000x128xf32, #tpu.memory_space<hbm>>) dst(%arg11 : memref<128x128xf32, #tpu.memory_space<vmem>>)
      %mul3A_84 = arith.constant 128 : i32
      %mul3A_85 = arith.muli %mul3A_38, %mul3A_84 : i32
      %add3A_86 = arith.addi %mul3A_8, %mul3A_85 : i32
      %dma_start3A_87 = arith.constant 0 : i32
      %dma_start3A_88 = tpu.memref_slice %arg6[%add3A_86, %dma_start3A_87] : memref<163840x128xf32, #tpu.memory_space<hbm>> -> memref<128x128xf32, #tpu.memory_space<hbm>>
      %dma_start3A_89 = arith.constant 0 : i32
      %dma_start3A_90 = tpu.memref_slice %arg6[%add3A_86, %dma_start3A_89] : memref<163840x128xf32, #tpu.memory_space<hbm>> -> memref<128x128xf32, #tpu.memory_space<hbm>>
      tpu.enqueue_dma source(%arg11 : memref<128x128xf32, #tpu.memory_space<vmem>>) target(%dma_start3A_90 : memref<128x128xf32, #tpu.memory_space<hbm>>) target_semaphore(%arg18 : memref<!tpu.dma_semaphore, #tpu.memory_space<semaphore_mem>>)
      %dma_wait3A_91 = arith.constant 0 : i32
      %dma_wait3A_92 = tpu.memref_slice %arg7[%add3A_42, %dma_wait3A_91] : memref<40x128xi32, #tpu.memory_space<vmem>> -> memref<1x128xi32, #tpu.memory_space<vmem>>
      %dma_wait3A_93 = tpu.memref_squeeze %dma_wait3A_92 : memref<1x128xi32, #tpu.memory_space<vmem>> -> memref<128xi32, #tpu.memory_space<vmem>>
      %dma_wait3A_94 = arith.constant 0 : i32
      %dma_wait3A_95 = arith.constant 0 : i32
      %dma_wait3A_96 = tpu.memref_slice %arg2[%dma_wait3A_94, %dma_wait3A_95] : memref<10000x128xf32, #tpu.memory_space<hbm>> -> memref<10000x128xf32, #tpu.memory_space<hbm>>
      tpu.wait_indirect_dma semaphore(%arg14 : memref<!tpu.dma_semaphore, #tpu.memory_space<semaphore_mem>>) src(%dma_wait3A_96 : memref<10000x128xf32, #tpu.memory_space<hbm>>) dst(%arg10 : memref<128x128xf32, #tpu.memory_space<vmem>>)
      %mul3A_97 = arith.constant 128 : i32
      %mul3A_98 = arith.muli %add3A_42, %mul3A_97 : i32
      %add3A_99 = arith.addi %mul3A_8, %mul3A_98 : i32
      %dma_start3A_100 = arith.constant 0 : i32
      %dma_start3A_101 = tpu.memref_slice %arg5[%add3A_99, %dma_start3A_100] : memref<163840x128xf32, #tpu.memory_space<hbm>> -> memref<128x128xf32, #tpu.memory_space<hbm>>
      %dma_start3A_102 = arith.constant 0 : i32
      %dma_start3A_103 = tpu.memref_slice %arg5[%add3A_99, %dma_start3A_102] : memref<163840x128xf32, #tpu.memory_space<hbm>> -> memref<128x128xf32, #tpu.memory_space<hbm>>
      tpu.enqueue_dma source(%arg10 : memref<128x128xf32, #tpu.memory_space<vmem>>) target(%dma_start3A_103 : memref<128x128xf32, #tpu.memory_space<hbm>>) target_semaphore(%arg19 : memref<!tpu.dma_semaphore, #tpu.memory_space<semaphore_mem>>)
      %dma_wait3A_104 = arith.constant 0 : i32
      %dma_wait3A_105 = tpu.memref_slice %arg8[%add3A_42, %dma_wait3A_104] : memref<40x128xi32, #tpu.memory_space<vmem>> -> memref<1x128xi32, #tpu.memory_space<vmem>>
      %dma_wait3A_106 = tpu.memref_squeeze %dma_wait3A_105 : memref<1x128xi32, #tpu.memory_space<vmem>> -> memref<128xi32, #tpu.memory_space<vmem>>
      %dma_wait3A_107 = arith.constant 0 : i32
      %dma_wait3A_108 = arith.constant 0 : i32
      %dma_wait3A_109 = tpu.memref_slice %arg2[%dma_wait3A_107, %dma_wait3A_108] : memref<10000x128xf32, #tpu.memory_space<hbm>> -> memref<10000x128xf32, #tpu.memory_space<hbm>>
      tpu.wait_indirect_dma semaphore(%arg16 : memref<!tpu.dma_semaphore, #tpu.memory_space<semaphore_mem>>) src(%dma_wait3A_109 : memref<10000x128xf32, #tpu.memory_space<hbm>>) dst(%arg12 : memref<128x128xf32, #tpu.memory_space<vmem>>)
      %mul3A_110 = arith.constant 128 : i32
      %mul3A_111 = arith.muli %add3A_42, %mul3A_110 : i32
      %add3A_112 = arith.addi %mul3A_8, %mul3A_111 : i32
      %dma_start3A_113 = arith.constant 0 : i32
      %dma_start3A_114 = tpu.memref_slice %arg6[%add3A_112, %dma_start3A_113] : memref<163840x128xf32, #tpu.memory_space<hbm>> -> memref<128x128xf32, #tpu.memory_space<hbm>>
      %dma_start3A_115 = arith.constant 0 : i32
      %dma_start3A_116 = tpu.memref_slice %arg6[%add3A_112, %dma_start3A_115] : memref<163840x128xf32, #tpu.memory_space<hbm>> -> memref<128x128xf32, #tpu.memory_space<hbm>>
      tpu.enqueue_dma source(%arg12 : memref<128x128xf32, #tpu.memory_space<vmem>>) target(%dma_start3A_116 : memref<128x128xf32, #tpu.memory_space<hbm>>) target_semaphore(%arg20 : memref<!tpu.dma_semaphore, #tpu.memory_space<semaphore_mem>>)
      %dma_wait3A_117 = arith.constant 0 : i32
      %dma_wait3A_118 = tpu.memref_slice %arg5[%add3A_73, %dma_wait3A_117] : memref<163840x128xf32, #tpu.memory_space<hbm>> -> memref<128x128xf32, #tpu.memory_space<hbm>>
      %dma_wait3A_119 = arith.constant 0 : i32
      %dma_wait3A_120 = tpu.memref_slice %arg5[%add3A_73, %dma_wait3A_119] : memref<163840x128xf32, #tpu.memory_space<hbm>> -> memref<128x128xf32, #tpu.memory_space<hbm>>
      tpu.wait_dma2 semaphore(%arg17 : memref<!tpu.dma_semaphore, #tpu.memory_space<semaphore_mem>>) src(%arg9 : memref<128x128xf32, #tpu.memory_space<vmem>>) dst(%dma_wait3A_120 : memref<128x128xf32, #tpu.memory_space<hbm>>)
      %dma_wait3A_121 = arith.constant 0 : i32
      %dma_wait3A_122 = tpu.memref_slice %arg6[%add3A_86, %dma_wait3A_121] : memref<163840x128xf32, #tpu.memory_space<hbm>> -> memref<128x128xf32, #tpu.memory_space<hbm>>
      %dma_wait3A_123 = arith.constant 0 : i32
      %dma_wait3A_124 = tpu.memref_slice %arg6[%add3A_86, %dma_wait3A_123] : memref<163840x128xf32, #tpu.memory_space<hbm>> -> memref<128x128xf32, #tpu.memory_space<hbm>>
      tpu.wait_dma2 semaphore(%arg18 : memref<!tpu.dma_semaphore, #tpu.memory_space<semaphore_mem>>) src(%arg11 : memref<128x128xf32, #tpu.memory_space<vmem>>) dst(%dma_wait3A_124 : memref<128x128xf32, #tpu.memory_space<hbm>>)
      %dma_wait3A_125 = arith.constant 0 : i32
      %dma_wait3A_126 = tpu.memref_slice %arg5[%add3A_99, %dma_wait3A_125] : memref<163840x128xf32, #tpu.memory_space<hbm>> -> memref<128x128xf32, #tpu.memory_space<hbm>>
      %dma_wait3A_127 = arith.constant 0 : i32
      %dma_wait3A_128 = tpu.memref_slice %arg5[%add3A_99, %dma_wait3A_127] : memref<163840x128xf32, #tpu.memory_space<hbm>> -> memref<128x128xf32, #tpu.memory_space<hbm>>
      tpu.wait_dma2 semaphore(%arg19 : memref<!tpu.dma_semaphore, #tpu.memory_space<semaphore_mem>>) src(%arg10 : memref<128x128xf32, #tpu.memory_space<vmem>>) dst(%dma_wait3A_128 : memref<128x128xf32, #tpu.memory_space<hbm>>)
      %dma_wait3A_129 = arith.constant 0 : i32
      %dma_wait3A_130 = tpu.memref_slice %arg6[%add3A_112, %dma_wait3A_129] : memref<163840x128xf32, #tpu.memory_space<hbm>> -> memref<128x128xf32, #tpu.memory_space<hbm>>
      %dma_wait3A_131 = arith.constant 0 : i32
      %dma_wait3A_132 = tpu.memref_slice %arg6[%add3A_112, %dma_wait3A_131] : memref<163840x128xf32, #tpu.memory_space<hbm>> -> memref<128x128xf32, #tpu.memory_space<hbm>>
      tpu.wait_dma2 semaphore(%arg20 : memref<!tpu.dma_semaphore, #tpu.memory_space<semaphore_mem>>) src(%arg12 : memref<128x128xf32, #tpu.memory_space<vmem>>) dst(%dma_wait3A_132 : memref<128x128xf32, #tpu.memory_space<hbm>>)
    }
    %while3A_35 = arith.constant 1 : i32
    scf.for %while3A_36 = %while3A_33 to %while3A_29 step %while3A_35  : i32 {
      %mul3A_37 = arith.constant 2 : i32
      %mul3A_38 = arith.muli %mul3A_37, %while3A_36 : i32
      %mul3A_39 = arith.constant 2 : i32
      %mul3A_40 = arith.muli %mul3A_39, %while3A_36 : i32
      %add3A_41 = arith.constant 1 : i32
      %add3A_42 = arith.addi %mul3A_40, %add3A_41 : i32
      %dma_start3A = arith.constant 0 : i32
      %dma_start3A_43 = tpu.memref_slice %arg7[%mul3A_38, %dma_start3A] : memref<40x128xi32, #tpu.memory_space<vmem>> -> memref<1x128xi32, #tpu.memory_space<vmem>>
      %dma_start3A_44 = tpu.memref_squeeze %dma_start3A_43 : memref<1x128xi32, #tpu.memory_space<vmem>> -> memref<128xi32, #tpu.memory_space<vmem>>
      %dma_start3A_45 = arith.constant 0 : i32
      %dma_start3A_46 = arith.constant 0 : i32
      %dma_start3A_47 = tpu.memref_slice %arg2[%dma_start3A_45, %dma_start3A_46] : memref<10000x128xf32, #tpu.memory_space<hbm>> -> memref<10000x128xf32, #tpu.memory_space<hbm>>
      tpu.enqueue_indirect_dma source(%dma_start3A_47 : memref<10000x128xf32, #tpu.memory_space<hbm>>) target(%arg9 : memref<128x128xf32, #tpu.memory_space<vmem>>) offsets(%dma_start3A_44 : memref<128xi32, #tpu.memory_space<vmem>>) semaphore(%arg13 : memref<!tpu.dma_semaphore, #tpu.memory_space<semaphore_mem>>)
      %dma_start3A_48 = arith.constant 0 : i32
      %dma_start3A_49 = tpu.memref_slice %arg8[%mul3A_38, %dma_start3A_48] : memref<40x128xi32, #tpu.memory_space<vmem>> -> memref<1x128xi32, #tpu.memory_space<vmem>>
      %dma_start3A_50 = tpu.memref_squeeze %dma_start3A_49 : memref<1x128xi32, #tpu.memory_space<vmem>> -> memref<128xi32, #tpu.memory_space<vmem>>
      %dma_start3A_51 = arith.constant 0 : i32
      %dma_start3A_52 = arith.constant 0 : i32
      %dma_start3A_53 = tpu.memref_slice %arg2[%dma_start3A_51, %dma_start3A_52] : memref<10000x128xf32, #tpu.memory_space<hbm>> -> memref<10000x128xf32, #tpu.memory_space<hbm>>
      tpu.enqueue_indirect_dma source(%dma_start3A_53 : memref<10000x128xf32, #tpu.memory_space<hbm>>) target(%arg11 : memref<128x128xf32, #tpu.memory_space<vmem>>) offsets(%dma_start3A_50 : memref<128xi32, #tpu.memory_space<vmem>>) semaphore(%arg15 : memref<!tpu.dma_semaphore, #tpu.memory_space<semaphore_mem>>)
      %dma_start3A_54 = arith.constant 0 : i32
      %dma_start3A_55 = tpu.memref_slice %arg7[%add3A_42, %dma_start3A_54] : memref<40x128xi32, #tpu.memory_space<vmem>> -> memref<1x128xi32, #tpu.memory_space<vmem>>
      %dma_start3A_56 = tpu.memref_squeeze %dma_start3A_55 : memref<1x128xi32, #tpu.memory_space<vmem>> -> memref<128xi32, #tpu.memory_space<vmem>>
      %dma_start3A_57 = arith.constant 0 : i32
      %dma_start3A_58 = arith.constant 0 : i32
      %dma_start3A_59 = tpu.memref_slice %arg2[%dma_start3A_57, %dma_start3A_58] : memref<10000x128xf32, #tpu.memory_space<hbm>> -> memref<10000x128xf32, #tpu.memory_space<hbm>>
      tpu.enqueue_indirect_dma source(%dma_start3A_59 : memref<10000x128xf32, #tpu.memory_space<hbm>>) target(%arg10 : memref<128x128xf32, #tpu.memory_space<vmem>>) offsets(%dma_start3A_56 : memref<128xi32, #tpu.memory_space<vmem>>) semaphore(%arg14 : memref<!tpu.dma_semaphore, #tpu.memory_space<semaphore_mem>>)
      %dma_start3A_60 = arith.constant 0 : i32
      %dma_start3A_61 = tpu.memref_slice %arg8[%add3A_42, %dma_start3A_60] : memref<40x128xi32, #tpu.memory_space<vmem>> -> memref<1x128xi32, #tpu.memory_space<vmem>>
      %dma_start3A_62 = tpu.memref_squeeze %dma_start3A_61 : memref<1x128xi32, #tpu.memory_space<vmem>> -> memref<128xi32, #tpu.memory_space<vmem>>
      %dma_start3A_63 = arith.constant 0 : i32
      %dma_start3A_64 = arith.constant 0 : i32
      %dma_start3A_65 = tpu.memref_slice %arg2[%dma_start3A_63, %dma_start3A_64] : memref<10000x128xf32, #tpu.memory_space<hbm>> -> memref<10000x128xf32, #tpu.memory_space<hbm>>
      tpu.enqueue_indirect_dma source(%dma_start3A_65 : memref<10000x128xf32, #tpu.memory_space<hbm>>) target(%arg12 : memref<128x128xf32, #tpu.memory_space<vmem>>) offsets(%dma_start3A_62 : memref<128xi32, #tpu.memory_space<vmem>>) semaphore(%arg16 : memref<!tpu.dma_semaphore, #tpu.memory_space<semaphore_mem>>)
      %dma_wait3A = arith.constant 0 : i32
      %dma_wait3A_66 = tpu.memref_slice %arg7[%mul3A_38, %dma_wait3A] : memref<40x128xi32, #tpu.memory_space<vmem>> -> memref<1x128xi32, #tpu.memory_space<vmem>>
      %dma_wait3A_67 = tpu.memref_squeeze %dma_wait3A_66 : memref<1x128xi32, #tpu.memory_space<vmem>> -> memref<128xi32, #tpu.memory_space<vmem>>
      %dma_wait3A_68 = arith.constant 0 : i32
      %dma_wait3A_69 = arith.constant 0 : i32
      %dma_wait3A_70 = tpu.memref_slice %arg2[%dma_wait3A_68, %dma_wait3A_69] : memref<10000x128xf32, #tpu.memory_space<hbm>> -> memref<10000x128xf32, #tpu.memory_space<hbm>>
      tpu.wait_indirect_dma semaphore(%arg13 : memref<!tpu.dma_semaphore, #tpu.memory_space<semaphore_mem>>) src(%dma_wait3A_70 : memref<10000x128xf32, #tpu.memory_space<hbm>>) dst(%arg9 : memref<128x128xf32, #tpu.memory_space<vmem>>)
      %mul3A_71 = arith.constant 128 : i32
      %mul3A_72 = arith.muli %mul3A_38, %mul3A_71 : i32
      %add3A_73 = arith.addi %mul3A_8, %mul3A_72 : i32
      %dma_start3A_74 = arith.constant 0 : i32
      %dma_start3A_75 = tpu.memref_slice %arg5[%add3A_73, %dma_start3A_74] : memref<163840x128xf32, #tpu.memory_space<hbm>> -> memref<128x128xf32, #tpu.memory_space<hbm>>
      %dma_start3A_76 = arith.constant 0 : i32
      %dma_start3A_77 = tpu.memref_slice %arg5[%add3A_73, %dma_start3A_76] : memref<163840x128xf32, #tpu.memory_space<hbm>> -> memref<128x128xf32, #tpu.memory_space<hbm>>
      tpu.enqueue_dma source(%arg9 : memref<128x128xf32, #tpu.memory_space<vmem>>) target(%dma_start3A_77 : memref<128x128xf32, #tpu.memory_space<hbm>>) target_semaphore(%arg17 : memref<!tpu.dma_semaphore, #tpu.memory_space<semaphore_mem>>)
      %dma_wait3A_78 = arith.constant 0 : i32
      %dma_wait3A_79 = tpu.memref_slice %arg8[%mul3A_38, %dma_wait3A_78] : memref<40x128xi32, #tpu.memory_space<vmem>> -> memref<1x128xi32, #tpu.memory_space<vmem>>
      %dma_wait3A_80 = tpu.memref_squeeze %dma_wait3A_79 : memref<1x128xi32, #tpu.memory_space<vmem>> -> memref<128xi32, #tpu.memory_space<vmem>>
      %dma_wait3A_81 = arith.constant 0 : i32
      %dma_wait3A_82 = arith.constant 0 : i32
      %dma_wait3A_83 = tpu.memref_slice %arg2[%dma_wait3A_81, %dma_wait3A_82] : memref<10000x128xf32, #tpu.memory_space<hbm>> -> memref<10000x128xf32, #tpu.memory_space<hbm>>
      tpu.wait_indirect_dma semaphore(%arg15 : memref<!tpu.dma_semaphore, #tpu.memory_space<semaphore_mem>>) src(%dma_wait3A_83 : memref<10000x128xf32, #tpu.memory_space<hbm>>) dst(%arg11 : memref<128x128xf32, #tpu.memory_space<vmem>>)
      %mul3A_84 = arith.constant 128 : i32
      %mul3A_85 = arith.muli %mul3A_38, %mul3A_84 : i32
      %add3A_86 = arith.addi %mul3A_8, %mul3A_85 : i32
      %dma_start3A_87 = arith.constant 0 : i32
      %dma_start3A_88 = tpu.memref_slice %arg6[%add3A_86, %dma_start3A_87] : memref<163840x128xf32, #tpu.memory_space<hbm>> -> memref<128x128xf32, #tpu.memory_space<hbm>>
      %dma_start3A_89 = arith.constant 0 : i32
      %dma_start3A_90 = tpu.memref_slice %arg6[%add3A_86, %dma_start3A_89] : memref<163840x128xf32, #tpu.memory_space<hbm>> -> memref<128x128xf32, #tpu.memory_space<hbm>>
      tpu.enqueue_dma source(%arg11 : memref<128x128xf32, #tpu.memory_space<vmem>>) target(%dma_start3A_90 : memref<128x128xf32, #tpu.memory_space<hbm>>) target_semaphore(%arg18 : memref<!tpu.dma_semaphore, #tpu.memory_space<semaphore_mem>>)
      %dma_wait3A_91 = arith.constant 0 : i32
      %dma_wait3A_92 = tpu.memref_slice %arg7[%add3A_42, %dma_wait3A_91] : memref<40x128xi32, #tpu.memory_space<vmem>> -> memref<1x128xi32, #tpu.memory_space<vmem>>
      %dma_wait3A_93 = tpu.memref_squeeze %dma_wait3A_92 : memref<1x128xi32, #tpu.memory_space<vmem>> -> memref<128xi32, #tpu.memory_space<vmem>>
      %dma_wait3A_94 = arith.constant 0 : i32
      %dma_wait3A_95 = arith.constant 0 : i32
      %dma_wait3A_96 = tpu.memref_slice %arg2[%dma_wait3A_94, %dma_wait3A_95] : memref<10000x128xf32, #tpu.memory_space<hbm>> -> memref<10000x128xf32, #tpu.memory_space<hbm>>
      tpu.wait_indirect_dma semaphore(%arg14 : memref<!tpu.dma_semaphore, #tpu.memory_space<semaphore_mem>>) src(%dma_wait3A_96 : memref<10000x128xf32, #tpu.memory_space<hbm>>) dst(%arg10 : memref<128x128xf32, #tpu.memory_space<vmem>>)
      %mul3A_97 = arith.constant 128 : i32
      %mul3A_98 = arith.muli %add3A_42, %mul3A_97 : i32
      %add3A_99 = arith.addi %mul3A_8, %mul3A_98 : i32
      %dma_start3A_100 = arith.constant 0 : i32
      %dma_start3A_101 = tpu.memref_slice %arg5[%add3A_99, %dma_start3A_100] : memref<163840x128xf32, #tpu.memory_space<hbm>> -> memref<128x128xf32, #tpu.memory_space<hbm>>
      %dma_start3A_102 = arith.constant 0 : i32
      %dma_start3A_103 = tpu.memref_slice %arg5[%add3A_99, %dma_start3A_102] : memref<163840x128xf32, #tpu.memory_space<hbm>> -> memref<128x128xf32, #tpu.memory_space<hbm>>
      tpu.enqueue_dma source(%arg10 : memref<128x128xf32, #tpu.memory_space<vmem>>) target(%dma_start3A_103 : memref<128x128xf32, #tpu.memory_space<hbm>>) target_semaphore(%arg19 : memref<!tpu.dma_semaphore, #tpu.memory_space<semaphore_mem>>)
      %dma_wait3A_104 = arith.constant 0 : i32
      %dma_wait3A_105 = tpu.memref_slice %arg8[%add3A_42, %dma_wait3A_104] : memref<40x128xi32, #tpu.memory_space<vmem>> -> memref<1x128xi32, #tpu.memory_space<vmem>>
      %dma_wait3A_106 = tpu.memref_squeeze %dma_wait3A_105 : memref<1x128xi32, #tpu.memory_space<vmem>> -> memref<128xi32, #tpu.memory_space<vmem>>
      %dma_wait3A_107 = arith.constant 0 : i32
      %dma_wait3A_108 = arith.constant 0 : i32
      %dma_wait3A_109 = tpu.memref_slice %arg2[%dma_wait3A_107, %dma_wait3A_108] : memref<10000x128xf32, #tpu.memory_space<hbm>> -> memref<10000x128xf32, #tpu.memory_space<hbm>>
      tpu.wait_indirect_dma semaphore(%arg16 : memref<!tpu.dma_semaphore, #tpu.memory_space<semaphore_mem>>) src(%dma_wait3A_109 : memref<10000x128xf32, #tpu.memory_space<hbm>>) dst(%arg12 : memref<128x128xf32, #tpu.memory_space<vmem>>)
      %mul3A_110 = arith.constant 128 : i32
      %mul3A_111 = arith.muli %add3A_42, %mul3A_110 : i32
      %add3A_112 = arith.addi %mul3A_8, %mul3A_111 : i32
      %dma_start3A_113 = arith.constant 0 : i32
      %dma_start3A_114 = tpu.memref_slice %arg6[%add3A_112, %dma_start3A_113] : memref<163840x128xf32, #tpu.memory_space<hbm>> -> memref<128x128xf32, #tpu.memory_space<hbm>>
      %dma_start3A_115 = arith.constant 0 : i32
      %dma_start3A_116 = tpu.memref_slice %arg6[%add3A_112, %dma_start3A_115] : memref<163840x128xf32, #tpu.memory_space<hbm>> -> memref<128x128xf32, #tpu.memory_space<hbm>>
      tpu.enqueue_dma source(%arg12 : memref<128x128xf32, #tpu.memory_space<vmem>>) target(%dma_start3A_116 : memref<128x128xf32, #tpu.memory_space<hbm>>) target_semaphore(%arg20 : memref<!tpu.dma_semaphore, #tpu.memory_space<semaphore_mem>>)
      %dma_wait3A_117 = arith.constant 0 : i32
      %dma_wait3A_118 = tpu.memref_slice %arg5[%add3A_73, %dma_wait3A_117] : memref<163840x128xf32, #tpu.memory_space<hbm>> -> memref<128x128xf32, #tpu.memory_space<hbm>>
      %dma_wait3A_119 = arith.constant 0 : i32
      %dma_wait3A_120 = tpu.memref_slice %arg5[%add3A_73, %dma_wait3A_119] : memref<163840x128xf32, #tpu.memory_space<hbm>> -> memref<128x128xf32, #tpu.memory_space<hbm>>
      tpu.wait_dma2 semaphore(%arg17 : memref<!tpu.dma_semaphore, #tpu.memory_space<semaphore_mem>>) src(%arg9 : memref<128x128xf32, #tpu.memory_space<vmem>>) dst(%dma_wait3A_120 : memref<128x128xf32, #tpu.memory_space<hbm>>)
      %dma_wait3A_121 = arith.constant 0 : i32
      %dma_wait3A_122 = tpu.memref_slice %arg6[%add3A_86, %dma_wait3A_121] : memref<163840x128xf32, #tpu.memory_space<hbm>> -> memref<128x128xf32, #tpu.memory_space<hbm>>
      %dma_wait3A_123 = arith.constant 0 : i32
      %dma_wait3A_124 = tpu.memref_slice %arg6[%add3A_86, %dma_wait3A_123] : memref<163840x128xf32, #tpu.memory_space<hbm>> -> memref<128x128xf32, #tpu.memory_space<hbm>>
      tpu.wait_dma2 semaphore(%arg18 : memref<!tpu.dma_semaphore, #tpu.memory_space<semaphore_mem>>) src(%arg11 : memref<128x128xf32, #tpu.memory_space<vmem>>) dst(%dma_wait3A_124 : memref<128x128xf32, #tpu.memory_space<hbm>>)
      %dma_wait3A_125 = arith.constant 0 : i32
      %dma_wait3A_126 = tpu.memref_slice %arg5[%add3A_99, %dma_wait3A_125] : memref<163840x128xf32, #tpu.memory_space<hbm>> -> memref<128x128xf32, #tpu.memory_space<hbm>>
      %dma_wait3A_127 = arith.constant 0 : i32
      %dma_wait3A_128 = tpu.memref_slice %arg5[%add3A_99, %dma_wait3A_127] : memref<163840x128xf32, #tpu.memory_space<hbm>> -> memref<128x128xf32, #tpu.memory_space<hbm>>
      tpu.wait_dma2 semaphore(%arg19 : memref<!tpu.dma_semaphore, #tpu.memory_space<semaphore_mem>>) src(%arg10 : memref<128x128xf32, #tpu.memory_space<vmem>>) dst(%dma_wait3A_128 : memref<128x128xf32, #tpu.memory_space<hbm>>)
      %dma_wait3A_129 = arith.constant 0 : i32
      %dma_wait3A_130 = tpu.memref_slice %arg6[%add3A_112, %dma_wait3A_129] : memref<163840x128xf32, #tpu.memory_space<hbm>> -> memref<128x128xf32, #tpu.memory_space<hbm>>
      %dma_wait3A_131 = arith.constant 0 : i32
      %dma_wait3A_132 = tpu.memref_slice %arg6[%add3A_112, %dma_wait3A_131] : memref<163840x128xf32, #tpu.memory_space<hbm>> -> memref<128x128xf32, #tpu.memory_space<hbm>>
      tpu.wait_dma2 semaphore(%arg20 : memref<!tpu.dma_semaphore, #tpu.memory_space<semaphore_mem>>) src(%arg12 : memref<128x128xf32, #tpu.memory_space<vmem>>) dst(%dma_wait3A_132 : memref<128x128xf32, #tpu.memory_space<hbm>>)
    }
    return
  }
}

#map = affine_map<(d0, d1) -> (0, 0)>
module attributes {stable_mosaic.version = 14 : i64} {
  func.func @body(%arg0: i32, %arg1: i32, %arg2: memref<10240x128xf32, #tpu.memory_space<hbm>>, %arg3: memref<1344x128xi32, #tpu.memory_space<hbm>>, %arg4: memref<1344x128xi32, #tpu.memory_space<hbm>>, %arg5: memref<20480x128xf32, #tpu.memory_space<hbm>>, %arg6: memref<40x128xi32, #tpu.memory_space<vmem>>, %arg7: memref<40x128xi32, #tpu.memory_space<vmem>>, %arg8: memref<128x128xf32, #tpu.memory_space<vmem>>, %arg9: memref<128x128xf32, #tpu.memory_space<vmem>>, %arg10: memref<!tpu.dma_semaphore, #tpu.memory_space<semaphore_mem>>, %arg11: memref<!tpu.dma_semaphore, #tpu.memory_space<semaphore_mem>>, %arg12: memref<!tpu.dma_semaphore, #tpu.memory_space<semaphore_mem>>, %arg13: memref<!tpu.dma_semaphore, #tpu.memory_space<semaphore_mem>>, %arg14: memref<10240x128xf32, #tpu.memory_space<vmem_shared>>) attributes {dimension_semantics = [#tpu.dimension_semantics<core_parallel>, #tpu.dimension_semantics<subcore_parallel>], iteration_bounds = array<i64: 2, 16>, scalar_prefetch = 0 : i64, scratch_operands = 9 : i64, tpu.core_type = #tpu.core_type<sc_vector_subcore>, window_params = [{transform_indices = #map}, {transform_indices = #map}, {transform_indices = #map}, {transform_indices = #map}]} {
    %eq3A = arith.constant 0 : i32
    %eq3A_0 = arith.cmpi eq, %arg0, %eq3A : i32
    %jit3A = arith.constant 40 : i32
    %jit3A_1 = arith.constant 40 : i32
    %select_n3A = arith.select %eq3A_0, %jit3A, %jit3A_1 : i32
    %eq3A_2 = arith.constant 0 : i32
    %eq3A_3 = arith.cmpi eq, %arg0, %eq3A_2 : i32
    %jit3A_4 = arith.constant 0 : i32
    %jit3A_5 = arith.constant 640 : i32
    %select_n3A_6 = arith.select %eq3A_3, %jit3A_4, %jit3A_5 : i32
    %mul3A = arith.muli %arg1, %select_n3A : i32
    %add3A = arith.addi %select_n3A_6, %mul3A : i32
    "tpu.region"() ({
      %run_scoped3A = tpu.sem_alloc : memref<!tpu.dma_semaphore, #tpu.memory_space<semaphore_mem>>
      %dma_start3A = arith.constant 0 : i32
      %dma_start3A_95 = tpu.memref_slice %arg3[%add3A, %dma_start3A] : memref<1344x128xi32, #tpu.memory_space<hbm>> -> memref<40x128xi32, #tpu.memory_space<hbm>>
      %dma_start3A_96 = arith.constant 0 : i32
      %dma_start3A_97 = tpu.memref_slice %arg3[%add3A, %dma_start3A_96] : memref<1344x128xi32, #tpu.memory_space<hbm>> -> memref<40x128xi32, #tpu.memory_space<hbm>>
      tpu.enqueue_dma source(%dma_start3A_97 : memref<40x128xi32, #tpu.memory_space<hbm>>) target(%arg6 : memref<40x128xi32, #tpu.memory_space<vmem>>) target_semaphore(%run_scoped3A : memref<!tpu.dma_semaphore, #tpu.memory_space<semaphore_mem>>)
      %dma_wait3A = arith.constant 0 : i32
      %dma_wait3A_98 = tpu.memref_slice %arg3[%add3A, %dma_wait3A] : memref<1344x128xi32, #tpu.memory_space<hbm>> -> memref<40x128xi32, #tpu.memory_space<hbm>>
      %dma_wait3A_99 = arith.constant 0 : i32
      %dma_wait3A_100 = tpu.memref_slice %arg3[%add3A, %dma_wait3A_99] : memref<1344x128xi32, #tpu.memory_space<hbm>> -> memref<40x128xi32, #tpu.memory_space<hbm>>
      tpu.wait_dma2 semaphore(%run_scoped3A : memref<!tpu.dma_semaphore, #tpu.memory_space<semaphore_mem>>) src(%dma_wait3A_100 : memref<40x128xi32, #tpu.memory_space<hbm>>) dst(%arg6 : memref<40x128xi32, #tpu.memory_space<vmem>>)
      tpu.yield
    }) : () -> ()
    "tpu.region"() ({
      %run_scoped3A = tpu.sem_alloc : memref<!tpu.dma_semaphore, #tpu.memory_space<semaphore_mem>>
      %dma_start3A = arith.constant 0 : i32
      %dma_start3A_95 = tpu.memref_slice %arg4[%add3A, %dma_start3A] : memref<1344x128xi32, #tpu.memory_space<hbm>> -> memref<40x128xi32, #tpu.memory_space<hbm>>
      %dma_start3A_96 = arith.constant 0 : i32
      %dma_start3A_97 = tpu.memref_slice %arg4[%add3A, %dma_start3A_96] : memref<1344x128xi32, #tpu.memory_space<hbm>> -> memref<40x128xi32, #tpu.memory_space<hbm>>
      tpu.enqueue_dma source(%dma_start3A_97 : memref<40x128xi32, #tpu.memory_space<hbm>>) target(%arg7 : memref<40x128xi32, #tpu.memory_space<vmem>>) target_semaphore(%run_scoped3A : memref<!tpu.dma_semaphore, #tpu.memory_space<semaphore_mem>>)
      %dma_wait3A = arith.constant 0 : i32
      %dma_wait3A_98 = tpu.memref_slice %arg4[%add3A, %dma_wait3A] : memref<1344x128xi32, #tpu.memory_space<hbm>> -> memref<40x128xi32, #tpu.memory_space<hbm>>
      %dma_wait3A_99 = arith.constant 0 : i32
      %dma_wait3A_100 = tpu.memref_slice %arg4[%add3A, %dma_wait3A_99] : memref<1344x128xi32, #tpu.memory_space<hbm>> -> memref<40x128xi32, #tpu.memory_space<hbm>>
      tpu.wait_dma2 semaphore(%run_scoped3A : memref<!tpu.dma_semaphore, #tpu.memory_space<semaphore_mem>>) src(%dma_wait3A_100 : memref<40x128xi32, #tpu.memory_space<hbm>>) dst(%arg7 : memref<40x128xi32, #tpu.memory_space<vmem>>)
      tpu.yield
    }) : () -> ()
    %scan3A = arith.constant 0 : i32
    %scan3A_7 = arith.constant 0 : i32
    %scan3A_8 = arith.constant 128 : i32
    %scan3A_9 = arith.addi %scan3A_7, %scan3A_8 : i32
    %scan3A_10 = arith.constant 1 : i32
    scf.for %scan3A_95 = %scan3A_7 to %scan3A_9 step %scan3A_10  : i32 {
      %scan3A_96 = arith.constant 0 : i32
      %scan3A_97 = arith.constant 8 : i32
      %scan3A_98 = arith.addi %scan3A_96, %scan3A_97 : i32
      %scan3A_99 = arith.constant 1 : i32
      scf.for %scan3A_101 = %scan3A_96 to %scan3A_98 step %scan3A_99  : i32 {
        %broadcast_in_dim3A = arith.constant 0.000000e+00 : f32
        %broadcast_in_dim3A_102 = vector.broadcast %broadcast_in_dim3A : f32 to vector<16xf32>
        %mul3A_103 = arith.constant 16 : i32
        %mul3A_104 = arith.muli %scan3A_101, %mul3A_103 : i32
        %swap3A = arith.index_cast %scan3A_95 : i32 to index
        %swap3A_105 = arith.index_cast %mul3A_104 : i32 to index
        %swap3A_106 = tpu.vector_load %arg8[%swap3A, %swap3A_105] {strides = array<i32>} : memref<128x128xf32, #tpu.memory_space<vmem>>, vector<1x16xf32>,
        %swap3A_107 = vector.shape_cast %swap3A_106 : vector<1x16xf32> to vector<16xf32>
        %swap3A_108 = vector.shape_cast %broadcast_in_dim3A_102 : vector<16xf32> to vector<1x16xf32>
        tpu.vector_store %arg8[%swap3A, %swap3A_105], %swap3A_108 {strides = array<i32>} : memref<128x128xf32, #tpu.memory_space<vmem>>, vector<1x16xf32>,
      }
      %scan3A_100 = arith.constant 8 : i32
    }
    %scan3A_11 = arith.constant 128 : i32
    %mul3A_12 = arith.constant 640 : i32
    %mul3A_13 = arith.muli %arg1, %mul3A_12 : i32
    %add3A_14 = arith.constant 0 : i32
    %add3A_15 = arith.addi %mul3A_13, %add3A_14 : i32
    "tpu.region"() ({
      %run_scoped3A = tpu.sem_alloc : memref<!tpu.dma_semaphore, #tpu.memory_space<semaphore_mem>>
      %dma_start3A = arith.constant 0 : i32
      %dma_start3A_95 = tpu.memref_slice %arg14[%add3A_15, %dma_start3A] : memref<10240x128xf32, #tpu.memory_space<vmem_shared>> -> memref<128x128xf32, #tpu.memory_space<vmem_shared>>
      %dma_start3A_96 = arith.constant 0 : i32
      %dma_start3A_97 = tpu.memref_slice %arg14[%add3A_15, %dma_start3A_96] : memref<10240x128xf32, #tpu.memory_space<vmem_shared>> -> memref<128x128xf32, #tpu.memory_space<vmem_shared>>
      tpu.enqueue_dma source(%arg8 : memref<128x128xf32, #tpu.memory_space<vmem>>) target(%dma_start3A_97 : memref<128x128xf32, #tpu.memory_space<vmem_shared>>) target_semaphore(%run_scoped3A : memref<!tpu.dma_semaphore, #tpu.memory_space<semaphore_mem>>)
      %dma_wait3A = arith.constant 0 : i32
      %dma_wait3A_98 = tpu.memref_slice %arg14[%add3A_15, %dma_wait3A] : memref<10240x128xf32, #tpu.memory_space<vmem_shared>> -> memref<128x128xf32, #tpu.memory_space<vmem_shared>>
      %dma_wait3A_99 = arith.constant 0 : i32
      %dma_wait3A_100 = tpu.memref_slice %arg14[%add3A_15, %dma_wait3A_99] : memref<10240x128xf32, #tpu.memory_space<vmem_shared>> -> memref<128x128xf32, #tpu.memory_space<vmem_shared>>
      tpu.wait_dma2 semaphore(%run_scoped3A : memref<!tpu.dma_semaphore, #tpu.memory_space<semaphore_mem>>) src(%arg8 : memref<128x128xf32, #tpu.memory_space<vmem>>) dst(%dma_wait3A_100 : memref<128x128xf32, #tpu.memory_space<vmem_shared>>)
      tpu.yield
    }) : () -> ()
    %mul3A_16 = arith.constant 640 : i32
    %mul3A_17 = arith.muli %arg1, %mul3A_16 : i32
    %add3A_18 = arith.constant 128 : i32
    %add3A_19 = arith.addi %mul3A_17, %add3A_18 : i32
    "tpu.region"() ({
      %run_scoped3A = tpu.sem_alloc : memref<!tpu.dma_semaphore, #tpu.memory_space<semaphore_mem>>
      %dma_start3A = arith.constant 0 : i32
      %dma_start3A_95 = tpu.memref_slice %arg14[%add3A_19, %dma_start3A] : memref<10240x128xf32, #tpu.memory_space<vmem_shared>> -> memref<128x128xf32, #tpu.memory_space<vmem_shared>>
      %dma_start3A_96 = arith.constant 0 : i32
      %dma_start3A_97 = tpu.memref_slice %arg14[%add3A_19, %dma_start3A_96] : memref<10240x128xf32, #tpu.memory_space<vmem_shared>> -> memref<128x128xf32, #tpu.memory_space<vmem_shared>>
      tpu.enqueue_dma source(%arg8 : memref<128x128xf32, #tpu.memory_space<vmem>>) target(%dma_start3A_97 : memref<128x128xf32, #tpu.memory_space<vmem_shared>>) target_semaphore(%run_scoped3A : memref<!tpu.dma_semaphore, #tpu.memory_space<semaphore_mem>>)
      %dma_wait3A = arith.constant 0 : i32
      %dma_wait3A_98 = tpu.memref_slice %arg14[%add3A_19, %dma_wait3A] : memref<10240x128xf32, #tpu.memory_space<vmem_shared>> -> memref<128x128xf32, #tpu.memory_space<vmem_shared>>
      %dma_wait3A_99 = arith.constant 0 : i32
      %dma_wait3A_100 = tpu.memref_slice %arg14[%add3A_19, %dma_wait3A_99] : memref<10240x128xf32, #tpu.memory_space<vmem_shared>> -> memref<128x128xf32, #tpu.memory_space<vmem_shared>>
      tpu.wait_dma2 semaphore(%run_scoped3A : memref<!tpu.dma_semaphore, #tpu.memory_space<semaphore_mem>>) src(%arg8 : memref<128x128xf32, #tpu.memory_space<vmem>>) dst(%dma_wait3A_100 : memref<128x128xf32, #tpu.memory_space<vmem_shared>>)
      tpu.yield
    }) : () -> ()
    %mul3A_20 = arith.constant 640 : i32
    %mul3A_21 = arith.muli %arg1, %mul3A_20 : i32
    %add3A_22 = arith.constant 256 : i32
    %add3A_23 = arith.addi %mul3A_21, %add3A_22 : i32
    "tpu.region"() ({
      %run_scoped3A = tpu.sem_alloc : memref<!tpu.dma_semaphore, #tpu.memory_space<semaphore_mem>>
      %dma_start3A = arith.constant 0 : i32
      %dma_start3A_95 = tpu.memref_slice %arg14[%add3A_23, %dma_start3A] : memref<10240x128xf32, #tpu.memory_space<vmem_shared>> -> memref<128x128xf32, #tpu.memory_space<vmem_shared>>
      %dma_start3A_96 = arith.constant 0 : i32
      %dma_start3A_97 = tpu.memref_slice %arg14[%add3A_23, %dma_start3A_96] : memref<10240x128xf32, #tpu.memory_space<vmem_shared>> -> memref<128x128xf32, #tpu.memory_space<vmem_shared>>
      tpu.enqueue_dma source(%arg8 : memref<128x128xf32, #tpu.memory_space<vmem>>) target(%dma_start3A_97 : memref<128x128xf32, #tpu.memory_space<vmem_shared>>) target_semaphore(%run_scoped3A : memref<!tpu.dma_semaphore, #tpu.memory_space<semaphore_mem>>)
      %dma_wait3A = arith.constant 0 : i32
      %dma_wait3A_98 = tpu.memref_slice %arg14[%add3A_23, %dma_wait3A] : memref<10240x128xf32, #tpu.memory_space<vmem_shared>> -> memref<128x128xf32, #tpu.memory_space<vmem_shared>>
      %dma_wait3A_99 = arith.constant 0 : i32
      %dma_wait3A_100 = tpu.memref_slice %arg14[%add3A_23, %dma_wait3A_99] : memref<10240x128xf32, #tpu.memory_space<vmem_shared>> -> memref<128x128xf32, #tpu.memory_space<vmem_shared>>
      tpu.wait_dma2 semaphore(%run_scoped3A : memref<!tpu.dma_semaphore, #tpu.memory_space<semaphore_mem>>) src(%arg8 : memref<128x128xf32, #tpu.memory_space<vmem>>) dst(%dma_wait3A_100 : memref<128x128xf32, #tpu.memory_space<vmem_shared>>)
      tpu.yield
    }) : () -> ()
    %mul3A_24 = arith.constant 640 : i32
    %mul3A_25 = arith.muli %arg1, %mul3A_24 : i32
    %add3A_26 = arith.constant 384 : i32
    %add3A_27 = arith.addi %mul3A_25, %add3A_26 : i32
    "tpu.region"() ({
      %run_scoped3A = tpu.sem_alloc : memref<!tpu.dma_semaphore, #tpu.memory_space<semaphore_mem>>
      %dma_start3A = arith.constant 0 : i32
      %dma_start3A_95 = tpu.memref_slice %arg14[%add3A_27, %dma_start3A] : memref<10240x128xf32, #tpu.memory_space<vmem_shared>> -> memref<128x128xf32, #tpu.memory_space<vmem_shared>>
      %dma_start3A_96 = arith.constant 0 : i32
      %dma_start3A_97 = tpu.memref_slice %arg14[%add3A_27, %dma_start3A_96] : memref<10240x128xf32, #tpu.memory_space<vmem_shared>> -> memref<128x128xf32, #tpu.memory_space<vmem_shared>>
      tpu.enqueue_dma source(%arg8 : memref<128x128xf32, #tpu.memory_space<vmem>>) target(%dma_start3A_97 : memref<128x128xf32, #tpu.memory_space<vmem_shared>>) target_semaphore(%run_scoped3A : memref<!tpu.dma_semaphore, #tpu.memory_space<semaphore_mem>>)
      %dma_wait3A = arith.constant 0 : i32
      %dma_wait3A_98 = tpu.memref_slice %arg14[%add3A_27, %dma_wait3A] : memref<10240x128xf32, #tpu.memory_space<vmem_shared>> -> memref<128x128xf32, #tpu.memory_space<vmem_shared>>
      %dma_wait3A_99 = arith.constant 0 : i32
      %dma_wait3A_100 = tpu.memref_slice %arg14[%add3A_27, %dma_wait3A_99] : memref<10240x128xf32, #tpu.memory_space<vmem_shared>> -> memref<128x128xf32, #tpu.memory_space<vmem_shared>>
      tpu.wait_dma2 semaphore(%run_scoped3A : memref<!tpu.dma_semaphore, #tpu.memory_space<semaphore_mem>>) src(%arg8 : memref<128x128xf32, #tpu.memory_space<vmem>>) dst(%dma_wait3A_100 : memref<128x128xf32, #tpu.memory_space<vmem_shared>>)
      tpu.yield
    }) : () -> ()
    %mul3A_28 = arith.constant 640 : i32
    %mul3A_29 = arith.muli %arg1, %mul3A_28 : i32
    %add3A_30 = arith.constant 512 : i32
    %add3A_31 = arith.addi %mul3A_29, %add3A_30 : i32
    "tpu.region"() ({
      %run_scoped3A = tpu.sem_alloc : memref<!tpu.dma_semaphore, #tpu.memory_space<semaphore_mem>>
      %dma_start3A = arith.constant 0 : i32
      %dma_start3A_95 = tpu.memref_slice %arg14[%add3A_31, %dma_start3A] : memref<10240x128xf32, #tpu.memory_space<vmem_shared>> -> memref<128x128xf32, #tpu.memory_space<vmem_shared>>
      %dma_start3A_96 = arith.constant 0 : i32
      %dma_start3A_97 = tpu.memref_slice %arg14[%add3A_31, %dma_start3A_96] : memref<10240x128xf32, #tpu.memory_space<vmem_shared>> -> memref<128x128xf32, #tpu.memory_space<vmem_shared>>
      tpu.enqueue_dma source(%arg8 : memref<128x128xf32, #tpu.memory_space<vmem>>) target(%dma_start3A_97 : memref<128x128xf32, #tpu.memory_space<vmem_shared>>) target_semaphore(%run_scoped3A : memref<!tpu.dma_semaphore, #tpu.memory_space<semaphore_mem>>)
      %dma_wait3A = arith.constant 0 : i32
      %dma_wait3A_98 = tpu.memref_slice %arg14[%add3A_31, %dma_wait3A] : memref<10240x128xf32, #tpu.memory_space<vmem_shared>> -> memref<128x128xf32, #tpu.memory_space<vmem_shared>>
      %dma_wait3A_99 = arith.constant 0 : i32
      %dma_wait3A_100 = tpu.memref_slice %arg14[%add3A_31, %dma_wait3A_99] : memref<10240x128xf32, #tpu.memory_space<vmem_shared>> -> memref<128x128xf32, #tpu.memory_space<vmem_shared>>
      tpu.wait_dma2 semaphore(%run_scoped3A : memref<!tpu.dma_semaphore, #tpu.memory_space<semaphore_mem>>) src(%arg8 : memref<128x128xf32, #tpu.memory_space<vmem>>) dst(%dma_wait3A_100 : memref<128x128xf32, #tpu.memory_space<vmem_shared>>)
      tpu.yield
    }) : () -> ()
    %barrier3A = arith.constant 0 : index
    tpu.barrier barrier_id(%barrier3A)
    %jit3A_32 = arith.constant 2 : i32
    %div3A = arith.divsi %select_n3A, %jit3A_32 : i32
    %sign3A = arith.constant 0 : i32
    %sign3A_33 = arith.cmpi sgt, %select_n3A, %sign3A : i32
    %sign3A_34 = arith.extui %sign3A_33 : i1 to i32
    %sign3A_35 = arith.constant 0 : i32
    %sign3A_36 = arith.cmpi slt, %select_n3A, %sign3A_35 : i32
    %sign3A_37 = arith.extui %sign3A_36 : i1 to i32
    %sign3A_38 = arith.subi %sign3A_34, %sign3A_37 : i32
    %sign3A_39 = arith.constant 0 : i32
    %sign3A_40 = arith.cmpi sgt, %jit3A_32, %sign3A_39 : i32
    %sign3A_41 = arith.extui %sign3A_40 : i1 to i32
    %sign3A_42 = arith.constant 0 : i32
    %sign3A_43 = arith.cmpi slt, %jit3A_32, %sign3A_42 : i32
    %sign3A_44 = arith.extui %sign3A_43 : i1 to i32
    %sign3A_45 = arith.subi %sign3A_41, %sign3A_44 : i32
    %ne3A = arith.cmpi ne, %sign3A_38, %sign3A_45 : i32
    %rem3A = arith.remsi %select_n3A, %jit3A_32 : i32
    %ne3A_46 = arith.constant 0 : i32
    %ne3A_47 = arith.cmpi ne, %rem3A, %ne3A_46 : i32
    %and3A = arith.andi %ne3A, %ne3A_47 : i1
    %sub3A = arith.constant 1 : i32
    %sub3A_48 = arith.subi %div3A, %sub3A : i32
    %select_n3A_49 = arith.select %and3A, %sub3A_48, %div3A : i32
    %while3A = arith.constant 0 : i32
    %while3A_50 = arith.constant 0 : i32
    %while3A_51 = arith.subi %select_n3A_49, %while3A_50 : i32
    %while3A_52 = arith.addi %while3A_50, %while3A_51 : i32
    %while3A_53 = arith.constant 1 : i32
    %while3A_54 = arith.divsi %while3A_51, %while3A_53 : i32
    %while3A_55 = arith.muli %while3A_54, %while3A_53 : i32
    %while3A_56 = arith.addi %while3A_50, %while3A_55 : i32
    %while3A_57 = arith.constant 1 : i32
    scf.for %while3A_95 = %while3A_50 to %while3A_56 step %while3A_57  : i32 {
      %mul3A_96 = arith.constant 2 : i32
      %mul3A_97 = arith.muli %mul3A_96, %while3A_95 : i32
      %mul3A_98 = arith.constant 2 : i32
      %mul3A_99 = arith.muli %mul3A_98, %while3A_95 : i32
      %add3A_100 = arith.constant 1 : i32
      %add3A_101 = arith.addi %mul3A_99, %add3A_100 : i32
      %dma_start3A = arith.constant 0 : i32
      %dma_start3A_102 = tpu.memref_slice %arg6[%mul3A_97, %dma_start3A] : memref<40x128xi32, #tpu.memory_space<vmem>> -> memref<1x128xi32, #tpu.memory_space<vmem>>
      %dma_start3A_103 = tpu.memref_squeeze %dma_start3A_102 : memref<1x128xi32, #tpu.memory_space<vmem>> -> memref<128xi32, #tpu.memory_space<vmem>>
      %dma_start3A_104 = arith.constant 0 : i32
      %dma_start3A_105 = arith.constant 0 : i32
      %dma_start3A_106 = tpu.memref_slice %arg2[%dma_start3A_104, %dma_start3A_105] : memref<10240x128xf32, #tpu.memory_space<hbm>> -> memref<10240x128xf32, #tpu.memory_space<hbm>>
      tpu.enqueue_indirect_dma source(%dma_start3A_106 : memref<10240x128xf32, #tpu.memory_space<hbm>>) target(%arg8 : memref<128x128xf32, #tpu.memory_space<vmem>>) offsets(%dma_start3A_103 : memref<128xi32, #tpu.memory_space<vmem>>) semaphore(%arg10 : memref<!tpu.dma_semaphore, #tpu.memory_space<semaphore_mem>>)
      %dma_start3A_107 = arith.constant 0 : i32
      %dma_start3A_108 = tpu.memref_slice %arg6[%add3A_101, %dma_start3A_107] : memref<40x128xi32, #tpu.memory_space<vmem>> -> memref<1x128xi32, #tpu.memory_space<vmem>>
      %dma_start3A_109 = tpu.memref_squeeze %dma_start3A_108 : memref<1x128xi32, #tpu.memory_space<vmem>> -> memref<128xi32, #tpu.memory_space<vmem>>
      %dma_start3A_110 = arith.constant 0 : i32
      %dma_start3A_111 = arith.constant 0 : i32
      %dma_start3A_112 = tpu.memref_slice %arg2[%dma_start3A_110, %dma_start3A_111] : memref<10240x128xf32, #tpu.memory_space<hbm>> -> memref<10240x128xf32, #tpu.memory_space<hbm>>
      tpu.enqueue_indirect_dma source(%dma_start3A_112 : memref<10240x128xf32, #tpu.memory_space<hbm>>) target(%arg9 : memref<128x128xf32, #tpu.memory_space<vmem>>) offsets(%dma_start3A_109 : memref<128xi32, #tpu.memory_space<vmem>>) semaphore(%arg11 : memref<!tpu.dma_semaphore, #tpu.memory_space<semaphore_mem>>)
      %dma_wait3A = arith.constant 0 : i32
      %dma_wait3A_113 = tpu.memref_slice %arg6[%mul3A_97, %dma_wait3A] : memref<40x128xi32, #tpu.memory_space<vmem>> -> memref<1x128xi32, #tpu.memory_space<vmem>>
      %dma_wait3A_114 = tpu.memref_squeeze %dma_wait3A_113 : memref<1x128xi32, #tpu.memory_space<vmem>> -> memref<128xi32, #tpu.memory_space<vmem>>
      %dma_wait3A_115 = arith.constant 0 : i32
      %dma_wait3A_116 = arith.constant 0 : i32
      %dma_wait3A_117 = tpu.memref_slice %arg2[%dma_wait3A_115, %dma_wait3A_116] : memref<10240x128xf32, #tpu.memory_space<hbm>> -> memref<10240x128xf32, #tpu.memory_space<hbm>>
      tpu.wait_indirect_dma semaphore(%arg10 : memref<!tpu.dma_semaphore, #tpu.memory_space<semaphore_mem>>) src(%dma_wait3A_117 : memref<10240x128xf32, #tpu.memory_space<hbm>>) dst(%arg8 : memref<128x128xf32, #tpu.memory_space<vmem>>)
      %dma_start3A_118 = arith.constant 0 : i32
      %dma_start3A_119 = tpu.memref_slice %arg7[%mul3A_97, %dma_start3A_118] : memref<40x128xi32, #tpu.memory_space<vmem>> -> memref<1x128xi32, #tpu.memory_space<vmem>>
      %dma_start3A_120 = tpu.memref_squeeze %dma_start3A_119 : memref<1x128xi32, #tpu.memory_space<vmem>> -> memref<128xi32, #tpu.memory_space<vmem>>
      %dma_start3A_121 = arith.constant 0 : i32
      %dma_start3A_122 = arith.constant 0 : i32
      %dma_start3A_123 = tpu.memref_slice %arg14[%dma_start3A_121, %dma_start3A_122] : memref<10240x128xf32, #tpu.memory_space<vmem_shared>> -> memref<10240x128xf32, #tpu.memory_space<vmem_shared>>
      tpu.enqueue_indirect_dma source(%arg8 : memref<128x128xf32, #tpu.memory_space<vmem>>) target(%dma_start3A_123 : memref<10240x128xf32, #tpu.memory_space<vmem_shared>>) offsets(%dma_start3A_120 : memref<128xi32, #tpu.memory_space<vmem>>) semaphore(%arg12 : memref<!tpu.dma_semaphore, #tpu.memory_space<semaphore_mem>>) {add = true}
      %dma_wait3A_124 = arith.constant 0 : i32
      %dma_wait3A_125 = tpu.memref_slice %arg6[%add3A_101, %dma_wait3A_124] : memref<40x128xi32, #tpu.memory_space<vmem>> -> memref<1x128xi32, #tpu.memory_space<vmem>>
      %dma_wait3A_126 = tpu.memref_squeeze %dma_wait3A_125 : memref<1x128xi32, #tpu.memory_space<vmem>> -> memref<128xi32, #tpu.memory_space<vmem>>
      %dma_wait3A_127 = arith.constant 0 : i32
      %dma_wait3A_128 = arith.constant 0 : i32
      %dma_wait3A_129 = tpu.memref_slice %arg2[%dma_wait3A_127, %dma_wait3A_128] : memref<10240x128xf32, #tpu.memory_space<hbm>> -> memref<10240x128xf32, #tpu.memory_space<hbm>>
      tpu.wait_indirect_dma semaphore(%arg11 : memref<!tpu.dma_semaphore, #tpu.memory_space<semaphore_mem>>) src(%dma_wait3A_129 : memref<10240x128xf32, #tpu.memory_space<hbm>>) dst(%arg9 : memref<128x128xf32, #tpu.memory_space<vmem>>)
      %dma_start3A_130 = arith.constant 0 : i32
      %dma_start3A_131 = tpu.memref_slice %arg7[%add3A_101, %dma_start3A_130] : memref<40x128xi32, #tpu.memory_space<vmem>> -> memref<1x128xi32, #tpu.memory_space<vmem>>
      %dma_start3A_132 = tpu.memref_squeeze %dma_start3A_131 : memref<1x128xi32, #tpu.memory_space<vmem>> -> memref<128xi32, #tpu.memory_space<vmem>>
      %dma_start3A_133 = arith.constant 0 : i32
      %dma_start3A_134 = arith.constant 0 : i32
      %dma_start3A_135 = tpu.memref_slice %arg14[%dma_start3A_133, %dma_start3A_134] : memref<10240x128xf32, #tpu.memory_space<vmem_shared>> -> memref<10240x128xf32, #tpu.memory_space<vmem_shared>>
      tpu.enqueue_indirect_dma source(%arg9 : memref<128x128xf32, #tpu.memory_space<vmem>>) target(%dma_start3A_135 : memref<10240x128xf32, #tpu.memory_space<vmem_shared>>) offsets(%dma_start3A_132 : memref<128xi32, #tpu.memory_space<vmem>>) semaphore(%arg13 : memref<!tpu.dma_semaphore, #tpu.memory_space<semaphore_mem>>) {add = true}
      %dma_wait3A_136 = arith.constant 0 : i32
      %dma_wait3A_137 = tpu.memref_slice %arg7[%mul3A_97, %dma_wait3A_136] : memref<40x128xi32, #tpu.memory_space<vmem>> -> memref<1x128xi32, #tpu.memory_space<vmem>>
      %dma_wait3A_138 = tpu.memref_squeeze %dma_wait3A_137 : memref<1x128xi32, #tpu.memory_space<vmem>> -> memref<128xi32, #tpu.memory_space<vmem>>
      %dma_wait3A_139 = arith.constant 0 : i32
      %dma_wait3A_140 = arith.constant 0 : i32
      %dma_wait3A_141 = tpu.memref_slice %arg14[%dma_wait3A_139, %dma_wait3A_140] : memref<10240x128xf32, #tpu.memory_space<vmem_shared>> -> memref<10240x128xf32, #tpu.memory_space<vmem_shared>>
      tpu.wait_indirect_dma semaphore(%arg12 : memref<!tpu.dma_semaphore, #tpu.memory_space<semaphore_mem>>) src(%arg8 : memref<128x128xf32, #tpu.memory_space<vmem>>) dst(%dma_wait3A_141 : memref<10240x128xf32, #tpu.memory_space<vmem_shared>>)
      %dma_wait3A_142 = arith.constant 0 : i32
      %dma_wait3A_143 = tpu.memref_slice %arg7[%add3A_101, %dma_wait3A_142] : memref<40x128xi32, #tpu.memory_space<vmem>> -> memref<1x128xi32, #tpu.memory_space<vmem>>
      %dma_wait3A_144 = tpu.memref_squeeze %dma_wait3A_143 : memref<1x128xi32, #tpu.memory_space<vmem>> -> memref<128xi32, #tpu.memory_space<vmem>>
      %dma_wait3A_145 = arith.constant 0 : i32
      %dma_wait3A_146 = arith.constant 0 : i32
      %dma_wait3A_147 = tpu.memref_slice %arg14[%dma_wait3A_145, %dma_wait3A_146] : memref<10240x128xf32, #tpu.memory_space<vmem_shared>> -> memref<10240x128xf32, #tpu.memory_space<vmem_shared>>
      tpu.wait_indirect_dma semaphore(%arg13 : memref<!tpu.dma_semaphore, #tpu.memory_space<semaphore_mem>>) src(%arg9 : memref<128x128xf32, #tpu.memory_space<vmem>>) dst(%dma_wait3A_147 : memref<10240x128xf32, #tpu.memory_space<vmem_shared>>)
    }
    %while3A_58 = arith.constant 1 : i32
    scf.for %while3A_95 = %while3A_56 to %while3A_52 step %while3A_58  : i32 {
      %mul3A_96 = arith.constant 2 : i32
      %mul3A_97 = arith.muli %mul3A_96, %while3A_95 : i32
      %mul3A_98 = arith.constant 2 : i32
      %mul3A_99 = arith.muli %mul3A_98, %while3A_95 : i32
      %add3A_100 = arith.constant 1 : i32
      %add3A_101 = arith.addi %mul3A_99, %add3A_100 : i32
      %dma_start3A = arith.constant 0 : i32
      %dma_start3A_102 = tpu.memref_slice %arg6[%mul3A_97, %dma_start3A] : memref<40x128xi32, #tpu.memory_space<vmem>> -> memref<1x128xi32, #tpu.memory_space<vmem>>
      %dma_start3A_103 = tpu.memref_squeeze %dma_start3A_102 : memref<1x128xi32, #tpu.memory_space<vmem>> -> memref<128xi32, #tpu.memory_space<vmem>>
      %dma_start3A_104 = arith.constant 0 : i32
      %dma_start3A_105 = arith.constant 0 : i32
      %dma_start3A_106 = tpu.memref_slice %arg2[%dma_start3A_104, %dma_start3A_105] : memref<10240x128xf32, #tpu.memory_space<hbm>> -> memref<10240x128xf32, #tpu.memory_space<hbm>>
      tpu.enqueue_indirect_dma source(%dma_start3A_106 : memref<10240x128xf32, #tpu.memory_space<hbm>>) target(%arg8 : memref<128x128xf32, #tpu.memory_space<vmem>>) offsets(%dma_start3A_103 : memref<128xi32, #tpu.memory_space<vmem>>) semaphore(%arg10 : memref<!tpu.dma_semaphore, #tpu.memory_space<semaphore_mem>>)
      %dma_start3A_107 = arith.constant 0 : i32
      %dma_start3A_108 = tpu.memref_slice %arg6[%add3A_101, %dma_start3A_107] : memref<40x128xi32, #tpu.memory_space<vmem>> -> memref<1x128xi32, #tpu.memory_space<vmem>>
      %dma_start3A_109 = tpu.memref_squeeze %dma_start3A_108 : memref<1x128xi32, #tpu.memory_space<vmem>> -> memref<128xi32, #tpu.memory_space<vmem>>
      %dma_start3A_110 = arith.constant 0 : i32
      %dma_start3A_111 = arith.constant 0 : i32
      %dma_start3A_112 = tpu.memref_slice %arg2[%dma_start3A_110, %dma_start3A_111] : memref<10240x128xf32, #tpu.memory_space<hbm>> -> memref<10240x128xf32, #tpu.memory_space<hbm>>
      tpu.enqueue_indirect_dma source(%dma_start3A_112 : memref<10240x128xf32, #tpu.memory_space<hbm>>) target(%arg9 : memref<128x128xf32, #tpu.memory_space<vmem>>) offsets(%dma_start3A_109 : memref<128xi32, #tpu.memory_space<vmem>>) semaphore(%arg11 : memref<!tpu.dma_semaphore, #tpu.memory_space<semaphore_mem>>)
      %dma_wait3A = arith.constant 0 : i32
      %dma_wait3A_113 = tpu.memref_slice %arg6[%mul3A_97, %dma_wait3A] : memref<40x128xi32, #tpu.memory_space<vmem>> -> memref<1x128xi32, #tpu.memory_space<vmem>>
      %dma_wait3A_114 = tpu.memref_squeeze %dma_wait3A_113 : memref<1x128xi32, #tpu.memory_space<vmem>> -> memref<128xi32, #tpu.memory_space<vmem>>
      %dma_wait3A_115 = arith.constant 0 : i32
      %dma_wait3A_116 = arith.constant 0 : i32
      %dma_wait3A_117 = tpu.memref_slice %arg2[%dma_wait3A_115, %dma_wait3A_116] : memref<10240x128xf32, #tpu.memory_space<hbm>> -> memref<10240x128xf32, #tpu.memory_space<hbm>>
      tpu.wait_indirect_dma semaphore(%arg10 : memref<!tpu.dma_semaphore, #tpu.memory_space<semaphore_mem>>) src(%dma_wait3A_117 : memref<10240x128xf32, #tpu.memory_space<hbm>>) dst(%arg8 : memref<128x128xf32, #tpu.memory_space<vmem>>)
      %dma_start3A_118 = arith.constant 0 : i32
      %dma_start3A_119 = tpu.memref_slice %arg7[%mul3A_97, %dma_start3A_118] : memref<40x128xi32, #tpu.memory_space<vmem>> -> memref<1x128xi32, #tpu.memory_space<vmem>>
      %dma_start3A_120 = tpu.memref_squeeze %dma_start3A_119 : memref<1x128xi32, #tpu.memory_space<vmem>> -> memref<128xi32, #tpu.memory_space<vmem>>
      %dma_start3A_121 = arith.constant 0 : i32
      %dma_start3A_122 = arith.constant 0 : i32
      %dma_start3A_123 = tpu.memref_slice %arg14[%dma_start3A_121, %dma_start3A_122] : memref<10240x128xf32, #tpu.memory_space<vmem_shared>> -> memref<10240x128xf32, #tpu.memory_space<vmem_shared>>
      tpu.enqueue_indirect_dma source(%arg8 : memref<128x128xf32, #tpu.memory_space<vmem>>) target(%dma_start3A_123 : memref<10240x128xf32, #tpu.memory_space<vmem_shared>>) offsets(%dma_start3A_120 : memref<128xi32, #tpu.memory_space<vmem>>) semaphore(%arg12 : memref<!tpu.dma_semaphore, #tpu.memory_space<semaphore_mem>>) {add = true}
      %dma_wait3A_124 = arith.constant 0 : i32
      %dma_wait3A_125 = tpu.memref_slice %arg6[%add3A_101, %dma_wait3A_124] : memref<40x128xi32, #tpu.memory_space<vmem>> -> memref<1x128xi32, #tpu.memory_space<vmem>>
      %dma_wait3A_126 = tpu.memref_squeeze %dma_wait3A_125 : memref<1x128xi32, #tpu.memory_space<vmem>> -> memref<128xi32, #tpu.memory_space<vmem>>
      %dma_wait3A_127 = arith.constant 0 : i32
      %dma_wait3A_128 = arith.constant 0 : i32
      %dma_wait3A_129 = tpu.memref_slice %arg2[%dma_wait3A_127, %dma_wait3A_128] : memref<10240x128xf32, #tpu.memory_space<hbm>> -> memref<10240x128xf32, #tpu.memory_space<hbm>>
      tpu.wait_indirect_dma semaphore(%arg11 : memref<!tpu.dma_semaphore, #tpu.memory_space<semaphore_mem>>) src(%dma_wait3A_129 : memref<10240x128xf32, #tpu.memory_space<hbm>>) dst(%arg9 : memref<128x128xf32, #tpu.memory_space<vmem>>)
      %dma_start3A_130 = arith.constant 0 : i32
      %dma_start3A_131 = tpu.memref_slice %arg7[%add3A_101, %dma_start3A_130] : memref<40x128xi32, #tpu.memory_space<vmem>> -> memref<1x128xi32, #tpu.memory_space<vmem>>
      %dma_start3A_132 = tpu.memref_squeeze %dma_start3A_131 : memref<1x128xi32, #tpu.memory_space<vmem>> -> memref<128xi32, #tpu.memory_space<vmem>>
      %dma_start3A_133 = arith.constant 0 : i32
      %dma_start3A_134 = arith.constant 0 : i32
      %dma_start3A_135 = tpu.memref_slice %arg14[%dma_start3A_133, %dma_start3A_134] : memref<10240x128xf32, #tpu.memory_space<vmem_shared>> -> memref<10240x128xf32, #tpu.memory_space<vmem_shared>>
      tpu.enqueue_indirect_dma source(%arg9 : memref<128x128xf32, #tpu.memory_space<vmem>>) target(%dma_start3A_135 : memref<10240x128xf32, #tpu.memory_space<vmem_shared>>) offsets(%dma_start3A_132 : memref<128xi32, #tpu.memory_space<vmem>>) semaphore(%arg13 : memref<!tpu.dma_semaphore, #tpu.memory_space<semaphore_mem>>) {add = true}
      %dma_wait3A_136 = arith.constant 0 : i32
      %dma_wait3A_137 = tpu.memref_slice %arg7[%mul3A_97, %dma_wait3A_136] : memref<40x128xi32, #tpu.memory_space<vmem>> -> memref<1x128xi32, #tpu.memory_space<vmem>>
      %dma_wait3A_138 = tpu.memref_squeeze %dma_wait3A_137 : memref<1x128xi32, #tpu.memory_space<vmem>> -> memref<128xi32, #tpu.memory_space<vmem>>
      %dma_wait3A_139 = arith.constant 0 : i32
      %dma_wait3A_140 = arith.constant 0 : i32
      %dma_wait3A_141 = tpu.memref_slice %arg14[%dma_wait3A_139, %dma_wait3A_140] : memref<10240x128xf32, #tpu.memory_space<vmem_shared>> -> memref<10240x128xf32, #tpu.memory_space<vmem_shared>>
      tpu.wait_indirect_dma semaphore(%arg12 : memref<!tpu.dma_semaphore, #tpu.memory_space<semaphore_mem>>) src(%arg8 : memref<128x128xf32, #tpu.memory_space<vmem>>) dst(%dma_wait3A_141 : memref<10240x128xf32, #tpu.memory_space<vmem_shared>>)
      %dma_wait3A_142 = arith.constant 0 : i32
      %dma_wait3A_143 = tpu.memref_slice %arg7[%add3A_101, %dma_wait3A_142] : memref<40x128xi32, #tpu.memory_space<vmem>> -> memref<1x128xi32, #tpu.memory_space<vmem>>
      %dma_wait3A_144 = tpu.memref_squeeze %dma_wait3A_143 : memref<1x128xi32, #tpu.memory_space<vmem>> -> memref<128xi32, #tpu.memory_space<vmem>>
      %dma_wait3A_145 = arith.constant 0 : i32
      %dma_wait3A_146 = arith.constant 0 : i32
      %dma_wait3A_147 = tpu.memref_slice %arg14[%dma_wait3A_145, %dma_wait3A_146] : memref<10240x128xf32, #tpu.memory_space<vmem_shared>> -> memref<10240x128xf32, #tpu.memory_space<vmem_shared>>
      tpu.wait_indirect_dma semaphore(%arg13 : memref<!tpu.dma_semaphore, #tpu.memory_space<semaphore_mem>>) src(%arg9 : memref<128x128xf32, #tpu.memory_space<vmem>>) dst(%dma_wait3A_147 : memref<10240x128xf32, #tpu.memory_space<vmem_shared>>)
    }
    %barrier3A_59 = arith.constant 0 : index
    tpu.barrier barrier_id(%barrier3A_59)
    %mul3A_60 = arith.constant 640 : i32
    %mul3A_61 = arith.muli %arg1, %mul3A_60 : i32
    %add3A_62 = arith.constant 0 : i32
    %add3A_63 = arith.addi %mul3A_61, %add3A_62 : i32
    "tpu.region"() ({
      %run_scoped3A = tpu.sem_alloc : memref<!tpu.dma_semaphore, #tpu.memory_space<semaphore_mem>>
      %dma_start3A = arith.constant 0 : i32
      %dma_start3A_95 = tpu.memref_slice %arg14[%add3A_63, %dma_start3A] : memref<10240x128xf32, #tpu.memory_space<vmem_shared>> -> memref<128x128xf32, #tpu.memory_space<vmem_shared>>
      %dma_start3A_96 = arith.constant 0 : i32
      %dma_start3A_97 = tpu.memref_slice %arg14[%add3A_63, %dma_start3A_96] : memref<10240x128xf32, #tpu.memory_space<vmem_shared>> -> memref<128x128xf32, #tpu.memory_space<vmem_shared>>
      tpu.enqueue_dma source(%dma_start3A_97 : memref<128x128xf32, #tpu.memory_space<vmem_shared>>) target(%arg8 : memref<128x128xf32, #tpu.memory_space<vmem>>) target_semaphore(%run_scoped3A : memref<!tpu.dma_semaphore, #tpu.memory_space<semaphore_mem>>)
      %dma_wait3A = arith.constant 0 : i32
      %dma_wait3A_98 = tpu.memref_slice %arg14[%add3A_63, %dma_wait3A] : memref<10240x128xf32, #tpu.memory_space<vmem_shared>> -> memref<128x128xf32, #tpu.memory_space<vmem_shared>>
      %dma_wait3A_99 = arith.constant 0 : i32
      %dma_wait3A_100 = tpu.memref_slice %arg14[%add3A_63, %dma_wait3A_99] : memref<10240x128xf32, #tpu.memory_space<vmem_shared>> -> memref<128x128xf32, #tpu.memory_space<vmem_shared>>
      tpu.wait_dma2 semaphore(%run_scoped3A : memref<!tpu.dma_semaphore, #tpu.memory_space<semaphore_mem>>) src(%dma_wait3A_100 : memref<128x128xf32, #tpu.memory_space<vmem_shared>>) dst(%arg8 : memref<128x128xf32, #tpu.memory_space<vmem>>)
      tpu.yield
    }) : () -> ()
    %mul3A_64 = arith.constant 10240 : i32
    %mul3A_65 = arith.muli %arg0, %mul3A_64 : i32
    %add3A_66 = arith.addi %mul3A_65, %add3A_63 : i32
    "tpu.region"() ({
      %run_scoped3A = tpu.sem_alloc : memref<!tpu.dma_semaphore, #tpu.memory_space<semaphore_mem>>
      %dma_start3A = arith.constant 0 : i32
      %dma_start3A_95 = tpu.memref_slice %arg5[%add3A_66, %dma_start3A] : memref<20480x128xf32, #tpu.memory_space<hbm>> -> memref<128x128xf32, #tpu.memory_space<hbm>>
      %dma_start3A_96 = arith.constant 0 : i32
      %dma_start3A_97 = tpu.memref_slice %arg5[%add3A_66, %dma_start3A_96] : memref<20480x128xf32, #tpu.memory_space<hbm>> -> memref<128x128xf32, #tpu.memory_space<hbm>>
      tpu.enqueue_dma source(%arg8 : memref<128x128xf32, #tpu.memory_space<vmem>>) target(%dma_start3A_97 : memref<128x128xf32, #tpu.memory_space<hbm>>) target_semaphore(%run_scoped3A : memref<!tpu.dma_semaphore, #tpu.memory_space<semaphore_mem>>)
      %dma_wait3A = arith.constant 0 : i32
      %dma_wait3A_98 = tpu.memref_slice %arg5[%add3A_66, %dma_wait3A] : memref<20480x128xf32, #tpu.memory_space<hbm>> -> memref<128x128xf32, #tpu.memory_space<hbm>>
      %dma_wait3A_99 = arith.constant 0 : i32
      %dma_wait3A_100 = tpu.memref_slice %arg5[%add3A_66, %dma_wait3A_99] : memref<20480x128xf32, #tpu.memory_space<hbm>> -> memref<128x128xf32, #tpu.memory_space<hbm>>
      tpu.wait_dma2 semaphore(%run_scoped3A : memref<!tpu.dma_semaphore, #tpu.memory_space<semaphore_mem>>) src(%arg8 : memref<128x128xf32, #tpu.memory_space<vmem>>) dst(%dma_wait3A_100 : memref<128x128xf32, #tpu.memory_space<hbm>>)
      tpu.yield
    }) : () -> ()
    %mul3A_67 = arith.constant 640 : i32
    %mul3A_68 = arith.muli %arg1, %mul3A_67 : i32
    %add3A_69 = arith.constant 128 : i32
    %add3A_70 = arith.addi %mul3A_68, %add3A_69 : i32
    "tpu.region"() ({
      %run_scoped3A = tpu.sem_alloc : memref<!tpu.dma_semaphore, #tpu.memory_space<semaphore_mem>>
      %dma_start3A = arith.constant 0 : i32
      %dma_start3A_95 = tpu.memref_slice %arg14[%add3A_70, %dma_start3A] : memref<10240x128xf32, #tpu.memory_space<vmem_shared>> -> memref<128x128xf32, #tpu.memory_space<vmem_shared>>
      %dma_start3A_96 = arith.constant 0 : i32
      %dma_start3A_97 = tpu.memref_slice %arg14[%add3A_70, %dma_start3A_96] : memref<10240x128xf32, #tpu.memory_space<vmem_shared>> -> memref<128x128xf32, #tpu.memory_space<vmem_shared>>
      tpu.enqueue_dma source(%dma_start3A_97 : memref<128x128xf32, #tpu.memory_space<vmem_shared>>) target(%arg8 : memref<128x128xf32, #tpu.memory_space<vmem>>) target_semaphore(%run_scoped3A : memref<!tpu.dma_semaphore, #tpu.memory_space<semaphore_mem>>)
      %dma_wait3A = arith.constant 0 : i32
      %dma_wait3A_98 = tpu.memref_slice %arg14[%add3A_70, %dma_wait3A] : memref<10240x128xf32, #tpu.memory_space<vmem_shared>> -> memref<128x128xf32, #tpu.memory_space<vmem_shared>>
      %dma_wait3A_99 = arith.constant 0 : i32
      %dma_wait3A_100 = tpu.memref_slice %arg14[%add3A_70, %dma_wait3A_99] : memref<10240x128xf32, #tpu.memory_space<vmem_shared>> -> memref<128x128xf32, #tpu.memory_space<vmem_shared>>
      tpu.wait_dma2 semaphore(%run_scoped3A : memref<!tpu.dma_semaphore, #tpu.memory_space<semaphore_mem>>) src(%dma_wait3A_100 : memref<128x128xf32, #tpu.memory_space<vmem_shared>>) dst(%arg8 : memref<128x128xf32, #tpu.memory_space<vmem>>)
      tpu.yield
    }) : () -> ()
    %mul3A_71 = arith.constant 10240 : i32
    %mul3A_72 = arith.muli %arg0, %mul3A_71 : i32
    %add3A_73 = arith.addi %mul3A_72, %add3A_70 : i32
    "tpu.region"() ({
      %run_scoped3A = tpu.sem_alloc : memref<!tpu.dma_semaphore, #tpu.memory_space<semaphore_mem>>
      %dma_start3A = arith.constant 0 : i32
      %dma_start3A_95 = tpu.memref_slice %arg5[%add3A_73, %dma_start3A] : memref<20480x128xf32, #tpu.memory_space<hbm>> -> memref<128x128xf32, #tpu.memory_space<hbm>>
      %dma_start3A_96 = arith.constant 0 : i32
      %dma_start3A_97 = tpu.memref_slice %arg5[%add3A_73, %dma_start3A_96] : memref<20480x128xf32, #tpu.memory_space<hbm>> -> memref<128x128xf32, #tpu.memory_space<hbm>>
      tpu.enqueue_dma source(%arg8 : memref<128x128xf32, #tpu.memory_space<vmem>>) target(%dma_start3A_97 : memref<128x128xf32, #tpu.memory_space<hbm>>) target_semaphore(%run_scoped3A : memref<!tpu.dma_semaphore, #tpu.memory_space<semaphore_mem>>)
      %dma_wait3A = arith.constant 0 : i32
      %dma_wait3A_98 = tpu.memref_slice %arg5[%add3A_73, %dma_wait3A] : memref<20480x128xf32, #tpu.memory_space<hbm>> -> memref<128x128xf32, #tpu.memory_space<hbm>>
      %dma_wait3A_99 = arith.constant 0 : i32
      %dma_wait3A_100 = tpu.memref_slice %arg5[%add3A_73, %dma_wait3A_99] : memref<20480x128xf32, #tpu.memory_space<hbm>> -> memref<128x128xf32, #tpu.memory_space<hbm>>
      tpu.wait_dma2 semaphore(%run_scoped3A : memref<!tpu.dma_semaphore, #tpu.memory_space<semaphore_mem>>) src(%arg8 : memref<128x128xf32, #tpu.memory_space<vmem>>) dst(%dma_wait3A_100 : memref<128x128xf32, #tpu.memory_space<hbm>>)
      tpu.yield
    }) : () -> ()
    %mul3A_74 = arith.constant 640 : i32
    %mul3A_75 = arith.muli %arg1, %mul3A_74 : i32
    %add3A_76 = arith.constant 256 : i32
    %add3A_77 = arith.addi %mul3A_75, %add3A_76 : i32
    "tpu.region"() ({
      %run_scoped3A = tpu.sem_alloc : memref<!tpu.dma_semaphore, #tpu.memory_space<semaphore_mem>>
      %dma_start3A = arith.constant 0 : i32
      %dma_start3A_95 = tpu.memref_slice %arg14[%add3A_77, %dma_start3A] : memref<10240x128xf32, #tpu.memory_space<vmem_shared>> -> memref<128x128xf32, #tpu.memory_space<vmem_shared>>
      %dma_start3A_96 = arith.constant 0 : i32
      %dma_start3A_97 = tpu.memref_slice %arg14[%add3A_77, %dma_start3A_96] : memref<10240x128xf32, #tpu.memory_space<vmem_shared>> -> memref<128x128xf32, #tpu.memory_space<vmem_shared>>
      tpu.enqueue_dma source(%dma_start3A_97 : memref<128x128xf32, #tpu.memory_space<vmem_shared>>) target(%arg8 : memref<128x128xf32, #tpu.memory_space<vmem>>) target_semaphore(%run_scoped3A : memref<!tpu.dma_semaphore, #tpu.memory_space<semaphore_mem>>)
      %dma_wait3A = arith.constant 0 : i32
      %dma_wait3A_98 = tpu.memref_slice %arg14[%add3A_77, %dma_wait3A] : memref<10240x128xf32, #tpu.memory_space<vmem_shared>> -> memref<128x128xf32, #tpu.memory_space<vmem_shared>>
      %dma_wait3A_99 = arith.constant 0 : i32
      %dma_wait3A_100 = tpu.memref_slice %arg14[%add3A_77, %dma_wait3A_99] : memref<10240x128xf32, #tpu.memory_space<vmem_shared>> -> memref<128x128xf32, #tpu.memory_space<vmem_shared>>
      tpu.wait_dma2 semaphore(%run_scoped3A : memref<!tpu.dma_semaphore, #tpu.memory_space<semaphore_mem>>) src(%dma_wait3A_100 : memref<128x128xf32, #tpu.memory_space<vmem_shared>>) dst(%arg8 : memref<128x128xf32, #tpu.memory_space<vmem>>)
      tpu.yield
    }) : () -> ()
    %mul3A_78 = arith.constant 10240 : i32
    %mul3A_79 = arith.muli %arg0, %mul3A_78 : i32
    %add3A_80 = arith.addi %mul3A_79, %add3A_77 : i32
    "tpu.region"() ({
      %run_scoped3A = tpu.sem_alloc : memref<!tpu.dma_semaphore, #tpu.memory_space<semaphore_mem>>
      %dma_start3A = arith.constant 0 : i32
      %dma_start3A_95 = tpu.memref_slice %arg5[%add3A_80, %dma_start3A] : memref<20480x128xf32, #tpu.memory_space<hbm>> -> memref<128x128xf32, #tpu.memory_space<hbm>>
      %dma_start3A_96 = arith.constant 0 : i32
      %dma_start3A_97 = tpu.memref_slice %arg5[%add3A_80, %dma_start3A_96] : memref<20480x128xf32, #tpu.memory_space<hbm>> -> memref<128x128xf32, #tpu.memory_space<hbm>>
      tpu.enqueue_dma source(%arg8 : memref<128x128xf32, #tpu.memory_space<vmem>>) target(%dma_start3A_97 : memref<128x128xf32, #tpu.memory_space<hbm>>) target_semaphore(%run_scoped3A : memref<!tpu.dma_semaphore, #tpu.memory_space<semaphore_mem>>)
      %dma_wait3A = arith.constant 0 : i32
      %dma_wait3A_98 = tpu.memref_slice %arg5[%add3A_80, %dma_wait3A] : memref<20480x128xf32, #tpu.memory_space<hbm>> -> memref<128x128xf32, #tpu.memory_space<hbm>>
      %dma_wait3A_99 = arith.constant 0 : i32
      %dma_wait3A_100 = tpu.memref_slice %arg5[%add3A_80, %dma_wait3A_99] : memref<20480x128xf32, #tpu.memory_space<hbm>> -> memref<128x128xf32, #tpu.memory_space<hbm>>
      tpu.wait_dma2 semaphore(%run_scoped3A : memref<!tpu.dma_semaphore, #tpu.memory_space<semaphore_mem>>) src(%arg8 : memref<128x128xf32, #tpu.memory_space<vmem>>) dst(%dma_wait3A_100 : memref<128x128xf32, #tpu.memory_space<hbm>>)
      tpu.yield
    }) : () -> ()
    %mul3A_81 = arith.constant 640 : i32
    %mul3A_82 = arith.muli %arg1, %mul3A_81 : i32
    %add3A_83 = arith.constant 384 : i32
    %add3A_84 = arith.addi %mul3A_82, %add3A_83 : i32
    "tpu.region"() ({
      %run_scoped3A = tpu.sem_alloc : memref<!tpu.dma_semaphore, #tpu.memory_space<semaphore_mem>>
      %dma_start3A = arith.constant 0 : i32
      %dma_start3A_95 = tpu.memref_slice %arg14[%add3A_84, %dma_start3A] : memref<10240x128xf32, #tpu.memory_space<vmem_shared>> -> memref<128x128xf32, #tpu.memory_space<vmem_shared>>
      %dma_start3A_96 = arith.constant 0 : i32
      %dma_start3A_97 = tpu.memref_slice %arg14[%add3A_84, %dma_start3A_96] : memref<10240x128xf32, #tpu.memory_space<vmem_shared>> -> memref<128x128xf32, #tpu.memory_space<vmem_shared>>
      tpu.enqueue_dma source(%dma_start3A_97 : memref<128x128xf32, #tpu.memory_space<vmem_shared>>) target(%arg8 : memref<128x128xf32, #tpu.memory_space<vmem>>) target_semaphore(%run_scoped3A : memref<!tpu.dma_semaphore, #tpu.memory_space<semaphore_mem>>)
      %dma_wait3A = arith.constant 0 : i32
      %dma_wait3A_98 = tpu.memref_slice %arg14[%add3A_84, %dma_wait3A] : memref<10240x128xf32, #tpu.memory_space<vmem_shared>> -> memref<128x128xf32, #tpu.memory_space<vmem_shared>>
      %dma_wait3A_99 = arith.constant 0 : i32
      %dma_wait3A_100 = tpu.memref_slice %arg14[%add3A_84, %dma_wait3A_99] : memref<10240x128xf32, #tpu.memory_space<vmem_shared>> -> memref<128x128xf32, #tpu.memory_space<vmem_shared>>
      tpu.wait_dma2 semaphore(%run_scoped3A : memref<!tpu.dma_semaphore, #tpu.memory_space<semaphore_mem>>) src(%dma_wait3A_100 : memref<128x128xf32, #tpu.memory_space<vmem_shared>>) dst(%arg8 : memref<128x128xf32, #tpu.memory_space<vmem>>)
      tpu.yield
    }) : () -> ()
    %mul3A_85 = arith.constant 10240 : i32
    %mul3A_86 = arith.muli %arg0, %mul3A_85 : i32
    %add3A_87 = arith.addi %mul3A_86, %add3A_84 : i32
    "tpu.region"() ({
      %run_scoped3A = tpu.sem_alloc : memref<!tpu.dma_semaphore, #tpu.memory_space<semaphore_mem>>
      %dma_start3A = arith.constant 0 : i32
      %dma_start3A_95 = tpu.memref_slice %arg5[%add3A_87, %dma_start3A] : memref<20480x128xf32, #tpu.memory_space<hbm>> -> memref<128x128xf32, #tpu.memory_space<hbm>>
      %dma_start3A_96 = arith.constant 0 : i32
      %dma_start3A_97 = tpu.memref_slice %arg5[%add3A_87, %dma_start3A_96] : memref<20480x128xf32, #tpu.memory_space<hbm>> -> memref<128x128xf32, #tpu.memory_space<hbm>>
      tpu.enqueue_dma source(%arg8 : memref<128x128xf32, #tpu.memory_space<vmem>>) target(%dma_start3A_97 : memref<128x128xf32, #tpu.memory_space<hbm>>) target_semaphore(%run_scoped3A : memref<!tpu.dma_semaphore, #tpu.memory_space<semaphore_mem>>)
      %dma_wait3A = arith.constant 0 : i32
      %dma_wait3A_98 = tpu.memref_slice %arg5[%add3A_87, %dma_wait3A] : memref<20480x128xf32, #tpu.memory_space<hbm>> -> memref<128x128xf32, #tpu.memory_space<hbm>>
      %dma_wait3A_99 = arith.constant 0 : i32
      %dma_wait3A_100 = tpu.memref_slice %arg5[%add3A_87, %dma_wait3A_99] : memref<20480x128xf32, #tpu.memory_space<hbm>> -> memref<128x128xf32, #tpu.memory_space<hbm>>
      tpu.wait_dma2 semaphore(%run_scoped3A : memref<!tpu.dma_semaphore, #tpu.memory_space<semaphore_mem>>) src(%arg8 : memref<128x128xf32, #tpu.memory_space<vmem>>) dst(%dma_wait3A_100 : memref<128x128xf32, #tpu.memory_space<hbm>>)
      tpu.yield
    }) : () -> ()
    %mul3A_88 = arith.constant 640 : i32
    %mul3A_89 = arith.muli %arg1, %mul3A_88 : i32
    %add3A_90 = arith.constant 512 : i32
    %add3A_91 = arith.addi %mul3A_89, %add3A_90 : i32
    "tpu.region"() ({
      %run_scoped3A = tpu.sem_alloc : memref<!tpu.dma_semaphore, #tpu.memory_space<semaphore_mem>>
      %dma_start3A = arith.constant 0 : i32
      %dma_start3A_95 = tpu.memref_slice %arg14[%add3A_91, %dma_start3A] : memref<10240x128xf32, #tpu.memory_space<vmem_shared>> -> memref<128x128xf32, #tpu.memory_space<vmem_shared>>
      %dma_start3A_96 = arith.constant 0 : i32
      %dma_start3A_97 = tpu.memref_slice %arg14[%add3A_91, %dma_start3A_96] : memref<10240x128xf32, #tpu.memory_space<vmem_shared>> -> memref<128x128xf32, #tpu.memory_space<vmem_shared>>
      tpu.enqueue_dma source(%dma_start3A_97 : memref<128x128xf32, #tpu.memory_space<vmem_shared>>) target(%arg8 : memref<128x128xf32, #tpu.memory_space<vmem>>) target_semaphore(%run_scoped3A : memref<!tpu.dma_semaphore, #tpu.memory_space<semaphore_mem>>)
      %dma_wait3A = arith.constant 0 : i32
      %dma_wait3A_98 = tpu.memref_slice %arg14[%add3A_91, %dma_wait3A] : memref<10240x128xf32, #tpu.memory_space<vmem_shared>> -> memref<128x128xf32, #tpu.memory_space<vmem_shared>>
      %dma_wait3A_99 = arith.constant 0 : i32
      %dma_wait3A_100 = tpu.memref_slice %arg14[%add3A_91, %dma_wait3A_99] : memref<10240x128xf32, #tpu.memory_space<vmem_shared>> -> memref<128x128xf32, #tpu.memory_space<vmem_shared>>
      tpu.wait_dma2 semaphore(%run_scoped3A : memref<!tpu.dma_semaphore, #tpu.memory_space<semaphore_mem>>) src(%dma_wait3A_100 : memref<128x128xf32, #tpu.memory_space<vmem_shared>>) dst(%arg8 : memref<128x128xf32, #tpu.memory_space<vmem>>)
      tpu.yield
    }) : () -> ()
    %mul3A_92 = arith.constant 10240 : i32
    %mul3A_93 = arith.muli %arg0, %mul3A_92 : i32
    %add3A_94 = arith.addi %mul3A_93, %add3A_91 : i32
    "tpu.region"() ({
      %run_scoped3A = tpu.sem_alloc : memref<!tpu.dma_semaphore, #tpu.memory_space<semaphore_mem>>
      %dma_start3A = arith.constant 0 : i32
      %dma_start3A_95 = tpu.memref_slice %arg5[%add3A_94, %dma_start3A] : memref<20480x128xf32, #tpu.memory_space<hbm>> -> memref<128x128xf32, #tpu.memory_space<hbm>>
      %dma_start3A_96 = arith.constant 0 : i32
      %dma_start3A_97 = tpu.memref_slice %arg5[%add3A_94, %dma_start3A_96] : memref<20480x128xf32, #tpu.memory_space<hbm>> -> memref<128x128xf32, #tpu.memory_space<hbm>>
      tpu.enqueue_dma source(%arg8 : memref<128x128xf32, #tpu.memory_space<vmem>>) target(%dma_start3A_97 : memref<128x128xf32, #tpu.memory_space<hbm>>) target_semaphore(%run_scoped3A : memref<!tpu.dma_semaphore, #tpu.memory_space<semaphore_mem>>)
      %dma_wait3A = arith.constant 0 : i32
      %dma_wait3A_98 = tpu.memref_slice %arg5[%add3A_94, %dma_wait3A] : memref<20480x128xf32, #tpu.memory_space<hbm>> -> memref<128x128xf32, #tpu.memory_space<hbm>>
      %dma_wait3A_99 = arith.constant 0 : i32
      %dma_wait3A_100 = tpu.memref_slice %arg5[%add3A_94, %dma_wait3A_99] : memref<20480x128xf32, #tpu.memory_space<hbm>> -> memref<128x128xf32, #tpu.memory_space<hbm>>
      tpu.wait_dma2 semaphore(%run_scoped3A : memref<!tpu.dma_semaphore, #tpu.memory_space<semaphore_mem>>) src(%arg8 : memref<128x128xf32, #tpu.memory_space<vmem>>) dst(%dma_wait3A_100 : memref<128x128xf32, #tpu.memory_space<hbm>>)
      tpu.yield
    }) : () -> ()
    return
  }
}

module attributes {stable_mosaic.version = 14 : i64} {
  func.func @_edge_mlp_body(%arg0: i32, %arg1: memref<640x128xf32, #tpu.memory_space<vmem>>, %arg2: memref<640x128xf32, #tpu.memory_space<vmem>>, %arg3: memref<640x1xi32, #tpu.memory_space<vmem>>, %arg4: memref<128x256xf32, #tpu.memory_space<vmem>>, %arg5: memref<128x256xf32, #tpu.memory_space<vmem>>, %arg6: memref<1x256xf32, #tpu.memory_space<vmem>>, %arg7: memref<8x256xf32, #tpu.memory_space<vmem>>, %arg8: memref<1x256xf32, #tpu.memory_space<vmem>>, %arg9: memref<256x128xf32, #tpu.memory_space<vmem>>, %arg10: memref<1x128xf32, #tpu.memory_space<vmem>>, %arg11: memref<640x128xf32, #tpu.memory_space<vmem>>, %arg12: memref<640x1xi32, #tpu.memory_space<vmem>>) attributes {dimension_semantics = [#tpu.dimension_semantics<arbitrary>], iteration_bounds = array<i64: 256>, scalar_prefetch = 0 : i64, scratch_operands = 0 : i64, tpu.core_type = #tpu.core_type<tc>, window_params = [{transform_indices = @transform_0, window_bounds = array<i64: 640, 128>}, {transform_indices = @transform_1, window_bounds = array<i64: 640, 128>}, {transform_indices = @transform_2, window_bounds = array<i64: 640, 1>}, {pipeline_mode = #tpu.pipeline_mode<synchronous>, transform_indices = @transform_3, window_bounds = array<i64: 128, 256>}, {pipeline_mode = #tpu.pipeline_mode<synchronous>, transform_indices = @transform_4, window_bounds = array<i64: 128, 256>}, {pipeline_mode = #tpu.pipeline_mode<synchronous>, transform_indices = @transform_5, window_bounds = array<i64: 1, 256>}, {pipeline_mode = #tpu.pipeline_mode<synchronous>, transform_indices = @transform_6, window_bounds = array<i64: 8, 256>}, {pipeline_mode = #tpu.pipeline_mode<synchronous>, transform_indices = @transform_7, window_bounds = array<i64: 1, 256>}, {pipeline_mode = #tpu.pipeline_mode<synchronous>, transform_indices = @transform_8, window_bounds = array<i64: 256, 128>}, {pipeline_mode = #tpu.pipeline_mode<synchronous>, transform_indices = @transform_9, window_bounds = array<i64: 1, 128>}, {transform_indices = @transform_10, window_bounds = array<i64: 640, 128>}, {transform_indices = @transform_11, window_bounds = array<i64: 640, 1>}]} {
    %get3A = arith.constant 0 : index
    %get3A_0 = arith.constant 0 : index
    %get3A_1 = vector.load %arg1[%get3A, %get3A_0] : memref<640x128xf32, #tpu.memory_space<vmem>>, vector<640x128xf32>
    %get3A_2 = arith.constant 0 : index
    %get3A_3 = arith.constant 0 : index
    %get3A_4 = vector.load %arg2[%get3A_2, %get3A_3] : memref<640x128xf32, #tpu.memory_space<vmem>>, vector<640x128xf32>
    %sub3A = arith.subf %get3A_4, %get3A_1 : vector<640x128xf32>
    %iota3A = tpu.iota {dimensions = array<i32: 1>} : vector<640x128xi32>
    %lt3A = arith.constant 3 : i32
    %lt3A_5 = vector.broadcast %lt3A : i32 to vector<640x128xi32>
    %lt3A_6 = arith.cmpi slt, %iota3A, %lt3A_5 : vector<640x128xi32>
    %mul3A = arith.mulf %sub3A, %sub3A : vector<640x128xf32>
    %jit3A = arith.constant 0.000000e+00 : f32
    %broadcast_in_dim3A = vector.broadcast %jit3A : f32 to vector<640x128xf32>
    %select_n3A = arith.select %lt3A_6, %mul3A, %broadcast_in_dim3A : vector<640x128xi1>, vector<640x128xf32>
    %reduce_sum3A = arith.constant dense<0.000000e+00> : vector<640xf32>
    %reduce_sum3A_7 = vector.multi_reduction <add>, %select_n3A, %reduce_sum3A [1] : vector<640x128xf32> to vector<640xf32>
    %broadcast_in_dim3A_8 = vector.shape_cast %reduce_sum3A_7 : vector<640xf32> to vector<640x1xf32>
    %add3A = arith.constant 1.000000e-24 : f32
    %add3A_9 = vector.broadcast %add3A : f32 to vector<640x1xf32>
    %add3A_10 = arith.addf %broadcast_in_dim3A_8, %add3A_9 : vector<640x1xf32>
    %sqrt3A = math.sqrt %add3A_10 : vector<640x1xf32>
    %gt3A = arith.constant 0.000000e+00 : f32
    %gt3A_11 = vector.broadcast %gt3A : f32 to vector<640x1xf32>
    %gt3A_12 = arith.cmpf ogt, %broadcast_in_dim3A_8, %gt3A_11 : vector<640x1xf32>
    %div3A = arith.constant 1.000000e+00 : f32
    %div3A_13 = vector.broadcast %div3A : f32 to vector<640x1xf32>
    %div3A_14 = arith.divf %div3A_13, %sqrt3A : vector<640x1xf32>
    %jit3A_15 = arith.constant 0.000000e+00 : f32
    %broadcast_in_dim3A_16 = vector.broadcast %jit3A_15 : f32 to vector<640x1xf32>
    %select_n3A_17 = arith.select %gt3A_12, %div3A_14, %broadcast_in_dim3A_16 : vector<640x1xi1>, vector<640x1xf32>
    %get3A_18 = arith.constant 0 : index
    %get3A_19 = arith.constant 0 : index
    %get3A_20 = vector.load %arg4[%get3A_18, %get3A_19] : memref<128x256xf32, #tpu.memory_space<vmem>>, vector<128x256xf32>
    %dot_general3A = arith.constant dense<0.000000e+00> : vector<640x256xf32>
    %dot_general3A_21 = tpu.matmul %get3A_4, %get3A_20, %dot_general3A {dimension_numbers = #tpu.dot_dimension_numbers<[1], [0], [0], [1], [0, 0, 1, 1], [], []>, transpose_lhs_hint = false} : vector<640x128xf32>, vector<128x256xf32>, vector<640x256xf32> -> vector<640x256xf32>
    %get3A_22 = arith.constant 0 : index
    %get3A_23 = arith.constant 0 : index
    %get3A_24 = vector.load %arg5[%get3A_22, %get3A_23] : memref<128x256xf32, #tpu.memory_space<vmem>>, vector<128x256xf32>
    %dot_general3A_25 = arith.constant dense<0.000000e+00> : vector<640x256xf32>
    %dot_general3A_26 = tpu.matmul %get3A_1, %get3A_24, %dot_general3A_25 {dimension_numbers = #tpu.dot_dimension_numbers<[1], [0], [0], [1], [0, 0, 1, 1], [], []>, transpose_lhs_hint = false} : vector<640x128xf32>, vector<128x256xf32>, vector<640x256xf32> -> vector<640x256xf32>
    %add3A_27 = arith.addf %dot_general3A_21, %dot_general3A_26 : vector<640x256xf32>
    %get3A_28 = arith.constant 0 : index
    %get3A_29 = arith.constant 0 : index
    %get3A_30 = vector.load %arg6[%get3A_28, %get3A_29] : memref<1x256xf32, #tpu.memory_space<vmem>>, vector<1x256xf32>
    %mul3A_31 = vector.broadcast %sqrt3A : vector<640x1xf32> to vector<640x256xf32>
    %mul3A_32 = vector.broadcast %get3A_30 : vector<1x256xf32> to vector<640x256xf32>
    %mul3A_33 = arith.mulf %mul3A_31, %mul3A_32 : vector<640x256xf32>
    %add3A_34 = arith.addf %add3A_27, %mul3A_33 : vector<640x256xf32>
    %eq3A = arith.constant 0 : i32
    %eq3A_35 = vector.broadcast %eq3A : i32 to vector<640x128xi32>
    %eq3A_36 = arith.cmpi eq, %iota3A, %eq3A_35 : vector<640x128xi32>
    %jit3A_37 = arith.constant 0.000000e+00 : f32
    %broadcast_in_dim3A_38 = vector.broadcast %jit3A_37 : f32 to vector<640x128xf32>
    %select_n3A_39 = arith.select %eq3A_36, %sub3A, %broadcast_in_dim3A_38 : vector<640x128xi1>, vector<640x128xf32>
    %reduce_sum3A_40 = arith.constant dense<0.000000e+00> : vector<640xf32>
    %reduce_sum3A_41 = vector.multi_reduction <add>, %select_n3A_39, %reduce_sum3A_40 [1] : vector<640x128xf32> to vector<640xf32>
    %broadcast_in_dim3A_42 = vector.shape_cast %reduce_sum3A_41 : vector<640xf32> to vector<640x1xf32>
    %mul3A_43 = arith.mulf %broadcast_in_dim3A_42, %select_n3A_17 : vector<640x1xf32>
    %get3A_44 = arith.constant 0 : index
    %get3A_45 = arith.constant 0 : index
    %get3A_46 = vector.load %arg7[%get3A_44, %get3A_45] : memref<8x256xf32, #tpu.memory_space<vmem>>, vector<1x256xf32>
    %get3A_47 = vector.shape_cast %get3A_46 : vector<1x256xf32> to vector<256xf32>
    %broadcast_in_dim3A_48 = vector.shape_cast %get3A_47 : vector<256xf32> to vector<1x256xf32>
    %mul3A_49 = vector.broadcast %mul3A_43 : vector<640x1xf32> to vector<640x256xf32>
    %mul3A_50 = vector.broadcast %broadcast_in_dim3A_48 : vector<1x256xf32> to vector<640x256xf32>
    %mul3A_51 = arith.mulf %mul3A_49, %mul3A_50 : vector<640x256xf32>
    %add3A_52 = arith.addf %add3A_34, %mul3A_51 : vector<640x256xf32>
    %eq3A_53 = arith.constant 1 : i32
    %eq3A_54 = vector.broadcast %eq3A_53 : i32 to vector<640x128xi32>
    %eq3A_55 = arith.cmpi eq, %iota3A, %eq3A_54 : vector<640x128xi32>
    %jit3A_56 = arith.constant 0.000000e+00 : f32
    %broadcast_in_dim3A_57 = vector.broadcast %jit3A_56 : f32 to vector<640x128xf32>
    %select_n3A_58 = arith.select %eq3A_55, %sub3A, %broadcast_in_dim3A_57 : vector<640x128xi1>, vector<640x128xf32>
    %reduce_sum3A_59 = arith.constant dense<0.000000e+00> : vector<640xf32>
    %reduce_sum3A_60 = vector.multi_reduction <add>, %select_n3A_58, %reduce_sum3A_59 [1] : vector<640x128xf32> to vector<640xf32>
    %broadcast_in_dim3A_61 = vector.shape_cast %reduce_sum3A_60 : vector<640xf32> to vector<640x1xf32>
    %mul3A_62 = arith.mulf %broadcast_in_dim3A_61, %select_n3A_17 : vector<640x1xf32>
    %get3A_63 = arith.constant 1 : index
    %get3A_64 = arith.constant 0 : index
    %get3A_65 = vector.load %arg7[%get3A_63, %get3A_64] : memref<8x256xf32, #tpu.memory_space<vmem>>, vector<1x256xf32>
    %get3A_66 = vector.shape_cast %get3A_65 : vector<1x256xf32> to vector<256xf32>
    %broadcast_in_dim3A_67 = vector.shape_cast %get3A_66 : vector<256xf32> to vector<1x256xf32>
    %mul3A_68 = vector.broadcast %mul3A_62 : vector<640x1xf32> to vector<640x256xf32>
    %mul3A_69 = vector.broadcast %broadcast_in_dim3A_67 : vector<1x256xf32> to vector<640x256xf32>
    %mul3A_70 = arith.mulf %mul3A_68, %mul3A_69 : vector<640x256xf32>
    %add3A_71 = arith.addf %add3A_52, %mul3A_70 : vector<640x256xf32>
    %eq3A_72 = arith.constant 2 : i32
    %eq3A_73 = vector.broadcast %eq3A_72 : i32 to vector<640x128xi32>
    %eq3A_74 = arith.cmpi eq, %iota3A, %eq3A_73 : vector<640x128xi32>
    %jit3A_75 = arith.constant 0.000000e+00 : f32
    %broadcast_in_dim3A_76 = vector.broadcast %jit3A_75 : f32 to vector<640x128xf32>
    %select_n3A_77 = arith.select %eq3A_74, %sub3A, %broadcast_in_dim3A_76 : vector<640x128xi1>, vector<640x128xf32>
    %reduce_sum3A_78 = arith.constant dense<0.000000e+00> : vector<640xf32>
    %reduce_sum3A_79 = vector.multi_reduction <add>, %select_n3A_77, %reduce_sum3A_78 [1] : vector<640x128xf32> to vector<640xf32>
    %broadcast_in_dim3A_80 = vector.shape_cast %reduce_sum3A_79 : vector<640xf32> to vector<640x1xf32>
    %mul3A_81 = arith.mulf %broadcast_in_dim3A_80, %select_n3A_17 : vector<640x1xf32>
    %get3A_82 = arith.constant 2 : index
    %get3A_83 = arith.constant 0 : index
    %get3A_84 = vector.load %arg7[%get3A_82, %get3A_83] : memref<8x256xf32, #tpu.memory_space<vmem>>, vector<1x256xf32>
    %get3A_85 = vector.shape_cast %get3A_84 : vector<1x256xf32> to vector<256xf32>
    %broadcast_in_dim3A_86 = vector.shape_cast %get3A_85 : vector<256xf32> to vector<1x256xf32>
    %mul3A_87 = vector.broadcast %mul3A_81 : vector<640x1xf32> to vector<640x256xf32>
    %mul3A_88 = vector.broadcast %broadcast_in_dim3A_86 : vector<1x256xf32> to vector<640x256xf32>
    %mul3A_89 = arith.mulf %mul3A_87, %mul3A_88 : vector<640x256xf32>
    %add3A_90 = arith.addf %add3A_71, %mul3A_89 : vector<640x256xf32>
    %get3A_91 = arith.constant 0 : index
    %get3A_92 = arith.constant 0 : index
    %get3A_93 = vector.load %arg8[%get3A_91, %get3A_92] : memref<1x256xf32, #tpu.memory_space<vmem>>, vector<1x256xf32>
    %add3A_94 = vector.broadcast %get3A_93 : vector<1x256xf32> to vector<640x256xf32>
    %add3A_95 = arith.addf %add3A_90, %add3A_94 : vector<640x256xf32>
    %max3A = arith.constant 0.000000e+00 : f32
    %max3A_96 = vector.broadcast %max3A : f32 to vector<640x256xf32>
    %max3A_97 = arith.maximumf %add3A_95, %max3A_96 : vector<640x256xf32>
    %get3A_98 = arith.constant 0 : index
    %get3A_99 = arith.constant 0 : index
    %get3A_100 = vector.load %arg9[%get3A_98, %get3A_99] : memref<256x128xf32, #tpu.memory_space<vmem>>, vector<256x128xf32>
    %dot_general3A_101 = arith.constant dense<0.000000e+00> : vector<640x128xf32>
    %dot_general3A_102 = tpu.matmul %max3A_97, %get3A_100, %dot_general3A_101 {dimension_numbers = #tpu.dot_dimension_numbers<[1], [0], [0], [1], [0, 0, 1, 1], [], []>, transpose_lhs_hint = false} : vector<640x256xf32>, vector<256x128xf32>, vector<640x128xf32> -> vector<640x128xf32>
    %get3A_103 = arith.constant 0 : index
    %get3A_104 = arith.constant 0 : index
    %get3A_105 = vector.load %arg10[%get3A_103, %get3A_104] : memref<1x128xf32, #tpu.memory_space<vmem>>, vector<1x128xf32>
    %add3A_106 = vector.broadcast %get3A_105 : vector<1x128xf32> to vector<640x128xf32>
    %add3A_107 = arith.addf %dot_general3A_102, %add3A_106 : vector<640x128xf32>
    %max3A_108 = arith.constant 0.000000e+00 : f32
    %max3A_109 = vector.broadcast %max3A_108 : f32 to vector<640x128xf32>
    %max3A_110 = arith.maximumf %add3A_107, %max3A_109 : vector<640x128xf32>
    %eq3A_111 = arith.constant 3 : i32
    %eq3A_112 = vector.broadcast %eq3A_111 : i32 to vector<640x128xi32>
    %eq3A_113 = arith.cmpi eq, %iota3A, %eq3A_112 : vector<640x128xi32>
    %jit3A_114 = arith.constant 0.000000e+00 : f32
    %broadcast_in_dim3A_115 = vector.broadcast %jit3A_114 : f32 to vector<640x128xf32>
    %select_n3A_116 = arith.select %eq3A_113, %get3A_1, %broadcast_in_dim3A_115 : vector<640x128xi1>, vector<640x128xf32>
    %reduce_sum3A_117 = arith.constant dense<0.000000e+00> : vector<640xf32>
    %reduce_sum3A_118 = vector.multi_reduction <add>, %select_n3A_116, %reduce_sum3A_117 [1] : vector<640x128xf32> to vector<640xf32>
    %broadcast_in_dim3A_119 = vector.shape_cast %reduce_sum3A_118 : vector<640xf32> to vector<640x1xf32>
    %eq3A_120 = arith.constant 3 : i32
    %eq3A_121 = vector.broadcast %eq3A_120 : i32 to vector<640x128xi32>
    %eq3A_122 = arith.cmpi eq, %iota3A, %eq3A_121 : vector<640x128xi32>
    %jit3A_123 = arith.constant 0.000000e+00 : f32
    %broadcast_in_dim3A_124 = vector.broadcast %jit3A_123 : f32 to vector<640x128xf32>
    %select_n3A_125 = arith.select %eq3A_122, %get3A_4, %broadcast_in_dim3A_124 : vector<640x128xi1>, vector<640x128xf32>
    %reduce_sum3A_126 = arith.constant dense<0.000000e+00> : vector<640xf32>
    %reduce_sum3A_127 = vector.multi_reduction <add>, %select_n3A_125, %reduce_sum3A_126 [1] : vector<640x128xf32> to vector<640xf32>
    %broadcast_in_dim3A_128 = vector.shape_cast %reduce_sum3A_127 : vector<640xf32> to vector<640x1xf32>
    %mul3A_129 = arith.constant 640 : i32
    %mul3A_130 = arith.muli %arg0, %mul3A_129 : i32
    %iota3A_131 = tpu.iota {dimensions = array<i32: 0>} : vector<640x1xi32>
    %add3A_132 = vector.broadcast %mul3A_130 : i32 to vector<640x1xi32>
    %add3A_133 = arith.addi %add3A_132, %iota3A_131 : vector<640x1xi32>
    %le3A = arith.cmpf ole, %broadcast_in_dim3A_119, %broadcast_in_dim3A_128 : vector<640x1xf32>
    %lt3A_134 = arith.constant 160000 : i32
    %lt3A_135 = vector.broadcast %lt3A_134 : i32 to vector<640x1xi32>
    %lt3A_136 = arith.cmpi slt, %add3A_133, %lt3A_135 : vector<640x1xi32>
    %and3A = arith.andi %le3A, %lt3A_136 : vector<640x1xi1>
    %convert_element_type3A = arith.extui %and3A : vector<640x1xi1> to vector<640x1xi32>
    %convert_element_type3A_137 = arith.sitofp %convert_element_type3A : vector<640x1xi32> to vector<640x1xf32>
    %mul3A_138 = vector.broadcast %convert_element_type3A_137 : vector<640x1xf32> to vector<640x128xf32>
    %mul3A_139 = arith.mulf %max3A_110, %mul3A_138 : vector<640x128xf32>
    %swap3A = arith.constant 0 : index
    %swap3A_140 = arith.constant 0 : index
    %swap3A_141 = vector.load %arg11[%swap3A, %swap3A_140] : memref<640x128xf32, #tpu.memory_space<vmem>>, vector<640x128xf32>
    tpu.vector_store %arg11[%swap3A, %swap3A_140], %mul3A_139 {strides = array<i32>} : memref<640x128xf32, #tpu.memory_space<vmem>>, vector<640x128xf32>,
    %get3A_142 = arith.constant 0 : index
    %get3A_143 = arith.constant 0 : index
    %get3A_144 = vector.load %arg3[%get3A_142, %get3A_143] : memref<640x1xi32, #tpu.memory_space<vmem>>, vector<640x1xi32>
    %jit3A_145 = arith.constant 10000 : i32
    %broadcast_in_dim3A_146 = vector.broadcast %jit3A_145 : i32 to vector<640x1xi32>
    %select_n3A_147 = arith.select %and3A, %get3A_144, %broadcast_in_dim3A_146 : vector<640x1xi1>, vector<640x1xi32>
    %swap3A_148 = arith.constant 0 : index
    %swap3A_149 = arith.constant 0 : index
    %swap3A_150 = vector.load %arg12[%swap3A_148, %swap3A_149] : memref<640x1xi32, #tpu.memory_space<vmem>>, vector<640x1xi32>
    tpu.vector_store %arg12[%swap3A_148, %swap3A_149], %select_n3A_147 {strides = array<i32>} : memref<640x1xi32, #tpu.memory_space<vmem>>, vector<640x1xi32>,
    return
  }
  func.func @transform_0(%arg0: i32) -> (i32, i32) {
    %c0_i32 = arith.constant 0 : i32
    %c0_i32_0 = arith.constant 0 : i32
    return %arg0, %c0_i32 : i32, i32
  }
  func.func @transform_1(%arg0: i32) -> (i32, i32) {
    %c0_i32 = arith.constant 0 : i32
    %c0_i32_0 = arith.constant 0 : i32
    return %arg0, %c0_i32 : i32, i32
  }
  func.func @transform_2(%arg0: i32) -> (i32, i32) {
    %c0_i32 = arith.constant 0 : i32
    %c0_i32_0 = arith.constant 0 : i32
    return %arg0, %c0_i32 : i32, i32
  }
  func.func @transform_3(%arg0: i32) -> (i32, i32) {
    %c0_i32 = arith.constant 0 : i32
    %c0_i32_0 = arith.constant 0 : i32
    %c0_i32_1 = arith.constant 0 : i32
    return %c0_i32, %c0_i32_0 : i32, i32
  }
  func.func @transform_4(%arg0: i32) -> (i32, i32) {
    %c0_i32 = arith.constant 0 : i32
    %c0_i32_0 = arith.constant 0 : i32
    %c0_i32_1 = arith.constant 0 : i32
    return %c0_i32, %c0_i32_0 : i32, i32
  }
  func.func @transform_5(%arg0: i32) -> (i32, i32) {
    %c0_i32 = arith.constant 0 : i32
    %c0_i32_0 = arith.constant 0 : i32
    %c0_i32_1 = arith.constant 0 : i32
    return %c0_i32, %c0_i32_0 : i32, i32
  }
  func.func @transform_6(%arg0: i32) -> (i32, i32) {
    %c0_i32 = arith.constant 0 : i32
    %c0_i32_0 = arith.constant 0 : i32
    %c0_i32_1 = arith.constant 0 : i32
    return %c0_i32, %c0_i32_0 : i32, i32
  }
  func.func @transform_7(%arg0: i32) -> (i32, i32) {
    %c0_i32 = arith.constant 0 : i32
    %c0_i32_0 = arith.constant 0 : i32
    %c0_i32_1 = arith.constant 0 : i32
    return %c0_i32, %c0_i32_0 : i32, i32
  }
  func.func @transform_8(%arg0: i32) -> (i32, i32) {
    %c0_i32 = arith.constant 0 : i32
    %c0_i32_0 = arith.constant 0 : i32
    %c0_i32_1 = arith.constant 0 : i32
    return %c0_i32, %c0_i32_0 : i32, i32
  }
  func.func @transform_9(%arg0: i32) -> (i32, i32) {
    %c0_i32 = arith.constant 0 : i32
    %c0_i32_0 = arith.constant 0 : i32
    %c0_i32_1 = arith.constant 0 : i32
    return %c0_i32, %c0_i32_0 : i32, i32
  }
  func.func @transform_10(%arg0: i32) -> (i32, i32) {
    %c0_i32 = arith.constant 0 : i32
    %c0_i32_0 = arith.constant 0 : i32
    return %arg0, %c0_i32 : i32, i32
  }
  func.func @transform_11(%arg0: i32) -> (i32, i32) {
    %c0_i32 = arith.constant 0 : i32
    %c0_i32_0 = arith.constant 0 : i32
    return %arg0, %c0_i32 : i32, i32
  }
}

module attributes {stable_mosaic.version = 14 : i64} {
  func.func @_update_mlp_body(%arg0: i32, %arg1: memref<2x640x128xf32, #tpu.memory_space<vmem>>, %arg2: memref<128x128xf32, #tpu.memory_space<vmem>>, %arg3: memref<1x128xf32, #tpu.memory_space<vmem>>, %arg4: memref<128x64xf32, #tpu.memory_space<vmem>>, %arg5: memref<1x64xf32, #tpu.memory_space<vmem>>, %arg6: memref<640x128xf32, #tpu.memory_space<vmem>>) attributes {dimension_semantics = [#tpu.dimension_semantics<arbitrary>], iteration_bounds = array<i64: 16>, scalar_prefetch = 0 : i64, scratch_operands = 0 : i64, tpu.core_type = #tpu.core_type<tc>, window_params = [{transform_indices = @transform_0, window_bounds = array<i64: 2, 640, 128>}, {pipeline_mode = #tpu.pipeline_mode<synchronous>, transform_indices = @transform_1, window_bounds = array<i64: 128, 128>}, {pipeline_mode = #tpu.pipeline_mode<synchronous>, transform_indices = @transform_2, window_bounds = array<i64: 1, 128>}, {pipeline_mode = #tpu.pipeline_mode<synchronous>, transform_indices = @transform_3, window_bounds = array<i64: 128, 64>}, {pipeline_mode = #tpu.pipeline_mode<synchronous>, transform_indices = @transform_4, window_bounds = array<i64: 1, 64>}, {transform_indices = @transform_5, window_bounds = array<i64: 640, 128>}]} {
    %get3A = arith.constant 0 : index
    %get3A_0 = arith.constant 0 : index
    %get3A_1 = arith.constant 0 : index
    %get3A_2 = vector.load %arg1[%get3A, %get3A_0, %get3A_1] : memref<2x640x128xf32, #tpu.memory_space<vmem>>, vector<1x640x128xf32>
    %get3A_3 = vector.shape_cast %get3A_2 : vector<1x640x128xf32> to vector<640x128xf32>
    %get3A_4 = arith.constant 1 : index
    %get3A_5 = arith.constant 0 : index
    %get3A_6 = arith.constant 0 : index
    %get3A_7 = vector.load %arg1[%get3A_4, %get3A_5, %get3A_6] : memref<2x640x128xf32, #tpu.memory_space<vmem>>, vector<1x640x128xf32>
    %get3A_8 = vector.shape_cast %get3A_7 : vector<1x640x128xf32> to vector<640x128xf32>
    %add3A = arith.addf %get3A_3, %get3A_8 : vector<640x128xf32>
    %get3A_9 = arith.constant 0 : index
    %get3A_10 = arith.constant 0 : index
    %get3A_11 = vector.load %arg2[%get3A_9, %get3A_10] : memref<128x128xf32, #tpu.memory_space<vmem>>, vector<128x128xf32>
    %dot_general3A = arith.constant dense<0.000000e+00> : vector<640x128xf32>
    %dot_general3A_12 = tpu.matmul %add3A, %get3A_11, %dot_general3A {dimension_numbers = #tpu.dot_dimension_numbers<[1], [0], [0], [1], [0, 0, 1, 1], [], []>, transpose_lhs_hint = false} : vector<640x128xf32>, vector<128x128xf32>, vector<640x128xf32> -> vector<640x128xf32>
    %get3A_13 = arith.constant 0 : index
    %get3A_14 = arith.constant 0 : index
    %get3A_15 = vector.load %arg3[%get3A_13, %get3A_14] : memref<1x128xf32, #tpu.memory_space<vmem>>, vector<1x128xf32>
    %add3A_16 = vector.broadcast %get3A_15 : vector<1x128xf32> to vector<640x128xf32>
    %add3A_17 = arith.addf %dot_general3A_12, %add3A_16 : vector<640x128xf32>
    %max3A = arith.constant 0.000000e+00 : f32
    %max3A_18 = vector.broadcast %max3A : f32 to vector<640x128xf32>
    %max3A_19 = arith.maximumf %add3A_17, %max3A_18 : vector<640x128xf32>
    %get3A_20 = arith.constant 0 : index
    %get3A_21 = arith.constant 0 : index
    %get3A_22 = vector.load %arg4[%get3A_20, %get3A_21] : memref<128x64xf32, #tpu.memory_space<vmem>>, vector<128x64xf32>
    %dot_general3A_23 = arith.constant dense<0.000000e+00> : vector<640x64xf32>
    %dot_general3A_24 = tpu.matmul %max3A_19, %get3A_22, %dot_general3A_23 {dimension_numbers = #tpu.dot_dimension_numbers<[1], [0], [0], [1], [0, 0, 1, 1], [], []>, transpose_lhs_hint = false} : vector<640x128xf32>, vector<128x64xf32>, vector<640x64xf32> -> vector<640x64xf32>
    %get3A_25 = arith.constant 0 : index
    %get3A_26 = arith.constant 0 : index
    %get3A_27 = vector.load %arg5[%get3A_25, %get3A_26] : memref<1x64xf32, #tpu.memory_space<vmem>>, vector<1x64xf32>
    %add3A_28 = vector.broadcast %get3A_27 : vector<1x64xf32> to vector<640x64xf32>
    %add3A_29 = arith.addf %dot_general3A_24, %add3A_28 : vector<640x64xf32>
    %max3A_30 = arith.constant 0.000000e+00 : f32
    %max3A_31 = vector.broadcast %max3A_30 : f32 to vector<640x64xf32>
    %max3A_32 = arith.maximumf %add3A_29, %max3A_31 : vector<640x64xf32>
    %iota3A = tpu.iota {dimensions = array<i32: 1>} : vector<640x64xi32>
    %eq3A = arith.constant 0 : i32
    %eq3A_33 = vector.broadcast %eq3A : i32 to vector<640x64xi32>
    %eq3A_34 = arith.cmpi eq, %iota3A, %eq3A_33 : vector<640x64xi32>
    %jit3A = arith.constant 1.000000e+00 : f32
    %jit3A_35 = arith.constant 0.000000e+00 : f32
    %broadcast_in_dim3A = vector.broadcast %jit3A : f32 to vector<640x64xf32>
    %broadcast_in_dim3A_36 = vector.broadcast %jit3A_35 : f32 to vector<640x64xf32>
    %select_n3A = arith.select %eq3A_34, %broadcast_in_dim3A, %broadcast_in_dim3A_36 : vector<640x64xi1>, vector<640x64xf32>
    %concatenate3A = tpu.concatenate %max3A_32, %select_n3A in 1 : vector<640x64xf32>, vector<640x64xf32> -> vector<640x128xf32>
    %swap3A = arith.constant 0 : index
    %swap3A_37 = arith.constant 0 : index
    %swap3A_38 = vector.load %arg6[%swap3A, %swap3A_37] : memref<640x128xf32, #tpu.memory_space<vmem>>, vector<640x128xf32>
    tpu.vector_store %arg6[%swap3A, %swap3A_37], %concatenate3A {strides = array<i32>} : memref<640x128xf32, #tpu.memory_space<vmem>>, vector<640x128xf32>,
    return
  }
  func.func @transform_0(%arg0: i32) -> (i32, i32, i32) {
    %c0_i32 = arith.constant 0 : i32
    %c0_i32_0 = arith.constant 0 : i32
    %c0_i32_1 = arith.constant 0 : i32
    return %c0_i32, %arg0, %c0_i32_0 : i32, i32, i32
  }
  func.func @transform_1(%arg0: i32) -> (i32, i32) {
    %c0_i32 = arith.constant 0 : i32
    %c0_i32_0 = arith.constant 0 : i32
    %c0_i32_1 = arith.constant 0 : i32
    return %c0_i32, %c0_i32_0 : i32, i32
  }
  func.func @transform_2(%arg0: i32) -> (i32, i32) {
    %c0_i32 = arith.constant 0 : i32
    %c0_i32_0 = arith.constant 0 : i32
    %c0_i32_1 = arith.constant 0 : i32
    return %c0_i32, %c0_i32_0 : i32, i32
  }
  func.func @transform_3(%arg0: i32) -> (i32, i32) {
    %c0_i32 = arith.constant 0 : i32
    %c0_i32_0 = arith.constant 0 : i32
    %c0_i32_1 = arith.constant 0 : i32
    return %c0_i32, %c0_i32_0 : i32, i32
  }
  func.func @transform_4(%arg0: i32) -> (i32, i32) {
    %c0_i32 = arith.constant 0 : i32
    %c0_i32_0 = arith.constant 0 : i32
    %c0_i32_1 = arith.constant 0 : i32
    return %c0_i32, %c0_i32_0 : i32, i32
  }
  func.func @transform_5(%arg0: i32) -> (i32, i32) {
    %c0_i32 = arith.constant 0 : i32
    %c0_i32_0 = arith.constant 0 : i32
    return %arg0, %c0_i32 : i32, i32
  }
}

module attributes {stable_mosaic.version = 14 : i64} {
  func.func @_sage1_body(%arg0: i32, %arg1: memref<640x128xf32, #tpu.memory_space<vmem>>, %arg2: memref<2x640x128xf32, #tpu.memory_space<vmem>>, %arg3: memref<128x128xf32, #tpu.memory_space<vmem>>, %arg4: memref<128x128xf32, #tpu.memory_space<vmem>>, %arg5: memref<1x128xf32, #tpu.memory_space<vmem>>, %arg6: memref<640x128xf32, #tpu.memory_space<vmem>>, %arg7: memref<640x8xf32, #tpu.memory_space<vmem>>) attributes {dimension_semantics = [#tpu.dimension_semantics<arbitrary>], iteration_bounds = array<i64: 16>, scalar_prefetch = 0 : i64, scratch_operands = 0 : i64, tpu.core_type = #tpu.core_type<tc>, window_params = [{transform_indices = @transform_0, window_bounds = array<i64: 640, 128>}, {transform_indices = @transform_1, window_bounds = array<i64: 2, 640, 128>}, {pipeline_mode = #tpu.pipeline_mode<synchronous>, transform_indices = @transform_2, window_bounds = array<i64: 128, 128>}, {pipeline_mode = #tpu.pipeline_mode<synchronous>, transform_indices = @transform_3, window_bounds = array<i64: 128, 128>}, {pipeline_mode = #tpu.pipeline_mode<synchronous>, transform_indices = @transform_4, window_bounds = array<i64: 1, 128>}, {transform_indices = @transform_5, window_bounds = array<i64: 640, 128>}, {transform_indices = @transform_6, window_bounds = array<i64: 640, 8>}]} {
    %get3A = arith.constant 0 : index
    %get3A_0 = arith.constant 0 : index
    %get3A_1 = arith.constant 0 : index
    %get3A_2 = vector.load %arg2[%get3A, %get3A_0, %get3A_1] : memref<2x640x128xf32, #tpu.memory_space<vmem>>, vector<1x640x128xf32>
    %get3A_3 = vector.shape_cast %get3A_2 : vector<1x640x128xf32> to vector<640x128xf32>
    %get3A_4 = arith.constant 1 : index
    %get3A_5 = arith.constant 0 : index
    %get3A_6 = arith.constant 0 : index
    %get3A_7 = vector.load %arg2[%get3A_4, %get3A_5, %get3A_6] : memref<2x640x128xf32, #tpu.memory_space<vmem>>, vector<1x640x128xf32>
    %get3A_8 = vector.shape_cast %get3A_7 : vector<1x640x128xf32> to vector<640x128xf32>
    %add3A = arith.addf %get3A_3, %get3A_8 : vector<640x128xf32>
    %slice3A = vector.extract_strided_slice %add3A {offsets = [0, 64], sizes = [640, 1], strides = [1, 1]} : vector<640x128xf32> to vector<640x1xf32>
    %max3A = arith.constant 1.000000e+00 : f32
    %max3A_9 = vector.broadcast %max3A : f32 to vector<640x1xf32>
    %max3A_10 = arith.maximumf %slice3A, %max3A_9 : vector<640x1xf32>
    %broadcast_in_dim3A = vector.shape_cast %max3A_10 : vector<640x1xf32> to vector<640x1xf32>
    %broadcast_in_dim3A_11 = vector.broadcast %broadcast_in_dim3A : vector<640x1xf32> to vector<640x8xf32>
    %swap3A = arith.constant 0 : index
    %swap3A_12 = arith.constant 0 : index
    %swap3A_13 = vector.load %arg7[%swap3A, %swap3A_12] : memref<640x8xf32, #tpu.memory_space<vmem>>, vector<640x8xf32>
    tpu.vector_store %arg7[%swap3A, %swap3A_12], %broadcast_in_dim3A_11 {strides = array<i32>} : memref<640x8xf32, #tpu.memory_space<vmem>>, vector<640x8xf32>,
    %div3A = vector.broadcast %max3A_10 : vector<640x1xf32> to vector<640x128xf32>
    %div3A_14 = arith.divf %add3A, %div3A : vector<640x128xf32>
    %get3A_15 = arith.constant 0 : index
    %get3A_16 = arith.constant 0 : index
    %get3A_17 = vector.load %arg1[%get3A_15, %get3A_16] : memref<640x128xf32, #tpu.memory_space<vmem>>, vector<640x128xf32>
    %get3A_18 = arith.constant 0 : index
    %get3A_19 = arith.constant 0 : index
    %get3A_20 = vector.load %arg3[%get3A_18, %get3A_19] : memref<128x128xf32, #tpu.memory_space<vmem>>, vector<128x128xf32>
    %dot_general3A = arith.constant dense<0.000000e+00> : vector<640x128xf32>
    %dot_general3A_21 = tpu.matmul %get3A_17, %get3A_20, %dot_general3A {dimension_numbers = #tpu.dot_dimension_numbers<[1], [0], [0], [1], [0, 0, 1, 1], [], []>, transpose_lhs_hint = false} : vector<640x128xf32>, vector<128x128xf32>, vector<640x128xf32> -> vector<640x128xf32>
    %get3A_22 = arith.constant 0 : index
    %get3A_23 = arith.constant 0 : index
    %get3A_24 = vector.load %arg4[%get3A_22, %get3A_23] : memref<128x128xf32, #tpu.memory_space<vmem>>, vector<128x128xf32>
    %dot_general3A_25 = arith.constant dense<0.000000e+00> : vector<640x128xf32>
    %dot_general3A_26 = tpu.matmul %div3A_14, %get3A_24, %dot_general3A_25 {dimension_numbers = #tpu.dot_dimension_numbers<[1], [0], [0], [1], [0, 0, 1, 1], [], []>, transpose_lhs_hint = false} : vector<640x128xf32>, vector<128x128xf32>, vector<640x128xf32> -> vector<640x128xf32>
    %add3A_27 = arith.addf %dot_general3A_21, %dot_general3A_26 : vector<640x128xf32>
    %get3A_28 = arith.constant 0 : index
    %get3A_29 = arith.constant 0 : index
    %get3A_30 = vector.load %arg5[%get3A_28, %get3A_29] : memref<1x128xf32, #tpu.memory_space<vmem>>, vector<1x128xf32>
    %add3A_31 = vector.broadcast %get3A_30 : vector<1x128xf32> to vector<640x128xf32>
    %add3A_32 = arith.addf %add3A_27, %add3A_31 : vector<640x128xf32>
    %max3A_33 = arith.constant 0.000000e+00 : f32
    %max3A_34 = vector.broadcast %max3A_33 : f32 to vector<640x128xf32>
    %max3A_35 = arith.maximumf %add3A_32, %max3A_34 : vector<640x128xf32>
    %mul3A = arith.mulf %max3A_35, %max3A_35 : vector<640x128xf32>
    %reduce_sum3A = arith.constant dense<0.000000e+00> : vector<640xf32>
    %reduce_sum3A_36 = vector.multi_reduction <add>, %mul3A, %reduce_sum3A [1] : vector<640x128xf32> to vector<640xf32>
    %broadcast_in_dim3A_37 = vector.shape_cast %reduce_sum3A_36 : vector<640xf32> to vector<640x1xf32>
    %max3A_38 = arith.constant 9.99999996E-13 : f32
    %max3A_39 = vector.broadcast %max3A_38 : f32 to vector<640x1xf32>
    %max3A_40 = arith.maximumf %broadcast_in_dim3A_37, %max3A_39 : vector<640x1xf32>
    %rsqrt3A = math.rsqrt %max3A_40 : vector<640x1xf32>
    %mul3A_41 = vector.broadcast %rsqrt3A : vector<640x1xf32> to vector<640x128xf32>
    %mul3A_42 = arith.mulf %max3A_35, %mul3A_41 : vector<640x128xf32>
    %swap3A_43 = arith.constant 0 : index
    %swap3A_44 = arith.constant 0 : index
    %swap3A_45 = vector.load %arg6[%swap3A_43, %swap3A_44] : memref<640x128xf32, #tpu.memory_space<vmem>>, vector<640x128xf32>
    tpu.vector_store %arg6[%swap3A_43, %swap3A_44], %mul3A_42 {strides = array<i32>} : memref<640x128xf32, #tpu.memory_space<vmem>>, vector<640x128xf32>,
    return
  }
  func.func @transform_0(%arg0: i32) -> (i32, i32) {
    %c0_i32 = arith.constant 0 : i32
    %c0_i32_0 = arith.constant 0 : i32
    return %arg0, %c0_i32 : i32, i32
  }
  func.func @transform_1(%arg0: i32) -> (i32, i32, i32) {
    %c0_i32 = arith.constant 0 : i32
    %c0_i32_0 = arith.constant 0 : i32
    %c0_i32_1 = arith.constant 0 : i32
    return %c0_i32, %arg0, %c0_i32_0 : i32, i32, i32
  }
  func.func @transform_2(%arg0: i32) -> (i32, i32) {
    %c0_i32 = arith.constant 0 : i32
    %c0_i32_0 = arith.constant 0 : i32
    %c0_i32_1 = arith.constant 0 : i32
    return %c0_i32, %c0_i32_0 : i32, i32
  }
  func.func @transform_3(%arg0: i32) -> (i32, i32) {
    %c0_i32 = arith.constant 0 : i32
    %c0_i32_0 = arith.constant 0 : i32
    %c0_i32_1 = arith.constant 0 : i32
    return %c0_i32, %c0_i32_0 : i32, i32
  }
  func.func @transform_4(%arg0: i32) -> (i32, i32) {
    %c0_i32 = arith.constant 0 : i32
    %c0_i32_0 = arith.constant 0 : i32
    %c0_i32_1 = arith.constant 0 : i32
    return %c0_i32, %c0_i32_0 : i32, i32
  }
  func.func @transform_5(%arg0: i32) -> (i32, i32) {
    %c0_i32 = arith.constant 0 : i32
    %c0_i32_0 = arith.constant 0 : i32
    return %arg0, %c0_i32 : i32, i32
  }
  func.func @transform_6(%arg0: i32) -> (i32, i32) {
    %c0_i32 = arith.constant 0 : i32
    %c0_i32_0 = arith.constant 0 : i32
    return %arg0, %c0_i32 : i32, i32
  }
}

module attributes {stable_mosaic.version = 14 : i64} {
  func.func @_sage_body(%arg0: i32, %arg1: memref<640x128xf32, #tpu.memory_space<vmem>>, %arg2: memref<2x640x128xf32, #tpu.memory_space<vmem>>, %arg3: memref<640x8xf32, #tpu.memory_space<vmem>>, %arg4: memref<128x256xf32, #tpu.memory_space<vmem>>, %arg5: memref<128x256xf32, #tpu.memory_space<vmem>>, %arg6: memref<1x256xf32, #tpu.memory_space<vmem>>, %arg7: memref<640x256xf32, #tpu.memory_space<vmem>>) attributes {dimension_semantics = [#tpu.dimension_semantics<arbitrary>], iteration_bounds = array<i64: 16>, scalar_prefetch = 0 : i64, scratch_operands = 0 : i64, tpu.core_type = #tpu.core_type<tc>, window_params = [{transform_indices = @transform_0, window_bounds = array<i64: 640, 128>}, {transform_indices = @transform_1, window_bounds = array<i64: 2, 640, 128>}, {transform_indices = @transform_2, window_bounds = array<i64: 640, 8>}, {pipeline_mode = #tpu.pipeline_mode<synchronous>, transform_indices = @transform_3, window_bounds = array<i64: 128, 256>}, {pipeline_mode = #tpu.pipeline_mode<synchronous>, transform_indices = @transform_4, window_bounds = array<i64: 128, 256>}, {pipeline_mode = #tpu.pipeline_mode<synchronous>, transform_indices = @transform_5, window_bounds = array<i64: 1, 256>}, {transform_indices = @transform_6, window_bounds = array<i64: 640, 256>}]} {
    %get3A = arith.constant 0 : index
    %get3A_0 = arith.constant 0 : index
    %get3A_1 = arith.constant 0 : index
    %get3A_2 = vector.load %arg2[%get3A, %get3A_0, %get3A_1] : memref<2x640x128xf32, #tpu.memory_space<vmem>>, vector<1x640x128xf32>
    %get3A_3 = vector.shape_cast %get3A_2 : vector<1x640x128xf32> to vector<640x128xf32>
    %get3A_4 = arith.constant 1 : index
    %get3A_5 = arith.constant 0 : index
    %get3A_6 = arith.constant 0 : index
    %get3A_7 = vector.load %arg2[%get3A_4, %get3A_5, %get3A_6] : memref<2x640x128xf32, #tpu.memory_space<vmem>>, vector<1x640x128xf32>
    %get3A_8 = vector.shape_cast %get3A_7 : vector<1x640x128xf32> to vector<640x128xf32>
    %add3A = arith.addf %get3A_3, %get3A_8 : vector<640x128xf32>
    %get3A_9 = arith.constant 0 : index
    %get3A_10 = arith.constant 0 : index
    %get3A_11 = vector.load %arg3[%get3A_9, %get3A_10] : memref<640x8xf32, #tpu.memory_space<vmem>>, vector<640x8xf32>
    %reduce_max3A = arith.constant dense<0xFF800000> : vector<640xf32>
    %reduce_max3A_12 = vector.multi_reduction <maximumf>, %get3A_11, %reduce_max3A [1] : vector<640x8xf32> to vector<640xf32>
    %broadcast_in_dim3A = vector.shape_cast %reduce_max3A_12 : vector<640xf32> to vector<640x1xf32>
    %max3A = arith.constant 1.000000e+00 : f32
    %max3A_13 = vector.broadcast %max3A : f32 to vector<640x1xf32>
    %max3A_14 = arith.maximumf %broadcast_in_dim3A, %max3A_13 : vector<640x1xf32>
    %div3A = vector.broadcast %max3A_14 : vector<640x1xf32> to vector<640x128xf32>
    %div3A_15 = arith.divf %add3A, %div3A : vector<640x128xf32>
    %get3A_16 = arith.constant 0 : index
    %get3A_17 = arith.constant 0 : index
    %get3A_18 = vector.load %arg1[%get3A_16, %get3A_17] : memref<640x128xf32, #tpu.memory_space<vmem>>, vector<640x128xf32>
    %get3A_19 = arith.constant 0 : index
    %get3A_20 = arith.constant 0 : index
    %get3A_21 = vector.load %arg4[%get3A_19, %get3A_20] : memref<128x256xf32, #tpu.memory_space<vmem>>, vector<128x256xf32>
    %dot_general3A = arith.constant dense<0.000000e+00> : vector<640x256xf32>
    %dot_general3A_22 = tpu.matmul %get3A_18, %get3A_21, %dot_general3A {dimension_numbers = #tpu.dot_dimension_numbers<[1], [0], [0], [1], [0, 0, 1, 1], [], []>, transpose_lhs_hint = false} : vector<640x128xf32>, vector<128x256xf32>, vector<640x256xf32> -> vector<640x256xf32>
    %get3A_23 = arith.constant 0 : index
    %get3A_24 = arith.constant 0 : index
    %get3A_25 = vector.load %arg5[%get3A_23, %get3A_24] : memref<128x256xf32, #tpu.memory_space<vmem>>, vector<128x256xf32>
    %dot_general3A_26 = arith.constant dense<0.000000e+00> : vector<640x256xf32>
    %dot_general3A_27 = tpu.matmul %div3A_15, %get3A_25, %dot_general3A_26 {dimension_numbers = #tpu.dot_dimension_numbers<[1], [0], [0], [1], [0, 0, 1, 1], [], []>, transpose_lhs_hint = false} : vector<640x128xf32>, vector<128x256xf32>, vector<640x256xf32> -> vector<640x256xf32>
    %add3A_28 = arith.addf %dot_general3A_22, %dot_general3A_27 : vector<640x256xf32>
    %get3A_29 = arith.constant 0 : index
    %get3A_30 = arith.constant 0 : index
    %get3A_31 = vector.load %arg6[%get3A_29, %get3A_30] : memref<1x256xf32, #tpu.memory_space<vmem>>, vector<1x256xf32>
    %add3A_32 = vector.broadcast %get3A_31 : vector<1x256xf32> to vector<640x256xf32>
    %add3A_33 = arith.addf %add3A_28, %add3A_32 : vector<640x256xf32>
    %max3A_34 = arith.constant 0.000000e+00 : f32
    %max3A_35 = vector.broadcast %max3A_34 : f32 to vector<640x256xf32>
    %max3A_36 = arith.maximumf %add3A_33, %max3A_35 : vector<640x256xf32>
    %mul3A = arith.mulf %max3A_36, %max3A_36 : vector<640x256xf32>
    %reduce_sum3A = arith.constant dense<0.000000e+00> : vector<640xf32>
    %reduce_sum3A_37 = vector.multi_reduction <add>, %mul3A, %reduce_sum3A [1] : vector<640x256xf32> to vector<640xf32>
    %broadcast_in_dim3A_38 = vector.shape_cast %reduce_sum3A_37 : vector<640xf32> to vector<640x1xf32>
    %max3A_39 = arith.constant 9.99999996E-13 : f32
    %max3A_40 = vector.broadcast %max3A_39 : f32 to vector<640x1xf32>
    %max3A_41 = arith.maximumf %broadcast_in_dim3A_38, %max3A_40 : vector<640x1xf32>
    %rsqrt3A = math.rsqrt %max3A_41 : vector<640x1xf32>
    %mul3A_42 = vector.broadcast %rsqrt3A : vector<640x1xf32> to vector<640x256xf32>
    %mul3A_43 = arith.mulf %max3A_36, %mul3A_42 : vector<640x256xf32>
    %swap3A = arith.constant 0 : index
    %swap3A_44 = arith.constant 0 : index
    %swap3A_45 = vector.load %arg7[%swap3A, %swap3A_44] : memref<640x256xf32, #tpu.memory_space<vmem>>, vector<640x256xf32>
    tpu.vector_store %arg7[%swap3A, %swap3A_44], %mul3A_43 {strides = array<i32>} : memref<640x256xf32, #tpu.memory_space<vmem>>, vector<640x256xf32>,
    return
  }
  func.func @transform_0(%arg0: i32) -> (i32, i32) {
    %c0_i32 = arith.constant 0 : i32
    %c0_i32_0 = arith.constant 0 : i32
    return %arg0, %c0_i32 : i32, i32
  }
  func.func @transform_1(%arg0: i32) -> (i32, i32, i32) {
    %c0_i32 = arith.constant 0 : i32
    %c0_i32_0 = arith.constant 0 : i32
    %c0_i32_1 = arith.constant 0 : i32
    return %c0_i32, %arg0, %c0_i32_0 : i32, i32, i32
  }
  func.func @transform_2(%arg0: i32) -> (i32, i32) {
    %c0_i32 = arith.constant 0 : i32
    %c0_i32_0 = arith.constant 0 : i32
    return %arg0, %c0_i32 : i32, i32
  }
  func.func @transform_3(%arg0: i32) -> (i32, i32) {
    %c0_i32 = arith.constant 0 : i32
    %c0_i32_0 = arith.constant 0 : i32
    %c0_i32_1 = arith.constant 0 : i32
    return %c0_i32, %c0_i32_0 : i32, i32
  }
  func.func @transform_4(%arg0: i32) -> (i32, i32) {
    %c0_i32 = arith.constant 0 : i32
    %c0_i32_0 = arith.constant 0 : i32
    %c0_i32_1 = arith.constant 0 : i32
    return %c0_i32, %c0_i32_0 : i32, i32
  }
  func.func @transform_5(%arg0: i32) -> (i32, i32) {
    %c0_i32 = arith.constant 0 : i32
    %c0_i32_0 = arith.constant 0 : i32
    %c0_i32_1 = arith.constant 0 : i32
    return %c0_i32, %c0_i32_0 : i32, i32
  }
  func.func @transform_6(%arg0: i32) -> (i32, i32) {
    %c0_i32 = arith.constant 0 : i32
    %c0_i32_0 = arith.constant 0 : i32
    return %arg0, %c0_i32 : i32, i32
  }
}

module attributes {stable_mosaic.version = 14 : i64} {
  func.func @_pool_body(%arg0: i32, %arg1: memref<129xi32, #tpu.memory_space<smem>>, %arg2: memref<10000x128xf32, #tpu.memory_space<vmem>>, %arg3: memref<10240x256xf32, #tpu.memory_space<vmem>>, %arg4: memref<1x1x1280xf32, #tpu.memory_space<vmem>>) attributes {dimension_semantics = [#tpu.dimension_semantics<arbitrary>], iteration_bounds = array<i64: 128>, scalar_prefetch = 1 : i64, scratch_operands = 0 : i64, tpu.core_type = #tpu.core_type<tc>, window_params = [{pipeline_mode = #tpu.pipeline_mode<synchronous>, transform_indices = @transform_0, window_bounds = array<i64: 10000, 128>}, {pipeline_mode = #tpu.pipeline_mode<synchronous>, transform_indices = @transform_1, window_bounds = array<i64: 10240, 256>}, {transform_indices = @transform_2, window_bounds = array<i64: 1, 1, 1280>}]} {
    %get3A = arith.index_cast %arg0 : i32 to index
    %get3A_0 = memref.load %arg1[%get3A] : memref<129xi32, #tpu.memory_space<smem>>
    %add3A = arith.constant 1 : i32
    %add3A_1 = arith.addi %arg0, %add3A : i32
    %get3A_2 = arith.index_cast %add3A_1 : i32 to index
    %get3A_3 = memref.load %arg1[%get3A_2] : memref<129xi32, #tpu.memory_space<smem>>
    %jit3A = arith.constant 8 : i32
    %div3A = arith.divsi %get3A_0, %jit3A : i32
    %sign3A = arith.constant 0 : i32
    %sign3A_4 = arith.cmpi sgt, %get3A_0, %sign3A : i32
    %sign3A_5 = arith.extui %sign3A_4 : i1 to i32
    %sign3A_6 = arith.constant 0 : i32
    %sign3A_7 = arith.cmpi slt, %get3A_0, %sign3A_6 : i32
    %sign3A_8 = arith.extui %sign3A_7 : i1 to i32
    %sign3A_9 = arith.subi %sign3A_5, %sign3A_8 : i32
    %sign3A_10 = arith.constant 0 : i32
    %sign3A_11 = arith.cmpi sgt, %jit3A, %sign3A_10 : i32
    %sign3A_12 = arith.extui %sign3A_11 : i1 to i32
    %sign3A_13 = arith.constant 0 : i32
    %sign3A_14 = arith.cmpi slt, %jit3A, %sign3A_13 : i32
    %sign3A_15 = arith.extui %sign3A_14 : i1 to i32
    %sign3A_16 = arith.subi %sign3A_12, %sign3A_15 : i32
    %ne3A = arith.cmpi ne, %sign3A_9, %sign3A_16 : i32
    %rem3A = arith.remsi %get3A_0, %jit3A : i32
    %ne3A_17 = arith.constant 0 : i32
    %ne3A_18 = arith.cmpi ne, %rem3A, %ne3A_17 : i32
    %and3A = arith.andi %ne3A, %ne3A_18 : i1
    %sub3A = arith.constant 1 : i32
    %sub3A_19 = arith.subi %div3A, %sub3A : i32
    %select_n3A = arith.select %and3A, %sub3A_19, %div3A : i32
    %add3A_20 = arith.constant 7 : i32
    %add3A_21 = arith.addi %get3A_3, %add3A_20 : i32
    %jit3A_22 = arith.constant 8 : i32
    %div3A_23 = arith.divsi %add3A_21, %jit3A_22 : i32
    %sign3A_24 = arith.constant 0 : i32
    %sign3A_25 = arith.cmpi sgt, %add3A_21, %sign3A_24 : i32
    %sign3A_26 = arith.extui %sign3A_25 : i1 to i32
    %sign3A_27 = arith.constant 0 : i32
    %sign3A_28 = arith.cmpi slt, %add3A_21, %sign3A_27 : i32
    %sign3A_29 = arith.extui %sign3A_28 : i1 to i32
    %sign3A_30 = arith.subi %sign3A_26, %sign3A_29 : i32
    %sign3A_31 = arith.constant 0 : i32
    %sign3A_32 = arith.cmpi sgt, %jit3A_22, %sign3A_31 : i32
    %sign3A_33 = arith.extui %sign3A_32 : i1 to i32
    %sign3A_34 = arith.constant 0 : i32
    %sign3A_35 = arith.cmpi slt, %jit3A_22, %sign3A_34 : i32
    %sign3A_36 = arith.extui %sign3A_35 : i1 to i32
    %sign3A_37 = arith.subi %sign3A_33, %sign3A_36 : i32
    %ne3A_38 = arith.cmpi ne, %sign3A_30, %sign3A_37 : i32
    %rem3A_39 = arith.remsi %add3A_21, %jit3A_22 : i32
    %ne3A_40 = arith.constant 0 : i32
    %ne3A_41 = arith.cmpi ne, %rem3A_39, %ne3A_40 : i32
    %and3A_42 = arith.andi %ne3A_38, %ne3A_41 : i1
    %sub3A_43 = arith.constant 1 : i32
    %sub3A_44 = arith.subi %div3A_23, %sub3A_43 : i32
    %select_n3A_45 = arith.select %and3A_42, %sub3A_44, %div3A_23 : i32
    %broadcast_in_dim3A = arith.constant 0.000000e+00 : f32
    %broadcast_in_dim3A_46 = vector.broadcast %broadcast_in_dim3A : f32 to vector<8x128xf32>
    %broadcast_in_dim3A_47 = arith.constant 0.000000e+00 : f32
    %broadcast_in_dim3A_48 = vector.broadcast %broadcast_in_dim3A_47 : f32 to vector<8x128xf32>
    %broadcast_in_dim3A_49 = arith.constant 0xFF800000 : f32
    %broadcast_in_dim3A_50 = vector.broadcast %broadcast_in_dim3A_49 : f32 to vector<8x128xf32>
    %broadcast_in_dim3A_51 = arith.constant 0x7F800000 : f32
    %broadcast_in_dim3A_52 = vector.broadcast %broadcast_in_dim3A_51 : f32 to vector<8x128xf32>
    %broadcast_in_dim3A_53 = arith.constant 0.000000e+00 : f32
    %broadcast_in_dim3A_54 = vector.broadcast %broadcast_in_dim3A_53 : f32 to vector<8x256xf32>
    %broadcast_in_dim3A_55 = arith.constant 0xFF800000 : f32
    %broadcast_in_dim3A_56 = vector.broadcast %broadcast_in_dim3A_55 : f32 to vector<8x256xf32>
    %while3A = arith.constant 0xFF800000 : f32
    %while3A_57 = arith.constant 0x7F800000 : f32
    %while3A_58 = arith.subi %select_n3A_45, %select_n3A : i32
    %while3A_59 = arith.addi %select_n3A, %while3A_58 : i32
    %while3A_60 = arith.constant 1 : i32
    %while3A_61 = arith.divsi %while3A_58, %while3A_60 : i32
    %while3A_62 = arith.muli %while3A_61, %while3A_60 : i32
    %while3A_63 = arith.addi %select_n3A, %while3A_62 : i32
    %while3A_64 = arith.constant 1 : i32
    %while3A_65:6 = scf.for %while3A_107 = %select_n3A to %while3A_63 step %while3A_64 iter_args(%while3A_108 = %broadcast_in_dim3A_46, %while3A_109 = %broadcast_in_dim3A_48, %while3A_110 = %broadcast_in_dim3A_50, %while3A_111 = %broadcast_in_dim3A_52, %while3A_112 = %broadcast_in_dim3A_54, %while3A_113 = %broadcast_in_dim3A_56) -> (vector<8x128xf32>, vector<8x128xf32>, vector<8x128xf32>, vector<8x128xf32>, vector<8x256xf32>, vector<8x256xf32>)  : i32 {
      %mul3A_114 = arith.constant 8 : i32
      %mul3A_115 = arith.muli %while3A_107, %mul3A_114 : i32
      %get3A_116 = arith.index_cast %mul3A_115 : i32 to index
      %get3A_117 = arith.constant 0 : index
      %get3A_118 = vector.load %arg2[%get3A_116, %get3A_117] : memref<10000x128xf32, #tpu.memory_space<vmem>>, vector<8x128xf32>
      %mul3A_119 = arith.constant 8 : i32
      %mul3A_120 = arith.muli %while3A_107, %mul3A_119 : i32
      %get3A_121 = arith.index_cast %mul3A_120 : i32 to index
      %get3A_122 = arith.constant 0 : index
      %get3A_123 = vector.load %arg3[%get3A_121, %get3A_122] : memref<10240x256xf32, #tpu.memory_space<vmem>>, vector<8x256xf32>
      %mul3A_124 = arith.constant 8 : i32
      %mul3A_125 = arith.muli %while3A_107, %mul3A_124 : i32
      %iota3A = tpu.iota {dimensions = array<i32: 0>} : vector<8x1xi32>
      %add3A_126 = vector.broadcast %mul3A_125 : i32 to vector<8x1xi32>
      %add3A_127 = arith.addi %add3A_126, %iota3A : vector<8x1xi32>
      %ge3A = vector.broadcast %get3A_0 : i32 to vector<8x1xi32>
      %ge3A_128 = arith.cmpi sge, %add3A_127, %ge3A : vector<8x1xi32>
      %lt3A = vector.broadcast %get3A_3 : i32 to vector<8x1xi32>
      %lt3A_129 = arith.cmpi slt, %add3A_127, %lt3A : vector<8x1xi32>
      %and3A_130 = arith.andi %ge3A_128, %lt3A_129 : vector<8x1xi1>
      %jit3A_131 = arith.constant 0.000000e+00 : f32
      %broadcast_in_dim3A_132 = vector.shape_cast %and3A_130 : vector<8x1xi1> to vector<8x1xi1>
      %broadcast_in_dim3A_133 = vector.broadcast %broadcast_in_dim3A_132 : vector<8x1xi1> to vector<8x128xi1>
      %broadcast_in_dim3A_134 = vector.broadcast %jit3A_131 : f32 to vector<8x128xf32>
      %select_n3A_135 = arith.select %broadcast_in_dim3A_133, %get3A_118, %broadcast_in_dim3A_134 : vector<8x128xi1>, vector<8x128xf32>
      %jit3A_136 = arith.constant 0.000000e+00 : f32
      %broadcast_in_dim3A_137 = vector.shape_cast %and3A_130 : vector<8x1xi1> to vector<8x1xi1>
      %broadcast_in_dim3A_138 = vector.broadcast %broadcast_in_dim3A_137 : vector<8x1xi1> to vector<8x256xi1>
      %broadcast_in_dim3A_139 = vector.broadcast %jit3A_136 : f32 to vector<8x256xf32>
      %select_n3A_140 = arith.select %broadcast_in_dim3A_138, %get3A_123, %broadcast_in_dim3A_139 : vector<8x256xi1>, vector<8x256xf32>
      %add3A_141 = arith.addf %while3A_108, %select_n3A_135 : vector<8x128xf32>
      %mul3A_142 = arith.mulf %select_n3A_135, %select_n3A_135 : vector<8x128xf32>
      %add3A_143 = arith.addf %while3A_109, %mul3A_142 : vector<8x128xf32>
      %broadcast_in_dim3A_144 = vector.shape_cast %and3A_130 : vector<8x1xi1> to vector<8x1xi1>
      %broadcast_in_dim3A_145 = vector.broadcast %broadcast_in_dim3A_144 : vector<8x1xi1> to vector<8x128xi1>
      %broadcast_in_dim3A_146 = vector.broadcast %while3A : f32 to vector<8x128xf32>
      %select_n3A_147 = arith.select %broadcast_in_dim3A_145, %get3A_118, %broadcast_in_dim3A_146 : vector<8x128xi1>, vector<8x128xf32>
      %max3A_148 = arith.maximumf %while3A_110, %select_n3A_147 : vector<8x128xf32>
      %broadcast_in_dim3A_149 = vector.shape_cast %and3A_130 : vector<8x1xi1> to vector<8x1xi1>
      %broadcast_in_dim3A_150 = vector.broadcast %broadcast_in_dim3A_149 : vector<8x1xi1> to vector<8x128xi1>
      %broadcast_in_dim3A_151 = vector.broadcast %while3A_57 : f32 to vector<8x128xf32>
      %select_n3A_152 = arith.select %broadcast_in_dim3A_150, %get3A_118, %broadcast_in_dim3A_151 : vector<8x128xi1>, vector<8x128xf32>
      %min3A = arith.minimumf %while3A_111, %select_n3A_152 : vector<8x128xf32>
      %add3A_153 = arith.addf %while3A_112, %select_n3A_140 : vector<8x256xf32>
      %broadcast_in_dim3A_154 = vector.shape_cast %and3A_130 : vector<8x1xi1> to vector<8x1xi1>
      %broadcast_in_dim3A_155 = vector.broadcast %broadcast_in_dim3A_154 : vector<8x1xi1> to vector<8x256xi1>
      %broadcast_in_dim3A_156 = vector.broadcast %while3A : f32 to vector<8x256xf32>
      %select_n3A_157 = arith.select %broadcast_in_dim3A_155, %get3A_123, %broadcast_in_dim3A_156 : vector<8x256xi1>, vector<8x256xf32>
      %max3A_158 = arith.maximumf %while3A_113, %select_n3A_157 : vector<8x256xf32>
      scf.yield %add3A_141, %add3A_143, %max3A_148, %min3A, %add3A_153, %max3A_158 : vector<8x128xf32>, vector<8x128xf32>, vector<8x128xf32>, vector<8x128xf32>, vector<8x256xf32>, vector<8x256xf32>
    }
    %while3A_66 = arith.constant 1 : i32
    %while3A_67:6 = scf.for %while3A_107 = %while3A_63 to %while3A_59 step %while3A_66 iter_args(%while3A_108 = %while3A_65#0, %while3A_109 = %while3A_65#1, %while3A_110 = %while3A_65#2, %while3A_111 = %while3A_65#3, %while3A_112 = %while3A_65#4, %while3A_113 = %while3A_65#5) -> (vector<8x128xf32>, vector<8x128xf32>, vector<8x128xf32>, vector<8x128xf32>, vector<8x256xf32>, vector<8x256xf32>)  : i32 {
      %mul3A_114 = arith.constant 8 : i32
      %mul3A_115 = arith.muli %while3A_107, %mul3A_114 : i32
      %get3A_116 = arith.index_cast %mul3A_115 : i32 to index
      %get3A_117 = arith.constant 0 : index
      %get3A_118 = vector.load %arg2[%get3A_116, %get3A_117] : memref<10000x128xf32, #tpu.memory_space<vmem>>, vector<8x128xf32>
      %mul3A_119 = arith.constant 8 : i32
      %mul3A_120 = arith.muli %while3A_107, %mul3A_119 : i32
      %get3A_121 = arith.index_cast %mul3A_120 : i32 to index
      %get3A_122 = arith.constant 0 : index
      %get3A_123 = vector.load %arg3[%get3A_121, %get3A_122] : memref<10240x256xf32, #tpu.memory_space<vmem>>, vector<8x256xf32>
      %mul3A_124 = arith.constant 8 : i32
      %mul3A_125 = arith.muli %while3A_107, %mul3A_124 : i32
      %iota3A = tpu.iota {dimensions = array<i32: 0>} : vector<8x1xi32>
      %add3A_126 = vector.broadcast %mul3A_125 : i32 to vector<8x1xi32>
      %add3A_127 = arith.addi %add3A_126, %iota3A : vector<8x1xi32>
      %ge3A = vector.broadcast %get3A_0 : i32 to vector<8x1xi32>
      %ge3A_128 = arith.cmpi sge, %add3A_127, %ge3A : vector<8x1xi32>
      %lt3A = vector.broadcast %get3A_3 : i32 to vector<8x1xi32>
      %lt3A_129 = arith.cmpi slt, %add3A_127, %lt3A : vector<8x1xi32>
      %and3A_130 = arith.andi %ge3A_128, %lt3A_129 : vector<8x1xi1>
      %jit3A_131 = arith.constant 0.000000e+00 : f32
      %broadcast_in_dim3A_132 = vector.shape_cast %and3A_130 : vector<8x1xi1> to vector<8x1xi1>
      %broadcast_in_dim3A_133 = vector.broadcast %broadcast_in_dim3A_132 : vector<8x1xi1> to vector<8x128xi1>
      %broadcast_in_dim3A_134 = vector.broadcast %jit3A_131 : f32 to vector<8x128xf32>
      %select_n3A_135 = arith.select %broadcast_in_dim3A_133, %get3A_118, %broadcast_in_dim3A_134 : vector<8x128xi1>, vector<8x128xf32>
      %jit3A_136 = arith.constant 0.000000e+00 : f32
      %broadcast_in_dim3A_137 = vector.shape_cast %and3A_130 : vector<8x1xi1> to vector<8x1xi1>
      %broadcast_in_dim3A_138 = vector.broadcast %broadcast_in_dim3A_137 : vector<8x1xi1> to vector<8x256xi1>
      %broadcast_in_dim3A_139 = vector.broadcast %jit3A_136 : f32 to vector<8x256xf32>
      %select_n3A_140 = arith.select %broadcast_in_dim3A_138, %get3A_123, %broadcast_in_dim3A_139 : vector<8x256xi1>, vector<8x256xf32>
      %add3A_141 = arith.addf %while3A_108, %select_n3A_135 : vector<8x128xf32>
      %mul3A_142 = arith.mulf %select_n3A_135, %select_n3A_135 : vector<8x128xf32>
      %add3A_143 = arith.addf %while3A_109, %mul3A_142 : vector<8x128xf32>
      %broadcast_in_dim3A_144 = vector.shape_cast %and3A_130 : vector<8x1xi1> to vector<8x1xi1>
      %broadcast_in_dim3A_145 = vector.broadcast %broadcast_in_dim3A_144 : vector<8x1xi1> to vector<8x128xi1>
      %broadcast_in_dim3A_146 = vector.broadcast %while3A : f32 to vector<8x128xf32>
      %select_n3A_147 = arith.select %broadcast_in_dim3A_145, %get3A_118, %broadcast_in_dim3A_146 : vector<8x128xi1>, vector<8x128xf32>
      %max3A_148 = arith.maximumf %while3A_110, %select_n3A_147 : vector<8x128xf32>
      %broadcast_in_dim3A_149 = vector.shape_cast %and3A_130 : vector<8x1xi1> to vector<8x1xi1>
      %broadcast_in_dim3A_150 = vector.broadcast %broadcast_in_dim3A_149 : vector<8x1xi1> to vector<8x128xi1>
      %broadcast_in_dim3A_151 = vector.broadcast %while3A_57 : f32 to vector<8x128xf32>
      %select_n3A_152 = arith.select %broadcast_in_dim3A_150, %get3A_118, %broadcast_in_dim3A_151 : vector<8x128xi1>, vector<8x128xf32>
      %min3A = arith.minimumf %while3A_111, %select_n3A_152 : vector<8x128xf32>
      %add3A_153 = arith.addf %while3A_112, %select_n3A_140 : vector<8x256xf32>
      %broadcast_in_dim3A_154 = vector.shape_cast %and3A_130 : vector<8x1xi1> to vector<8x1xi1>
      %broadcast_in_dim3A_155 = vector.broadcast %broadcast_in_dim3A_154 : vector<8x1xi1> to vector<8x256xi1>
      %broadcast_in_dim3A_156 = vector.broadcast %while3A : f32 to vector<8x256xf32>
      %select_n3A_157 = arith.select %broadcast_in_dim3A_155, %get3A_123, %broadcast_in_dim3A_156 : vector<8x256xi1>, vector<8x256xf32>
      %max3A_158 = arith.maximumf %while3A_113, %select_n3A_157 : vector<8x256xf32>
      scf.yield %add3A_141, %add3A_143, %max3A_148, %min3A, %add3A_153, %max3A_158 : vector<8x128xf32>, vector<8x128xf32>, vector<8x128xf32>, vector<8x128xf32>, vector<8x256xf32>, vector<8x256xf32>
    }
    %sub3A_68 = arith.subi %get3A_3, %get3A_0 : i32
    %convert_element_type3A = arith.sitofp %sub3A_68 : i32 to f32
    %gt3A = arith.constant 0.000000e+00 : f32
    %gt3A_69 = arith.cmpf ogt, %convert_element_type3A, %gt3A : f32
    %max3A = arith.constant 1.000000e+00 : f32
    %max3A_70 = arith.maximumf %convert_element_type3A, %max3A : f32
    %reduce_sum3A = arith.constant dense<0.000000e+00> : vector<128xf32>
    %reduce_sum3A_71 = vector.multi_reduction <add>, %while3A_67#0, %reduce_sum3A [0] : vector<8x128xf32> to vector<128xf32>
    %broadcast_in_dim3A_72 = vector.shape_cast %reduce_sum3A_71 : vector<128xf32> to vector<1x128xf32>
    %reduce_sum3A_73 = arith.constant dense<0.000000e+00> : vector<128xf32>
    %reduce_sum3A_74 = vector.multi_reduction <add>, %while3A_67#1, %reduce_sum3A_73 [0] : vector<8x128xf32> to vector<128xf32>
    %broadcast_in_dim3A_75 = vector.shape_cast %reduce_sum3A_74 : vector<128xf32> to vector<1x128xf32>
    %reduce_max3A = arith.constant dense<0xFF800000> : vector<128xf32>
    %reduce_max3A_76 = vector.multi_reduction <maximumf>, %while3A_67#2, %reduce_max3A [0] : vector<8x128xf32> to vector<128xf32>
    %broadcast_in_dim3A_77 = vector.shape_cast %reduce_max3A_76 : vector<128xf32> to vector<1x128xf32>
    %jit3A_78 = arith.constant 0.000000e+00 : f32
    %broadcast_in_dim3A_79 = vector.broadcast %jit3A_78 : f32 to vector<1x128xf32>
    %select_n3A_80 = arith.select %gt3A_69, %broadcast_in_dim3A_77, %broadcast_in_dim3A_79 : vector<1x128xf32>
    %reduce_min3A = arith.constant dense<0x7F800000> : vector<128xf32>
    %reduce_min3A_81 = vector.multi_reduction <minimumf>, %while3A_67#3, %reduce_min3A [0] : vector<8x128xf32> to vector<128xf32>
    %broadcast_in_dim3A_82 = vector.shape_cast %reduce_min3A_81 : vector<128xf32> to vector<1x128xf32>
    %jit3A_83 = arith.constant 0.000000e+00 : f32
    %broadcast_in_dim3A_84 = vector.broadcast %jit3A_83 : f32 to vector<1x128xf32>
    %select_n3A_85 = arith.select %gt3A_69, %broadcast_in_dim3A_82, %broadcast_in_dim3A_84 : vector<1x128xf32>
    %reduce_sum3A_86 = arith.constant dense<0.000000e+00> : vector<256xf32>
    %reduce_sum3A_87 = vector.multi_reduction <add>, %while3A_67#4, %reduce_sum3A_86 [0] : vector<8x256xf32> to vector<256xf32>
    %broadcast_in_dim3A_88 = vector.shape_cast %reduce_sum3A_87 : vector<256xf32> to vector<1x256xf32>
    %reduce_max3A_89 = arith.constant dense<0xFF800000> : vector<256xf32>
    %reduce_max3A_90 = vector.multi_reduction <maximumf>, %while3A_67#5, %reduce_max3A_89 [0] : vector<8x256xf32> to vector<256xf32>
    %broadcast_in_dim3A_91 = vector.shape_cast %reduce_max3A_90 : vector<256xf32> to vector<1x256xf32>
    %jit3A_92 = arith.constant 0.000000e+00 : f32
    %broadcast_in_dim3A_93 = vector.broadcast %jit3A_92 : f32 to vector<1x256xf32>
    %select_n3A_94 = arith.select %gt3A_69, %broadcast_in_dim3A_91, %broadcast_in_dim3A_93 : vector<1x256xf32>
    %div3A_95 = vector.broadcast %max3A_70 : f32 to vector<1x128xf32>
    %div3A_96 = arith.divf %broadcast_in_dim3A_72, %div3A_95 : vector<1x128xf32>
    %div3A_97 = vector.broadcast %max3A_70 : f32 to vector<1x128xf32>
    %div3A_98 = arith.divf %broadcast_in_dim3A_75, %div3A_97 : vector<1x128xf32>
    %mul3A = arith.mulf %div3A_96, %div3A_96 : vector<1x128xf32>
    %sub3A_99 = arith.subf %div3A_98, %mul3A : vector<1x128xf32>
    %abs3A = math.absf %sub3A_99 : vector<1x128xf32>
    %div3A_100 = vector.broadcast %max3A_70 : f32 to vector<1x256xf32>
    %div3A_101 = arith.divf %broadcast_in_dim3A_88, %div3A_100 : vector<1x256xf32>
    %concatenate3A = tpu.concatenate %select_n3A_94, %div3A_101, %broadcast_in_dim3A_88, %div3A_96, %abs3A, %select_n3A_80, %select_n3A_85 in 1 : vector<1x256xf32>, vector<1x256xf32>, vector<1x256xf32>, vector<1x128xf32>, vector<1x128xf32>, vector<1x128xf32>, vector<1x128xf32> -> vector<1x1280xf32>
    %swap3A = arith.constant 0 : index
    %swap3A_102 = arith.constant 0 : index
    %swap3A_103 = arith.constant 0 : index
    %swap3A_104 = vector.load %arg4[%swap3A, %swap3A_102, %swap3A_103] : memref<1x1x1280xf32, #tpu.memory_space<vmem>>, vector<1x1x1280xf32>
    %swap3A_105 = vector.shape_cast %swap3A_104 : vector<1x1x1280xf32> to vector<1x1280xf32>
    %swap3A_106 = vector.shape_cast %concatenate3A : vector<1x1280xf32> to vector<1x1x1280xf32>
    tpu.vector_store %arg4[%swap3A, %swap3A_102, %swap3A_103], %swap3A_106 {strides = array<i32>} : memref<1x1x1280xf32, #tpu.memory_space<vmem>>, vector<1x1x1280xf32>,
    return
  }
  func.func @transform_0(%arg0: i32, %arg1: memref<129xi32, #tpu.memory_space<smem>>) -> (i32, i32) {
    %c0_i32 = arith.constant 0 : i32
    %c0_i32_0 = arith.constant 0 : i32
    %c0_i32_1 = arith.constant 0 : i32
    return %c0_i32, %c0_i32_0 : i32, i32
  }
  func.func @transform_1(%arg0: i32, %arg1: memref<129xi32, #tpu.memory_space<smem>>) -> (i32, i32) {
    %c0_i32 = arith.constant 0 : i32
    %c0_i32_0 = arith.constant 0 : i32
    %c0_i32_1 = arith.constant 0 : i32
    return %c0_i32, %c0_i32_0 : i32, i32
  }
  func.func @transform_2(%arg0: i32, %arg1: memref<129xi32, #tpu.memory_space<smem>>) -> (i32, i32, i32) {
    %c0_i32 = arith.constant 0 : i32
    %c0_i32_0 = arith.constant 0 : i32
    %c0_i32_1 = arith.constant 0 : i32
    return %arg0, %c0_i32, %c0_i32_0 : i32, i32, i32
  }
}

module attributes {stable_mosaic.version = 14 : i64} {
  func.func @_decoder_body(%arg0: memref<128x1280xf32, #tpu.memory_space<vmem>>, %arg1: memref<1280x2048xf32, #tpu.memory_space<vmem>>, %arg2: memref<1x2048xf32, #tpu.memory_space<vmem>>, %arg3: memref<1x2048xf32, #tpu.memory_space<vmem>>, %arg4: memref<1x2048xf32, #tpu.memory_space<vmem>>, %arg5: memref<2048x1024xf32, #tpu.memory_space<vmem>>, %arg6: memref<1x1024xf32, #tpu.memory_space<vmem>>, %arg7: memref<1x1024xf32, #tpu.memory_space<vmem>>, %arg8: memref<1x1024xf32, #tpu.memory_space<vmem>>, %arg9: memref<1024x512xf32, #tpu.memory_space<vmem>>, %arg10: memref<1x512xf32, #tpu.memory_space<vmem>>, %arg11: memref<1x512xf32, #tpu.memory_space<vmem>>, %arg12: memref<1x512xf32, #tpu.memory_space<vmem>>, %arg13: memref<512x8xf32, #tpu.memory_space<vmem>>, %arg14: memref<1x8xf32, #tpu.memory_space<vmem>>, %arg15: memref<128x5xf32, #tpu.memory_space<vmem>>) attributes {dimension_semantics = [], scalar_prefetch = 0 : i64, scratch_operands = 0 : i64, tpu.core_type = #tpu.core_type<tc>} {
    %get3A = arith.constant 0 : index
    %get3A_0 = arith.constant 0 : index
    %get3A_1 = vector.load %arg0[%get3A, %get3A_0] : memref<128x1280xf32, #tpu.memory_space<vmem>>, vector<128x1280xf32>
    %get3A_2 = arith.constant 0 : index
    %get3A_3 = arith.constant 0 : index
    %get3A_4 = vector.load %arg1[%get3A_2, %get3A_3] : memref<1280x2048xf32, #tpu.memory_space<vmem>>, vector<1280x2048xf32>
    %dot_general3A = arith.constant dense<0.000000e+00> : vector<128x2048xf32>
    %dot_general3A_5 = tpu.matmul %get3A_1, %get3A_4, %dot_general3A {dimension_numbers = #tpu.dot_dimension_numbers<[1], [0], [0], [1], [0, 0, 1, 1], [], []>, transpose_lhs_hint = false} : vector<128x1280xf32>, vector<1280x2048xf32>, vector<128x2048xf32> -> vector<128x2048xf32>
    %get3A_6 = arith.constant 0 : index
    %get3A_7 = arith.constant 0 : index
    %get3A_8 = vector.load %arg2[%get3A_6, %get3A_7] : memref<1x2048xf32, #tpu.memory_space<vmem>>, vector<1x2048xf32>
    %add3A = vector.broadcast %get3A_8 : vector<1x2048xf32> to vector<128x2048xf32>
    %add3A_9 = arith.addf %dot_general3A_5, %add3A : vector<128x2048xf32>
    %ge3A = arith.constant 0.000000e+00 : f32
    %ge3A_10 = vector.broadcast %ge3A : f32 to vector<128x2048xf32>
    %ge3A_11 = arith.cmpf oge, %add3A_9, %ge3A_10 : vector<128x2048xf32>
    %mul3A = arith.constant 1.500000e-01 : f32
    %mul3A_12 = vector.broadcast %mul3A : f32 to vector<128x2048xf32>
    %mul3A_13 = arith.mulf %mul3A_12, %add3A_9 : vector<128x2048xf32>
    %select_n3A = arith.select %ge3A_11, %add3A_9, %mul3A_13 : vector<128x2048xi1>, vector<128x2048xf32>
    %get3A_14 = arith.constant 0 : index
    %get3A_15 = arith.constant 0 : index
    %get3A_16 = vector.load %arg3[%get3A_14, %get3A_15] : memref<1x2048xf32, #tpu.memory_space<vmem>>, vector<1x2048xf32>
    %mul3A_17 = vector.broadcast %get3A_16 : vector<1x2048xf32> to vector<128x2048xf32>
    %mul3A_18 = arith.mulf %mul3A_17, %select_n3A : vector<128x2048xf32>
    %get3A_19 = arith.constant 0 : index
    %get3A_20 = arith.constant 0 : index
    %get3A_21 = vector.load %arg4[%get3A_19, %get3A_20] : memref<1x2048xf32, #tpu.memory_space<vmem>>, vector<1x2048xf32>
    %add3A_22 = vector.broadcast %get3A_21 : vector<1x2048xf32> to vector<128x2048xf32>
    %add3A_23 = arith.addf %mul3A_18, %add3A_22 : vector<128x2048xf32>
    %get3A_24 = arith.constant 0 : index
    %get3A_25 = arith.constant 0 : index
    %get3A_26 = vector.load %arg5[%get3A_24, %get3A_25] : memref<2048x1024xf32, #tpu.memory_space<vmem>>, vector<2048x1024xf32>
    %dot_general3A_27 = arith.constant dense<0.000000e+00> : vector<128x1024xf32>
    %dot_general3A_28 = tpu.matmul %add3A_23, %get3A_26, %dot_general3A_27 {dimension_numbers = #tpu.dot_dimension_numbers<[1], [0], [0], [1], [0, 0, 1, 1], [], []>, transpose_lhs_hint = false} : vector<128x2048xf32>, vector<2048x1024xf32>, vector<128x1024xf32> -> vector<128x1024xf32>
    %get3A_29 = arith.constant 0 : index
    %get3A_30 = arith.constant 0 : index
    %get3A_31 = vector.load %arg6[%get3A_29, %get3A_30] : memref<1x1024xf32, #tpu.memory_space<vmem>>, vector<1x1024xf32>
    %add3A_32 = vector.broadcast %get3A_31 : vector<1x1024xf32> to vector<128x1024xf32>
    %add3A_33 = arith.addf %dot_general3A_28, %add3A_32 : vector<128x1024xf32>
    %ge3A_34 = arith.constant 0.000000e+00 : f32
    %ge3A_35 = vector.broadcast %ge3A_34 : f32 to vector<128x1024xf32>
    %ge3A_36 = arith.cmpf oge, %add3A_33, %ge3A_35 : vector<128x1024xf32>
    %mul3A_37 = arith.constant 1.500000e-01 : f32
    %mul3A_38 = vector.broadcast %mul3A_37 : f32 to vector<128x1024xf32>
    %mul3A_39 = arith.mulf %mul3A_38, %add3A_33 : vector<128x1024xf32>
    %select_n3A_40 = arith.select %ge3A_36, %add3A_33, %mul3A_39 : vector<128x1024xi1>, vector<128x1024xf32>
    %get3A_41 = arith.constant 0 : index
    %get3A_42 = arith.constant 0 : index
    %get3A_43 = vector.load %arg7[%get3A_41, %get3A_42] : memref<1x1024xf32, #tpu.memory_space<vmem>>, vector<1x1024xf32>
    %mul3A_44 = vector.broadcast %get3A_43 : vector<1x1024xf32> to vector<128x1024xf32>
    %mul3A_45 = arith.mulf %mul3A_44, %select_n3A_40 : vector<128x1024xf32>
    %get3A_46 = arith.constant 0 : index
    %get3A_47 = arith.constant 0 : index
    %get3A_48 = vector.load %arg8[%get3A_46, %get3A_47] : memref<1x1024xf32, #tpu.memory_space<vmem>>, vector<1x1024xf32>
    %add3A_49 = vector.broadcast %get3A_48 : vector<1x1024xf32> to vector<128x1024xf32>
    %add3A_50 = arith.addf %mul3A_45, %add3A_49 : vector<128x1024xf32>
    %get3A_51 = arith.constant 0 : index
    %get3A_52 = arith.constant 0 : index
    %get3A_53 = vector.load %arg9[%get3A_51, %get3A_52] : memref<1024x512xf32, #tpu.memory_space<vmem>>, vector<1024x512xf32>
    %dot_general3A_54 = arith.constant dense<0.000000e+00> : vector<128x512xf32>
    %dot_general3A_55 = tpu.matmul %add3A_50, %get3A_53, %dot_general3A_54 {dimension_numbers = #tpu.dot_dimension_numbers<[1], [0], [0], [1], [0, 0, 1, 1], [], []>, transpose_lhs_hint = false} : vector<128x1024xf32>, vector<1024x512xf32>, vector<128x512xf32> -> vector<128x512xf32>
    %get3A_56 = arith.constant 0 : index
    %get3A_57 = arith.constant 0 : index
    %get3A_58 = vector.load %arg10[%get3A_56, %get3A_57] : memref<1x512xf32, #tpu.memory_space<vmem>>, vector<1x512xf32>
    %add3A_59 = vector.broadcast %get3A_58 : vector<1x512xf32> to vector<128x512xf32>
    %add3A_60 = arith.addf %dot_general3A_55, %add3A_59 : vector<128x512xf32>
    %ge3A_61 = arith.constant 0.000000e+00 : f32
    %ge3A_62 = vector.broadcast %ge3A_61 : f32 to vector<128x512xf32>
    %ge3A_63 = arith.cmpf oge, %add3A_60, %ge3A_62 : vector<128x512xf32>
    %mul3A_64 = arith.constant 1.500000e-01 : f32
    %mul3A_65 = vector.broadcast %mul3A_64 : f32 to vector<128x512xf32>
    %mul3A_66 = arith.mulf %mul3A_65, %add3A_60 : vector<128x512xf32>
    %select_n3A_67 = arith.select %ge3A_63, %add3A_60, %mul3A_66 : vector<128x512xi1>, vector<128x512xf32>
    %get3A_68 = arith.constant 0 : index
    %get3A_69 = arith.constant 0 : index
    %get3A_70 = vector.load %arg11[%get3A_68, %get3A_69] : memref<1x512xf32, #tpu.memory_space<vmem>>, vector<1x512xf32>
    %mul3A_71 = vector.broadcast %get3A_70 : vector<1x512xf32> to vector<128x512xf32>
    %mul3A_72 = arith.mulf %mul3A_71, %select_n3A_67 : vector<128x512xf32>
    %get3A_73 = arith.constant 0 : index
    %get3A_74 = arith.constant 0 : index
    %get3A_75 = vector.load %arg12[%get3A_73, %get3A_74] : memref<1x512xf32, #tpu.memory_space<vmem>>, vector<1x512xf32>
    %add3A_76 = vector.broadcast %get3A_75 : vector<1x512xf32> to vector<128x512xf32>
    %add3A_77 = arith.addf %mul3A_72, %add3A_76 : vector<128x512xf32>
    %get3A_78 = arith.constant 0 : index
    %get3A_79 = arith.constant 0 : index
    %get3A_80 = vector.load %arg13[%get3A_78, %get3A_79] : memref<512x8xf32, #tpu.memory_space<vmem>>, vector<512x8xf32>
    %dot_general3A_81 = arith.constant dense<0.000000e+00> : vector<128x8xf32>
    %dot_general3A_82 = tpu.matmul %add3A_77, %get3A_80, %dot_general3A_81 {dimension_numbers = #tpu.dot_dimension_numbers<[1], [0], [0], [1], [0, 0, 1, 1], [], []>, transpose_lhs_hint = false} : vector<128x512xf32>, vector<512x8xf32>, vector<128x8xf32> -> vector<128x8xf32>
    %get3A_83 = arith.constant 0 : index
    %get3A_84 = arith.constant 0 : index
    %get3A_85 = vector.load %arg14[%get3A_83, %get3A_84] : memref<1x8xf32, #tpu.memory_space<vmem>>, vector<1x8xf32>
    %add3A_86 = vector.broadcast %get3A_85 : vector<1x8xf32> to vector<128x8xf32>
    %add3A_87 = arith.addf %dot_general3A_82, %add3A_86 : vector<128x8xf32>
    %slice3A = vector.extract_strided_slice %add3A_87 {offsets = [0, 0], sizes = [128, 1], strides = [1, 1]} : vector<128x8xf32> to vector<128x1xf32>
    %slice3A_88 = vector.extract_strided_slice %add3A_87 {offsets = [0, 1], sizes = [128, 2], strides = [1, 1]} : vector<128x8xf32> to vector<128x2xf32>
    %logistic3A = arith.negf %slice3A_88 : vector<128x2xf32>
    %logistic3A_89 = math.exp %logistic3A : vector<128x2xf32>
    %logistic3A_90 = arith.constant 1.000000e+00 : f32
    %logistic3A_91 = vector.broadcast %logistic3A_90 : f32 to vector<128x2xf32>
    %logistic3A_92 = arith.addf %logistic3A_91, %logistic3A_89 : vector<128x2xf32>
    %logistic3A_93 = arith.divf %logistic3A_91, %logistic3A_92 : vector<128x2xf32>
    %slice3A_94 = vector.extract_strided_slice %add3A_87 {offsets = [0, 3], sizes = [128, 2], strides = [1, 1]} : vector<128x8xf32> to vector<128x2xf32>
    %abs3A = math.absf %slice3A_94 : vector<128x2xf32>
    %add3A_95 = arith.constant 9.99999974E-6 : f32
    %add3A_96 = vector.broadcast %add3A_95 : f32 to vector<128x2xf32>
    %add3A_97 = arith.addf %abs3A, %add3A_96 : vector<128x2xf32>
    %slice3A_98 = vector.extract_strided_slice %logistic3A_93 {offsets = [0, 0], sizes = [128, 1], strides = [1, 1]} : vector<128x2xf32> to vector<128x1xf32>
    %mul3A_99 = arith.constant 3.14159274 : f32
    %mul3A_100 = vector.broadcast %mul3A_99 : f32 to vector<128x1xf32>
    %mul3A_101 = arith.mulf %slice3A_98, %mul3A_100 : vector<128x1xf32>
    %slice3A_102 = vector.extract_strided_slice %logistic3A_93 {offsets = [0, 1], sizes = [128, 1], strides = [1, 1]} : vector<128x2xf32> to vector<128x1xf32>
    %mul3A_103 = arith.constant 6.28318548 : f32
    %mul3A_104 = vector.broadcast %mul3A_103 : f32 to vector<128x1xf32>
    %mul3A_105 = arith.mulf %slice3A_102, %mul3A_104 : vector<128x1xf32>
    %concatenate3A = tpu.concatenate %slice3A, %mul3A_101, %mul3A_105, %add3A_97 in 1 : vector<128x1xf32>, vector<128x1xf32>, vector<128x1xf32>, vector<128x2xf32> -> vector<128x5xf32>
    %swap3A = arith.constant 0 : index
    %swap3A_106 = arith.constant 0 : index
    %swap3A_107 = vector.load %arg15[%swap3A, %swap3A_106] : memref<128x5xf32, #tpu.memory_space<vmem>>, vector<128x5xf32>
    tpu.vector_store %arg15[%swap3A, %swap3A_106], %concatenate3A {strides = array<i32>} : memref<128x5xf32, #tpu.memory_space<vmem>>, vector<128x5xf32>,
    return
  }
}

</mosaic_0001>

<sc_bundles>
// kernel: kernel.12.cloned.1.call-start
scs
__scs_entry_jumppad:
0x0: {  	(pc) =	sbr.rel $0x88, $3  }
0x1: {  	(tag) =	ssettag $0x0;
	lr =	simm.s32 $0x1  }
0x2: {  	[smem:$0x3F70] =	sst lr;
	_ =	strace $0xD0000000  }
0x3: {  	_ = 	snop  }
0x4: {  	_ = 	snop  }
0x5: {  	_ = 	snop  }
0x6: {  	_ = 	snop  }
0x7: {  	_ = 	snop  }
__scs_overlays_trampoline_lowered:
0x8: {  	[smem:$0x3F7F] =	sst s0  }
0x9: {  	[smem:$0x3F80] =	sst s1  }
0xa: {  	[smem:$0x3F81] =	sst s2  }
0xb: {  	[smem:$0x3F82] =	sst s3  }
0xc: {  	[smem:$0x3F83] =	sst s4  }
0xd: {  	[smem:$0x3F84] =	sst s5  }
0xe: {  	[smem:$0x3F85] =	sst s6  }
0xf: {  	[smem:$0x3F86] =	sst s7  }
0x10: {  	[smem:$0x3F87] =	sst s8  }
0x11: {  	[smem:$0x3F88] =	sst s9;
	s0 =	simm.s32 @!p0 $0x0  }
0x12: {  	s1 =	sld [smem:$0x3F6E];
	s0 =	simm.s32 @p0 $0x1  }
0x13: {  	[smem:$0x3F89] =	sst s0;
	s0 =	simm.s32 @!p1 $0x0  }
0x14: {  	s2 =	sld [smem:$0x3F6D];
	s0 =	simm.s32 @p1 $0x1  }
0x15: {  	[smem:$0x3F8A] =	sst s0;
	s0 =	simm.s32 @!p2 $0x0  }
0x16: {  	s3 =	sld [smem:$0x3FDB];
	s0 =	simm.s32 @p2 $0x1  }
0x17: {  	s4 =	simm.s32 $0x1BF5;
	[smem:$0x3F8C] =	sst s0  }
0x18: {  	s0 =	sld [smem:$0x3F6F];
	_ =	swait.ge [sflag:s4], $0x0  }
0x19: {  	s7 =	sld [smem:$0x3F70]  }
0x1a: {  	s8 =	sadd.s32 $0xFFFFE003, lr  }
0x1b: {  	s9 =	sadd.s32 $0xFFFFFEF7, lr;
	s5 =	simm.s32 $0xFFFFFFFF;
	p2 =	slt.u32 s8, $0xFFFFF086  }
0x1c: {  	p1 =	slt.u32 s9, $0xF7A;
	s5 =	simm.s32 @!p2 $0x0  }
0x1d: {  	s5 =	simm.s32 @p1 $0x1;
	p0 =	seq.s32 s7, s2  }
0x1e: {  	s7 =	smul.u32 @!p0 $0xF7A, s2;
	p2 =	seq.s32 @!p0 s5, $0x0  }
0x1f: {  	s9 =	smul.u32 $0xF7A, s1;
	s8 =	simm.s32 @!p0 $0x1BF5;
	p2 =	por !p2, p0  }
0x20: {  	[sflag:s8] =	ssyncset.s32 @!p0 $0xFFFFF086;
	s6 =	sadd.s32 @!p0 s3, s7;
	s7 =	simm.s32 @!p0 $0x108  }
0x21: {  	s3 =	sadd.s32 s3, s9;
	s6 =	sadd.s32 @!p0 $0x88, s6;
	s7 =	simm.s32 @p2 $0x1082  }
0x22: {  	[simem:s7], [sflag:s8] =	dma.local @!p0 [hbm:s6], $0xF7A  }
0x23: {  	s9 =	sor.u32 $0xD0000000, s2;
	s6 =	simm.s32 $0x108;
	_ =	swait.ge @!p0 [sflag:s8], $0x0  }
0x24: {  	s3 =	sadd.s32 $0x88, s3;
	s6 =	simm.s32 @!p1 $0x1082;
	[sflag:s4] =	ssyncset.s32 $0xFFFFF086  }
0x25: {  	[simem:s6], [sflag:s4] =	dma.local [hbm:s3], $0xF7A  }
0x26: {  	[smem:$0x3F70] =	sst s1;
	(tag) =	ssettag s2;
	_ =	strace s9  }
0x27: {  	s1 =	sld [smem:$0x3F80]  }
0x28: {  	s2 =	sld [smem:$0x3F81]  }
0x29: {  	s4 =	sld [smem:$0x3F83]  }
0x2a: {  	p0 =	seq.s32 s5, $0x0;
	s5 =	sld [smem:$0x3F84]  }
0x2b: {  	s6 =	sld [smem:$0x3F85]  }
0x2c: {  	s7 =	sld [smem:$0x3F86]  }
0x2d: {  	s3 =	simm.s32 $0x108;
	s8 =	sld [smem:$0x3F87]  }
0x2e: {  	s3 =	simm.s32 @!p0 $0x1082;
	s9 =	sld [smem:$0x3F88]  }
0x2f: {  	lr =	sadd.s32 s0, s3;
	s0 =	sld [smem:$0x3F7F]  }
0x30: {  	s3 =	sld [smem:$0x3F82]  }
0x31: {  	[smem:$0x3F8B] =	sst s10  }
0x32: {  	s10 =	sld [smem:$0x3F89];
	_ =	sdelay $0x3  }
0x33: {  	p0 =	seq.s32 s10, $0x1;
	s10 =	sld [smem:$0x3F8B];
	_ =	sdelay $0x3  }
0x34: {  	[smem:$0x3F8B] =	sst s10  }
0x35: {  	s10 =	sld [smem:$0x3F8A];
	_ =	sdelay $0x3  }
0x36: {  	p1 =	seq.s32 s10, $0x1;
	s10 =	sld [smem:$0x3F8B];
	_ =	sdelay $0x3  }
0x37: {  	[smem:$0x3F8B] =	sst s10  }
0x38: {  	s10 =	sld [smem:$0x3F8C]  }
0x39: {  	_ = 	snop;
	(pc) =	sbr.ind lr, $3  }
0x3a: {  	_ = 	snop  }
0x3b: {  	_ = 	snop  }
0x3c: {  	p2 =	seq.s32 s10, $0x1;
	s10 =	sld [smem:$0x3F8B]  }
0x3d: {  	_ =	shalt  }
0x3e: {  	_ =	shalt  }
0x3f: {  	_ =	shalt  }
0x40: {  	_ =	shalt  }
0x41: {  	_ =	shalt  }
0x42: {  	_ =	shalt  }
0x43: {  	_ =	shalt  }
0x44: {  	_ =	shalt  }
0x45: {  	_ =	shalt  }
0x46: {  	_ =	shalt  }
0x47: {  	_ =	shalt  }
0x48: {  	_ =	shalt  }
0x49: {  	_ =	shalt  }
0x4a: {  	_ =	shalt  }
0x4b: {  	_ =	shalt  }
0x4c: {  	_ =	shalt  }
0x4d: {  	_ =	shalt  }
0x4e: {  	_ =	shalt  }
0x4f: {  	_ =	shalt  }
0x50: {  	_ =	shalt  }
0x51: {  	_ =	shalt  }
0x52: {  	_ =	shalt  }
0x53: {  	_ =	shalt  }
0x54: {  	_ =	shalt  }
0x55: {  	_ =	shalt  }
0x56: {  	_ =	shalt  }
0x57: {  	_ =	shalt  }
0x58: {  	_ =	shalt  }
0x59: {  	_ =	shalt  }
0x5a: {  	_ =	shalt  }
0x5b: {  	_ =	shalt  }
0x5c: {  	_ =	shalt  }
0x5d: {  	_ =	shalt  }
0x5e: {  	_ =	shalt  }
0x5f: {  	_ =	shalt  }
0x60: {  	_ =	shalt  }
0x61: {  	_ =	shalt  }
0x62: {  	_ =	shalt  }
0x63: {  	_ =	shalt  }
0x64: {  	_ =	shalt  }
0x65: {  	_ =	shalt  }
0x66: {  	_ =	shalt  }
0x67: {  	_ =	shalt  }
0x68: {  	_ =	shalt  }
0x69: {  	_ =	shalt  }
0x6a: {  	_ =	shalt  }
0x6b: {  	_ =	shalt  }
0x6c: {  	_ =	shalt  }
0x6d: {  	_ =	shalt  }
0x6e: {  	_ =	shalt  }
0x6f: {  	_ =	shalt  }
0x70: {  	_ =	shalt  }
0x71: {  	_ =	shalt  }
0x72: {  	_ =	shalt  }
0x73: {  	_ =	shalt  }
0x74: {  	_ =	shalt  }
0x75: {  	_ =	shalt  }
0x76: {  	_ =	shalt  }
0x77: {  	_ =	shalt  }
0x78: {  	_ =	shalt  }
0x79: {  	_ =	shalt  }
0x7a: {  	_ =	shalt  }
0x7b: {  	_ =	shalt  }
0x7c: {  	_ =	shalt  }
0x7d: {  	_ =	shalt  }
0x7e: {  	_ =	shalt  }
0x7f: {  	_ =	shalt  }
0x80: {  	_ =	shalt  }
0x81: {  	_ =	shalt  }
0x82: {  	_ =	shalt  }
0x83: {  	_ =	shalt  }
0x84: {  	_ =	shalt  }
0x85: {  	_ =	shalt  }
0x86: {  	_ =	shalt  }
0x87: {  	_ =	shalt  }
.Lfunc_end0:
.L_simem_size_0:
called_computation_lowered:
.L_overlay_start_0:
0x88: {  	s2 =	sld [smem:$0x3FD9]  }
0x89: {  	s3 =	sld [smem:$0x3FFE];
	_ =	sdelay $0x1  }
0x8a: {  	s1 =	srdreg.scid  }
0x8b: {  	s0 =	sand.u32 $0x1, s1  }
0x8c: {  	s17 =	sshll.u32 s0, $0xA;
	s2 =	sadd.s32 s3, s2  }
0x8d: {  	s2 =	sadd.s32 s2, s17  }
0x8e: {  	[smem:$0x3F97] =	sst s2  }
0x8f: {  	_ = 	snop  }
0x90: {  	s2 =	sld [smem:$0x3FC9];
	(tm) =	ssettm $0x1  }
0x91: {  	s18 =	sld [smem:$0x3FFB];
	_ =	sdelay $0x3  }
0x92: {  	_ =	strace s18  }
0x93: {  	s3 =	sld [smem:$0x3FFC];
	_ =	sdelay $0x3  }
0x94: {  	_ =	strace s3  }
0x95: {  	s3 =	sld [smem:$0x3FFD];
	_ =	sdelay $0x3  }
0x96: {  	_ =	strace s3  }
0x97: {  	_ =	strace $0x8FFFFFFF  }
0x98: {  	s19 =	sld [smem:$0x3FDB];
	_ =	sdelay $0x1  }
0x99: {  	s4 =	simm.s32 $_scs_section_size  }
0x9a: {  	s5 =	simm.s32 $_size__tile_overlayer_lowered;
	s6 =	simm.s32 $_tile_overlayer_lowered  }
0x9b: {  	s22 =	simm.s32 $0x1BFF;
	s21 =	sshll.u32 s6, $0x1;
	s3 =	sadd.s32 s4, s19  }
0x9c: {  	s7 =	simm.s32 $0x0;
	s20 =	sshll.u32 s5, $0x1;
	s5 =	sadd.s32 s21, s3  }
0x9d: {  	[timem:s7], [sflag:s22] =	dma.local [hbm:s5], s20  }
0x9e: {  	_ =	swait.ge [sflag:s22], s20  }
0x9f: {  	s4 =	ssub.s32 $0x0, s20;
	[sflag:s22] =	ssyncset.done $0x0  }
0xa0: {  	[sflag:s22] =	ssyncadd.s32 s4;
	_ =	sdelay $0x1  }
0xa1: {  	s23 =	simm.s32 $0x1B8B  }
0xa2: {  	_ =	swait.ge [sflag:s23], $0x1  }
0xa3: {  	[sflag:s23] =	ssyncset.done $0x0  }
0xa4: {  	s25 =	simm.s32 $0x1B8E;
	s24 =	sld [smem:$0x3FFE];
	[sflag:s23] =	ssyncadd.s32 $0xFFFFFFFF  }
0xa5: {  	s26 =	simm.s32 $execute0_lowered;
	[smem:$0x3FD2] =	sst s25  }
0xa6: {  	s5 =	sshll.u32 s26, $0x1;
	_ =	strace $0x80000046;
	[dreg:$0x1] =	wrdreg $0xFFFFFFFF  }
0xa7: {  	s28 =	simm.s32 $_size_execute0_lowered;
	s3 =	sadd.s32 s3, s5;
	[dreg:$0x0] =	wrdreg $0x0  }
0xa8: {  	s5 =	sshll.u32 s28, $0x1;
	[dreg:$0x2] =	wrdreg s3  }
0xa9: {  	[dreg:$0x3] =	wrdreg s5  }
0xaa: {  	[dreg:$0x4] =	wrdreg $0xC0  }
0xab: {  	_ =	task [dreg:s7], $0x5FFFF  }
0xac: {  	[dreg:$0x1] =	wrdreg $0xFFFFFFFF  }
0xad: {  	[dreg:$0x0] =	wrdreg $0x60  }
0xae: {  	[dreg:$0x2] =	wrdreg s2  }
0xaf: {  	[dreg:$0x3] =	wrdreg s24  }
0xb0: {  	[dreg:$0x4] =	wrdreg $0x9  }
0xb1: {  	_ =	task.clear_ibuf [dreg:s7], $0x5FFFF;
	_ =	strace $0x90000046  }
0xb2: {  	s29 =	simm.s32 $0x9;
	_ =	strace $0x80000048  }
0xb3: {  	_ =	swait.ge [sflag:s29], $0x1  }
0xb4: {  	[sflag:s29] =	ssyncadd.s32 $0xFFFFFFFF  }
0xb5: {  	_ =	strace $0x90000048  }
0xb6: {  	_ =	sfence  }
0xb7: {  	s30 =	sld [smem:$0x0];
	_ =	sdelay $0x2  }
0xb8: {  	s31 =	sshll.u32 s1, $0xD;
	s1 =	sshrl.u32 s1, $0x2  }
0xb9: {  	s3 =	sand.u32 $0x4000, s31;
	s1 =	sadd.s32 s1, s30  }
0xba: {  	s0 =	sor.u32 s3, s0;
	s1 =	sshll.u32 s1, $0x11  }
0xbb: {  	s0 =	sor.u32 s1, s0  }
0xbc: {  	s0 =	sadd.s32 $0x8F2B, s0  }
0xbd: {  	[sflag:s0] =	ssyncadd.remote.s32 $0x1  }
0xbe: {  	_ =	sfence.sel $0xFFFF  }
0xbf: {  	[dreg:$0x0] =	wrdreg $0xFFFFFFFF;
	(pc) =	sbr.abs _section_cstart, $3  }
0xc0: {  	[dreg:$0x1] =	wrdreg $0xFFFFFFFF  }
0xc1: {  	_ =	task.clear_ibuf [dreg:s7], $0x2FFFF;
	_ =	strace $0x9FFFFFFF  }
0xc2: {  	(tm) =	ssettm $0x7FFFFFFF  }
0xc3: {  	_ =	shalt  }
tec
execute0_lowered:
.L_overlay_start_1:
0x0: {  	(tag) =	ssettag $0x1  }
0x1: {  	s1 =	srdreg.scid  }
0x2: {  	s2 =	rddreg [dreg:$0x0];
	s0 =	stileid.u32  }
0x3: {  	s5 =	rddreg [dreg:$0x1];
	s3 =	simm.s32 $0x0;
	s10 =	simm.s32 $0x80  }
0x4: {  	s11 =	simm.s32 $0x2800;
	s12 =	simm.s32 $0xA800;
	s13 =	simm.s32 $0x6800  }
0x5: {  	s14 =	simm.s32 $0xE800;
	s15 =	simm.s32 $0x1;
	s16 =	simm.s32 $0x3  }
0x6: {  	s17 =	simm.s32 $0x2;
	s18 =	simm.s32 $0x4;
	s19 =	simm.s32 $0x5  }
0x7: {  	s20 =	simm.s32 $0x6;
	s21 =	simm.s32 $0x7;
	s22 =	simm.s32 $0x8  }
0x8: {  	s23 =	simm.s32 $0x0;
	s4 =	sand.u32 $0x1, s1;
	s1 =	rddreg [dreg:$0x2]  }
0x9: {  	s7 =	smul.u32 $0x28, s0;
	[smem:$0x7FF] =	sst s3;
	s6 =	ssub.s32 $0x0, s4  }
0xa: {  	s8 =	smul.u32 $0x14000, s0;
	s4 =	ssub.s32 $0x2, s4;
	s6 =	sand.u32 $0x280, s6  }
0xb: {  	_ =	strace $0x80000047;
	s9 =	sshrl.u32 s4, $0x1;
	s7 =	sadd.s32 s7, s6  }
0xc: {  	s8 =	sadd.s32 s8, s5;
	s6 =	sshll.u32 s6, $0xB;
	s7 =	sshll.u32 s7, $0x4  }
0xd: {  	s9 =	ssub.s32 s4, s9;
	s8 =	sadd.s32 s6, s8;
	s7 =	sadd.s32 s7, s5  }
0xe: {  	s6 =	smax.u32 s9, $0x1;
	s9 =	simm.s32 $0x9;
	s4 =	sadd.s32 $0xDE00, s7  }
0xf: {  	s5 =	sadd.s32 $0x8A00, s7;
	s7 =	sadd.s32 $0x13200, s8;
	s8 =	sadd.s32 $0x293200, s8  }
.LBB2_1:
0x10: {  	[tilespmem:s3], [sflag:$0x9] =	stream.linear.gather [hbm4b:s4+s3], $0x1400, $0x38;
	[tilespmem:$0x12800] =	vst v63  }
0x11: {  	_ =	swait.ge [sflag:s9], $0x1400  }
0x12: {  	[sflag:s9] =	ssyncset.done $0x0  }
0x13: {  	s24 =	simm.s32 $0x1400;
	[sflag:s9] =	ssyncadd.s32 $0xFFFFEC00  }
0x14: {  	[tilespmem:s24], [sflag:$0x9] =	stream.linear.gather [hbm4b:s5+s3], $0x1400, $0x38;
	[tilespmem:$0x12800] =	vst v63  }
0x15: {  	_ =	swait.ge [sflag:s9], $0x1400  }
0x16: {  	[sflag:s9] =	ssyncset.done $0x0  }
0x17: {  	[sflag:s9] =	ssyncadd.s32 $0xFFFFEC00  }
0x18: {  	[tilespmem:s11], [sflag:$0x1] =	stream.indirect.gather [hbm4b:s2+s10], $0x80, s3, s10, $0xb8;
	[tilespmem:$0x12800] =	vst v63  }
0x19: {  	_ = 	snop  }
0x1a: {  	[tilespmem:s12], [sflag:$0x3] =	stream.indirect.gather [hbm4b:s2+s10], $0x80, s24, s10, $0xb8;
	[tilespmem:$0x12800] =	vst v63  }
0x1b: {  	s25 =	simm.s32 $0x80  }
0x1c: {  	[tilespmem:s13], [sflag:$0x2] =	stream.indirect.gather [hbm4b:s2+s10], $0x80, s25, s10, $0xb8;
	[tilespmem:$0x12800] =	vst v63  }
0x1d: {  	s29 =	simm.s32 $0x1480  }
0x1e: {  	[tilespmem:s14], [sflag:$0x4] =	stream.indirect.gather [hbm4b:s2+s10], $0x80, s29, s10, $0xb8;
	[tilespmem:$0x12800] =	vst v63  }
0x1f: {  	_ =	swait.ge [sflag:s15], $0x4000  }
0x20: {  	[sflag:s15] =	ssyncset.done $0x0  }
0x21: {  	s30 =	sadd.s32 $0x0, s7;
	[sflag:s15] =	ssyncadd.s32 $0xFFFFC000  }
0x22: {  	[hbm4b:s30+s3] =	stream.linear.scatter [tilespmem:s11], [sflag:$0x5], $0x4000, $0x38;
	[tilespmem:$0x12800] =	vst v63  }
0x23: {  	_ =	swait.ge [sflag:s16], $0x4000  }
0x24: {  	[sflag:s16] =	ssyncset.done $0x0  }
0x25: {  	s26 =	sadd.s32 $0x0, s8;
	[sflag:s16] =	ssyncadd.s32 $0xFFFFC000  }
0x26: {  	[hbm4b:s26+s3] =	stream.linear.scatter [tilespmem:s12], [sflag:$0x6], $0x4000, $0x38;
	[tilespmem:$0x12800] =	vst v63  }
0x27: {  	_ =	swait.ge [sflag:s17], $0x4000  }
0x28: {  	[sflag:s17] =	ssyncset.done $0x0  }
0x29: {  	s25 =	sadd.s32 $0x800, s30;
	[sflag:s17] =	ssyncadd.s32 $0xFFFFC000  }
0x2a: {  	[hbm4b:s25+s3] =	stream.linear.scatter [tilespmem:s13], [sflag:$0x7], $0x4000, $0x38;
	[tilespmem:$0x12800] =	vst v63  }
0x2b: {  	_ =	swait.ge [sflag:s18], $0x4000  }
0x2c: {  	[sflag:s18] =	ssyncset.done $0x0  }
0x2d: {  	s31 =	sadd.s32 $0x800, s26;
	[sflag:s18] =	ssyncadd.s32 $0xFFFFC000  }
0x2e: {  	[hbm4b:s31+s3] =	stream.linear.scatter [tilespmem:s14], [sflag:$0x8], $0x4000, $0x38;
	[tilespmem:$0x12800] =	vst v63  }
0x2f: {  	_ =	swait.ge [sflag:s19], $0x4000  }
0x30: {  	[sflag:s19] =	ssyncset.done $0x0  }
0x31: {  	[sflag:s19] =	ssyncadd.s32 $0xFFFFC000  }
0x32: {  	_ =	swait.ge [sflag:s20], $0x4000  }
0x33: {  	[sflag:s20] =	ssyncset.done $0x0  }
0x34: {  	[sflag:s20] =	ssyncadd.s32 $0xFFFFC000  }
0x35: {  	_ =	swait.ge [sflag:s21], $0x4000  }
0x36: {  	[sflag:s21] =	ssyncset.done $0x0  }
0x37: {  	[sflag:s21] =	ssyncadd.s32 $0xFFFFC000  }
0x38: {  	_ =	swait.ge [sflag:s22], $0x4000  }
0x39: {  	s26 =	simm.s32 $0x0;
	s25 =	simm.s32 $0x1000;
	[sflag:s22] =	ssyncset.done $0x0  }
.LBB2_2:
0x3a: {  	[sflag:s22] =	ssyncadd.s32 $0xFFFFC000;
	s26 =	sadd.s32 $0x100, s26;
	s24 =	sadd.s32 $0x100, s24  }
0x3b: {  	[tilespmem:s11], [sflag:$0x1] =	stream.indirect.gather [hbm4b:s2+s10], $0x80, s26, s10, $0xb8;
	[tilespmem:$0x12800] =	vst v63  }
0x3c: {  	p0 =	sne.s32 s25, $0x13000;
	s28 =	smov.u32 s25;
	s25 =	sadd.s32 $0x1000, s25  }
0x3d: {  	[tilespmem:s12], [sflag:$0x3] =	stream.indirect.gather [hbm4b:s2+s10], $0x80, s24, s10, $0xb8;
	[tilespmem:$0x12800] =	vst v63  }
0x3e: {  	s29 =	sadd.s32 $0x80, s26  }
0x3f: {  	[tilespmem:s13], [sflag:$0x2] =	stream.indirect.gather [hbm4b:s2+s10], $0x80, s29, s10, $0xb8;
	[tilespmem:$0x12800] =	vst v63  }
0x40: {  	s29 =	sadd.s32 $0x80, s24  }
0x41: {  	[tilespmem:s14], [sflag:$0x4] =	stream.indirect.gather [hbm4b:s2+s10], $0x80, s29, s10, $0xb8;
	[tilespmem:$0x12800] =	vst v63  }
0x42: {  	_ =	swait.ge [sflag:s15], $0x4000  }
0x43: {  	[sflag:s15] =	ssyncset.done $0x0  }
0x44: {  	s29 =	sadd.s32 s28, s7;
	[sflag:s15] =	ssyncadd.s32 $0xFFFFC000  }
0x45: {  	[hbm4b:s29+s3] =	stream.linear.scatter [tilespmem:s11], [sflag:$0x5], $0x4000, $0x38;
	[tilespmem:$0x12800] =	vst v63  }
0x46: {  	_ =	swait.ge [sflag:s16], $0x4000  }
0x47: {  	[sflag:s16] =	ssyncset.done $0x0  }
0x48: {  	s28 =	sadd.s32 s28, s8;
	[sflag:s16] =	ssyncadd.s32 $0xFFFFC000  }
0x49: {  	[hbm4b:s28+s3] =	stream.linear.scatter [tilespmem:s12], [sflag:$0x6], $0x4000, $0x38;
	[tilespmem:$0x12800] =	vst v63  }
0x4a: {  	_ =	swait.ge [sflag:s17], $0x4000  }
0x4b: {  	[sflag:s17] =	ssyncset.done $0x0  }
0x4c: {  	s29 =	sadd.s32 $0x800, s29;
	[sflag:s17] =	ssyncadd.s32 $0xFFFFC000  }
0x4d: {  	[hbm4b:s29+s3] =	stream.linear.scatter [tilespmem:s13], [sflag:$0x7], $0x4000, $0x38;
	[tilespmem:$0x12800] =	vst v63  }
0x4e: {  	_ =	swait.ge [sflag:s18], $0x4000  }
0x4f: {  	[sflag:s18] =	ssyncset.done $0x0  }
0x50: {  	s28 =	sadd.s32 $0x800, s28;
	[sflag:s18] =	ssyncadd.s32 $0xFFFFC000  }
0x51: {  	[hbm4b:s28+s3] =	stream.linear.scatter [tilespmem:s14], [sflag:$0x8], $0x4000, $0x38;
	[tilespmem:$0x12800] =	vst v63  }
0x52: {  	_ =	swait.ge [sflag:s19], $0x4000  }
0x53: {  	[sflag:s19] =	ssyncset.done $0x0  }
0x54: {  	[sflag:s19] =	ssyncadd.s32 $0xFFFFC000  }
0x55: {  	_ =	swait.ge [sflag:s20], $0x4000  }
0x56: {  	[sflag:s20] =	ssyncset.done $0x0  }
0x57: {  	[sflag:s20] =	ssyncadd.s32 $0xFFFFC000  }
.Ltmp0:
0x58: {  	_ =	swait.ge [sflag:s21], $0x4000;
	(pc) =	sbr.rel @p0 .LBB2_2-.Ltmp0, $4  }
0x59: {  	[sflag:s21] =	ssyncset.done $0x0  }
0x5a: {  	[sflag:s21] =	ssyncadd.s32 $0xFFFFC000  }
0x5b: {  	_ =	swait.ge [sflag:s22], $0x4000  }
0x5c: {  	[sflag:s22] =	ssyncset.done $0x0  }
0x5d: {  	s23 =	sadd.s32 $0x1, s23  }
0x5e: {  	p0 =	sne.s32 s23, s6  }
.Ltmp1:
0x5f: {  	_ = 	snop;
	(pc) =	sbr.rel @p0 .LBB2_1-.Ltmp1, $2  }
0x60: {  	_ =	sdelay $0x2  }
0x61: {  	[sflag:s22] =	ssyncadd.s32 $0xFFFFC000  }
0x62: {  	_ =	sfence.sel $0x180000  }
0x63: {  	[bflag:$0x0] =	sbarrier.arrive $0xFFFF  }
0x64: {  	p0 =	sne.s32 s0, $0x0;
	_ =	strace $0x90000047  }
0x65: {  	s0 =	sadd.s32 @!p0 $0x100000, s1;
	[bflag:$0x2] =	sbarrier.arrive $0xFFFF  }
0x66: {  	[sflag:s0] =	ssyncadd.tile.s32 @!p0 $0x1;
	_ =	shalt  }
.Lfunc_end2:
_tile_overlayer_lowered:
.L_overlay_start_2:
0x67: {  	(tag) =	ssettag $0x2  }
0x68: {  	s0 =	rddreg [dreg:$0x0];
	s2 =	stileid.u32  }
0x69: {  	s1 =	rddreg [dreg:$0x1];
	p0 =	sne.s32 s2, $0x0  }
0x6a: {  	s3 =	rddreg [dreg:$0x2];
	[bflag:$0x3] =	sbarrier.arrive $0xFFFF;
	s2 =	simm.s32 @!p0 $0x1C09  }
0x6b: {  	[timem:s3], [sflag:s2] =	dma.local @!p0 [hbm:s0], s1  }
0x6c: {  	s0 =	simm.s32 @!p0 $0x9  }
0x6d: {  	_ =	swait.ge @!p0 [sflag:s0], s1  }
0x6e: {  	s1 =	ssub.s32 @!p0 $0x0, s1;
	[sflag:s0] =	ssyncset.done @!p0 $0x0  }
0x6f: {  	[sflag:s0] =	ssyncadd.s32 @!p0 s1  }
0x70: {  	[bflag:$0x3] =	sbarrier.arrive $0xFFFF  }
0x71: {  	_ =	shalt  }

// kernel: kernel.15.cloned.1.call-start
scs
__scs_entry_jumppad:
0x0: {  	(pc) =	sbr.rel $0x88, $3  }
0x1: {  	(tag) =	ssettag $0x0;
	lr =	simm.s32 $0x1  }
0x2: {  	[smem:$0x3F70] =	sst lr;
	_ =	strace $0xD0000000  }
0x3: {  	_ = 	snop  }
0x4: {  	_ = 	snop  }
0x5: {  	_ = 	snop  }
0x6: {  	_ = 	snop  }
0x7: {  	_ = 	snop  }
__scs_overlays_trampoline_lowered:
0x8: {  	[smem:$0x3F7F] =	sst s0  }
0x9: {  	[smem:$0x3F80] =	sst s1  }
0xa: {  	[smem:$0x3F81] =	sst s2  }
0xb: {  	[smem:$0x3F82] =	sst s3  }
0xc: {  	[smem:$0x3F83] =	sst s4  }
0xd: {  	[smem:$0x3F84] =	sst s5  }
0xe: {  	[smem:$0x3F85] =	sst s6  }
0xf: {  	[smem:$0x3F86] =	sst s7  }
0x10: {  	[smem:$0x3F87] =	sst s8  }
0x11: {  	[smem:$0x3F88] =	sst s9;
	s0 =	simm.s32 @!p0 $0x0  }
0x12: {  	s1 =	sld [smem:$0x3F6E];
	s0 =	simm.s32 @p0 $0x1  }
0x13: {  	[smem:$0x3F89] =	sst s0;
	s0 =	simm.s32 @!p1 $0x0  }
0x14: {  	s2 =	sld [smem:$0x3F6D];
	s0 =	simm.s32 @p1 $0x1  }
0x15: {  	[smem:$0x3F8A] =	sst s0;
	s0 =	simm.s32 @!p2 $0x0  }
0x16: {  	s3 =	sld [smem:$0x3FDB];
	s0 =	simm.s32 @p2 $0x1  }
0x17: {  	s4 =	simm.s32 $0x1BF5;
	[smem:$0x3F8C] =	sst s0  }
0x18: {  	s0 =	sld [smem:$0x3F6F];
	_ =	swait.ge [sflag:s4], $0x0  }
0x19: {  	s7 =	sld [smem:$0x3F70]  }
0x1a: {  	s8 =	sadd.s32 $0xFFFFE003, lr  }
0x1b: {  	s9 =	sadd.s32 $0xFFFFFEF7, lr;
	s5 =	simm.s32 $0xFFFFFFFF;
	p2 =	slt.u32 s8, $0xFFFFF086  }
0x1c: {  	p1 =	slt.u32 s9, $0xF7A;
	s5 =	simm.s32 @!p2 $0x0  }
0x1d: {  	s5 =	simm.s32 @p1 $0x1;
	p0 =	seq.s32 s7, s2  }
0x1e: {  	s7 =	smul.u32 @!p0 $0xF7A, s2;
	p2 =	seq.s32 @!p0 s5, $0x0  }
0x1f: {  	s9 =	smul.u32 $0xF7A, s1;
	s8 =	simm.s32 @!p0 $0x1BF5;
	p2 =	por !p2, p0  }
0x20: {  	[sflag:s8] =	ssyncset.s32 @!p0 $0xFFFFF086;
	s6 =	sadd.s32 @!p0 s3, s7;
	s7 =	simm.s32 @!p0 $0x108  }
0x21: {  	s3 =	sadd.s32 s3, s9;
	s6 =	sadd.s32 @!p0 $0x88, s6;
	s7 =	simm.s32 @p2 $0x1082  }
0x22: {  	[simem:s7], [sflag:s8] =	dma.local @!p0 [hbm:s6], $0xF7A  }
0x23: {  	s9 =	sor.u32 $0xD0000000, s2;
	s6 =	simm.s32 $0x108;
	_ =	swait.ge @!p0 [sflag:s8], $0x0  }
0x24: {  	s3 =	sadd.s32 $0x88, s3;
	s6 =	simm.s32 @!p1 $0x1082;
	[sflag:s4] =	ssyncset.s32 $0xFFFFF086  }
0x25: {  	[simem:s6], [sflag:s4] =	dma.local [hbm:s3], $0xF7A  }
0x26: {  	[smem:$0x3F70] =	sst s1;
	(tag) =	ssettag s2;
	_ =	strace s9  }
0x27: {  	s1 =	sld [smem:$0x3F80]  }
0x28: {  	s2 =	sld [smem:$0x3F81]  }
0x29: {  	s4 =	sld [smem:$0x3F83]  }
0x2a: {  	p0 =	seq.s32 s5, $0x0;
	s5 =	sld [smem:$0x3F84]  }
0x2b: {  	s6 =	sld [smem:$0x3F85]  }
0x2c: {  	s7 =	sld [smem:$0x3F86]  }
0x2d: {  	s3 =	simm.s32 $0x108;
	s8 =	sld [smem:$0x3F87]  }
0x2e: {  	s3 =	simm.s32 @!p0 $0x1082;
	s9 =	sld [smem:$0x3F88]  }
0x2f: {  	lr =	sadd.s32 s0, s3;
	s0 =	sld [smem:$0x3F7F]  }
0x30: {  	s3 =	sld [smem:$0x3F82]  }
0x31: {  	[smem:$0x3F8B] =	sst s10  }
0x32: {  	s10 =	sld [smem:$0x3F89];
	_ =	sdelay $0x3  }
0x33: {  	p0 =	seq.s32 s10, $0x1;
	s10 =	sld [smem:$0x3F8B];
	_ =	sdelay $0x3  }
0x34: {  	[smem:$0x3F8B] =	sst s10  }
0x35: {  	s10 =	sld [smem:$0x3F8A];
	_ =	sdelay $0x3  }
0x36: {  	p1 =	seq.s32 s10, $0x1;
	s10 =	sld [smem:$0x3F8B];
	_ =	sdelay $0x3  }
0x37: {  	[smem:$0x3F8B] =	sst s10  }
0x38: {  	s10 =	sld [smem:$0x3F8C]  }
0x39: {  	_ = 	snop;
	(pc) =	sbr.ind lr, $3  }
0x3a: {  	_ = 	snop  }
0x3b: {  	_ = 	snop  }
0x3c: {  	p2 =	seq.s32 s10, $0x1;
	s10 =	sld [smem:$0x3F8B]  }
0x3d: {  	_ =	shalt  }
0x3e: {  	_ =	shalt  }
0x3f: {  	_ =	shalt  }
0x40: {  	_ =	shalt  }
0x41: {  	_ =	shalt  }
0x42: {  	_ =	shalt  }
0x43: {  	_ =	shalt  }
0x44: {  	_ =	shalt  }
0x45: {  	_ =	shalt  }
0x46: {  	_ =	shalt  }
0x47: {  	_ =	shalt  }
0x48: {  	_ =	shalt  }
0x49: {  	_ =	shalt  }
0x4a: {  	_ =	shalt  }
0x4b: {  	_ =	shalt  }
0x4c: {  	_ =	shalt  }
0x4d: {  	_ =	shalt  }
0x4e: {  	_ =	shalt  }
0x4f: {  	_ =	shalt  }
0x50: {  	_ =	shalt  }
0x51: {  	_ =	shalt  }
0x52: {  	_ =	shalt  }
0x53: {  	_ =	shalt  }
0x54: {  	_ =	shalt  }
0x55: {  	_ =	shalt  }
0x56: {  	_ =	shalt  }
0x57: {  	_ =	shalt  }
0x58: {  	_ =	shalt  }
0x59: {  	_ =	shalt  }
0x5a: {  	_ =	shalt  }
0x5b: {  	_ =	shalt  }
0x5c: {  	_ =	shalt  }
0x5d: {  	_ =	shalt  }
0x5e: {  	_ =	shalt  }
0x5f: {  	_ =	shalt  }
0x60: {  	_ =	shalt  }
0x61: {  	_ =	shalt  }
0x62: {  	_ =	shalt  }
0x63: {  	_ =	shalt  }
0x64: {  	_ =	shalt  }
0x65: {  	_ =	shalt  }
0x66: {  	_ =	shalt  }
0x67: {  	_ =	shalt  }
0x68: {  	_ =	shalt  }
0x69: {  	_ =	shalt  }
0x6a: {  	_ =	shalt  }
0x6b: {  	_ =	shalt  }
0x6c: {  	_ =	shalt  }
0x6d: {  	_ =	shalt  }
0x6e: {  	_ =	shalt  }
0x6f: {  	_ =	shalt  }
0x70: {  	_ =	shalt  }
0x71: {  	_ =	shalt  }
0x72: {  	_ =	shalt  }
0x73: {  	_ =	shalt  }
0x74: {  	_ =	shalt  }
0x75: {  	_ =	shalt  }
0x76: {  	_ =	shalt  }
0x77: {  	_ =	shalt  }
0x78: {  	_ =	shalt  }
0x79: {  	_ =	shalt  }
0x7a: {  	_ =	shalt  }
0x7b: {  	_ =	shalt  }
0x7c: {  	_ =	shalt  }
0x7d: {  	_ =	shalt  }
0x7e: {  	_ =	shalt  }
0x7f: {  	_ =	shalt  }
0x80: {  	_ =	shalt  }
0x81: {  	_ =	shalt  }
0x82: {  	_ =	shalt  }
0x83: {  	_ =	shalt  }
0x84: {  	_ =	shalt  }
0x85: {  	_ =	shalt  }
0x86: {  	_ =	shalt  }
0x87: {  	_ =	shalt  }
.Lfunc_end0:
.L_simem_size_0:
called_computation.1_lowered:
.L_overlay_start_0:
0x88: {  	s2 =	sld [smem:$0x3FD9]  }
0x89: {  	s3 =	sld [smem:$0x3FFE];
	_ =	sdelay $0x1  }
0x8a: {  	s1 =	srdreg.scid  }
0x8b: {  	s0 =	sand.u32 $0x1, s1  }
0x8c: {  	s16 =	sshll.u32 s0, $0xA;
	s2 =	sadd.s32 s3, s2  }
0x8d: {  	s2 =	sadd.s32 s2, s16  }
0x8e: {  	[smem:$0x3F97] =	sst s2  }
0x8f: {  	_ = 	snop  }
0x90: {  	(tm) =	ssettm $0x1  }
0x91: {  	s17 =	sld [smem:$0x3FFB];
	_ =	sdelay $0x3  }
0x92: {  	_ =	strace s17  }
0x93: {  	s2 =	sld [smem:$0x3FFC];
	_ =	sdelay $0x3  }
0x94: {  	_ =	strace s2  }
0x95: {  	s2 =	sld [smem:$0x3FFD];
	_ =	sdelay $0x3  }
0x96: {  	_ =	strace s2  }
0x97: {  	_ =	strace $0x8FFFFFFF  }
0x98: {  	s18 =	sld [smem:$0x3FDB];
	_ =	sdelay $0x1  }
0x99: {  	s19 =	simm.s32 $_scs_section_size  }
0x9a: {  	s4 =	simm.s32 $_size__tile_overlayer_lowered;
	s5 =	simm.s32 $_tile_overlayer_lowered  }
0x9b: {  	s22 =	simm.s32 $0x1BFF;
	s21 =	sshll.u32 s5, $0x1;
	s2 =	sadd.s32 s19, s18  }
0x9c: {  	s6 =	simm.s32 $0x0;
	s20 =	sshll.u32 s4, $0x1;
	s4 =	sadd.s32 s21, s2  }
0x9d: {  	[timem:s6], [sflag:s22] =	dma.local [hbm:s4], s20  }
0x9e: {  	_ =	swait.ge [sflag:s22], s20  }
0x9f: {  	s3 =	ssub.s32 $0x0, s20;
	[sflag:s22] =	ssyncset.done $0x0  }
0xa0: {  	[sflag:s22] =	ssyncadd.s32 s3;
	_ =	sdelay $0x1  }
0xa1: {  	s23 =	simm.s32 $0x1B8B  }
0xa2: {  	_ =	swait.ge [sflag:s23], $0x1  }
0xa3: {  	[sflag:s23] =	ssyncset.done $0x0  }
0xa4: {  	s25 =	simm.s32 $0x1B8E;
	s24 =	sld [smem:$0x3FFE];
	[sflag:s23] =	ssyncadd.s32 $0xFFFFFFFF  }
0xa5: {  	s26 =	simm.s32 $execute0_lowered;
	[smem:$0x3FD2] =	sst s25  }
0xa6: {  	s4 =	sshll.u32 s26, $0x1;
	_ =	strace $0x80000049;
	[dreg:$0x1] =	wrdreg $0xFFFFFFFF  }
0xa7: {  	s28 =	simm.s32 $_size_execute0_lowered;
	s2 =	sadd.s32 s2, s4;
	[dreg:$0x0] =	wrdreg $0x0  }
0xa8: {  	s4 =	sshll.u32 s28, $0x1;
	[dreg:$0x2] =	wrdreg s2  }
0xa9: {  	[dreg:$0x3] =	wrdreg s4  }
0xaa: {  	[dreg:$0x4] =	wrdreg $0xC0  }
0xab: {  	_ =	task [dreg:s6], $0x5FFFF  }
0xac: {  	[dreg:$0x1] =	wrdreg $0xFFFFFFFF  }
0xad: {  	[dreg:$0x0] =	wrdreg $0x60  }
0xae: {  	[dreg:$0x2] =	wrdreg s24  }
0xaf: {  	[dreg:$0x3] =	wrdreg $0x94000  }
0xb0: {  	[dreg:$0x4] =	wrdreg $0x9  }
0xb1: {  	_ =	task.clear_ibuf [dreg:s6], $0x5FFFF;
	_ =	strace $0x90000049  }
0xb2: {  	s29 =	simm.s32 $0x9;
	_ =	strace $0x8000004B  }
0xb3: {  	_ =	swait.ge [sflag:s29], $0x1  }
0xb4: {  	[sflag:s29] =	ssyncadd.s32 $0xFFFFFFFF  }
0xb5: {  	_ =	strace $0x9000004B  }
0xb6: {  	_ =	sfence  }
0xb7: {  	s30 =	sld [smem:$0x0];
	_ =	sdelay $0x2  }
0xb8: {  	s31 =	sshll.u32 s1, $0xD;
	s1 =	sshrl.u32 s1, $0x2  }
0xb9: {  	s3 =	sand.u32 $0x4000, s31;
	s1 =	sadd.s32 s1, s30  }
0xba: {  	s0 =	sor.u32 s3, s0;
	s1 =	sshll.u32 s1, $0x11  }
0xbb: {  	s0 =	sor.u32 s1, s0  }
0xbc: {  	s0 =	sadd.s32 $0x8F2B, s0  }
0xbd: {  	[sflag:s0] =	ssyncadd.remote.s32 $0x1  }
0xbe: {  	_ =	sfence.sel $0xFFFF  }
0xbf: {  	[dreg:$0x0] =	wrdreg $0xFFFFFFFF;
	(pc) =	sbr.abs _section_cstart, $3  }
0xc0: {  	[dreg:$0x1] =	wrdreg $0xFFFFFFFF  }
0xc1: {  	_ =	task.clear_ibuf [dreg:s6], $0x2FFFF;
	_ =	strace $0x9FFFFFFF  }
0xc2: {  	(tm) =	ssettm $0x7FFFFFFF  }
0xc3: {  	_ =	shalt  }
tec
execute0_lowered:
.L_overlay_start_1:
0x0: {  	(tag) =	ssettag $0x1  }
0x1: {  	s0 =	srdreg.scid;
	s1 =	stileid.u32  }
0x2: {  	s4 =	rddreg [dreg:$0x0];
	s9 =	smul.u32 $0x280, s1  }
0x3: {  	s2 =	rddreg [dreg:$0x1];
	s3 =	simm.s32 $0x0;
	s8 =	smul.u32 $0x50000, s1  }
0x4: {  	s13 =	sand.u32 $0x1, s0;
	[smem:$0x7FF] =	sst s3;
	s25 =	smul.u32 $0xA0000, s1  }
0x5: {  	s16 =	sadd.s32 $0xA13200, s4;
	s14 =	sadd.s32 $0x13200, s4;
	s28 =	smul.u32 $0x14000, s1  }
0x6: {  	s5 =	sshll.u32 s13, $0x4;
	_ =	strace $0x8000004A;
	s18 =	smul.u32 $0x2800, s13  }
0x7: {  	s6 =	ssub.s32 $0x2, s13;
	s24 =	smul.u32 $0xA00000, s13;
	s5 =	sor.u32 s1, s5  }
0x8: {  	s7 =	sshrl.u32 s6, $0x1;
	s19 =	sshrl.u32 s8, $0x2;
	s10 =	sadd.s32 $0x80, s9  }
0x9: {  	s12 =	sadd.s32 $0x100, s9;
	s17 =	sadd.s32 $0x180, s9;
	s5 =	smul.u32 $0x280, s5  }
0xa: {  	s15 =	ssub.s32 s6, s7;
	s20 =	sshll.u32 s10, $0x7;
	s21 =	sshll.u32 s12, $0x7  }
0xb: {  	s22 =	sshll.u32 s17, $0x7;
	s12 =	sadd.s32 s18, s12;
	s17 =	sadd.s32 s18, s17  }
0xc: {  	s29 =	sadd.s32 s25, s24;
	s24 =	simm.s32 $0x3;
	s25 =	simm.s32 $0x4  }
0xd: {  	s6 =	sadd.s32 s20, s2;
	s7 =	sadd.s32 s21, s2;
	s8 =	sadd.s32 s22, s2  }
0xe: {  	s21 =	sadd.s32 s18, s10;
	s12 =	sshll.u32 s12, $0x4;
	s17 =	sshll.u32 s17, $0x4  }
0xf: {  	s22 =	smul.u32 $0x140000, s13;
	s31 =	sshrl.u32 s29, $0x3;
	s15 =	smax.u32 s15, $0x1  }
0x10: {  	s5 =	sadd.s32 s5, s4;
	s23 =	sshll.u32 s21, $0x4;
	s12 =	sadd.s32 s14, s12  }
0x11: {  	s13 =	sadd.s32 s14, s17;
	s21 =	simm.s32 $0x1;
	s4 =	sadd.s32 $0x8A00, s5  }
0x12: {  	s5 =	sadd.s32 s19, s2;
	s19 =	sadd.s32 $0x200, s9;
	s9 =	sadd.s32 s9, s18  }
0x13: {  	s30 =	sadd.s32 s22, s16;
	s16 =	sadd.s32 s31, s16;
	s22 =	simm.s32 $0x80  }
0x14: {  	s11 =	sshll.u32 s19, $0x7;
	s20 =	sshll.u32 s9, $0x4;
	s26 =	sadd.s32 s18, s19  }
0x15: {  	s18 =	sadd.s32 s28, s30;
	s19 =	simm.s32 $0x1400;
	s9 =	sadd.s32 s11, s2  }
0x16: {  	s10 =	sadd.s32 s14, s20;
	s11 =	sadd.s32 s14, s23;
	s17 =	sshll.u32 s26, $0x4  }
0x17: {  	s20 =	simm.s32 $0x5400;
	s23 =	simm.s32 $0x2;
	s26 =	simm.s32 $0x0  }
0x18: {  	v0 =	vimm.f32 $0.0e+00;
	s14 =	sadd.s32 s14, s17;
	s17 =	sadd.s32 $0x800, s18;
	s18 =	simm.s32 $0x5  }
.LBB2_1:
0x19: {  	[tilespmem:s3], [sflag:$0x5] =	stream.linear.gather [hbm4b:s4+s3], $0x1400, $0x38;
	[tilespmem:$0x1D400] =	vst v63  }
0x1a: {  	_ =	swait.ge [sflag:s18], $0x1400  }
0x1b: {  	[sflag:s18] =	ssyncset.done $0x0  }
0x1c: {  	s28 =	simm.s32 $0x0;
	s29 =	simm.s32 $0x200;
	[sflag:s18] =	ssyncadd.s32 $0xFFFFEC00  }
.LBB2_2:
0x1d: {  	p0 =	sne.s32 s29, $0xFE00;
	[tilespmem:s28+$0x1470] =	vst v0  }
0x1e: {  	[tilespmem:s28+$0x1400] =	vst v0  }
0x1f: {  	[tilespmem:s28+$0x1410] =	vst v0  }
.Ltmp0:
0x20: {  	[tilespmem:s28+$0x1420] =	vst v0;
	(pc) =	sbr.rel @p0 .LBB2_2-.Ltmp0, $4  }
0x21: {  	[tilespmem:s28+$0x1430] =	vst v0  }
0x22: {  	[tilespmem:s28+$0x1440] =	vst v0  }
0x23: {  	[tilespmem:s28+$0x1450] =	vst v0  }
0x24: {  	[tilespmem:s28+$0x1460] =	vst v0;
	s28 =	sshra.s32 s29, $0x2;
	s29 =	sadd.s32 $0x200, s29  }
0x25: {  	[tilespmem:s28+$0x1470] =	vst v0  }
0x26: {  	[tilespmem:s28+$0x1400] =	vst v0  }
0x27: {  	[tilespmem:s28+$0x1410] =	vst v0  }
0x28: {  	[tilespmem:s28+$0x1420] =	vst v0  }
0x29: {  	[tilespmem:s28+$0x1430] =	vst v0  }
0x2a: {  	[tilespmem:s28+$0x1440] =	vst v0  }
0x2b: {  	[tilespmem:s28+$0x1450] =	vst v0  }
0x2c: {  	[tilespmem:s28+$0x1460] =	vst v0  }
0x2d: {  	[spmem:s5] =	stream.linear.scatter [tilespmem:s19], [sflag:$0x5], $0x4000, $0x38;
	[tilespmem:$0x1D400] =	vst v63  }
0x2e: {  	_ =	swait.ge [sflag:s18], $0x4000  }
0x2f: {  	[sflag:s18] =	ssyncset.done $0x0  }
0x30: {  	[sflag:s18] =	ssyncadd.s32 $0xFFFFC000  }
0x31: {  	[spmem:s6] =	stream.linear.scatter [tilespmem:s19], [sflag:$0x5], $0x4000, $0x38;
	[tilespmem:$0x1D400] =	vst v63  }
0x32: {  	_ =	swait.ge [sflag:s18], $0x4000  }
0x33: {  	[sflag:s18] =	ssyncset.done $0x0  }
0x34: {  	[sflag:s18] =	ssyncadd.s32 $0xFFFFC000  }
0x35: {  	[spmem:s7] =	stream.linear.scatter [tilespmem:s19], [sflag:$0x5], $0x4000, $0x38;
	[tilespmem:$0x1D400] =	vst v63  }
0x36: {  	_ =	swait.ge [sflag:s18], $0x4000  }
0x37: {  	[sflag:s18] =	ssyncset.done $0x0  }
0x38: {  	[sflag:s18] =	ssyncadd.s32 $0xFFFFC000  }
0x39: {  	[spmem:s8] =	stream.linear.scatter [tilespmem:s19], [sflag:$0x5], $0x4000, $0x38;
	[tilespmem:$0x1D400] =	vst v63  }
0x3a: {  	_ =	swait.ge [sflag:s18], $0x4000  }
0x3b: {  	[sflag:s18] =	ssyncset.done $0x0  }
0x3c: {  	[sflag:s18] =	ssyncadd.s32 $0xFFFFC000  }
0x3d: {  	[spmem:s9] =	stream.linear.scatter [tilespmem:s19], [sflag:$0x5], $0x4000, $0x38;
	[tilespmem:$0x1D400] =	vst v63  }
0x3e: {  	_ =	swait.ge [sflag:s18], $0x4000  }
0x3f: {  	[sflag:s18] =	ssyncset.done $0x0  }
0x40: {  	[sflag:s18] =	ssyncadd.s32 $0xFFFFC000  }
0x41: {  	s28 =	sadd.s32 $0x0, s16;
	[bflag:$0x0] =	sbarrier.arrive $0xFFFF  }
0x42: {  	[tilespmem:s19], [sflag:$0x1] =	stream.linear.gather [hbm4b:s28+s3], $0x4000, $0x38;
	[tilespmem:$0x1D400] =	vst v63  }
0x43: {  	s28 =	sadd.s32 $0x0, s17  }
0x44: {  	[tilespmem:s20], [sflag:$0x2] =	stream.linear.gather [hbm4b:s28+s3], $0x4000, $0x38;
	[tilespmem:$0x1D400] =	vst v63  }
0x45: {  	_ =	swait.ge [sflag:s21], $0x4000  }
0x46: {  	[sflag:s21] =	ssyncset.done $0x0  }
0x47: {  	s28 =	simm.s32 $0x0;
	[sflag:s21] =	ssyncadd.s32 $0xFFFFC000  }
0x48: {  	[spmem:s2] =	stream.indirect.scatter.add.f32 [tilespmem:s19], [sflag:$0x3], $0x80, s28, s22, $0xb8;
	[tilespmem:$0x1D400] =	vst v63  }
0x49: {  	_ =	swait.ge [sflag:s23], $0x4000  }
0x4a: {  	[sflag:s23] =	ssyncset.done $0x0  }
0x4b: {  	s28 =	simm.s32 $0x80;
	[sflag:s23] =	ssyncadd.s32 $0xFFFFC000  }
0x4c: {  	[spmem:s2] =	stream.indirect.scatter.add.f32 [tilespmem:s20], [sflag:$0x4], $0x80, s28, s22, $0xb8;
	[tilespmem:$0x1D400] =	vst v63  }
0x4d: {  	_ =	swait.ge [sflag:s24], $0x4000  }
0x4e: {  	[sflag:s24] =	ssyncset.done $0x0  }
0x4f: {  	[sflag:s24] =	ssyncadd.s32 $0xFFFFC000  }
0x50: {  	s29 =	simm.s32 $0x1000;
	_ =	swait.ge [sflag:s25], $0x4000  }
0x51: {  	s30 =	simm.s32 $0x2000;
	s28 =	simm.s32 $0x100;
	[sflag:s25] =	ssyncset.done $0x0  }
.LBB2_4:
0x52: {  	s31 =	sadd.s32 s29, s16  }
0x53: {  	[sflag:s25] =	ssyncadd.s32 $0xFFFFC000;
	s0 =	smov.u32 s30;
	s1 =	sadd.s32 $0x1000, s30  }
0x54: {  	[tilespmem:s19], [sflag:$0x1] =	stream.linear.gather [hbm4b:s31+s3], $0x4000, $0x38;
	[tilespmem:$0x1D400] =	vst v63  }
0x55: {  	p0 =	sne.s32 s30, $0x13000;
	s30 =	sadd.s32 s29, s17;
	s29 =	smov.u32 s0  }
0x56: {  	[tilespmem:s20], [sflag:$0x2] =	stream.linear.gather [hbm4b:s30+s3], $0x4000, $0x38;
	[tilespmem:$0x1D400] =	vst v63  }
0x57: {  	_ =	swait.ge [sflag:s21], $0x4000  }
0x58: {  	[sflag:s21] =	ssyncset.done $0x0  }
0x59: {  	[sflag:s21] =	ssyncadd.s32 $0xFFFFC000  }
0x5a: {  	[spmem:s2] =	stream.indirect.scatter.add.f32 [tilespmem:s19], [sflag:$0x3], $0x80, s28, s22, $0xb8;
	[tilespmem:$0x1D400] =	vst v63  }
0x5b: {  	_ =	swait.ge [sflag:s23], $0x4000  }
0x5c: {  	[sflag:s23] =	ssyncset.done $0x0  }
0x5d: {  	s0 =	sadd.s32 $0x80, s28;
	[sflag:s23] =	ssyncadd.s32 $0xFFFFC000  }
0x5e: {  	[spmem:s2] =	stream.indirect.scatter.add.f32 [tilespmem:s20], [sflag:$0x4], $0x80, s0, s22, $0xb8;
	[tilespmem:$0x1D400] =	vst v63  }
.Ltmp1:
0x5f: {  	_ =	swait.ge [sflag:s24], $0x4000;
	(pc) =	sbr.rel @p0 .LBB2_4-.Ltmp1, $4  }
0x60: {  	[sflag:s24] =	ssyncset.done $0x0  }
0x61: {  	[sflag:s24] =	ssyncadd.s32 $0xFFFFC000  }
0x62: {  	_ =	swait.ge [sflag:s25], $0x4000  }
0x63: {  	s30 =	smov.u32 s1;
	s28 =	sadd.s32 $0x100, s28;
	[sflag:s25] =	ssyncset.done $0x0  }
0x64: {  	s0 =	sadd.s32 s29, s16;
	[sflag:s25] =	ssyncadd.s32 $0xFFFFC000  }
0x65: {  	[tilespmem:s19], [sflag:$0x1] =	stream.linear.gather [hbm4b:s0+s3], $0x4000, $0x38;
	[tilespmem:$0x1D400] =	vst v63  }
0x66: {  	s30 =	sadd.s32 s29, s17  }
0x67: {  	[tilespmem:s20], [sflag:$0x2] =	stream.linear.gather [hbm4b:s30+s3], $0x4000, $0x38;
	[tilespmem:$0x1D400] =	vst v63  }
0x68: {  	_ =	swait.ge [sflag:s21], $0x4000  }
0x69: {  	[sflag:s21] =	ssyncset.done $0x0  }
0x6a: {  	[sflag:s21] =	ssyncadd.s32 $0xFFFFC000  }
0x6b: {  	[spmem:s2] =	stream.indirect.scatter.add.f32 [tilespmem:s19], [sflag:$0x3], $0x80, s28, s22, $0xb8;
	[tilespmem:$0x1D400] =	vst v63  }
0x6c: {  	_ =	swait.ge [sflag:s23], $0x4000  }
0x6d: {  	[sflag:s23] =	ssyncset.done $0x0  }
0x6e: {  	s31 =	sadd.s32 $0x80, s28;
	[sflag:s23] =	ssyncadd.s32 $0xFFFFC000  }
0x6f: {  	[spmem:s2] =	stream.indirect.scatter.add.f32 [tilespmem:s20], [sflag:$0x4], $0x80, s31, s22, $0xb8;
	[tilespmem:$0x1D400] =	vst v63  }
0x70: {  	_ =	swait.ge [sflag:s24], $0x4000  }
0x71: {  	[sflag:s24] =	ssyncset.done $0x0  }
0x72: {  	[sflag:s24] =	ssyncadd.s32 $0xFFFFC000  }
0x73: {  	_ =	swait.ge [sflag:s25], $0x4000  }
0x74: {  	[sflag:s25] =	ssyncset.done $0x0  }
0x75: {  	[sflag:s25] =	ssyncadd.s32 $0xFFFFC000  }
0x76: {  	[bflag:$0x0] =	sbarrier.arrive $0xFFFF  }
0x77: {  	[tilespmem:s19], [sflag:$0x5] =	stream.linear.gather [spmem:s5], $0x4000, $0x38;
	[tilespmem:$0x1D400] =	vst v63  }
0x78: {  	_ =	swait.ge [sflag:s18], $0x4000  }
0x79: {  	[sflag:s18] =	ssyncset.done $0x0  }
0x7a: {  	[sflag:s18] =	ssyncadd.s32 $0xFFFFC000  }
0x7b: {  	[hbm4b:s10+s3] =	stream.linear.scatter [tilespmem:s19], [sflag:$0x5], $0x4000, $0x38;
	[tilespmem:$0x1D400] =	vst v63  }
0x7c: {  	_ =	swait.ge [sflag:s18], $0x4000  }
0x7d: {  	[sflag:s18] =	ssyncset.done $0x0  }
0x7e: {  	[sflag:s18] =	ssyncadd.s32 $0xFFFFC000  }
0x7f: {  	[tilespmem:s19], [sflag:$0x5] =	stream.linear.gather [spmem:s6], $0x4000, $0x38;
	[tilespmem:$0x1D400] =	vst v63  }
0x80: {  	_ =	swait.ge [sflag:s18], $0x4000  }
0x81: {  	[sflag:s18] =	ssyncset.done $0x0  }
0x82: {  	[sflag:s18] =	ssyncadd.s32 $0xFFFFC000  }
0x83: {  	[hbm4b:s11+s3] =	stream.linear.scatter [tilespmem:s19], [sflag:$0x5], $0x4000, $0x38;
	[tilespmem:$0x1D400] =	vst v63  }
0x84: {  	_ =	swait.ge [sflag:s18], $0x4000  }
0x85: {  	[sflag:s18] =	ssyncset.done $0x0  }
0x86: {  	[sflag:s18] =	ssyncadd.s32 $0xFFFFC000  }
0x87: {  	[tilespmem:s19], [sflag:$0x5] =	stream.linear.gather [spmem:s7], $0x4000, $0x38;
	[tilespmem:$0x1D400] =	vst v63  }
0x88: {  	_ =	swait.ge [sflag:s18], $0x4000  }
0x89: {  	[sflag:s18] =	ssyncset.done $0x0  }
0x8a: {  	[sflag:s18] =	ssyncadd.s32 $0xFFFFC000  }
0x8b: {  	[hbm4b:s12+s3] =	stream.linear.scatter [tilespmem:s19], [sflag:$0x5], $0x4000, $0x38;
	[tilespmem:$0x1D400] =	vst v63  }
0x8c: {  	_ =	swait.ge [sflag:s18], $0x4000  }
0x8d: {  	[sflag:s18] =	ssyncset.done $0x0  }
0x8e: {  	[sflag:s18] =	ssyncadd.s32 $0xFFFFC000  }
0x8f: {  	[tilespmem:s19], [sflag:$0x5] =	stream.linear.gather [spmem:s8], $0x4000, $0x38;
	[tilespmem:$0x1D400] =	vst v63  }
0x90: {  	_ =	swait.ge [sflag:s18], $0x4000  }
0x91: {  	[sflag:s18] =	ssyncset.done $0x0  }
0x92: {  	[sflag:s18] =	ssyncadd.s32 $0xFFFFC000  }
0x93: {  	[hbm4b:s13+s3] =	stream.linear.scatter [tilespmem:s19], [sflag:$0x5], $0x4000, $0x38;
	[tilespmem:$0x1D400] =	vst v63  }
0x94: {  	_ =	swait.ge [sflag:s18], $0x4000  }
0x95: {  	[sflag:s18] =	ssyncset.done $0x0  }
0x96: {  	[sflag:s18] =	ssyncadd.s32 $0xFFFFC000  }
0x97: {  	[tilespmem:s19], [sflag:$0x5] =	stream.linear.gather [spmem:s9], $0x4000, $0x38;
	[tilespmem:$0x1D400] =	vst v63  }
0x98: {  	s26 =	sadd.s32 $0x1, s26;
	_ =	swait.ge [sflag:s18], $0x4000  }
0x99: {  	p0 =	sne.s32 s26, s15;
	[sflag:s18] =	ssyncset.done $0x0  }
.Ltmp2:
0x9a: {  	[sflag:s18] =	ssyncadd.s32 $0xFFFFC000;
	(pc) =	sbr.rel @p0 .LBB2_1-.Ltmp2, $4  }
0x9b: {  	[hbm4b:s14+s3] =	stream.linear.scatter [tilespmem:s19], [sflag:$0x5], $0x4000, $0x38;
	[tilespmem:$0x1D400] =	vst v63  }
0x9c: {  	_ =	swait.ge [sflag:s18], $0x4000  }
0x9d: {  	[sflag:s18] =	ssyncset.done $0x0  }
0x9e: {  	[sflag:s18] =	ssyncadd.s32 $0xFFFFC000  }
0x9f: {  	_ =	sfence.sel $0x180000  }
0xa0: {  	[bflag:$0x0] =	sbarrier.arrive $0xFFFF  }
0xa1: {  	_ =	strace $0x9000004A  }
0xa2: {  	s0 =	stileid.u32;
	[bflag:$0x2] =	sbarrier.arrive $0xFFFF  }
0xa3: {  	p0 =	sne.s32 s0, $0x0;
	s0 =	rddreg [dreg:$0x2]  }
0xa4: {  	s0 =	sadd.s32 @!p0 $0x100000, s0  }
0xa5: {  	[sflag:s0] =	ssyncadd.tile.s32 @!p0 $0x1;
	_ =	shalt  }
.Lfunc_end2:
_tile_overlayer_lowered:
.L_overlay_start_2:
0xa6: {  	(tag) =	ssettag $0x2  }
0xa7: {  	s0 =	rddreg [dreg:$0x0];
	s2 =	stileid.u32  }
0xa8: {  	s1 =	rddreg [dreg:$0x1];
	p0 =	sne.s32 s2, $0x0  }
0xa9: {  	s3 =	rddreg [dreg:$0x2];
	[bflag:$0x3] =	sbarrier.arrive $0xFFFF;
	s2 =	simm.s32 @!p0 $0x1C05  }
0xaa: {  	[timem:s3], [sflag:s2] =	dma.local @!p0 [hbm:s0], s1  }
0xab: {  	s0 =	simm.s32 @!p0 $0x5  }
0xac: {  	_ =	swait.ge @!p0 [sflag:s0], s1  }
0xad: {  	s1 =	ssub.s32 @!p0 $0x0, s1;
	[sflag:s0] =	ssyncset.done @!p0 $0x0  }
0xae: {  	[sflag:s0] =	ssyncadd.s32 @!p0 s1  }
0xaf: {  	[bflag:$0x3] =	sbarrier.arrive $0xFFFF  }
0xb0: {  	_ =	shalt  }

// kernel: kernel.18.cloned.1.call-start
scs
__scs_entry_jumppad:
0x0: {  	(pc) =	sbr.rel $0x88, $3  }
0x1: {  	(tag) =	ssettag $0x0;
	lr =	simm.s32 $0x1  }
0x2: {  	[smem:$0x3F70] =	sst lr;
	_ =	strace $0xD0000000  }
0x3: {  	_ = 	snop  }
0x4: {  	_ = 	snop  }
0x5: {  	_ = 	snop  }
0x6: {  	_ = 	snop  }
0x7: {  	_ = 	snop  }
__scs_overlays_trampoline_lowered:
0x8: {  	[smem:$0x3F7F] =	sst s0  }
0x9: {  	[smem:$0x3F80] =	sst s1  }
0xa: {  	[smem:$0x3F81] =	sst s2  }
0xb: {  	[smem:$0x3F82] =	sst s3  }
0xc: {  	[smem:$0x3F83] =	sst s4  }
0xd: {  	[smem:$0x3F84] =	sst s5  }
0xe: {  	[smem:$0x3F85] =	sst s6  }
0xf: {  	[smem:$0x3F86] =	sst s7  }
0x10: {  	[smem:$0x3F87] =	sst s8  }
0x11: {  	[smem:$0x3F88] =	sst s9;
	s0 =	simm.s32 @!p0 $0x0  }
0x12: {  	s1 =	sld [smem:$0x3F6E];
	s0 =	simm.s32 @p0 $0x1  }
0x13: {  	[smem:$0x3F89] =	sst s0;
	s0 =	simm.s32 @!p1 $0x0  }
0x14: {  	s2 =	sld [smem:$0x3F6D];
	s0 =	simm.s32 @p1 $0x1  }
0x15: {  	[smem:$0x3F8A] =	sst s0;
	s0 =	simm.s32 @!p2 $0x0  }
0x16: {  	s3 =	sld [smem:$0x3FDB];
	s0 =	simm.s32 @p2 $0x1  }
0x17: {  	s4 =	simm.s32 $0x1BF5;
	[smem:$0x3F8C] =	sst s0  }
0x18: {  	s0 =	sld [smem:$0x3F6F];
	_ =	swait.ge [sflag:s4], $0x0  }
0x19: {  	s7 =	sld [smem:$0x3F70]  }
0x1a: {  	s8 =	sadd.s32 $0xFFFFE003, lr  }
0x1b: {  	s9 =	sadd.s32 $0xFFFFFEF7, lr;
	s5 =	simm.s32 $0xFFFFFFFF;
	p2 =	slt.u32 s8, $0xFFFFF086  }
0x1c: {  	p1 =	slt.u32 s9, $0xF7A;
	s5 =	simm.s32 @!p2 $0x0  }
0x1d: {  	s5 =	simm.s32 @p1 $0x1;
	p0 =	seq.s32 s7, s2  }
0x1e: {  	s7 =	smul.u32 @!p0 $0xF7A, s2;
	p2 =	seq.s32 @!p0 s5, $0x0  }
0x1f: {  	s9 =	smul.u32 $0xF7A, s1;
	s8 =	simm.s32 @!p0 $0x1BF5;
	p2 =	por !p2, p0  }
0x20: {  	[sflag:s8] =	ssyncset.s32 @!p0 $0xFFFFF086;
	s6 =	sadd.s32 @!p0 s3, s7;
	s7 =	simm.s32 @!p0 $0x108  }
0x21: {  	s3 =	sadd.s32 s3, s9;
	s6 =	sadd.s32 @!p0 $0x88, s6;
	s7 =	simm.s32 @p2 $0x1082  }
0x22: {  	[simem:s7], [sflag:s8] =	dma.local @!p0 [hbm:s6], $0xF7A  }
0x23: {  	s9 =	sor.u32 $0xD0000000, s2;
	s6 =	simm.s32 $0x108;
	_ =	swait.ge @!p0 [sflag:s8], $0x0  }
0x24: {  	s3 =	sadd.s32 $0x88, s3;
	s6 =	simm.s32 @!p1 $0x1082;
	[sflag:s4] =	ssyncset.s32 $0xFFFFF086  }
0x25: {  	[simem:s6], [sflag:s4] =	dma.local [hbm:s3], $0xF7A  }
0x26: {  	[smem:$0x3F70] =	sst s1;
	(tag) =	ssettag s2;
	_ =	strace s9  }
0x27: {  	s1 =	sld [smem:$0x3F80]  }
0x28: {  	s2 =	sld [smem:$0x3F81]  }
0x29: {  	s4 =	sld [smem:$0x3F83]  }
0x2a: {  	p0 =	seq.s32 s5, $0x0;
	s5 =	sld [smem:$0x3F84]  }
0x2b: {  	s6 =	sld [smem:$0x3F85]  }
0x2c: {  	s7 =	sld [smem:$0x3F86]  }
0x2d: {  	s3 =	simm.s32 $0x108;
	s8 =	sld [smem:$0x3F87]  }
0x2e: {  	s3 =	simm.s32 @!p0 $0x1082;
	s9 =	sld [smem:$0x3F88]  }
0x2f: {  	lr =	sadd.s32 s0, s3;
	s0 =	sld [smem:$0x3F7F]  }
0x30: {  	s3 =	sld [smem:$0x3F82]  }
0x31: {  	[smem:$0x3F8B] =	sst s10  }
0x32: {  	s10 =	sld [smem:$0x3F89];
	_ =	sdelay $0x3  }
0x33: {  	p0 =	seq.s32 s10, $0x1;
	s10 =	sld [smem:$0x3F8B];
	_ =	sdelay $0x3  }
0x34: {  	[smem:$0x3F8B] =	sst s10  }
0x35: {  	s10 =	sld [smem:$0x3F8A];
	_ =	sdelay $0x3  }
0x36: {  	p1 =	seq.s32 s10, $0x1;
	s10 =	sld [smem:$0x3F8B];
	_ =	sdelay $0x3  }
0x37: {  	[smem:$0x3F8B] =	sst s10  }
0x38: {  	s10 =	sld [smem:$0x3F8C]  }
0x39: {  	_ = 	snop;
	(pc) =	sbr.ind lr, $3  }
0x3a: {  	_ = 	snop  }
0x3b: {  	_ = 	snop  }
0x3c: {  	p2 =	seq.s32 s10, $0x1;
	s10 =	sld [smem:$0x3F8B]  }
0x3d: {  	_ =	shalt  }
0x3e: {  	_ =	shalt  }
0x3f: {  	_ =	shalt  }
0x40: {  	_ =	shalt  }
0x41: {  	_ =	shalt  }
0x42: {  	_ =	shalt  }
0x43: {  	_ =	shalt  }
0x44: {  	_ =	shalt  }
0x45: {  	_ =	shalt  }
0x46: {  	_ =	shalt  }
0x47: {  	_ =	shalt  }
0x48: {  	_ =	shalt  }
0x49: {  	_ =	shalt  }
0x4a: {  	_ =	shalt  }
0x4b: {  	_ =	shalt  }
0x4c: {  	_ =	shalt  }
0x4d: {  	_ =	shalt  }
0x4e: {  	_ =	shalt  }
0x4f: {  	_ =	shalt  }
0x50: {  	_ =	shalt  }
0x51: {  	_ =	shalt  }
0x52: {  	_ =	shalt  }
0x53: {  	_ =	shalt  }
0x54: {  	_ =	shalt  }
0x55: {  	_ =	shalt  }
0x56: {  	_ =	shalt  }
0x57: {  	_ =	shalt  }
0x58: {  	_ =	shalt  }
0x59: {  	_ =	shalt  }
0x5a: {  	_ =	shalt  }
0x5b: {  	_ =	shalt  }
0x5c: {  	_ =	shalt  }
0x5d: {  	_ =	shalt  }
0x5e: {  	_ =	shalt  }
0x5f: {  	_ =	shalt  }
0x60: {  	_ =	shalt  }
0x61: {  	_ =	shalt  }
0x62: {  	_ =	shalt  }
0x63: {  	_ =	shalt  }
0x64: {  	_ =	shalt  }
0x65: {  	_ =	shalt  }
0x66: {  	_ =	shalt  }
0x67: {  	_ =	shalt  }
0x68: {  	_ =	shalt  }
0x69: {  	_ =	shalt  }
0x6a: {  	_ =	shalt  }
0x6b: {  	_ =	shalt  }
0x6c: {  	_ =	shalt  }
0x6d: {  	_ =	shalt  }
0x6e: {  	_ =	shalt  }
0x6f: {  	_ =	shalt  }
0x70: {  	_ =	shalt  }
0x71: {  	_ =	shalt  }
0x72: {  	_ =	shalt  }
0x73: {  	_ =	shalt  }
0x74: {  	_ =	shalt  }
0x75: {  	_ =	shalt  }
0x76: {  	_ =	shalt  }
0x77: {  	_ =	shalt  }
0x78: {  	_ =	shalt  }
0x79: {  	_ =	shalt  }
0x7a: {  	_ =	shalt  }
0x7b: {  	_ =	shalt  }
0x7c: {  	_ =	shalt  }
0x7d: {  	_ =	shalt  }
0x7e: {  	_ =	shalt  }
0x7f: {  	_ =	shalt  }
0x80: {  	_ =	shalt  }
0x81: {  	_ =	shalt  }
0x82: {  	_ =	shalt  }
0x83: {  	_ =	shalt  }
0x84: {  	_ =	shalt  }
0x85: {  	_ =	shalt  }
0x86: {  	_ =	shalt  }
0x87: {  	_ =	shalt  }
.Lfunc_end0:
.L_simem_size_0:
called_computation.2_lowered:
.L_overlay_start_0:
0x88: {  	s2 =	sld [smem:$0x3FD9]  }
0x89: {  	s3 =	sld [smem:$0x3FFE];
	_ =	sdelay $0x1  }
0x8a: {  	s1 =	srdreg.scid  }
0x8b: {  	s0 =	sand.u32 $0x1, s1  }
0x8c: {  	s16 =	sshll.u32 s0, $0xA;
	s2 =	sadd.s32 s3, s2  }
0x8d: {  	s2 =	sadd.s32 s2, s16  }
0x8e: {  	[smem:$0x3F97] =	sst s2  }
0x8f: {  	_ = 	snop  }
0x90: {  	(tm) =	ssettm $0x1  }
0x91: {  	s17 =	sld [smem:$0x3FFB];
	_ =	sdelay $0x3  }
0x92: {  	_ =	strace s17  }
0x93: {  	s2 =	sld [smem:$0x3FFC];
	_ =	sdelay $0x3  }
0x94: {  	_ =	strace s2  }
0x95: {  	s2 =	sld [smem:$0x3FFD];
	_ =	sdelay $0x3  }
0x96: {  	_ =	strace s2  }
0x97: {  	_ =	strace $0x8FFFFFFF  }
0x98: {  	s18 =	sld [smem:$0x3FDB];
	_ =	sdelay $0x1  }
0x99: {  	s19 =	simm.s32 $_scs_section_size  }
0x9a: {  	s4 =	simm.s32 $_size__tile_overlayer_lowered;
	s5 =	simm.s32 $_tile_overlayer_lowered  }
0x9b: {  	s22 =	simm.s32 $0x1BFF;
	s21 =	sshll.u32 s5, $0x1;
	s2 =	sadd.s32 s19, s18  }
0x9c: {  	s6 =	simm.s32 $0x0;
	s20 =	sshll.u32 s4, $0x1;
	s4 =	sadd.s32 s21, s2  }
0x9d: {  	[timem:s6], [sflag:s22] =	dma.local [hbm:s4], s20  }
0x9e: {  	_ =	swait.ge [sflag:s22], s20  }
0x9f: {  	s3 =	ssub.s32 $0x0, s20;
	[sflag:s22] =	ssyncset.done $0x0  }
0xa0: {  	[sflag:s22] =	ssyncadd.s32 s3;
	_ =	sdelay $0x1  }
0xa1: {  	s23 =	simm.s32 $0x1B8B  }
0xa2: {  	_ =	swait.ge [sflag:s23], $0x1  }
0xa3: {  	[sflag:s23] =	ssyncset.done $0x0  }
0xa4: {  	s25 =	simm.s32 $0x1B8E;
	s24 =	sld [smem:$0x3FFE];
	[sflag:s23] =	ssyncadd.s32 $0xFFFFFFFF  }
0xa5: {  	s26 =	simm.s32 $execute0_lowered;
	[smem:$0x3FD2] =	sst s25  }
0xa6: {  	s4 =	sshll.u32 s26, $0x1;
	_ =	strace $0x8000004C;
	[dreg:$0x1] =	wrdreg $0xFFFFFFFF  }
0xa7: {  	s28 =	simm.s32 $_size_execute0_lowered;
	s2 =	sadd.s32 s2, s4;
	[dreg:$0x0] =	wrdreg $0x0  }
0xa8: {  	s4 =	sshll.u32 s28, $0x1;
	[dreg:$0x2] =	wrdreg s2  }
0xa9: {  	[dreg:$0x3] =	wrdreg s4  }
0xaa: {  	[dreg:$0x4] =	wrdreg $0xC0  }
0xab: {  	_ =	task [dreg:s6], $0x5FFFF  }
0xac: {  	[dreg:$0x1] =	wrdreg $0xFFFFFFFF  }
0xad: {  	[dreg:$0x0] =	wrdreg $0x60  }
0xae: {  	[dreg:$0x2] =	wrdreg s24  }
0xaf: {  	[dreg:$0x3] =	wrdreg $0xA8000  }
0xb0: {  	[dreg:$0x4] =	wrdreg $0x9  }
0xb1: {  	_ =	task.clear_ibuf [dreg:s6], $0x5FFFF;
	_ =	strace $0x9000004C  }
0xb2: {  	s29 =	simm.s32 $0x9;
	_ =	strace $0x8000004E  }
0xb3: {  	_ =	swait.ge [sflag:s29], $0x1  }
0xb4: {  	[sflag:s29] =	ssyncadd.s32 $0xFFFFFFFF  }
0xb5: {  	_ =	strace $0x9000004E  }
0xb6: {  	_ =	sfence  }
0xb7: {  	s30 =	sld [smem:$0x0];
	_ =	sdelay $0x2  }
0xb8: {  	s31 =	sshll.u32 s1, $0xD;
	s1 =	sshrl.u32 s1, $0x2  }
0xb9: {  	s3 =	sand.u32 $0x4000, s31;
	s1 =	sadd.s32 s1, s30  }
0xba: {  	s0 =	sor.u32 s3, s0;
	s1 =	sshll.u32 s1, $0x11  }
0xbb: {  	s0 =	sor.u32 s1, s0  }
0xbc: {  	s0 =	sadd.s32 $0x8F2B, s0  }
0xbd: {  	[sflag:s0] =	ssyncadd.remote.s32 $0x1  }
0xbe: {  	_ =	sfence.sel $0xFFFF  }
0xbf: {  	[dreg:$0x0] =	wrdreg $0xFFFFFFFF;
	(pc) =	sbr.abs _section_cstart, $3  }
0xc0: {  	[dreg:$0x1] =	wrdreg $0xFFFFFFFF  }
0xc1: {  	_ =	task.clear_ibuf [dreg:s6], $0x2FFFF;
	_ =	strace $0x9FFFFFFF  }
0xc2: {  	(tm) =	ssettm $0x7FFFFFFF  }
0xc3: {  	_ =	shalt  }
tec
execute0_lowered:
.L_overlay_start_1:
0x0: {  	(tag) =	ssettag $0x1  }
0x1: {  	s5 =	rddreg [dreg:$0x0]  }
0x2: {  	s2 =	rddreg [dreg:$0x1]  }
0x3: {  	s3 =	srdreg.scid;
	s1 =	stileid.u32  }
0x4: {  	s22 =	simm.s32 $0x6800;
	s23 =	simm.s32 $0x1;
	s6 =	smul.u32 $0x28, s1  }
0x5: {  	s28 =	simm.s32 $0x0;
	s8 =	sand.u32 $0x1, s3;
	s11 =	smul.u32 $0x280, s1  }
0x6: {  	s3 =	simm.s32 $0x0;
	s10 =	smul.u32 $0x50000, s1;
	s16 =	sadd.s32 $0x3B200, s5  }
0x7: {  	s4 =	ssub.s32 $0x0, s8;
	[smem:$0x7FF] =	sst s3;
	s24 =	ssub.s32 $0x2, s8  }
0x8: {  	s18 =	smul.u32 $0x2800, s8;
	s7 =	sand.u32 $0x280, s4;
	_ =	strace $0x8000004D  }
0x9: {  	s4 =	sadd.s32 $0x13200, s5;
	s9 =	sshrl.u32 s24, $0x1;
	s25 =	sshrl.u32 s10, $0x2  }
0xa: {  	s12 =	sadd.s32 $0x80, s11;
	s14 =	sadd.s32 $0x100, s11;
	s15 =	sadd.s32 $0x180, s11  }
0xb: {  	s19 =	sadd.s32 $0x200, s11;
	s6 =	sadd.s32 s6, s7;
	s17 =	ssub.s32 s24, s9  }
0xc: {  	s7 =	sadd.s32 s25, s2;
	s26 =	sshll.u32 s12, $0x7;
	s29 =	sshll.u32 s14, $0x7  }
0xd: {  	s30 =	sshll.u32 s15, $0x7;
	s11 =	sadd.s32 s11, s18;
	s13 =	sshll.u32 s19, $0x7  }
0xe: {  	s21 =	sadd.s32 s18, s12;
	s14 =	sadd.s32 s18, s14;
	s15 =	sadd.s32 s18, s15  }
0xf: {  	s18 =	sadd.s32 s18, s19;
	s19 =	simm.s32 $0x1400;
	s24 =	simm.s32 $0x2  }
0x10: {  	s25 =	simm.s32 $0x3;
	s6 =	sshll.u32 s6, $0x4;
	s8 =	sadd.s32 s26, s2  }
0x11: {  	s9 =	sadd.s32 s29, s2;
	s10 =	sadd.s32 s30, s2;
	s20 =	sshll.u32 s11, $0x4  }
0x12: {  	s11 =	sadd.s32 s13, s2;
	s31 =	sshll.u32 s21, $0x4;
	s14 =	sshll.u32 s14, $0x4  }
0x13: {  	s15 =	sshll.u32 s15, $0x4;
	s18 =	sshll.u32 s18, $0x4;
	s17 =	smax.u32 s17, $0x1  }
0x14: {  	s21 =	simm.s32 $0x80;
	s26 =	simm.s32 $0x4;
	s6 =	sadd.s32 s6, s5  }
0x15: {  	s12 =	sadd.s32 s16, s20;
	s13 =	sadd.s32 s16, s31;
	s14 =	sadd.s32 s16, s14  }
0x16: {  	s15 =	sadd.s32 s16, s15;
	s16 =	sadd.s32 s16, s18;
	s18 =	simm.s32 $0x5  }
0x17: {  	v0 =	vimm.f32 $0.0e+00;
	s20 =	simm.s32 $0x2800;
	s5 =	sadd.s32 $0xDE00, s6;
	s6 =	sadd.s32 $0x8A00, s6  }
.LBB2_1:
0x18: {  	[tilespmem:s3], [sflag:$0x5] =	stream.linear.gather [hbm4b:s5+s3], $0x1400, $0x38;
	[tilespmem:$0x1E800] =	vst v63  }
0x19: {  	_ =	swait.ge [sflag:s18], $0x1400  }
0x1a: {  	[sflag:s18] =	ssyncset.done $0x0  }
0x1b: {  	[sflag:s18] =	ssyncadd.s32 $0xFFFFEC00  }
0x1c: {  	[tilespmem:s19], [sflag:$0x5] =	stream.linear.gather [hbm4b:s6+s3], $0x1400, $0x38;
	[tilespmem:$0x1E800] =	vst v63  }
0x1d: {  	_ =	swait.ge [sflag:s18], $0x1400  }
0x1e: {  	[sflag:s18] =	ssyncset.done $0x0  }
0x1f: {  	s29 =	simm.s32 $0x0;
	s30 =	simm.s32 $0x200;
	[sflag:s18] =	ssyncadd.s32 $0xFFFFEC00  }
.LBB2_2:
0x20: {  	p0 =	sne.s32 s30, $0xFE00;
	[tilespmem:s29+$0x2870] =	vst v0  }
0x21: {  	[tilespmem:s29+$0x2800] =	vst v0  }
0x22: {  	[tilespmem:s29+$0x2810] =	vst v0  }
.Ltmp0:
0x23: {  	[tilespmem:s29+$0x2820] =	vst v0;
	(pc) =	sbr.rel @p0 .LBB2_2-.Ltmp0, $4  }
0x24: {  	[tilespmem:s29+$0x2830] =	vst v0  }
0x25: {  	[tilespmem:s29+$0x2840] =	vst v0  }
0x26: {  	[tilespmem:s29+$0x2850] =	vst v0  }
0x27: {  	[tilespmem:s29+$0x2860] =	vst v0;
	s29 =	sshra.s32 s30, $0x2;
	s30 =	sadd.s32 $0x200, s30  }
0x28: {  	[tilespmem:s29+$0x2870] =	vst v0  }
0x29: {  	[tilespmem:s29+$0x2800] =	vst v0  }
0x2a: {  	[tilespmem:s29+$0x2810] =	vst v0  }
0x2b: {  	[tilespmem:s29+$0x2820] =	vst v0  }
0x2c: {  	[tilespmem:s29+$0x2830] =	vst v0  }
0x2d: {  	[tilespmem:s29+$0x2840] =	vst v0  }
0x2e: {  	[tilespmem:s29+$0x2850] =	vst v0  }
0x2f: {  	[tilespmem:s29+$0x2860] =	vst v0  }
0x30: {  	[spmem:s7] =	stream.linear.scatter [tilespmem:s20], [sflag:$0x5], $0x4000, $0x38;
	[tilespmem:$0x1E800] =	vst v63  }
0x31: {  	_ =	swait.ge [sflag:s18], $0x4000  }
0x32: {  	[sflag:s18] =	ssyncset.done $0x0  }
0x33: {  	[sflag:s18] =	ssyncadd.s32 $0xFFFFC000  }
0x34: {  	[spmem:s8] =	stream.linear.scatter [tilespmem:s20], [sflag:$0x5], $0x4000, $0x38;
	[tilespmem:$0x1E800] =	vst v63  }
0x35: {  	_ =	swait.ge [sflag:s18], $0x4000  }
0x36: {  	[sflag:s18] =	ssyncset.done $0x0  }
0x37: {  	[sflag:s18] =	ssyncadd.s32 $0xFFFFC000  }
0x38: {  	[spmem:s9] =	stream.linear.scatter [tilespmem:s20], [sflag:$0x5], $0x4000, $0x38;
	[tilespmem:$0x1E800] =	vst v63  }
0x39: {  	_ =	swait.ge [sflag:s18], $0x4000  }
0x3a: {  	[sflag:s18] =	ssyncset.done $0x0  }
0x3b: {  	[sflag:s18] =	ssyncadd.s32 $0xFFFFC000  }
0x3c: {  	[spmem:s10] =	stream.linear.scatter [tilespmem:s20], [sflag:$0x5], $0x4000, $0x38;
	[tilespmem:$0x1E800] =	vst v63  }
0x3d: {  	_ =	swait.ge [sflag:s18], $0x4000  }
0x3e: {  	[sflag:s18] =	ssyncset.done $0x0  }
0x3f: {  	[sflag:s18] =	ssyncadd.s32 $0xFFFFC000  }
0x40: {  	[spmem:s11] =	stream.linear.scatter [tilespmem:s20], [sflag:$0x5], $0x4000, $0x38;
	[tilespmem:$0x1E800] =	vst v63  }
0x41: {  	_ =	swait.ge [sflag:s18], $0x4000  }
0x42: {  	[sflag:s18] =	ssyncset.done $0x0  }
0x43: {  	[sflag:s18] =	ssyncadd.s32 $0xFFFFC000  }
0x44: {  	s29 =	simm.s32 $0x0;
	[bflag:$0x0] =	sbarrier.arrive $0xFFFF  }
0x45: {  	[tilespmem:s20], [sflag:$0x1] =	stream.indirect.gather [hbm4b:s4+s21], $0x80, s29, s21, $0xb8;
	[tilespmem:$0x1E800] =	vst v63  }
0x46: {  	s29 =	simm.s32 $0x80  }
0x47: {  	[tilespmem:s22], [sflag:$0x2] =	stream.indirect.gather [hbm4b:s4+s21], $0x80, s29, s21, $0xb8;
	[tilespmem:$0x1E800] =	vst v63  }
0x48: {  	_ =	swait.ge [sflag:s23], $0x4000  }
0x49: {  	[sflag:s23] =	ssyncset.done $0x0  }
0x4a: {  	s29 =	simm.s32 $0x1400;
	[sflag:s23] =	ssyncadd.s32 $0xFFFFC000  }
0x4b: {  	[spmem:s2] =	stream.indirect.scatter.add.f32 [tilespmem:s20], [sflag:$0x3], $0x80, s29, s21, $0xb8;
	[tilespmem:$0x1E800] =	vst v63  }
0x4c: {  	_ =	swait.ge [sflag:s24], $0x4000  }
0x4d: {  	[sflag:s24] =	ssyncset.done $0x0  }
0x4e: {  	s29 =	simm.s32 $0x1480;
	[sflag:s24] =	ssyncadd.s32 $0xFFFFC000  }
0x4f: {  	[spmem:s2] =	stream.indirect.scatter.add.f32 [tilespmem:s22], [sflag:$0x4], $0x80, s29, s21, $0xb8;
	[tilespmem:$0x1E800] =	vst v63  }
0x50: {  	_ =	swait.ge [sflag:s25], $0x4000  }
0x51: {  	[sflag:s25] =	ssyncset.done $0x0  }
0x52: {  	[sflag:s25] =	ssyncadd.s32 $0xFFFFC000  }
0x53: {  	_ =	swait.ge [sflag:s26], $0x4000  }
0x54: {  	s30 =	simm.s32 $0x800;
	s29 =	simm.s32 $0x400;
	[sflag:s26] =	ssyncset.done $0x0  }
.LBB2_4:
0x55: {  	s31 =	sshra.s32 s29, $0x2  }
0x56: {  	[sflag:s26] =	ssyncadd.s32 $0xFFFFC000;
	s29 =	smov.u32 s30;
	s0 =	sadd.s32 $0x400, s30  }
0x57: {  	[tilespmem:s20], [sflag:$0x1] =	stream.indirect.gather [hbm4b:s4+s21], $0x80, s31, s21, $0xb8;
	[tilespmem:$0x1E800] =	vst v63  }
0x58: {  	p0 =	sne.s32 s30, $0x4C00;
	s30 =	sadd.s32 $0x80, s31  }
0x59: {  	[tilespmem:s22], [sflag:$0x2] =	stream.indirect.gather [hbm4b:s4+s21], $0x80, s30, s21, $0xb8;
	[tilespmem:$0x1E800] =	vst v63  }
0x5a: {  	_ =	swait.ge [sflag:s23], $0x4000  }
0x5b: {  	[sflag:s23] =	ssyncset.done $0x0  }
0x5c: {  	s30 =	sadd.s32 $0x1400, s31;
	[sflag:s23] =	ssyncadd.s32 $0xFFFFC000  }
0x5d: {  	[spmem:s2] =	stream.indirect.scatter.add.f32 [tilespmem:s20], [sflag:$0x3], $0x80, s30, s21, $0xb8;
	[tilespmem:$0x1E800] =	vst v63  }
0x5e: {  	_ =	swait.ge [sflag:s24], $0x4000  }
0x5f: {  	[sflag:s24] =	ssyncset.done $0x0  }
0x60: {  	s30 =	sadd.s32 $0x1480, s31;
	[sflag:s24] =	ssyncadd.s32 $0xFFFFC000  }
0x61: {  	[spmem:s2] =	stream.indirect.scatter.add.f32 [tilespmem:s22], [sflag:$0x4], $0x80, s30, s21, $0xb8;
	[tilespmem:$0x1E800] =	vst v63  }
.Ltmp1:
0x62: {  	_ =	swait.ge [sflag:s25], $0x4000;
	(pc) =	sbr.rel @p0 .LBB2_4-.Ltmp1, $4  }
0x63: {  	[sflag:s25] =	ssyncset.done $0x0  }
0x64: {  	[sflag:s25] =	ssyncadd.s32 $0xFFFFC000  }
0x65: {  	_ =	swait.ge [sflag:s26], $0x4000  }
0x66: {  	s30 =	smov.u32 s0;
	[sflag:s26] =	ssyncset.done $0x0  }
0x67: {  	s0 =	sshra.s32 s29, $0x2;
	[sflag:s26] =	ssyncadd.s32 $0xFFFFC000  }
0x68: {  	[tilespmem:s20], [sflag:$0x1] =	stream.indirect.gather [hbm4b:s4+s21], $0x80, s0, s21, $0xb8;
	[tilespmem:$0x1E800] =	vst v63  }
0x69: {  	s29 =	sadd.s32 $0x80, s0  }
0x6a: {  	[tilespmem:s22], [sflag:$0x2] =	stream.indirect.gather [hbm4b:s4+s21], $0x80, s29, s21, $0xb8;
	[tilespmem:$0x1E800] =	vst v63  }
0x6b: {  	_ =	swait.ge [sflag:s23], $0x4000  }
0x6c: {  	[sflag:s23] =	ssyncset.done $0x0  }
0x6d: {  	s31 =	sadd.s32 $0x1400, s0;
	[sflag:s23] =	ssyncadd.s32 $0xFFFFC000  }
0x6e: {  	[spmem:s2] =	stream.indirect.scatter.add.f32 [tilespmem:s20], [sflag:$0x3], $0x80, s31, s21, $0xb8;
	[tilespmem:$0x1E800] =	vst v63  }
0x6f: {  	_ =	swait.ge [sflag:s24], $0x4000  }
0x70: {  	[sflag:s24] =	ssyncset.done $0x0  }
0x71: {  	s0 =	sadd.s32 $0x1480, s0;
	[sflag:s24] =	ssyncadd.s32 $0xFFFFC000  }
0x72: {  	[spmem:s2] =	stream.indirect.scatter.add.f32 [tilespmem:s22], [sflag:$0x4], $0x80, s0, s21, $0xb8;
	[tilespmem:$0x1E800] =	vst v63  }
0x73: {  	_ =	swait.ge [sflag:s25], $0x4000  }
0x74: {  	[sflag:s25] =	ssyncset.done $0x0  }
0x75: {  	[sflag:s25] =	ssyncadd.s32 $0xFFFFC000  }
0x76: {  	_ =	swait.ge [sflag:s26], $0x4000  }
0x77: {  	[sflag:s26] =	ssyncset.done $0x0  }
0x78: {  	[sflag:s26] =	ssyncadd.s32 $0xFFFFC000  }
0x79: {  	[bflag:$0x0] =	sbarrier.arrive $0xFFFF  }
0x7a: {  	[tilespmem:s20], [sflag:$0x5] =	stream.linear.gather [spmem:s7], $0x4000, $0x38;
	[tilespmem:$0x1E800] =	vst v63  }
0x7b: {  	_ =	swait.ge [sflag:s18], $0x4000  }
0x7c: {  	[sflag:s18] =	ssyncset.done $0x0  }
0x7d: {  	[sflag:s18] =	ssyncadd.s32 $0xFFFFC000  }
0x7e: {  	[hbm4b:s12+s3] =	stream.linear.scatter [tilespmem:s20], [sflag:$0x5], $0x4000, $0x38;
	[tilespmem:$0x1E800] =	vst v63  }
0x7f: {  	_ =	swait.ge [sflag:s18], $0x4000  }
0x80: {  	[sflag:s18] =	ssyncset.done $0x0  }
0x81: {  	[sflag:s18] =	ssyncadd.s32 $0xFFFFC000  }
0x82: {  	[tilespmem:s20], [sflag:$0x5] =	stream.linear.gather [spmem:s8], $0x4000, $0x38;
	[tilespmem:$0x1E800] =	vst v63  }
0x83: {  	_ =	swait.ge [sflag:s18], $0x4000  }
0x84: {  	[sflag:s18] =	ssyncset.done $0x0  }
0x85: {  	[sflag:s18] =	ssyncadd.s32 $0xFFFFC000  }
0x86: {  	[hbm4b:s13+s3] =	stream.linear.scatter [tilespmem:s20], [sflag:$0x5], $0x4000, $0x38;
	[tilespmem:$0x1E800] =	vst v63  }
0x87: {  	_ =	swait.ge [sflag:s18], $0x4000  }
0x88: {  	[sflag:s18] =	ssyncset.done $0x0  }
0x89: {  	[sflag:s18] =	ssyncadd.s32 $0xFFFFC000  }
0x8a: {  	[tilespmem:s20], [sflag:$0x5] =	stream.linear.gather [spmem:s9], $0x4000, $0x38;
	[tilespmem:$0x1E800] =	vst v63  }
0x8b: {  	_ =	swait.ge [sflag:s18], $0x4000  }
0x8c: {  	[sflag:s18] =	ssyncset.done $0x0  }
0x8d: {  	[sflag:s18] =	ssyncadd.s32 $0xFFFFC000  }
0x8e: {  	[hbm4b:s14+s3] =	stream.linear.scatter [tilespmem:s20], [sflag:$0x5], $0x4000, $0x38;
	[tilespmem:$0x1E800] =	vst v63  }
0x8f: {  	_ =	swait.ge [sflag:s18], $0x4000  }
0x90: {  	[sflag:s18] =	ssyncset.done $0x0  }
0x91: {  	[sflag:s18] =	ssyncadd.s32 $0xFFFFC000  }
0x92: {  	[tilespmem:s20], [sflag:$0x5] =	stream.linear.gather [spmem:s10], $0x4000, $0x38;
	[tilespmem:$0x1E800] =	vst v63  }
0x93: {  	_ =	swait.ge [sflag:s18], $0x4000  }
0x94: {  	[sflag:s18] =	ssyncset.done $0x0  }
0x95: {  	[sflag:s18] =	ssyncadd.s32 $0xFFFFC000  }
0x96: {  	[hbm4b:s15+s3] =	stream.linear.scatter [tilespmem:s20], [sflag:$0x5], $0x4000, $0x38;
	[tilespmem:$0x1E800] =	vst v63  }
0x97: {  	_ =	swait.ge [sflag:s18], $0x4000  }
0x98: {  	[sflag:s18] =	ssyncset.done $0x0  }
0x99: {  	[sflag:s18] =	ssyncadd.s32 $0xFFFFC000  }
0x9a: {  	[tilespmem:s20], [sflag:$0x5] =	stream.linear.gather [spmem:s11], $0x4000, $0x38;
	[tilespmem:$0x1E800] =	vst v63  }
0x9b: {  	s28 =	sadd.s32 $0x1, s28;
	_ =	swait.ge [sflag:s18], $0x4000  }
0x9c: {  	p0 =	sne.s32 s28, s17;
	[sflag:s18] =	ssyncset.done $0x0  }
.Ltmp2:
0x9d: {  	[sflag:s18] =	ssyncadd.s32 $0xFFFFC000;
	(pc) =	sbr.rel @p0 .LBB2_1-.Ltmp2, $4  }
0x9e: {  	[hbm4b:s16+s3] =	stream.linear.scatter [tilespmem:s20], [sflag:$0x5], $0x4000, $0x38;
	[tilespmem:$0x1E800] =	vst v63  }
0x9f: {  	_ =	swait.ge [sflag:s18], $0x4000  }
0xa0: {  	[sflag:s18] =	ssyncset.done $0x0  }
0xa1: {  	[sflag:s18] =	ssyncadd.s32 $0xFFFFC000  }
0xa2: {  	_ =	sfence.sel $0x180000  }
0xa3: {  	[bflag:$0x0] =	sbarrier.arrive $0xFFFF  }
0xa4: {  	_ =	strace $0x9000004D  }
0xa5: {  	[bflag:$0x2] =	sbarrier.arrive $0xFFFF  }
0xa6: {  	p0 =	sne.s32 s1, $0x0;
	s0 =	rddreg [dreg:$0x2]  }
0xa7: {  	s0 =	sadd.s32 @!p0 $0x100000, s0  }
0xa8: {  	[sflag:s0] =	ssyncadd.tile.s32 @!p0 $0x1;
	_ =	shalt  }
.Lfunc_end2:
_tile_overlayer_lowered:
.L_overlay_start_2:
0xa9: {  	(tag) =	ssettag $0x2  }
0xaa: {  	s0 =	rddreg [dreg:$0x0];
	s2 =	stileid.u32  }
0xab: {  	s1 =	rddreg [dreg:$0x1];
	p0 =	sne.s32 s2, $0x0  }
0xac: {  	s3 =	rddreg [dreg:$0x2];
	[bflag:$0x3] =	sbarrier.arrive $0xFFFF;
	s2 =	simm.s32 @!p0 $0x1C05  }
0xad: {  	[timem:s3], [sflag:s2] =	dma.local @!p0 [hbm:s0], s1  }
0xae: {  	s0 =	simm.s32 @!p0 $0x5  }
0xaf: {  	_ =	swait.ge @!p0 [sflag:s0], s1  }
0xb0: {  	s1 =	ssub.s32 @!p0 $0x0, s1;
	[sflag:s0] =	ssyncset.done @!p0 $0x0  }
0xb1: {  	[sflag:s0] =	ssyncadd.s32 @!p0 s1  }
0xb2: {  	[bflag:$0x3] =	sbarrier.arrive $0xFFFF  }
0xb3: {  	_ =	shalt  }

// kernel: kernel.21.cloned.1.call-start
scs
__scs_entry_jumppad:
0x0: {  	(pc) =	sbr.rel $0x88, $3  }
0x1: {  	(tag) =	ssettag $0x0;
	lr =	simm.s32 $0x1  }
0x2: {  	[smem:$0x3F70] =	sst lr;
	_ =	strace $0xD0000000  }
0x3: {  	_ = 	snop  }
0x4: {  	_ = 	snop  }
0x5: {  	_ = 	snop  }
0x6: {  	_ = 	snop  }
0x7: {  	_ = 	snop  }
__scs_overlays_trampoline_lowered:
0x8: {  	[smem:$0x3F7F] =	sst s0  }
0x9: {  	[smem:$0x3F80] =	sst s1  }
0xa: {  	[smem:$0x3F81] =	sst s2  }
0xb: {  	[smem:$0x3F82] =	sst s3  }
0xc: {  	[smem:$0x3F83] =	sst s4  }
0xd: {  	[smem:$0x3F84] =	sst s5  }
0xe: {  	[smem:$0x3F85] =	sst s6  }
0xf: {  	[smem:$0x3F86] =	sst s7  }
0x10: {  	[smem:$0x3F87] =	sst s8  }
0x11: {  	[smem:$0x3F88] =	sst s9;
	s0 =	simm.s32 @!p0 $0x0  }
0x12: {  	s1 =	sld [smem:$0x3F6E];
	s0 =	simm.s32 @p0 $0x1  }
0x13: {  	[smem:$0x3F89] =	sst s0;
	s0 =	simm.s32 @!p1 $0x0  }
0x14: {  	s2 =	sld [smem:$0x3F6D];
	s0 =	simm.s32 @p1 $0x1  }
0x15: {  	[smem:$0x3F8A] =	sst s0;
	s0 =	simm.s32 @!p2 $0x0  }
0x16: {  	s3 =	sld [smem:$0x3FDB];
	s0 =	simm.s32 @p2 $0x1  }
0x17: {  	s4 =	simm.s32 $0x1BF5;
	[smem:$0x3F8C] =	sst s0  }
0x18: {  	s0 =	sld [smem:$0x3F6F];
	_ =	swait.ge [sflag:s4], $0x0  }
0x19: {  	s7 =	sld [smem:$0x3F70]  }
0x1a: {  	s8 =	sadd.s32 $0xFFFFE003, lr  }
0x1b: {  	s9 =	sadd.s32 $0xFFFFFEF7, lr;
	s5 =	simm.s32 $0xFFFFFFFF;
	p2 =	slt.u32 s8, $0xFFFFF086  }
0x1c: {  	p1 =	slt.u32 s9, $0xF7A;
	s5 =	simm.s32 @!p2 $0x0  }
0x1d: {  	s5 =	simm.s32 @p1 $0x1;
	p0 =	seq.s32 s7, s2  }
0x1e: {  	s7 =	smul.u32 @!p0 $0xF7A, s2;
	p2 =	seq.s32 @!p0 s5, $0x0  }
0x1f: {  	s9 =	smul.u32 $0xF7A, s1;
	s8 =	simm.s32 @!p0 $0x1BF5;
	p2 =	por !p2, p0  }
0x20: {  	[sflag:s8] =	ssyncset.s32 @!p0 $0xFFFFF086;
	s6 =	sadd.s32 @!p0 s3, s7;
	s7 =	simm.s32 @!p0 $0x108  }
0x21: {  	s3 =	sadd.s32 s3, s9;
	s6 =	sadd.s32 @!p0 $0x88, s6;
	s7 =	simm.s32 @p2 $0x1082  }
0x22: {  	[simem:s7], [sflag:s8] =	dma.local @!p0 [hbm:s6], $0xF7A  }
0x23: {  	s9 =	sor.u32 $0xD0000000, s2;
	s6 =	simm.s32 $0x108;
	_ =	swait.ge @!p0 [sflag:s8], $0x0  }
0x24: {  	s3 =	sadd.s32 $0x88, s3;
	s6 =	simm.s32 @!p1 $0x1082;
	[sflag:s4] =	ssyncset.s32 $0xFFFFF086  }
0x25: {  	[simem:s6], [sflag:s4] =	dma.local [hbm:s3], $0xF7A  }
0x26: {  	[smem:$0x3F70] =	sst s1;
	(tag) =	ssettag s2;
	_ =	strace s9  }
0x27: {  	s1 =	sld [smem:$0x3F80]  }
0x28: {  	s2 =	sld [smem:$0x3F81]  }
0x29: {  	s4 =	sld [smem:$0x3F83]  }
0x2a: {  	p0 =	seq.s32 s5, $0x0;
	s5 =	sld [smem:$0x3F84]  }
0x2b: {  	s6 =	sld [smem:$0x3F85]  }
0x2c: {  	s7 =	sld [smem:$0x3F86]  }
0x2d: {  	s3 =	simm.s32 $0x108;
	s8 =	sld [smem:$0x3F87]  }
0x2e: {  	s3 =	simm.s32 @!p0 $0x1082;
	s9 =	sld [smem:$0x3F88]  }
0x2f: {  	lr =	sadd.s32 s0, s3;
	s0 =	sld [smem:$0x3F7F]  }
0x30: {  	s3 =	sld [smem:$0x3F82]  }
0x31: {  	[smem:$0x3F8B] =	sst s10  }
0x32: {  	s10 =	sld [smem:$0x3F89];
	_ =	sdelay $0x3  }
0x33: {  	p0 =	seq.s32 s10, $0x1;
	s10 =	sld [smem:$0x3F8B];
	_ =	sdelay $0x3  }
0x34: {  	[smem:$0x3F8B] =	sst s10  }
0x35: {  	s10 =	sld [smem:$0x3F8A];
	_ =	sdelay $0x3  }
0x36: {  	p1 =	seq.s32 s10, $0x1;
	s10 =	sld [smem:$0x3F8B];
	_ =	sdelay $0x3  }
0x37: {  	[smem:$0x3F8B] =	sst s10  }
0x38: {  	s10 =	sld [smem:$0x3F8C]  }
0x39: {  	_ = 	snop;
	(pc) =	sbr.ind lr, $3  }
0x3a: {  	_ = 	snop  }
0x3b: {  	_ = 	snop  }
0x3c: {  	p2 =	seq.s32 s10, $0x1;
	s10 =	sld [smem:$0x3F8B]  }
0x3d: {  	_ =	shalt  }
0x3e: {  	_ =	shalt  }
0x3f: {  	_ =	shalt  }
0x40: {  	_ =	shalt  }
0x41: {  	_ =	shalt  }
0x42: {  	_ =	shalt  }
0x43: {  	_ =	shalt  }
0x44: {  	_ =	shalt  }
0x45: {  	_ =	shalt  }
0x46: {  	_ =	shalt  }
0x47: {  	_ =	shalt  }
0x48: {  	_ =	shalt  }
0x49: {  	_ =	shalt  }
0x4a: {  	_ =	shalt  }
0x4b: {  	_ =	shalt  }
0x4c: {  	_ =	shalt  }
0x4d: {  	_ =	shalt  }
0x4e: {  	_ =	shalt  }
0x4f: {  	_ =	shalt  }
0x50: {  	_ =	shalt  }
0x51: {  	_ =	shalt  }
0x52: {  	_ =	shalt  }
0x53: {  	_ =	shalt  }
0x54: {  	_ =	shalt  }
0x55: {  	_ =	shalt  }
0x56: {  	_ =	shalt  }
0x57: {  	_ =	shalt  }
0x58: {  	_ =	shalt  }
0x59: {  	_ =	shalt  }
0x5a: {  	_ =	shalt  }
0x5b: {  	_ =	shalt  }
0x5c: {  	_ =	shalt  }
0x5d: {  	_ =	shalt  }
0x5e: {  	_ =	shalt  }
0x5f: {  	_ =	shalt  }
0x60: {  	_ =	shalt  }
0x61: {  	_ =	shalt  }
0x62: {  	_ =	shalt  }
0x63: {  	_ =	shalt  }
0x64: {  	_ =	shalt  }
0x65: {  	_ =	shalt  }
0x66: {  	_ =	shalt  }
0x67: {  	_ =	shalt  }
0x68: {  	_ =	shalt  }
0x69: {  	_ =	shalt  }
0x6a: {  	_ =	shalt  }
0x6b: {  	_ =	shalt  }
0x6c: {  	_ =	shalt  }
0x6d: {  	_ =	shalt  }
0x6e: {  	_ =	shalt  }
0x6f: {  	_ =	shalt  }
0x70: {  	_ =	shalt  }
0x71: {  	_ =	shalt  }
0x72: {  	_ =	shalt  }
0x73: {  	_ =	shalt  }
0x74: {  	_ =	shalt  }
0x75: {  	_ =	shalt  }
0x76: {  	_ =	shalt  }
0x77: {  	_ =	shalt  }
0x78: {  	_ =	shalt  }
0x79: {  	_ =	shalt  }
0x7a: {  	_ =	shalt  }
0x7b: {  	_ =	shalt  }
0x7c: {  	_ =	shalt  }
0x7d: {  	_ =	shalt  }
0x7e: {  	_ =	shalt  }
0x7f: {  	_ =	shalt  }
0x80: {  	_ =	shalt  }
0x81: {  	_ =	shalt  }
0x82: {  	_ =	shalt  }
0x83: {  	_ =	shalt  }
0x84: {  	_ =	shalt  }
0x85: {  	_ =	shalt  }
0x86: {  	_ =	shalt  }
0x87: {  	_ =	shalt  }
.Lfunc_end0:
.L_simem_size_0:
called_computation.3_lowered:
.L_overlay_start_0:
0x88: {  	s2 =	sld [smem:$0x3FD9]  }
0x89: {  	s3 =	sld [smem:$0x3FFE];
	_ =	sdelay $0x1  }
0x8a: {  	s1 =	srdreg.scid  }
0x8b: {  	s0 =	sand.u32 $0x1, s1  }
0x8c: {  	s16 =	sshll.u32 s0, $0xA;
	s2 =	sadd.s32 s3, s2  }
0x8d: {  	s2 =	sadd.s32 s2, s16  }
0x8e: {  	[smem:$0x3F97] =	sst s2  }
0x8f: {  	_ = 	snop  }
0x90: {  	(tm) =	ssettm $0x1  }
0x91: {  	s17 =	sld [smem:$0x3FFB];
	_ =	sdelay $0x3  }
0x92: {  	_ =	strace s17  }
0x93: {  	s2 =	sld [smem:$0x3FFC];
	_ =	sdelay $0x3  }
0x94: {  	_ =	strace s2  }
0x95: {  	s2 =	sld [smem:$0x3FFD];
	_ =	sdelay $0x3  }
0x96: {  	_ =	strace s2  }
0x97: {  	_ =	strace $0x8FFFFFFF  }
0x98: {  	s18 =	sld [smem:$0x3FDB];
	_ =	sdelay $0x1  }
0x99: {  	s19 =	simm.s32 $_scs_section_size  }
0x9a: {  	s4 =	simm.s32 $_size__tile_overlayer_lowered;
	s5 =	simm.s32 $_tile_overlayer_lowered  }
0x9b: {  	s22 =	simm.s32 $0x1BFF;
	s21 =	sshll.u32 s5, $0x1;
	s2 =	sadd.s32 s19, s18  }
0x9c: {  	s6 =	simm.s32 $0x0;
	s20 =	sshll.u32 s4, $0x1;
	s4 =	sadd.s32 s21, s2  }
0x9d: {  	[timem:s6], [sflag:s22] =	dma.local [hbm:s4], s20  }
0x9e: {  	_ =	swait.ge [sflag:s22], s20  }
0x9f: {  	s3 =	ssub.s32 $0x0, s20;
	[sflag:s22] =	ssyncset.done $0x0  }
0xa0: {  	[sflag:s22] =	ssyncadd.s32 s3;
	_ =	sdelay $0x1  }
0xa1: {  	s23 =	simm.s32 $0x1B8B  }
0xa2: {  	_ =	swait.ge [sflag:s23], $0x1  }
0xa3: {  	[sflag:s23] =	ssyncset.done $0x0  }
0xa4: {  	s25 =	simm.s32 $0x1B8E;
	s24 =	sld [smem:$0x3FFE];
	[sflag:s23] =	ssyncadd.s32 $0xFFFFFFFF  }
0xa5: {  	s26 =	simm.s32 $execute0_lowered;
	[smem:$0x3FD2] =	sst s25  }
0xa6: {  	s4 =	sshll.u32 s26, $0x1;
	_ =	strace $0x8000004F;
	[dreg:$0x1] =	wrdreg $0xFFFFFFFF  }
0xa7: {  	s28 =	simm.s32 $_size_execute0_lowered;
	s2 =	sadd.s32 s2, s4;
	[dreg:$0x0] =	wrdreg $0x0  }
0xa8: {  	s4 =	sshll.u32 s28, $0x1;
	[dreg:$0x2] =	wrdreg s2  }
0xa9: {  	[dreg:$0x3] =	wrdreg s4  }
0xaa: {  	[dreg:$0x4] =	wrdreg $0xC0  }
0xab: {  	_ =	task [dreg:s6], $0x5FFFF  }
0xac: {  	[dreg:$0x1] =	wrdreg $0xFFFFFFFF  }
0xad: {  	[dreg:$0x0] =	wrdreg $0x60  }
0xae: {  	[dreg:$0x2] =	wrdreg s24  }
0xaf: {  	[dreg:$0x3] =	wrdreg $0xA8000  }
0xb0: {  	[dreg:$0x4] =	wrdreg $0x9  }
0xb1: {  	_ =	task.clear_ibuf [dreg:s6], $0x5FFFF;
	_ =	strace $0x9000004F  }
0xb2: {  	s29 =	simm.s32 $0x9;
	_ =	strace $0x80000051  }
0xb3: {  	_ =	swait.ge [sflag:s29], $0x1  }
0xb4: {  	[sflag:s29] =	ssyncadd.s32 $0xFFFFFFFF  }
0xb5: {  	_ =	strace $0x90000051  }
0xb6: {  	_ =	sfence  }
0xb7: {  	s30 =	sld [smem:$0x0];
	_ =	sdelay $0x2  }
0xb8: {  	s31 =	sshll.u32 s1, $0xD;
	s1 =	sshrl.u32 s1, $0x2  }
0xb9: {  	s3 =	sand.u32 $0x4000, s31;
	s1 =	sadd.s32 s1, s30  }
0xba: {  	s0 =	sor.u32 s3, s0;
	s1 =	sshll.u32 s1, $0x11  }
0xbb: {  	s0 =	sor.u32 s1, s0  }
0xbc: {  	s0 =	sadd.s32 $0x8F2B, s0  }
0xbd: {  	[sflag:s0] =	ssyncadd.remote.s32 $0x1  }
0xbe: {  	_ =	sfence.sel $0xFFFF  }
0xbf: {  	[dreg:$0x0] =	wrdreg $0xFFFFFFFF;
	(pc) =	sbr.abs _section_cstart, $3  }
0xc0: {  	[dreg:$0x1] =	wrdreg $0xFFFFFFFF  }
0xc1: {  	_ =	task.clear_ibuf [dreg:s6], $0x2FFFF;
	_ =	strace $0x9FFFFFFF  }
0xc2: {  	(tm) =	ssettm $0x7FFFFFFF  }
0xc3: {  	_ =	shalt  }
tec
execute0_lowered:
.L_overlay_start_1:
0x0: {  	(tag) =	ssettag $0x1  }
0x1: {  	s5 =	rddreg [dreg:$0x0]  }
0x2: {  	s2 =	rddreg [dreg:$0x1]  }
0x3: {  	s3 =	srdreg.scid;
	s1 =	stileid.u32  }
0x4: {  	s22 =	simm.s32 $0x6800;
	s23 =	simm.s32 $0x1;
	s6 =	smul.u32 $0x28, s1  }
0x5: {  	s28 =	simm.s32 $0x0;
	s8 =	sand.u32 $0x1, s3;
	s11 =	smul.u32 $0x280, s1  }
0x6: {  	s3 =	simm.s32 $0x0;
	s10 =	smul.u32 $0x50000, s1;
	s16 =	sadd.s32 $0x3B200, s5  }
0x7: {  	s4 =	ssub.s32 $0x0, s8;
	[smem:$0x7FF] =	sst s3;
	s24 =	ssub.s32 $0x2, s8  }
0x8: {  	s18 =	smul.u32 $0x2800, s8;
	s7 =	sand.u32 $0x280, s4;
	_ =	strace $0x80000050  }
0x9: {  	s4 =	sadd.s32 $0x13200, s5;
	s9 =	sshrl.u32 s24, $0x1;
	s25 =	sshrl.u32 s10, $0x2  }
0xa: {  	s12 =	sadd.s32 $0x80, s11;
	s14 =	sadd.s32 $0x100, s11;
	s15 =	sadd.s32 $0x180, s11  }
0xb: {  	s19 =	sadd.s32 $0x200, s11;
	s6 =	sadd.s32 s6, s7;
	s17 =	ssub.s32 s24, s9  }
0xc: {  	s7 =	sadd.s32 s25, s2;
	s26 =	sshll.u32 s12, $0x7;
	s29 =	sshll.u32 s14, $0x7  }
0xd: {  	s30 =	sshll.u32 s15, $0x7;
	s11 =	sadd.s32 s11, s18;
	s13 =	sshll.u32 s19, $0x7  }
0xe: {  	s21 =	sadd.s32 s18, s12;
	s14 =	sadd.s32 s18, s14;
	s15 =	sadd.s32 s18, s15  }
0xf: {  	s18 =	sadd.s32 s18, s19;
	s19 =	simm.s32 $0x1400;
	s24 =	simm.s32 $0x2  }
0x10: {  	s25 =	simm.s32 $0x3;
	s6 =	sshll.u32 s6, $0x4;
	s8 =	sadd.s32 s26, s2  }
0x11: {  	s9 =	sadd.s32 s29, s2;
	s10 =	sadd.s32 s30, s2;
	s20 =	sshll.u32 s11, $0x4  }
0x12: {  	s11 =	sadd.s32 s13, s2;
	s31 =	sshll.u32 s21, $0x4;
	s14 =	sshll.u32 s14, $0x4  }
0x13: {  	s15 =	sshll.u32 s15, $0x4;
	s18 =	sshll.u32 s18, $0x4;
	s17 =	smax.u32 s17, $0x1  }
0x14: {  	s21 =	simm.s32 $0x80;
	s26 =	simm.s32 $0x4;
	s6 =	sadd.s32 s6, s5  }
0x15: {  	s12 =	sadd.s32 s16, s20;
	s13 =	sadd.s32 s16, s31;
	s14 =	sadd.s32 s16, s14  }
0x16: {  	s15 =	sadd.s32 s16, s15;
	s16 =	sadd.s32 s16, s18;
	s18 =	simm.s32 $0x5  }
0x17: {  	v0 =	vimm.f32 $0.0e+00;
	s20 =	simm.s32 $0x2800;
	s5 =	sadd.s32 $0xDE00, s6;
	s6 =	sadd.s32 $0x8A00, s6  }
.LBB2_1:
0x18: {  	[tilespmem:s3], [sflag:$0x5] =	stream.linear.gather [hbm4b:s5+s3], $0x1400, $0x38;
	[tilespmem:$0x1E800] =	vst v63  }
0x19: {  	_ =	swait.ge [sflag:s18], $0x1400  }
0x1a: {  	[sflag:s18] =	ssyncset.done $0x0  }
0x1b: {  	[sflag:s18] =	ssyncadd.s32 $0xFFFFEC00  }
0x1c: {  	[tilespmem:s19], [sflag:$0x5] =	stream.linear.gather [hbm4b:s6+s3], $0x1400, $0x38;
	[tilespmem:$0x1E800] =	vst v63  }
0x1d: {  	_ =	swait.ge [sflag:s18], $0x1400  }
0x1e: {  	[sflag:s18] =	ssyncset.done $0x0  }
0x1f: {  	s29 =	simm.s32 $0x0;
	s30 =	simm.s32 $0x200;
	[sflag:s18] =	ssyncadd.s32 $0xFFFFEC00  }
.LBB2_2:
0x20: {  	p0 =	sne.s32 s30, $0xFE00;
	[tilespmem:s29+$0x2870] =	vst v0  }
0x21: {  	[tilespmem:s29+$0x2800] =	vst v0  }
0x22: {  	[tilespmem:s29+$0x2810] =	vst v0  }
.Ltmp0:
0x23: {  	[tilespmem:s29+$0x2820] =	vst v0;
	(pc) =	sbr.rel @p0 .LBB2_2-.Ltmp0, $4  }
0x24: {  	[tilespmem:s29+$0x2830] =	vst v0  }
0x25: {  	[tilespmem:s29+$0x2840] =	vst v0  }
0x26: {  	[tilespmem:s29+$0x2850] =	vst v0  }
0x27: {  	[tilespmem:s29+$0x2860] =	vst v0;
	s29 =	sshra.s32 s30, $0x2;
	s30 =	sadd.s32 $0x200, s30  }
0x28: {  	[tilespmem:s29+$0x2870] =	vst v0  }
0x29: {  	[tilespmem:s29+$0x2800] =	vst v0  }
0x2a: {  	[tilespmem:s29+$0x2810] =	vst v0  }
0x2b: {  	[tilespmem:s29+$0x2820] =	vst v0  }
0x2c: {  	[tilespmem:s29+$0x2830] =	vst v0  }
0x2d: {  	[tilespmem:s29+$0x2840] =	vst v0  }
0x2e: {  	[tilespmem:s29+$0x2850] =	vst v0  }
0x2f: {  	[tilespmem:s29+$0x2860] =	vst v0  }
0x30: {  	[spmem:s7] =	stream.linear.scatter [tilespmem:s20], [sflag:$0x5], $0x4000, $0x38;
	[tilespmem:$0x1E800] =	vst v63  }
0x31: {  	_ =	swait.ge [sflag:s18], $0x4000  }
0x32: {  	[sflag:s18] =	ssyncset.done $0x0  }
0x33: {  	[sflag:s18] =	ssyncadd.s32 $0xFFFFC000  }
0x34: {  	[spmem:s8] =	stream.linear.scatter [tilespmem:s20], [sflag:$0x5], $0x4000, $0x38;
	[tilespmem:$0x1E800] =	vst v63  }
0x35: {  	_ =	swait.ge [sflag:s18], $0x4000  }
0x36: {  	[sflag:s18] =	ssyncset.done $0x0  }
0x37: {  	[sflag:s18] =	ssyncadd.s32 $0xFFFFC000  }
0x38: {  	[spmem:s9] =	stream.linear.scatter [tilespmem:s20], [sflag:$0x5], $0x4000, $0x38;
	[tilespmem:$0x1E800] =	vst v63  }
0x39: {  	_ =	swait.ge [sflag:s18], $0x4000  }
0x3a: {  	[sflag:s18] =	ssyncset.done $0x0  }
0x3b: {  	[sflag:s18] =	ssyncadd.s32 $0xFFFFC000  }
0x3c: {  	[spmem:s10] =	stream.linear.scatter [tilespmem:s20], [sflag:$0x5], $0x4000, $0x38;
	[tilespmem:$0x1E800] =	vst v63  }
0x3d: {  	_ =	swait.ge [sflag:s18], $0x4000  }
0x3e: {  	[sflag:s18] =	ssyncset.done $0x0  }
0x3f: {  	[sflag:s18] =	ssyncadd.s32 $0xFFFFC000  }
0x40: {  	[spmem:s11] =	stream.linear.scatter [tilespmem:s20], [sflag:$0x5], $0x4000, $0x38;
	[tilespmem:$0x1E800] =	vst v63  }
0x41: {  	_ =	swait.ge [sflag:s18], $0x4000  }
0x42: {  	[sflag:s18] =	ssyncset.done $0x0  }
0x43: {  	[sflag:s18] =	ssyncadd.s32 $0xFFFFC000  }
0x44: {  	s29 =	simm.s32 $0x0;
	[bflag:$0x0] =	sbarrier.arrive $0xFFFF  }
0x45: {  	[tilespmem:s20], [sflag:$0x1] =	stream.indirect.gather [hbm4b:s4+s21], $0x80, s29, s21, $0xb8;
	[tilespmem:$0x1E800] =	vst v63  }
0x46: {  	s29 =	simm.s32 $0x80  }
0x47: {  	[tilespmem:s22], [sflag:$0x2] =	stream.indirect.gather [hbm4b:s4+s21], $0x80, s29, s21, $0xb8;
	[tilespmem:$0x1E800] =	vst v63  }
0x48: {  	_ =	swait.ge [sflag:s23], $0x4000  }
0x49: {  	[sflag:s23] =	ssyncset.done $0x0  }
0x4a: {  	s29 =	simm.s32 $0x1400;
	[sflag:s23] =	ssyncadd.s32 $0xFFFFC000  }
0x4b: {  	[spmem:s2] =	stream.indirect.scatter.add.f32 [tilespmem:s20], [sflag:$0x3], $0x80, s29, s21, $0xb8;
	[tilespmem:$0x1E800] =	vst v63  }
0x4c: {  	_ =	swait.ge [sflag:s24], $0x4000  }
0x4d: {  	[sflag:s24] =	ssyncset.done $0x0  }
0x4e: {  	s29 =	simm.s32 $0x1480;
	[sflag:s24] =	ssyncadd.s32 $0xFFFFC000  }
0x4f: {  	[spmem:s2] =	stream.indirect.scatter.add.f32 [tilespmem:s22], [sflag:$0x4], $0x80, s29, s21, $0xb8;
	[tilespmem:$0x1E800] =	vst v63  }
0x50: {  	_ =	swait.ge [sflag:s25], $0x4000  }
0x51: {  	[sflag:s25] =	ssyncset.done $0x0  }
0x52: {  	[sflag:s25] =	ssyncadd.s32 $0xFFFFC000  }
0x53: {  	_ =	swait.ge [sflag:s26], $0x4000  }
0x54: {  	s30 =	simm.s32 $0x800;
	s29 =	simm.s32 $0x400;
	[sflag:s26] =	ssyncset.done $0x0  }
.LBB2_4:
0x55: {  	s31 =	sshra.s32 s29, $0x2  }
0x56: {  	[sflag:s26] =	ssyncadd.s32 $0xFFFFC000;
	s29 =	smov.u32 s30;
	s0 =	sadd.s32 $0x400, s30  }
0x57: {  	[tilespmem:s20], [sflag:$0x1] =	stream.indirect.gather [hbm4b:s4+s21], $0x80, s31, s21, $0xb8;
	[tilespmem:$0x1E800] =	vst v63  }
0x58: {  	p0 =	sne.s32 s30, $0x4C00;
	s30 =	sadd.s32 $0x80, s31  }
0x59: {  	[tilespmem:s22], [sflag:$0x2] =	stream.indirect.gather [hbm4b:s4+s21], $0x80, s30, s21, $0xb8;
	[tilespmem:$0x1E800] =	vst v63  }
0x5a: {  	_ =	swait.ge [sflag:s23], $0x4000  }
0x5b: {  	[sflag:s23] =	ssyncset.done $0x0  }
0x5c: {  	s30 =	sadd.s32 $0x1400, s31;
	[sflag:s23] =	ssyncadd.s32 $0xFFFFC000  }
0x5d: {  	[spmem:s2] =	stream.indirect.scatter.add.f32 [tilespmem:s20], [sflag:$0x3], $0x80, s30, s21, $0xb8;
	[tilespmem:$0x1E800] =	vst v63  }
0x5e: {  	_ =	swait.ge [sflag:s24], $0x4000  }
0x5f: {  	[sflag:s24] =	ssyncset.done $0x0  }
0x60: {  	s30 =	sadd.s32 $0x1480, s31;
	[sflag:s24] =	ssyncadd.s32 $0xFFFFC000  }
0x61: {  	[spmem:s2] =	stream.indirect.scatter.add.f32 [tilespmem:s22], [sflag:$0x4], $0x80, s30, s21, $0xb8;
	[tilespmem:$0x1E800] =	vst v63  }
.Ltmp1:
0x62: {  	_ =	swait.ge [sflag:s25], $0x4000;
	(pc) =	sbr.rel @p0 .LBB2_4-.Ltmp1, $4  }
0x63: {  	[sflag:s25] =	ssyncset.done $0x0  }
0x64: {  	[sflag:s25] =	ssyncadd.s32 $0xFFFFC000  }
0x65: {  	_ =	swait.ge [sflag:s26], $0x4000  }
0x66: {  	s30 =	smov.u32 s0;
	[sflag:s26] =	ssyncset.done $0x0  }
0x67: {  	s0 =	sshra.s32 s29, $0x2;
	[sflag:s26] =	ssyncadd.s32 $0xFFFFC000  }
0x68: {  	[tilespmem:s20], [sflag:$0x1] =	stream.indirect.gather [hbm4b:s4+s21], $0x80, s0, s21, $0xb8;
	[tilespmem:$0x1E800] =	vst v63  }
0x69: {  	s29 =	sadd.s32 $0x80, s0  }
0x6a: {  	[tilespmem:s22], [sflag:$0x2] =	stream.indirect.gather [hbm4b:s4+s21], $0x80, s29, s21, $0xb8;
	[tilespmem:$0x1E800] =	vst v63  }
0x6b: {  	_ =	swait.ge [sflag:s23], $0x4000  }
0x6c: {  	[sflag:s23] =	ssyncset.done $0x0  }
0x6d: {  	s31 =	sadd.s32 $0x1400, s0;
	[sflag:s23] =	ssyncadd.s32 $0xFFFFC000  }
0x6e: {  	[spmem:s2] =	stream.indirect.scatter.add.f32 [tilespmem:s20], [sflag:$0x3], $0x80, s31, s21, $0xb8;
	[tilespmem:$0x1E800] =	vst v63  }
0x6f: {  	_ =	swait.ge [sflag:s24], $0x4000  }
0x70: {  	[sflag:s24] =	ssyncset.done $0x0  }
0x71: {  	s0 =	sadd.s32 $0x1480, s0;
	[sflag:s24] =	ssyncadd.s32 $0xFFFFC000  }
0x72: {  	[spmem:s2] =	stream.indirect.scatter.add.f32 [tilespmem:s22], [sflag:$0x4], $0x80, s0, s21, $0xb8;
	[tilespmem:$0x1E800] =	vst v63  }
0x73: {  	_ =	swait.ge [sflag:s25], $0x4000  }
0x74: {  	[sflag:s25] =	ssyncset.done $0x0  }
0x75: {  	[sflag:s25] =	ssyncadd.s32 $0xFFFFC000  }
0x76: {  	_ =	swait.ge [sflag:s26], $0x4000  }
0x77: {  	[sflag:s26] =	ssyncset.done $0x0  }
0x78: {  	[sflag:s26] =	ssyncadd.s32 $0xFFFFC000  }
0x79: {  	[bflag:$0x0] =	sbarrier.arrive $0xFFFF  }
0x7a: {  	[tilespmem:s20], [sflag:$0x5] =	stream.linear.gather [spmem:s7], $0x4000, $0x38;
	[tilespmem:$0x1E800] =	vst v63  }
0x7b: {  	_ =	swait.ge [sflag:s18], $0x4000  }
0x7c: {  	[sflag:s18] =	ssyncset.done $0x0  }
0x7d: {  	[sflag:s18] =	ssyncadd.s32 $0xFFFFC000  }
0x7e: {  	[hbm4b:s12+s3] =	stream.linear.scatter [tilespmem:s20], [sflag:$0x5], $0x4000, $0x38;
	[tilespmem:$0x1E800] =	vst v63  }
0x7f: {  	_ =	swait.ge [sflag:s18], $0x4000  }
0x80: {  	[sflag:s18] =	ssyncset.done $0x0  }
0x81: {  	[sflag:s18] =	ssyncadd.s32 $0xFFFFC000  }
0x82: {  	[tilespmem:s20], [sflag:$0x5] =	stream.linear.gather [spmem:s8], $0x4000, $0x38;
	[tilespmem:$0x1E800] =	vst v63  }
0x83: {  	_ =	swait.ge [sflag:s18], $0x4000  }
0x84: {  	[sflag:s18] =	ssyncset.done $0x0  }
0x85: {  	[sflag:s18] =	ssyncadd.s32 $0xFFFFC000  }
0x86: {  	[hbm4b:s13+s3] =	stream.linear.scatter [tilespmem:s20], [sflag:$0x5], $0x4000, $0x38;
	[tilespmem:$0x1E800] =	vst v63  }
0x87: {  	_ =	swait.ge [sflag:s18], $0x4000  }
0x88: {  	[sflag:s18] =	ssyncset.done $0x0  }
0x89: {  	[sflag:s18] =	ssyncadd.s32 $0xFFFFC000  }
0x8a: {  	[tilespmem:s20], [sflag:$0x5] =	stream.linear.gather [spmem:s9], $0x4000, $0x38;
	[tilespmem:$0x1E800] =	vst v63  }
0x8b: {  	_ =	swait.ge [sflag:s18], $0x4000  }
0x8c: {  	[sflag:s18] =	ssyncset.done $0x0  }
0x8d: {  	[sflag:s18] =	ssyncadd.s32 $0xFFFFC000  }
0x8e: {  	[hbm4b:s14+s3] =	stream.linear.scatter [tilespmem:s20], [sflag:$0x5], $0x4000, $0x38;
	[tilespmem:$0x1E800] =	vst v63  }
0x8f: {  	_ =	swait.ge [sflag:s18], $0x4000  }
0x90: {  	[sflag:s18] =	ssyncset.done $0x0  }
0x91: {  	[sflag:s18] =	ssyncadd.s32 $0xFFFFC000  }
0x92: {  	[tilespmem:s20], [sflag:$0x5] =	stream.linear.gather [spmem:s10], $0x4000, $0x38;
	[tilespmem:$0x1E800] =	vst v63  }
0x93: {  	_ =	swait.ge [sflag:s18], $0x4000  }
0x94: {  	[sflag:s18] =	ssyncset.done $0x0  }
0x95: {  	[sflag:s18] =	ssyncadd.s32 $0xFFFFC000  }
0x96: {  	[hbm4b:s15+s3] =	stream.linear.scatter [tilespmem:s20], [sflag:$0x5], $0x4000, $0x38;
	[tilespmem:$0x1E800] =	vst v63  }
0x97: {  	_ =	swait.ge [sflag:s18], $0x4000  }
0x98: {  	[sflag:s18] =	ssyncset.done $0x0  }
0x99: {  	[sflag:s18] =	ssyncadd.s32 $0xFFFFC000  }
0x9a: {  	[tilespmem:s20], [sflag:$0x5] =	stream.linear.gather [spmem:s11], $0x4000, $0x38;
	[tilespmem:$0x1E800] =	vst v63  }
0x9b: {  	s28 =	sadd.s32 $0x1, s28;
	_ =	swait.ge [sflag:s18], $0x4000  }
0x9c: {  	p0 =	sne.s32 s28, s17;
	[sflag:s18] =	ssyncset.done $0x0  }
.Ltmp2:
0x9d: {  	[sflag:s18] =	ssyncadd.s32 $0xFFFFC000;
	(pc) =	sbr.rel @p0 .LBB2_1-.Ltmp2, $4  }
0x9e: {  	[hbm4b:s16+s3] =	stream.linear.scatter [tilespmem:s20], [sflag:$0x5], $0x4000, $0x38;
	[tilespmem:$0x1E800] =	vst v63  }
0x9f: {  	_ =	swait.ge [sflag:s18], $0x4000  }
0xa0: {  	[sflag:s18] =	ssyncset.done $0x0  }
0xa1: {  	[sflag:s18] =	ssyncadd.s32 $0xFFFFC000  }
0xa2: {  	_ =	sfence.sel $0x180000  }
0xa3: {  	[bflag:$0x0] =	sbarrier.arrive $0xFFFF  }
0xa4: {  	_ =	strace $0x90000050  }
0xa5: {  	[bflag:$0x2] =	sbarrier.arrive $0xFFFF  }
0xa6: {  	p0 =	sne.s32 s1, $0x0;
	s0 =	rddreg [dreg:$0x2]  }
0xa7: {  	s0 =	sadd.s32 @!p0 $0x100000, s0  }
0xa8: {  	[sflag:s0] =	ssyncadd.tile.s32 @!p0 $0x1;
	_ =	shalt  }
.Lfunc_end2:
_tile_overlayer_lowered:
.L_overlay_start_2:
0xa9: {  	(tag) =	ssettag $0x2  }
0xaa: {  	s0 =	rddreg [dreg:$0x0];
	s2 =	stileid.u32  }
0xab: {  	s1 =	rddreg [dreg:$0x1];
	p0 =	sne.s32 s2, $0x0  }
0xac: {  	s3 =	rddreg [dreg:$0x2];
	[bflag:$0x3] =	sbarrier.arrive $0xFFFF;
	s2 =	simm.s32 @!p0 $0x1C05  }
0xad: {  	[timem:s3], [sflag:s2] =	dma.local @!p0 [hbm:s0], s1  }
0xae: {  	s0 =	simm.s32 @!p0 $0x5  }
0xaf: {  	_ =	swait.ge @!p0 [sflag:s0], s1  }
0xb0: {  	s1 =	ssub.s32 @!p0 $0x0, s1;
	[sflag:s0] =	ssyncset.done @!p0 $0x0  }
0xb1: {  	[sflag:s0] =	ssyncadd.s32 @!p0 s1  }
0xb2: {  	[bflag:$0x3] =	sbarrier.arrive $0xFFFF  }
0xb3: {  	_ =	shalt  }

</sc_bundles>
